<compile_context>
chip_gen: v7x
topology: tpu7x:2x2x1
jax: 0.10.2.dev20260603
libtpu: 0.0.44.dev20260713+nightly
codegen_flags: <defaults>
</compile_context>

<pallas_src>
import jax
import jax.numpy as jnp
from jax import lax
from jax.experimental import pallas as pl
from jax.experimental.pallas import tpu as pltpu
from jax.experimental.pallas import tpu_sc as plsc

N = 10000
E = 320000
NFEAT = 128
NHID = 128
NCLASS = 64

NC, NS = 2, 16
NW = NC * NS
CH = 128
NCHUNK = 80
STAGE = 16
TCHUNK = NW * NCHUNK
EPAD = TCHUNK * CH
CF = 1
FSTAGES, SSTAGES = 5, 5
FCHUNKS = NS * FSTAGES * STAGE
NPAD = 10112
SUB_OUT = NPAD // NS
SUB_INIT = 624


_MESH = plsc.VectorSubcoreMesh(core_axis_name="c", subcore_axis_name="s")


def _make_agg(D):

  def body(h, srcs, dsts, pout, src_v, dst_v, r0, r1, acc, sem_a, sem_b):
    c = lax.axis_index("c")
    s = lax.axis_index("s")
    wid = s * NC + c
    pltpu.sync_copy(h.at[pl.ds(s * SUB_INIT, SUB_INIT + 16)],
                    acc.at[pl.ds(s * SUB_INIT, SUB_INIT + 16)])
    plsc.subcore_barrier()

    def wait_gather(buf, sem):
      pltpu.make_async_copy(h.at[pl.ds(0, CH)], buf, sem).wait()

    base = jnp.where(c == CF, s * (FSTAGES * STAGE),
                     FCHUNKS + s * (SSTAGES * STAGE))
    nst = jnp.where(c == CF, FSTAGES, SSTAGES)

    def stage(st, cc):
      off = pl.multiple_of(base + st * STAGE, STAGE)
      pltpu.sync_copy(srcs.at[pl.ds(off, STAGE)], src_v)
      pltpu.sync_copy(dsts.at[pl.ds(off, STAGE)], dst_v)
      pltpu.async_copy(h.at[src_v.at[0]], r0, sem_a)

      def pair(g, c2):
        j0 = 2 * g
        pltpu.async_copy(h.at[src_v.at[j0 + 1]], r1, sem_b)
        wait_gather(r0, sem_a)
        pltpu.sync_copy(r0, acc.at[dst_v.at[j0]], add=True)
        pltpu.async_copy(h.at[src_v.at[j0 + 2]], r0, sem_a)
        wait_gather(r1, sem_b)
        pltpu.sync_copy(r1, acc.at[dst_v.at[j0 + 1]], add=True)
        return c2

      lax.fori_loop(0, STAGE // 2 - 1, pair, 0)
      pltpu.async_copy(h.at[src_v.at[STAGE - 1]], r1, sem_b)
      wait_gather(r0, sem_a)
      pltpu.sync_copy(r0, acc.at[dst_v.at[STAGE - 2]], add=True)
      wait_gather(r1, sem_b)
      pltpu.sync_copy(r1, acc.at[dst_v.at[STAGE - 1]], add=True)
      return cc

    lax.fori_loop(0, nst, stage, 0)
    plsc.subcore_barrier()
    pltpu.sync_copy(acc.at[pl.ds(s * SUB_OUT, SUB_OUT)],
                    pout.at[c].at[pl.ds(s * SUB_OUT, SUB_OUT)])

  return pl.kernel(
      body,
      out_type=jax.ShapeDtypeStruct((NC, NPAD, D), jnp.float32),
      mesh=_MESH,
      scratch_types=(
          pltpu.VMEM((STAGE, CH), jnp.int32),
          pltpu.VMEM((STAGE, CH), jnp.int32),
          pltpu.VMEM((CH, D), jnp.float32),
          pltpu.VMEM((CH, D), jnp.float32),
          pltpu.VMEM_SHARED((NPAD, D), jnp.float32),
          pltpu.SemaphoreType.DMA,
          pltpu.SemaphoreType.DMA,
      ))


def _cnt_kernel():

  def body(zeros_h, ones_h, dsts, cout, dst_v, ones_v, cnt_acc):
    c = lax.axis_index("c")
    s = lax.axis_index("s")
    wid = s * NC + c
    pltpu.sync_copy(zeros_h.at[pl.ds(s * SUB_OUT, SUB_OUT)],
                    cnt_acc.at[pl.ds(s * SUB_OUT, SUB_OUT)])
    pltpu.sync_copy(ones_h, ones_v)
    plsc.subcore_barrier()

    base = wid * NCHUNK
    for st in range(NCHUNK // STAGE):
      off = pl.multiple_of(base + st * STAGE, STAGE)
      pltpu.sync_copy(dsts.at[pl.ds(off, STAGE)], dst_v)

      def step(j, c2):
        pltpu.sync_copy(ones_v, cnt_acc.at[dst_v.at[j]], add=True)
        return c2

      lax.fori_loop(0, STAGE, step, 0)
    plsc.subcore_barrier()
    pltpu.sync_copy(cnt_acc.at[pl.ds(s * SUB_OUT, SUB_OUT)],
                    cout.at[c].at[pl.ds(s * SUB_OUT, SUB_OUT)])

  return pl.kernel(
      body,
      out_type=jax.ShapeDtypeStruct((NC, NPAD, 128), jnp.float32),
      mesh=_MESH,
      scratch_types=(
          pltpu.VMEM((STAGE, CH), jnp.int32),
          pltpu.VMEM((CH, 128), jnp.float32),
          pltpu.VMEM_SHARED((NPAD, 128), jnp.float32),
      ))


_agg1 = _make_agg(NHID)
_agg2 = _make_agg(128)
_cnt = _cnt_kernel()

_BM = 1000


def _mm1(x, w1t, b1):
  def body(x_ref, w_ref, b_ref, o_ref):
    o_ref[...] = jnp.dot(x_ref[...], w_ref[...],
                         preferred_element_type=jnp.float32) + b_ref[...]
  return pl.pallas_call(
      body,
      grid=(N // _BM,),
      in_specs=[pl.BlockSpec((_BM, NFEAT), lambda i: (i, 0)),
                pl.BlockSpec((NFEAT, NHID), lambda i: (0, 0)),
                pl.BlockSpec((1, NHID), lambda i: (0, 0))],
      out_specs=pl.BlockSpec((_BM, NHID), lambda i: (i, 0)),
      out_shape=jax.ShapeDtypeStruct((N, NHID), jnp.float32),
  )(x, w1t, b1.reshape(1, NHID))


def _combine1(p, cnt, h1, w2t, b2):
  def body(p0_ref, p1_ref, c0_ref, c1_ref, h_ref, w_ref, b_ref, o_ref):
    ssum = p0_ref[0] + p1_ref[0] - h_ref[...]
    count = c0_ref[0][:, 0:1] + c1_ref[0][:, 0:1] + 1.0
    a = jnp.maximum(ssum / count, 0.0)
    o_ref[...] = jnp.dot(a, w_ref[...],
                         preferred_element_type=jnp.float32) + b_ref[...]
  return pl.pallas_call(
      body,
      grid=(N // _BM,),
      in_specs=[pl.BlockSpec((1, _BM, NHID), lambda i: (0, i, 0)),
                pl.BlockSpec((1, _BM, NHID), lambda i: (1, i, 0)),
                pl.BlockSpec((1, _BM, 128), lambda i: (0, i, 0)),
                pl.BlockSpec((1, _BM, 128), lambda i: (1, i, 0)),
                pl.BlockSpec((_BM, NHID), lambda i: (i, 0)),
                pl.BlockSpec((NHID, 128), lambda i: (0, 0)),
                pl.BlockSpec((1, 128), lambda i: (0, 0))],
      out_specs=pl.BlockSpec((_BM, 128), lambda i: (i, 0)),
      out_shape=jax.ShapeDtypeStruct((N, 128), jnp.float32),
  )(p, p, cnt, cnt, h1, w2t, b2)


def _combine2(q, cnt, h2):
  def body(q0_ref, q1_ref, c0_ref, c1_ref, h_ref, o_ref):
    ssum = q0_ref[0] + q1_ref[0] - h_ref[...]
    count = c0_ref[0][:, 0:1] + c1_ref[0][:, 0:1] + 1.0
    m = (ssum / count)[:, :NCLASS]
    mx = jnp.max(m, axis=1, keepdims=True)
    z = m - mx
    lse = jnp.log(jnp.sum(jnp.exp(z), axis=1, keepdims=True))
    o_ref[...] = z - lse
  return pl.pallas_call(
      body,
      grid=(N // _BM,),
      in_specs=[pl.BlockSpec((1, _BM, 128), lambda i: (0, i, 0)),
                pl.BlockSpec((1, _BM, 128), lambda i: (1, i, 0)),
                pl.BlockSpec((1, _BM, 128), lambda i: (0, i, 0)),
                pl.BlockSpec((1, _BM, 128), lambda i: (1, i, 0)),
                pl.BlockSpec((_BM, 128), lambda i: (i, 0))],
      out_specs=pl.BlockSpec((_BM, NCLASS), lambda i: (i, 0)),
      out_shape=jax.ShapeDtypeStruct((N, NCLASS), jnp.float32),
  )(q, q, cnt, cnt, h2)


def kernel(x, edge_index, W1, b1, W2, b2):
  ei = edge_index.astype(jnp.int32)
  pad = EPAD - E
  srcp = jnp.concatenate(
      [ei[0], (jnp.arange(pad, dtype=jnp.int32) * 7) % N]).reshape(TCHUNK, CH)
  dstp = jnp.concatenate([ei[1], jnp.full((pad,), N, jnp.int32)]).reshape(
      TCHUNK, CH)

  w2tp = jnp.zeros((NHID, 128), jnp.float32).at[:, :NCLASS].set(W2.T)
  b2p = jnp.zeros((1, 128), jnp.float32).at[:, :NCLASS].set(b2)

  ones128 = jnp.ones((CH, 128), jnp.float32)
  zeros128 = jnp.zeros((NPAD, 128), jnp.float32)

  h1 = _mm1(x, W1.T, b1)
  cnt = _cnt(zeros128, ones128, dstp)
  p = _agg1(h1, srcp, dstp)
  h2 = _combine1(p, cnt, h1, w2tp, b2p)
  q = _agg2(h2, srcp, dstp)
  out = _combine2(q, cnt, h2)
  return out

# --- scband reference (transcript-rebuilt; emitter-appended) ---
"""Pipeline reference for scband-mpnnnet-5214090297997 (READ-ONLY COPY).

The authoritative reference and input builder live on the scoring server;
editing this copy changes nothing except your own understanding.
"""

import jax, jax.numpy as jnp
import numpy as np

N_NODES = 10000
N_EDGES = 320000
NFEAT = 128
NHID = 128
NCLASS = 64


def _mpnn_layer(x, edge_index, W, b, n):
    # add self loops
    loops = jnp.arange(n, dtype=edge_index.dtype)
    src = jnp.concatenate([edge_index[0], loops])
    dst = jnp.concatenate([edge_index[1], loops])
    # linear transform then propagate with mean aggregation of x_j over incoming edges
    h = x @ W.T + b
    msg = jnp.take(h, src, axis=0)
    summed = jax.ops.segment_sum(msg, dst, num_segments=n)
    count = jax.ops.segment_sum(jnp.ones((src.shape[0],), dtype=h.dtype), dst, num_segments=n)
    return summed / jnp.clip(count, 1.0)[:, None]


def setup_inputs(seed: int = 0) -> dict:
    key = jax.random.key(seed)
    k1, k2, k3, k4, k5 = jax.random.split(key, 5)
    x = jax.random.normal(k1, (N_NODES, NFEAT), dtype=jnp.float32)
    edge_index = jax.random.randint(k2, (2, N_EDGES), 0, N_NODES, dtype=jnp.int64)
    s1 = 1.0 / np.sqrt(NFEAT)
    W1 = jax.random.uniform(k3, (NHID, NFEAT), dtype=jnp.float32, minval=-s1, maxval=s1)
    b1 = jnp.zeros((NHID,), dtype=jnp.float32)
    s2 = 1.0 / np.sqrt(NHID)
    W2 = jax.random.uniform(k4, (NCLASS, NHID), dtype=jnp.float32, minval=-s2, maxval=s2)
    b2 = jnp.zeros((NCLASS,), dtype=jnp.float32)
    return {"x": x, "edge_index": edge_index, "W1": W1, "b1": b1, "W2": W2, "b2": b2}


def reference(x, edge_index, W1, b1, W2, b2):
    n = x.shape[0]
    h = _mpnn_layer(x, edge_index, W1, b1, n)
    h = jax.nn.relu(h)
    # dropout is identity in eval mode
    h = jax.nn.relu(h)
    h = _mpnn_layer(h, edge_index, W2, b2, n)
    return jax.nn.log_softmax(h, axis=1)[:n]

if __name__ == "__main__":
    import jax
    _d = setup_inputs()
    print(jax.jit(kernel)(*tuple(_d.values())))

</pallas_src>

<mosaic_0001>
#map = affine_map<(d0, d1) -> (0, 0)>
#map1 = affine_map<(d0, d1) -> (0, 0, 0)>
module attributes {stable_mosaic.version = 14 : i64} {
  func.func @body(%arg0: i32, %arg1: i32, %arg2: memref<10112x128xf32, #tpu.memory_space<hbm>>, %arg3: memref<128x128xf32, #tpu.memory_space<hbm>>, %arg4: memref<2560x128xi32, #tpu.memory_space<hbm>>, %arg5: memref<2x10112x128xf32, #tpu.memory_space<hbm>>, %arg6: memref<16x128xi32, #tpu.memory_space<vmem>>, %arg7: memref<128x128xf32, #tpu.memory_space<vmem>>, %arg8: memref<10112x128xf32, #tpu.memory_space<vmem_shared>>) attributes {dimension_semantics = [#tpu.dimension_semantics<core_parallel>, #tpu.dimension_semantics<subcore_parallel>], iteration_bounds = array<i64: 2, 16>, scalar_prefetch = 0 : i64, scratch_operands = 3 : i64, tpu.core_type = #tpu.core_type<sc_vector_subcore>, window_params = [{transform_indices = #map}, {transform_indices = #map}, {transform_indices = #map}, {transform_indices = #map1}]} {
    %mul3A = arith.constant 2 : i32
    %mul3A_0 = arith.muli %arg1, %mul3A : i32
    %add3A = arith.addi %mul3A_0, %arg0 : i32
    %mul3A_1 = arith.constant 632 : i32
    %mul3A_2 = arith.muli %arg1, %mul3A_1 : i32
    %mul3A_3 = arith.constant 632 : i32
    %mul3A_4 = arith.muli %arg1, %mul3A_3 : i32
    "tpu.region"() ({
      %run_scoped3A = tpu.sem_alloc : memref<!tpu.dma_semaphore, #tpu.memory_space<semaphore_mem>>
      %dma_start3A = arith.constant 0 : i32
      %dma_start3A_55 = tpu.memref_slice %arg8[%mul3A_4, %dma_start3A] : memref<10112x128xf32, #tpu.memory_space<vmem_shared>> -> memref<632x128xf32, #tpu.memory_space<vmem_shared>>
      %dma_start3A_56 = arith.constant 0 : i32
      %dma_start3A_57 = tpu.memref_slice %arg2[%mul3A_2, %dma_start3A_56] : memref<10112x128xf32, #tpu.memory_space<hbm>> -> memref<632x128xf32, #tpu.memory_space<hbm>>
      tpu.enqueue_dma source(%dma_start3A_57 : memref<632x128xf32, #tpu.memory_space<hbm>>) target(%dma_start3A_55 : memref<632x128xf32, #tpu.memory_space<vmem_shared>>) target_semaphore(%run_scoped3A : memref<!tpu.dma_semaphore, #tpu.memory_space<semaphore_mem>>)
      %dma_wait3A = arith.constant 0 : i32
      %dma_wait3A_58 = tpu.memref_slice %arg8[%mul3A_4, %dma_wait3A] : memref<10112x128xf32, #tpu.memory_space<vmem_shared>> -> memref<632x128xf32, #tpu.memory_space<vmem_shared>>
      %dma_wait3A_59 = arith.constant 0 : i32
      %dma_wait3A_60 = tpu.memref_slice %arg2[%mul3A_2, %dma_wait3A_59] : memref<10112x128xf32, #tpu.memory_space<hbm>> -> memref<632x128xf32, #tpu.memory_space<hbm>>
      tpu.wait_dma2 semaphore(%run_scoped3A : memref<!tpu.dma_semaphore, #tpu.memory_space<semaphore_mem>>) src(%dma_wait3A_60 : memref<632x128xf32, #tpu.memory_space<hbm>>) dst(%dma_wait3A_58 : memref<632x128xf32, #tpu.memory_space<vmem_shared>>)
      tpu.yield
    }) : () -> ()
    "tpu.region"() ({
      %run_scoped3A = tpu.sem_alloc : memref<!tpu.dma_semaphore, #tpu.memory_space<semaphore_mem>>
      tpu.enqueue_dma source(%arg3 : memref<128x128xf32, #tpu.memory_space<hbm>>) target(%arg7 : memref<128x128xf32, #tpu.memory_space<vmem>>) target_semaphore(%run_scoped3A : memref<!tpu.dma_semaphore, #tpu.memory_space<semaphore_mem>>)
      tpu.wait_dma2 semaphore(%run_scoped3A : memref<!tpu.dma_semaphore, #tpu.memory_space<semaphore_mem>>) src(%arg3 : memref<128x128xf32, #tpu.memory_space<hbm>>) dst(%arg7 : memref<128x128xf32, #tpu.memory_space<vmem>>)
      tpu.yield
    }) : () -> ()
    %barrier3A = arith.constant 0 : index
    tpu.barrier barrier_id(%barrier3A)
    %mul3A_5 = arith.constant 80 : i32
    %mul3A_6 = arith.muli %add3A, %mul3A_5 : i32
    %add3A_7 = arith.constant 0 : i32
    %add3A_8 = arith.addi %mul3A_6, %add3A_7 : i32
    %multiple_of3A = tpu.assume_multiple %add3A_8, 16 : i32
    "tpu.region"() ({
      %run_scoped3A = tpu.sem_alloc : memref<!tpu.dma_semaphore, #tpu.memory_space<semaphore_mem>>
      %dma_start3A = arith.constant 0 : i32
      %dma_start3A_55 = tpu.memref_slice %arg4[%multiple_of3A, %dma_start3A] : memref<2560x128xi32, #tpu.memory_space<hbm>> -> memref<16x128xi32, #tpu.memory_space<hbm>>
      %dma_start3A_56 = arith.constant 0 : i32
      %dma_start3A_57 = tpu.memref_slice %arg4[%multiple_of3A, %dma_start3A_56] : memref<2560x128xi32, #tpu.memory_space<hbm>> -> memref<16x128xi32, #tpu.memory_space<hbm>>
      tpu.enqueue_dma source(%dma_start3A_57 : memref<16x128xi32, #tpu.memory_space<hbm>>) target(%arg6 : memref<16x128xi32, #tpu.memory_space<vmem>>) target_semaphore(%run_scoped3A : memref<!tpu.dma_semaphore, #tpu.memory_space<semaphore_mem>>)
      %dma_wait3A = arith.constant 0 : i32
      %dma_wait3A_58 = tpu.memref_slice %arg4[%multiple_of3A, %dma_wait3A] : memref<2560x128xi32, #tpu.memory_space<hbm>> -> memref<16x128xi32, #tpu.memory_space<hbm>>
      %dma_wait3A_59 = arith.constant 0 : i32
      %dma_wait3A_60 = tpu.memref_slice %arg4[%multiple_of3A, %dma_wait3A_59] : memref<2560x128xi32, #tpu.memory_space<hbm>> -> memref<16x128xi32, #tpu.memory_space<hbm>>
      tpu.wait_dma2 semaphore(%run_scoped3A : memref<!tpu.dma_semaphore, #tpu.memory_space<semaphore_mem>>) src(%dma_wait3A_60 : memref<16x128xi32, #tpu.memory_space<hbm>>) dst(%arg6 : memref<16x128xi32, #tpu.memory_space<vmem>>)
      tpu.yield
    }) : () -> ()
    %scan3A = arith.constant 0 : i32
    %scan3A_9 = arith.constant 0 : i32
    %scan3A_10 = arith.constant 16 : i32
    %scan3A_11 = arith.addi %scan3A_9, %scan3A_10 : i32
    %scan3A_12 = arith.constant 1 : i32
    scf.for %scan3A_55 = %scan3A_9 to %scan3A_11 step %scan3A_12  : i32 {
      "tpu.region"() ({
        %run_scoped3A = tpu.sem_alloc : memref<!tpu.dma_semaphore, #tpu.memory_space<semaphore_mem>>
        %dma_start3A = arith.constant 0 : i32
        %dma_start3A_56 = tpu.memref_slice %arg6[%scan3A_55, %dma_start3A] : memref<16x128xi32, #tpu.memory_space<vmem>> -> memref<1x128xi32, #tpu.memory_space<vmem>>
        %dma_start3A_57 = tpu.memref_squeeze %dma_start3A_56 : memref<1x128xi32, #tpu.memory_space<vmem>> -> memref<128xi32, #tpu.memory_space<vmem>>
        %dma_start3A_58 = arith.constant 0 : i32
        %dma_start3A_59 = arith.constant 0 : i32
        %dma_start3A_60 = tpu.memref_slice %arg8[%dma_start3A_58, %dma_start3A_59] : memref<10112x128xf32, #tpu.memory_space<vmem_shared>> -> memref<10112x128xf32, #tpu.memory_space<vmem_shared>>
        tpu.enqueue_indirect_dma source(%arg7 : memref<128x128xf32, #tpu.memory_space<vmem>>) target(%dma_start3A_60 : memref<10112x128xf32, #tpu.memory_space<vmem_shared>>) offsets(%dma_start3A_57 : memref<128xi32, #tpu.memory_space<vmem>>) semaphore(%run_scoped3A : memref<!tpu.dma_semaphore, #tpu.memory_space<semaphore_mem>>) {add = true}
        %dma_wait3A = arith.constant 0 : i32
        %dma_wait3A_61 = tpu.memref_slice %arg6[%scan3A_55, %dma_wait3A] : memref<16x128xi32, #tpu.memory_space<vmem>> -> memref<1x128xi32, #tpu.memory_space<vmem>>
        %dma_wait3A_62 = tpu.memref_squeeze %dma_wait3A_61 : memref<1x128xi32, #tpu.memory_space<vmem>> -> memref<128xi32, #tpu.memory_space<vmem>>
        %dma_wait3A_63 = arith.constant 0 : i32
        %dma_wait3A_64 = arith.constant 0 : i32
        %dma_wait3A_65 = tpu.memref_slice %arg8[%dma_wait3A_63, %dma_wait3A_64] : memref<10112x128xf32, #tpu.memory_space<vmem_shared>> -> memref<10112x128xf32, #tpu.memory_space<vmem_shared>>
        tpu.wait_indirect_dma semaphore(%run_scoped3A : memref<!tpu.dma_semaphore, #tpu.memory_space<semaphore_mem>>) src(%arg7 : memref<128x128xf32, #tpu.memory_space<vmem>>) dst(%dma_wait3A_65 : memref<10112x128xf32, #tpu.memory_space<vmem_shared>>)
        tpu.yield
      }) : () -> ()
    }
    %scan3A_13 = arith.constant 16 : i32
    %add3A_14 = arith.constant 16 : i32
    %add3A_15 = arith.addi %mul3A_6, %add3A_14 : i32
    %multiple_of3A_16 = tpu.assume_multiple %add3A_15, 16 : i32
    "tpu.region"() ({
      %run_scoped3A = tpu.sem_alloc : memref<!tpu.dma_semaphore, #tpu.memory_space<semaphore_mem>>
      %dma_start3A = arith.constant 0 : i32
      %dma_start3A_55 = tpu.memref_slice %arg4[%multiple_of3A_16, %dma_start3A] : memref<2560x128xi32, #tpu.memory_space<hbm>> -> memref<16x128xi32, #tpu.memory_space<hbm>>
      %dma_start3A_56 = arith.constant 0 : i32
      %dma_start3A_57 = tpu.memref_slice %arg4[%multiple_of3A_16, %dma_start3A_56] : memref<2560x128xi32, #tpu.memory_space<hbm>> -> memref<16x128xi32, #tpu.memory_space<hbm>>
      tpu.enqueue_dma source(%dma_start3A_57 : memref<16x128xi32, #tpu.memory_space<hbm>>) target(%arg6 : memref<16x128xi32, #tpu.memory_space<vmem>>) target_semaphore(%run_scoped3A : memref<!tpu.dma_semaphore, #tpu.memory_space<semaphore_mem>>)
      %dma_wait3A = arith.constant 0 : i32
      %dma_wait3A_58 = tpu.memref_slice %arg4[%multiple_of3A_16, %dma_wait3A] : memref<2560x128xi32, #tpu.memory_space<hbm>> -> memref<16x128xi32, #tpu.memory_space<hbm>>
      %dma_wait3A_59 = arith.constant 0 : i32
      %dma_wait3A_60 = tpu.memref_slice %arg4[%multiple_of3A_16, %dma_wait3A_59] : memref<2560x128xi32, #tpu.memory_space<hbm>> -> memref<16x128xi32, #tpu.memory_space<hbm>>
      tpu.wait_dma2 semaphore(%run_scoped3A : memref<!tpu.dma_semaphore, #tpu.memory_space<semaphore_mem>>) src(%dma_wait3A_60 : memref<16x128xi32, #tpu.memory_space<hbm>>) dst(%arg6 : memref<16x128xi32, #tpu.memory_space<vmem>>)
      tpu.yield
    }) : () -> ()
    %scan3A_17 = arith.constant 0 : i32
    %scan3A_18 = arith.constant 0 : i32
    %scan3A_19 = arith.constant 16 : i32
    %scan3A_20 = arith.addi %scan3A_18, %scan3A_19 : i32
    %scan3A_21 = arith.constant 1 : i32
    scf.for %scan3A_55 = %scan3A_18 to %scan3A_20 step %scan3A_21  : i32 {
      "tpu.region"() ({
        %run_scoped3A = tpu.sem_alloc : memref<!tpu.dma_semaphore, #tpu.memory_space<semaphore_mem>>
        %dma_start3A = arith.constant 0 : i32
        %dma_start3A_56 = tpu.memref_slice %arg6[%scan3A_55, %dma_start3A] : memref<16x128xi32, #tpu.memory_space<vmem>> -> memref<1x128xi32, #tpu.memory_space<vmem>>
        %dma_start3A_57 = tpu.memref_squeeze %dma_start3A_56 : memref<1x128xi32, #tpu.memory_space<vmem>> -> memref<128xi32, #tpu.memory_space<vmem>>
        %dma_start3A_58 = arith.constant 0 : i32
        %dma_start3A_59 = arith.constant 0 : i32
        %dma_start3A_60 = tpu.memref_slice %arg8[%dma_start3A_58, %dma_start3A_59] : memref<10112x128xf32, #tpu.memory_space<vmem_shared>> -> memref<10112x128xf32, #tpu.memory_space<vmem_shared>>
        tpu.enqueue_indirect_dma source(%arg7 : memref<128x128xf32, #tpu.memory_space<vmem>>) target(%dma_start3A_60 : memref<10112x128xf32, #tpu.memory_space<vmem_shared>>) offsets(%dma_start3A_57 : memref<128xi32, #tpu.memory_space<vmem>>) semaphore(%run_scoped3A : memref<!tpu.dma_semaphore, #tpu.memory_space<semaphore_mem>>) {add = true}
        %dma_wait3A = arith.constant 0 : i32
        %dma_wait3A_61 = tpu.memref_slice %arg6[%scan3A_55, %dma_wait3A] : memref<16x128xi32, #tpu.memory_space<vmem>> -> memref<1x128xi32, #tpu.memory_space<vmem>>
        %dma_wait3A_62 = tpu.memref_squeeze %dma_wait3A_61 : memref<1x128xi32, #tpu.memory_space<vmem>> -> memref<128xi32, #tpu.memory_space<vmem>>
        %dma_wait3A_63 = arith.constant 0 : i32
        %dma_wait3A_64 = arith.constant 0 : i32
        %dma_wait3A_65 = tpu.memref_slice %arg8[%dma_wait3A_63, %dma_wait3A_64] : memref<10112x128xf32, #tpu.memory_space<vmem_shared>> -> memref<10112x128xf32, #tpu.memory_space<vmem_shared>>
        tpu.wait_indirect_dma semaphore(%run_scoped3A : memref<!tpu.dma_semaphore, #tpu.memory_space<semaphore_mem>>) src(%arg7 : memref<128x128xf32, #tpu.memory_space<vmem>>) dst(%dma_wait3A_65 : memref<10112x128xf32, #tpu.memory_space<vmem_shared>>)
        tpu.yield
      }) : () -> ()
    }
    %scan3A_22 = arith.constant 16 : i32
    %add3A_23 = arith.constant 32 : i32
    %add3A_24 = arith.addi %mul3A_6, %add3A_23 : i32
    %multiple_of3A_25 = tpu.assume_multiple %add3A_24, 16 : i32
    "tpu.region"() ({
      %run_scoped3A = tpu.sem_alloc : memref<!tpu.dma_semaphore, #tpu.memory_space<semaphore_mem>>
      %dma_start3A = arith.constant 0 : i32
      %dma_start3A_55 = tpu.memref_slice %arg4[%multiple_of3A_25, %dma_start3A] : memref<2560x128xi32, #tpu.memory_space<hbm>> -> memref<16x128xi32, #tpu.memory_space<hbm>>
      %dma_start3A_56 = arith.constant 0 : i32
      %dma_start3A_57 = tpu.memref_slice %arg4[%multiple_of3A_25, %dma_start3A_56] : memref<2560x128xi32, #tpu.memory_space<hbm>> -> memref<16x128xi32, #tpu.memory_space<hbm>>
      tpu.enqueue_dma source(%dma_start3A_57 : memref<16x128xi32, #tpu.memory_space<hbm>>) target(%arg6 : memref<16x128xi32, #tpu.memory_space<vmem>>) target_semaphore(%run_scoped3A : memref<!tpu.dma_semaphore, #tpu.memory_space<semaphore_mem>>)
      %dma_wait3A = arith.constant 0 : i32
      %dma_wait3A_58 = tpu.memref_slice %arg4[%multiple_of3A_25, %dma_wait3A] : memref<2560x128xi32, #tpu.memory_space<hbm>> -> memref<16x128xi32, #tpu.memory_space<hbm>>
      %dma_wait3A_59 = arith.constant 0 : i32
      %dma_wait3A_60 = tpu.memref_slice %arg4[%multiple_of3A_25, %dma_wait3A_59] : memref<2560x128xi32, #tpu.memory_space<hbm>> -> memref<16x128xi32, #tpu.memory_space<hbm>>
      tpu.wait_dma2 semaphore(%run_scoped3A : memref<!tpu.dma_semaphore, #tpu.memory_space<semaphore_mem>>) src(%dma_wait3A_60 : memref<16x128xi32, #tpu.memory_space<hbm>>) dst(%arg6 : memref<16x128xi32, #tpu.memory_space<vmem>>)
      tpu.yield
    }) : () -> ()
    %scan3A_26 = arith.constant 0 : i32
    %scan3A_27 = arith.constant 0 : i32
    %scan3A_28 = arith.constant 16 : i32
    %scan3A_29 = arith.addi %scan3A_27, %scan3A_28 : i32
    %scan3A_30 = arith.constant 1 : i32
    scf.for %scan3A_55 = %scan3A_27 to %scan3A_29 step %scan3A_30  : i32 {
      "tpu.region"() ({
        %run_scoped3A = tpu.sem_alloc : memref<!tpu.dma_semaphore, #tpu.memory_space<semaphore_mem>>
        %dma_start3A = arith.constant 0 : i32
        %dma_start3A_56 = tpu.memref_slice %arg6[%scan3A_55, %dma_start3A] : memref<16x128xi32, #tpu.memory_space<vmem>> -> memref<1x128xi32, #tpu.memory_space<vmem>>
        %dma_start3A_57 = tpu.memref_squeeze %dma_start3A_56 : memref<1x128xi32, #tpu.memory_space<vmem>> -> memref<128xi32, #tpu.memory_space<vmem>>
        %dma_start3A_58 = arith.constant 0 : i32
        %dma_start3A_59 = arith.constant 0 : i32
        %dma_start3A_60 = tpu.memref_slice %arg8[%dma_start3A_58, %dma_start3A_59] : memref<10112x128xf32, #tpu.memory_space<vmem_shared>> -> memref<10112x128xf32, #tpu.memory_space<vmem_shared>>
        tpu.enqueue_indirect_dma source(%arg7 : memref<128x128xf32, #tpu.memory_space<vmem>>) target(%dma_start3A_60 : memref<10112x128xf32, #tpu.memory_space<vmem_shared>>) offsets(%dma_start3A_57 : memref<128xi32, #tpu.memory_space<vmem>>) semaphore(%run_scoped3A : memref<!tpu.dma_semaphore, #tpu.memory_space<semaphore_mem>>) {add = true}
        %dma_wait3A = arith.constant 0 : i32
        %dma_wait3A_61 = tpu.memref_slice %arg6[%scan3A_55, %dma_wait3A] : memref<16x128xi32, #tpu.memory_space<vmem>> -> memref<1x128xi32, #tpu.memory_space<vmem>>
        %dma_wait3A_62 = tpu.memref_squeeze %dma_wait3A_61 : memref<1x128xi32, #tpu.memory_space<vmem>> -> memref<128xi32, #tpu.memory_space<vmem>>
        %dma_wait3A_63 = arith.constant 0 : i32
        %dma_wait3A_64 = arith.constant 0 : i32
        %dma_wait3A_65 = tpu.memref_slice %arg8[%dma_wait3A_63, %dma_wait3A_64] : memref<10112x128xf32, #tpu.memory_space<vmem_shared>> -> memref<10112x128xf32, #tpu.memory_space<vmem_shared>>
        tpu.wait_indirect_dma semaphore(%run_scoped3A : memref<!tpu.dma_semaphore, #tpu.memory_space<semaphore_mem>>) src(%arg7 : memref<128x128xf32, #tpu.memory_space<vmem>>) dst(%dma_wait3A_65 : memref<10112x128xf32, #tpu.memory_space<vmem_shared>>)
        tpu.yield
      }) : () -> ()
    }
    %scan3A_31 = arith.constant 16 : i32
    %add3A_32 = arith.constant 48 : i32
    %add3A_33 = arith.addi %mul3A_6, %add3A_32 : i32
    %multiple_of3A_34 = tpu.assume_multiple %add3A_33, 16 : i32
    "tpu.region"() ({
      %run_scoped3A = tpu.sem_alloc : memref<!tpu.dma_semaphore, #tpu.memory_space<semaphore_mem>>
      %dma_start3A = arith.constant 0 : i32
      %dma_start3A_55 = tpu.memref_slice %arg4[%multiple_of3A_34, %dma_start3A] : memref<2560x128xi32, #tpu.memory_space<hbm>> -> memref<16x128xi32, #tpu.memory_space<hbm>>
      %dma_start3A_56 = arith.constant 0 : i32
      %dma_start3A_57 = tpu.memref_slice %arg4[%multiple_of3A_34, %dma_start3A_56] : memref<2560x128xi32, #tpu.memory_space<hbm>> -> memref<16x128xi32, #tpu.memory_space<hbm>>
      tpu.enqueue_dma source(%dma_start3A_57 : memref<16x128xi32, #tpu.memory_space<hbm>>) target(%arg6 : memref<16x128xi32, #tpu.memory_space<vmem>>) target_semaphore(%run_scoped3A : memref<!tpu.dma_semaphore, #tpu.memory_space<semaphore_mem>>)
      %dma_wait3A = arith.constant 0 : i32
      %dma_wait3A_58 = tpu.memref_slice %arg4[%multiple_of3A_34, %dma_wait3A] : memref<2560x128xi32, #tpu.memory_space<hbm>> -> memref<16x128xi32, #tpu.memory_space<hbm>>
      %dma_wait3A_59 = arith.constant 0 : i32
      %dma_wait3A_60 = tpu.memref_slice %arg4[%multiple_of3A_34, %dma_wait3A_59] : memref<2560x128xi32, #tpu.memory_space<hbm>> -> memref<16x128xi32, #tpu.memory_space<hbm>>
      tpu.wait_dma2 semaphore(%run_scoped3A : memref<!tpu.dma_semaphore, #tpu.memory_space<semaphore_mem>>) src(%dma_wait3A_60 : memref<16x128xi32, #tpu.memory_space<hbm>>) dst(%arg6 : memref<16x128xi32, #tpu.memory_space<vmem>>)
      tpu.yield
    }) : () -> ()
    %scan3A_35 = arith.constant 0 : i32
    %scan3A_36 = arith.constant 0 : i32
    %scan3A_37 = arith.constant 16 : i32
    %scan3A_38 = arith.addi %scan3A_36, %scan3A_37 : i32
    %scan3A_39 = arith.constant 1 : i32
    scf.for %scan3A_55 = %scan3A_36 to %scan3A_38 step %scan3A_39  : i32 {
      "tpu.region"() ({
        %run_scoped3A = tpu.sem_alloc : memref<!tpu.dma_semaphore, #tpu.memory_space<semaphore_mem>>
        %dma_start3A = arith.constant 0 : i32
        %dma_start3A_56 = tpu.memref_slice %arg6[%scan3A_55, %dma_start3A] : memref<16x128xi32, #tpu.memory_space<vmem>> -> memref<1x128xi32, #tpu.memory_space<vmem>>
        %dma_start3A_57 = tpu.memref_squeeze %dma_start3A_56 : memref<1x128xi32, #tpu.memory_space<vmem>> -> memref<128xi32, #tpu.memory_space<vmem>>
        %dma_start3A_58 = arith.constant 0 : i32
        %dma_start3A_59 = arith.constant 0 : i32
        %dma_start3A_60 = tpu.memref_slice %arg8[%dma_start3A_58, %dma_start3A_59] : memref<10112x128xf32, #tpu.memory_space<vmem_shared>> -> memref<10112x128xf32, #tpu.memory_space<vmem_shared>>
        tpu.enqueue_indirect_dma source(%arg7 : memref<128x128xf32, #tpu.memory_space<vmem>>) target(%dma_start3A_60 : memref<10112x128xf32, #tpu.memory_space<vmem_shared>>) offsets(%dma_start3A_57 : memref<128xi32, #tpu.memory_space<vmem>>) semaphore(%run_scoped3A : memref<!tpu.dma_semaphore, #tpu.memory_space<semaphore_mem>>) {add = true}
        %dma_wait3A = arith.constant 0 : i32
        %dma_wait3A_61 = tpu.memref_slice %arg6[%scan3A_55, %dma_wait3A] : memref<16x128xi32, #tpu.memory_space<vmem>> -> memref<1x128xi32, #tpu.memory_space<vmem>>
        %dma_wait3A_62 = tpu.memref_squeeze %dma_wait3A_61 : memref<1x128xi32, #tpu.memory_space<vmem>> -> memref<128xi32, #tpu.memory_space<vmem>>
        %dma_wait3A_63 = arith.constant 0 : i32
        %dma_wait3A_64 = arith.constant 0 : i32
        %dma_wait3A_65 = tpu.memref_slice %arg8[%dma_wait3A_63, %dma_wait3A_64] : memref<10112x128xf32, #tpu.memory_space<vmem_shared>> -> memref<10112x128xf32, #tpu.memory_space<vmem_shared>>
        tpu.wait_indirect_dma semaphore(%run_scoped3A : memref<!tpu.dma_semaphore, #tpu.memory_space<semaphore_mem>>) src(%arg7 : memref<128x128xf32, #tpu.memory_space<vmem>>) dst(%dma_wait3A_65 : memref<10112x128xf32, #tpu.memory_space<vmem_shared>>)
        tpu.yield
      }) : () -> ()
    }
    %scan3A_40 = arith.constant 16 : i32
    %add3A_41 = arith.constant 64 : i32
    %add3A_42 = arith.addi %mul3A_6, %add3A_41 : i32
    %multiple_of3A_43 = tpu.assume_multiple %add3A_42, 16 : i32
    "tpu.region"() ({
      %run_scoped3A = tpu.sem_alloc : memref<!tpu.dma_semaphore, #tpu.memory_space<semaphore_mem>>
      %dma_start3A = arith.constant 0 : i32
      %dma_start3A_55 = tpu.memref_slice %arg4[%multiple_of3A_43, %dma_start3A] : memref<2560x128xi32, #tpu.memory_space<hbm>> -> memref<16x128xi32, #tpu.memory_space<hbm>>
      %dma_start3A_56 = arith.constant 0 : i32
      %dma_start3A_57 = tpu.memref_slice %arg4[%multiple_of3A_43, %dma_start3A_56] : memref<2560x128xi32, #tpu.memory_space<hbm>> -> memref<16x128xi32, #tpu.memory_space<hbm>>
      tpu.enqueue_dma source(%dma_start3A_57 : memref<16x128xi32, #tpu.memory_space<hbm>>) target(%arg6 : memref<16x128xi32, #tpu.memory_space<vmem>>) target_semaphore(%run_scoped3A : memref<!tpu.dma_semaphore, #tpu.memory_space<semaphore_mem>>)
      %dma_wait3A = arith.constant 0 : i32
      %dma_wait3A_58 = tpu.memref_slice %arg4[%multiple_of3A_43, %dma_wait3A] : memref<2560x128xi32, #tpu.memory_space<hbm>> -> memref<16x128xi32, #tpu.memory_space<hbm>>
      %dma_wait3A_59 = arith.constant 0 : i32
      %dma_wait3A_60 = tpu.memref_slice %arg4[%multiple_of3A_43, %dma_wait3A_59] : memref<2560x128xi32, #tpu.memory_space<hbm>> -> memref<16x128xi32, #tpu.memory_space<hbm>>
      tpu.wait_dma2 semaphore(%run_scoped3A : memref<!tpu.dma_semaphore, #tpu.memory_space<semaphore_mem>>) src(%dma_wait3A_60 : memref<16x128xi32, #tpu.memory_space<hbm>>) dst(%arg6 : memref<16x128xi32, #tpu.memory_space<vmem>>)
      tpu.yield
    }) : () -> ()
    %scan3A_44 = arith.constant 0 : i32
    %scan3A_45 = arith.constant 0 : i32
    %scan3A_46 = arith.constant 16 : i32
    %scan3A_47 = arith.addi %scan3A_45, %scan3A_46 : i32
    %scan3A_48 = arith.constant 1 : i32
    scf.for %scan3A_55 = %scan3A_45 to %scan3A_47 step %scan3A_48  : i32 {
      "tpu.region"() ({
        %run_scoped3A = tpu.sem_alloc : memref<!tpu.dma_semaphore, #tpu.memory_space<semaphore_mem>>
        %dma_start3A = arith.constant 0 : i32
        %dma_start3A_56 = tpu.memref_slice %arg6[%scan3A_55, %dma_start3A] : memref<16x128xi32, #tpu.memory_space<vmem>> -> memref<1x128xi32, #tpu.memory_space<vmem>>
        %dma_start3A_57 = tpu.memref_squeeze %dma_start3A_56 : memref<1x128xi32, #tpu.memory_space<vmem>> -> memref<128xi32, #tpu.memory_space<vmem>>
        %dma_start3A_58 = arith.constant 0 : i32
        %dma_start3A_59 = arith.constant 0 : i32
        %dma_start3A_60 = tpu.memref_slice %arg8[%dma_start3A_58, %dma_start3A_59] : memref<10112x128xf32, #tpu.memory_space<vmem_shared>> -> memref<10112x128xf32, #tpu.memory_space<vmem_shared>>
        tpu.enqueue_indirect_dma source(%arg7 : memref<128x128xf32, #tpu.memory_space<vmem>>) target(%dma_start3A_60 : memref<10112x128xf32, #tpu.memory_space<vmem_shared>>) offsets(%dma_start3A_57 : memref<128xi32, #tpu.memory_space<vmem>>) semaphore(%run_scoped3A : memref<!tpu.dma_semaphore, #tpu.memory_space<semaphore_mem>>) {add = true}
        %dma_wait3A = arith.constant 0 : i32
        %dma_wait3A_61 = tpu.memref_slice %arg6[%scan3A_55, %dma_wait3A] : memref<16x128xi32, #tpu.memory_space<vmem>> -> memref<1x128xi32, #tpu.memory_space<vmem>>
        %dma_wait3A_62 = tpu.memref_squeeze %dma_wait3A_61 : memref<1x128xi32, #tpu.memory_space<vmem>> -> memref<128xi32, #tpu.memory_space<vmem>>
        %dma_wait3A_63 = arith.constant 0 : i32
        %dma_wait3A_64 = arith.constant 0 : i32
        %dma_wait3A_65 = tpu.memref_slice %arg8[%dma_wait3A_63, %dma_wait3A_64] : memref<10112x128xf32, #tpu.memory_space<vmem_shared>> -> memref<10112x128xf32, #tpu.memory_space<vmem_shared>>
        tpu.wait_indirect_dma semaphore(%run_scoped3A : memref<!tpu.dma_semaphore, #tpu.memory_space<semaphore_mem>>) src(%arg7 : memref<128x128xf32, #tpu.memory_space<vmem>>) dst(%dma_wait3A_65 : memref<10112x128xf32, #tpu.memory_space<vmem_shared>>)
        tpu.yield
      }) : () -> ()
    }
    %scan3A_49 = arith.constant 16 : i32
    %barrier3A_50 = arith.constant 0 : index
    tpu.barrier barrier_id(%barrier3A_50)
    %mul3A_51 = arith.constant 632 : i32
    %mul3A_52 = arith.muli %arg1, %mul3A_51 : i32
    %mul3A_53 = arith.constant 632 : i32
    %mul3A_54 = arith.muli %arg1, %mul3A_53 : i32
    "tpu.region"() ({
      %run_scoped3A = tpu.sem_alloc : memref<!tpu.dma_semaphore, #tpu.memory_space<semaphore_mem>>
      %dma_start3A = arith.constant 0 : i32
      %dma_start3A_55 = arith.constant 0 : i32
      %dma_start3A_56 = tpu.memref_slice %arg5[%arg0, %dma_start3A, %dma_start3A_55] : memref<2x10112x128xf32, #tpu.memory_space<hbm>> -> memref<1x10112x128xf32, #tpu.memory_space<hbm>>
      %dma_start3A_57 = tpu.memref_squeeze %dma_start3A_56 : memref<1x10112x128xf32, #tpu.memory_space<hbm>> -> memref<10112x128xf32, #tpu.memory_space<hbm>>
      %dma_start3A_58 = arith.constant 0 : i32
      %dma_start3A_59 = tpu.memref_slice %dma_start3A_57[%mul3A_54, %dma_start3A_58] : memref<10112x128xf32, #tpu.memory_space<hbm>> -> memref<632x128xf32, #tpu.memory_space<hbm>>
      %dma_start3A_60 = arith.constant 0 : i32
      %dma_start3A_61 = tpu.memref_slice %arg8[%mul3A_52, %dma_start3A_60] : memref<10112x128xf32, #tpu.memory_space<vmem_shared>> -> memref<632x128xf32, #tpu.memory_space<vmem_shared>>
      tpu.enqueue_dma source(%dma_start3A_61 : memref<632x128xf32, #tpu.memory_space<vmem_shared>>) target(%dma_start3A_59 : memref<632x128xf32, #tpu.memory_space<hbm>>) target_semaphore(%run_scoped3A : memref<!tpu.dma_semaphore, #tpu.memory_space<semaphore_mem>>)
      %dma_wait3A = arith.constant 0 : i32
      %dma_wait3A_62 = arith.constant 0 : i32
      %dma_wait3A_63 = tpu.memref_slice %arg5[%arg0, %dma_wait3A, %dma_wait3A_62] : memref<2x10112x128xf32, #tpu.memory_space<hbm>> -> memref<1x10112x128xf32, #tpu.memory_space<hbm>>
      %dma_wait3A_64 = tpu.memref_squeeze %dma_wait3A_63 : memref<1x10112x128xf32, #tpu.memory_space<hbm>> -> memref<10112x128xf32, #tpu.memory_space<hbm>>
      %dma_wait3A_65 = arith.constant 0 : i32
      %dma_wait3A_66 = tpu.memref_slice %dma_wait3A_64[%mul3A_54, %dma_wait3A_65] : memref<10112x128xf32, #tpu.memory_space<hbm>> -> memref<632x128xf32, #tpu.memory_space<hbm>>
      %dma_wait3A_67 = arith.constant 0 : i32
      %dma_wait3A_68 = tpu.memref_slice %arg8[%mul3A_52, %dma_wait3A_67] : memref<10112x128xf32, #tpu.memory_space<vmem_shared>> -> memref<632x128xf32, #tpu.memory_space<vmem_shared>>
      tpu.wait_dma2 semaphore(%run_scoped3A : memref<!tpu.dma_semaphore, #tpu.memory_space<semaphore_mem>>) src(%dma_wait3A_68 : memref<632x128xf32, #tpu.memory_space<vmem_shared>>) dst(%dma_wait3A_66 : memref<632x128xf32, #tpu.memory_space<hbm>>)
      tpu.yield
    }) : () -> ()
    return
  }
}

#map = affine_map<(d0, d1) -> (0, 0)>
#map1 = affine_map<(d0, d1) -> (0, 0, 0)>
module attributes {stable_mosaic.version = 14 : i64} {
  func.func @body(%arg0: i32, %arg1: i32, %arg2: memref<10000x128xf32, #tpu.memory_space<hbm>>, %arg3: memref<2560x128xi32, #tpu.memory_space<hbm>>, %arg4: memref<2560x128xi32, #tpu.memory_space<hbm>>, %arg5: memref<2x10112x128xf32, #tpu.memory_space<hbm>>, %arg6: memref<16x128xi32, #tpu.memory_space<vmem>>, %arg7: memref<16x128xi32, #tpu.memory_space<vmem>>, %arg8: memref<128x128xf32, #tpu.memory_space<vmem>>, %arg9: memref<128x128xf32, #tpu.memory_space<vmem>>, %arg10: memref<10112x128xf32, #tpu.memory_space<vmem_shared>>, %arg11: memref<!tpu.dma_semaphore, #tpu.memory_space<semaphore_mem>>, %arg12: memref<!tpu.dma_semaphore, #tpu.memory_space<semaphore_mem>>) attributes {dimension_semantics = [#tpu.dimension_semantics<core_parallel>, #tpu.dimension_semantics<subcore_parallel>], iteration_bounds = array<i64: 2, 16>, scalar_prefetch = 0 : i64, scratch_operands = 7 : i64, tpu.core_type = #tpu.core_type<sc_vector_subcore>, window_params = [{transform_indices = #map}, {transform_indices = #map}, {transform_indices = #map}, {transform_indices = #map1}]} {
    %mul3A = arith.constant 2 : i32
    %mul3A_0 = arith.muli %arg1, %mul3A : i32
    %add3A = arith.addi %mul3A_0, %arg0 : i32
    %mul3A_1 = arith.constant 624 : i32
    %mul3A_2 = arith.muli %arg1, %mul3A_1 : i32
    %mul3A_3 = arith.constant 624 : i32
    %mul3A_4 = arith.muli %arg1, %mul3A_3 : i32
    "tpu.region"() ({
      %run_scoped3A = tpu.sem_alloc : memref<!tpu.dma_semaphore, #tpu.memory_space<semaphore_mem>>
      %dma_start3A = arith.constant 0 : i32
      %dma_start3A_30 = tpu.memref_slice %arg10[%mul3A_4, %dma_start3A] : memref<10112x128xf32, #tpu.memory_space<vmem_shared>> -> memref<640x128xf32, #tpu.memory_space<vmem_shared>>
      %dma_start3A_31 = arith.constant 0 : i32
      %dma_start3A_32 = tpu.memref_slice %arg2[%mul3A_2, %dma_start3A_31] : memref<10000x128xf32, #tpu.memory_space<hbm>> -> memref<640x128xf32, #tpu.memory_space<hbm>>
      tpu.enqueue_dma source(%dma_start3A_32 : memref<640x128xf32, #tpu.memory_space<hbm>>) target(%dma_start3A_30 : memref<640x128xf32, #tpu.memory_space<vmem_shared>>) target_semaphore(%run_scoped3A : memref<!tpu.dma_semaphore, #tpu.memory_space<semaphore_mem>>)
      %dma_wait3A = arith.constant 0 : i32
      %dma_wait3A_33 = tpu.memref_slice %arg10[%mul3A_4, %dma_wait3A] : memref<10112x128xf32, #tpu.memory_space<vmem_shared>> -> memref<640x128xf32, #tpu.memory_space<vmem_shared>>
      %dma_wait3A_34 = arith.constant 0 : i32
      %dma_wait3A_35 = tpu.memref_slice %arg2[%mul3A_2, %dma_wait3A_34] : memref<10000x128xf32, #tpu.memory_space<hbm>> -> memref<640x128xf32, #tpu.memory_space<hbm>>
      tpu.wait_dma2 semaphore(%run_scoped3A : memref<!tpu.dma_semaphore, #tpu.memory_space<semaphore_mem>>) src(%dma_wait3A_35 : memref<640x128xf32, #tpu.memory_space<hbm>>) dst(%dma_wait3A_33 : memref<640x128xf32, #tpu.memory_space<vmem_shared>>)
      tpu.yield
    }) : () -> ()
    %barrier3A = arith.constant 0 : index
    tpu.barrier barrier_id(%barrier3A)
    %eq3A = arith.constant 1 : i32
    %eq3A_5 = arith.cmpi eq, %arg0, %eq3A : i32
    %mul3A_6 = arith.constant 80 : i32
    %mul3A_7 = arith.muli %arg1, %mul3A_6 : i32
    %mul3A_8 = arith.constant 80 : i32
    %mul3A_9 = arith.muli %arg1, %mul3A_8 : i32
    %add3A_10 = arith.constant 1280 : i32
    %add3A_11 = arith.addi %add3A_10, %mul3A_9 : i32
    %select_n3A = arith.select %eq3A_5, %mul3A_7, %add3A_11 : i32
    %eq3A_12 = arith.constant 1 : i32
    %eq3A_13 = arith.cmpi eq, %arg0, %eq3A_12 : i32
    %jit3A = arith.constant 5 : i32
    %jit3A_14 = arith.constant 5 : i32
    %select_n3A_15 = arith.select %eq3A_13, %jit3A, %jit3A_14 : i32
    %while3A = arith.constant 0 : i32
    %while3A_16 = arith.constant 0 : i32
    %while3A_17 = arith.subi %select_n3A_15, %while3A_16 : i32
    %while3A_18 = arith.addi %while3A_16, %while3A_17 : i32
    %while3A_19 = arith.constant 1 : i32
    %while3A_20 = arith.divsi %while3A_17, %while3A_19 : i32
    %while3A_21 = arith.muli %while3A_20, %while3A_19 : i32
    %while3A_22 = arith.addi %while3A_16, %while3A_21 : i32
    %while3A_23 = arith.constant 1 : i32
    scf.for %while3A_30 = %while3A_16 to %while3A_22 step %while3A_23  : i32 {
      %mul3A_31 = arith.constant 16 : i32
      %mul3A_32 = arith.muli %while3A_30, %mul3A_31 : i32
      %add3A_33 = arith.addi %select_n3A, %mul3A_32 : i32
      %multiple_of3A = tpu.assume_multiple %add3A_33, 16 : i32
      "tpu.region"() ({
        %run_scoped3A_64 = tpu.sem_alloc : memref<!tpu.dma_semaphore, #tpu.memory_space<semaphore_mem>>
        %dma_start3A_65 = arith.constant 0 : i32
        %dma_start3A_66 = tpu.memref_slice %arg3[%multiple_of3A, %dma_start3A_65] : memref<2560x128xi32, #tpu.memory_space<hbm>> -> memref<16x128xi32, #tpu.memory_space<hbm>>
        %dma_start3A_67 = arith.constant 0 : i32
        %dma_start3A_68 = tpu.memref_slice %arg3[%multiple_of3A, %dma_start3A_67] : memref<2560x128xi32, #tpu.memory_space<hbm>> -> memref<16x128xi32, #tpu.memory_space<hbm>>
        tpu.enqueue_dma source(%dma_start3A_68 : memref<16x128xi32, #tpu.memory_space<hbm>>) target(%arg6 : memref<16x128xi32, #tpu.memory_space<vmem>>) target_semaphore(%run_scoped3A_64 : memref<!tpu.dma_semaphore, #tpu.memory_space<semaphore_mem>>)
        %dma_wait3A_69 = arith.constant 0 : i32
        %dma_wait3A_70 = tpu.memref_slice %arg3[%multiple_of3A, %dma_wait3A_69] : memref<2560x128xi32, #tpu.memory_space<hbm>> -> memref<16x128xi32, #tpu.memory_space<hbm>>
        %dma_wait3A_71 = arith.constant 0 : i32
        %dma_wait3A_72 = tpu.memref_slice %arg3[%multiple_of3A, %dma_wait3A_71] : memref<2560x128xi32, #tpu.memory_space<hbm>> -> memref<16x128xi32, #tpu.memory_space<hbm>>
        tpu.wait_dma2 semaphore(%run_scoped3A_64 : memref<!tpu.dma_semaphore, #tpu.memory_space<semaphore_mem>>) src(%dma_wait3A_72 : memref<16x128xi32, #tpu.memory_space<hbm>>) dst(%arg6 : memref<16x128xi32, #tpu.memory_space<vmem>>)
        tpu.yield
      }) : () -> ()
      "tpu.region"() ({
        %run_scoped3A_64 = tpu.sem_alloc : memref<!tpu.dma_semaphore, #tpu.memory_space<semaphore_mem>>
        %dma_start3A_65 = arith.constant 0 : i32
        %dma_start3A_66 = tpu.memref_slice %arg4[%multiple_of3A, %dma_start3A_65] : memref<2560x128xi32, #tpu.memory_space<hbm>> -> memref<16x128xi32, #tpu.memory_space<hbm>>
        %dma_start3A_67 = arith.constant 0 : i32
        %dma_start3A_68 = tpu.memref_slice %arg4[%multiple_of3A, %dma_start3A_67] : memref<2560x128xi32, #tpu.memory_space<hbm>> -> memref<16x128xi32, #tpu.memory_space<hbm>>
        tpu.enqueue_dma source(%dma_start3A_68 : memref<16x128xi32, #tpu.memory_space<hbm>>) target(%arg7 : memref<16x128xi32, #tpu.memory_space<vmem>>) target_semaphore(%run_scoped3A_64 : memref<!tpu.dma_semaphore, #tpu.memory_space<semaphore_mem>>)
        %dma_wait3A_69 = arith.constant 0 : i32
        %dma_wait3A_70 = tpu.memref_slice %arg4[%multiple_of3A, %dma_wait3A_69] : memref<2560x128xi32, #tpu.memory_space<hbm>> -> memref<16x128xi32, #tpu.memory_space<hbm>>
        %dma_wait3A_71 = arith.constant 0 : i32
        %dma_wait3A_72 = tpu.memref_slice %arg4[%multiple_of3A, %dma_wait3A_71] : memref<2560x128xi32, #tpu.memory_space<hbm>> -> memref<16x128xi32, #tpu.memory_space<hbm>>
        tpu.wait_dma2 semaphore(%run_scoped3A_64 : memref<!tpu.dma_semaphore, #tpu.memory_space<semaphore_mem>>) src(%dma_wait3A_72 : memref<16x128xi32, #tpu.memory_space<hbm>>) dst(%arg7 : memref<16x128xi32, #tpu.memory_space<vmem>>)
        tpu.yield
      }) : () -> ()
      %dma_start3A = arith.constant 0 : i32
      %dma_start3A_34 = arith.constant 0 : i32
      %dma_start3A_35 = tpu.memref_slice %arg6[%dma_start3A, %dma_start3A_34] : memref<16x128xi32, #tpu.memory_space<vmem>> -> memref<1x128xi32, #tpu.memory_space<vmem>>
      %dma_start3A_36 = tpu.memref_squeeze %dma_start3A_35 : memref<1x128xi32, #tpu.memory_space<vmem>> -> memref<128xi32, #tpu.memory_space<vmem>>
      %dma_start3A_37 = arith.constant 0 : i32
      %dma_start3A_38 = arith.constant 0 : i32
      %dma_start3A_39 = tpu.memref_slice %arg2[%dma_start3A_37, %dma_start3A_38] : memref<10000x128xf32, #tpu.memory_space<hbm>> -> memref<10000x128xf32, #tpu.memory_space<hbm>>
      tpu.enqueue_indirect_dma source(%dma_start3A_39 : memref<10000x128xf32, #tpu.memory_space<hbm>>) target(%arg8 : memref<128x128xf32, #tpu.memory_space<vmem>>) offsets(%dma_start3A_36 : memref<128xi32, #tpu.memory_space<vmem>>) semaphore(%arg11 : memref<!tpu.dma_semaphore, #tpu.memory_space<semaphore_mem>>)
      %scan3A = arith.constant 0 : i32
      %scan3A_40 = arith.constant 0 : i32
      %scan3A_41 = arith.constant 7 : i32
      %scan3A_42 = arith.addi %scan3A_40, %scan3A_41 : i32
      %scan3A_43 = arith.constant 1 : i32
      scf.for %scan3A_64 = %scan3A_40 to %scan3A_42 step %scan3A_43  : i32 {
        %mul3A_65 = arith.constant 2 : i32
        %mul3A_66 = arith.muli %mul3A_65, %scan3A_64 : i32
        %add3A_67 = arith.constant 1 : i32
        %add3A_68 = arith.addi %mul3A_66, %add3A_67 : i32
        %dma_start3A_69 = arith.constant 0 : i32
        %dma_start3A_70 = tpu.memref_slice %arg6[%add3A_68, %dma_start3A_69] : memref<16x128xi32, #tpu.memory_space<vmem>> -> memref<1x128xi32, #tpu.memory_space<vmem>>
        %dma_start3A_71 = tpu.memref_squeeze %dma_start3A_70 : memref<1x128xi32, #tpu.memory_space<vmem>> -> memref<128xi32, #tpu.memory_space<vmem>>
        %dma_start3A_72 = arith.constant 0 : i32
        %dma_start3A_73 = arith.constant 0 : i32
        %dma_start3A_74 = tpu.memref_slice %arg2[%dma_start3A_72, %dma_start3A_73] : memref<10000x128xf32, #tpu.memory_space<hbm>> -> memref<10000x128xf32, #tpu.memory_space<hbm>>
        tpu.enqueue_indirect_dma source(%dma_start3A_74 : memref<10000x128xf32, #tpu.memory_space<hbm>>) target(%arg9 : memref<128x128xf32, #tpu.memory_space<vmem>>) offsets(%dma_start3A_71 : memref<128xi32, #tpu.memory_space<vmem>>) semaphore(%arg12 : memref<!tpu.dma_semaphore, #tpu.memory_space<semaphore_mem>>)
        %dma_wait3A_75 = arith.constant 0 : i32
        %dma_wait3A_76 = arith.constant 0 : i32
        %dma_wait3A_77 = tpu.memref_slice %arg2[%dma_wait3A_75, %dma_wait3A_76] : memref<10000x128xf32, #tpu.memory_space<hbm>> -> memref<128x128xf32, #tpu.memory_space<hbm>>
        %dma_wait3A_78 = arith.constant 0 : i32
        %dma_wait3A_79 = arith.constant 0 : i32
        %dma_wait3A_80 = tpu.memref_slice %arg2[%dma_wait3A_78, %dma_wait3A_79] : memref<10000x128xf32, #tpu.memory_space<hbm>> -> memref<128x128xf32, #tpu.memory_space<hbm>>
        tpu.wait_dma2 semaphore(%arg11 : memref<!tpu.dma_semaphore, #tpu.memory_space<semaphore_mem>>) src(%dma_wait3A_80 : memref<128x128xf32, #tpu.memory_space<hbm>>) dst(%arg8 : memref<128x128xf32, #tpu.memory_space<vmem>>)
        "tpu.region"() ({
          %run_scoped3A_97 = tpu.sem_alloc : memref<!tpu.dma_semaphore, #tpu.memory_space<semaphore_mem>>
          %dma_start3A_98 = arith.constant 0 : i32
          %dma_start3A_99 = tpu.memref_slice %arg7[%mul3A_66, %dma_start3A_98] : memref<16x128xi32, #tpu.memory_space<vmem>> -> memref<1x128xi32, #tpu.memory_space<vmem>>
          %dma_start3A_100 = tpu.memref_squeeze %dma_start3A_99 : memref<1x128xi32, #tpu.memory_space<vmem>> -> memref<128xi32, #tpu.memory_space<vmem>>
          %dma_start3A_101 = arith.constant 0 : i32
          %dma_start3A_102 = arith.constant 0 : i32
          %dma_start3A_103 = tpu.memref_slice %arg10[%dma_start3A_101, %dma_start3A_102] : memref<10112x128xf32, #tpu.memory_space<vmem_shared>> -> memref<10112x128xf32, #tpu.memory_space<vmem_shared>>
          tpu.enqueue_indirect_dma source(%arg8 : memref<128x128xf32, #tpu.memory_space<vmem>>) target(%dma_start3A_103 : memref<10112x128xf32, #tpu.memory_space<vmem_shared>>) offsets(%dma_start3A_100 : memref<128xi32, #tpu.memory_space<vmem>>) semaphore(%run_scoped3A_97 : memref<!tpu.dma_semaphore, #tpu.memory_space<semaphore_mem>>) {add = true}
          %dma_wait3A_104 = arith.constant 0 : i32
          %dma_wait3A_105 = tpu.memref_slice %arg7[%mul3A_66, %dma_wait3A_104] : memref<16x128xi32, #tpu.memory_space<vmem>> -> memref<1x128xi32, #tpu.memory_space<vmem>>
          %dma_wait3A_106 = tpu.memref_squeeze %dma_wait3A_105 : memref<1x128xi32, #tpu.memory_space<vmem>> -> memref<128xi32, #tpu.memory_space<vmem>>
          %dma_wait3A_107 = arith.constant 0 : i32
          %dma_wait3A_108 = arith.constant 0 : i32
          %dma_wait3A_109 = tpu.memref_slice %arg10[%dma_wait3A_107, %dma_wait3A_108] : memref<10112x128xf32, #tpu.memory_space<vmem_shared>> -> memref<10112x128xf32, #tpu.memory_space<vmem_shared>>
          tpu.wait_indirect_dma semaphore(%run_scoped3A_97 : memref<!tpu.dma_semaphore, #tpu.memory_space<semaphore_mem>>) src(%arg8 : memref<128x128xf32, #tpu.memory_space<vmem>>) dst(%dma_wait3A_109 : memref<10112x128xf32, #tpu.memory_space<vmem_shared>>)
          tpu.yield
        }) : () -> ()
        %add3A_81 = arith.constant 2 : i32
        %add3A_82 = arith.addi %mul3A_66, %add3A_81 : i32
        %dma_start3A_83 = arith.constant 0 : i32
        %dma_start3A_84 = tpu.memref_slice %arg6[%add3A_82, %dma_start3A_83] : memref<16x128xi32, #tpu.memory_space<vmem>> -> memref<1x128xi32, #tpu.memory_space<vmem>>
        %dma_start3A_85 = tpu.memref_squeeze %dma_start3A_84 : memref<1x128xi32, #tpu.memory_space<vmem>> -> memref<128xi32, #tpu.memory_space<vmem>>
        %dma_start3A_86 = arith.constant 0 : i32
        %dma_start3A_87 = arith.constant 0 : i32
        %dma_start3A_88 = tpu.memref_slice %arg2[%dma_start3A_86, %dma_start3A_87] : memref<10000x128xf32, #tpu.memory_space<hbm>> -> memref<10000x128xf32, #tpu.memory_space<hbm>>
        tpu.enqueue_indirect_dma source(%dma_start3A_88 : memref<10000x128xf32, #tpu.memory_space<hbm>>) target(%arg8 : memref<128x128xf32, #tpu.memory_space<vmem>>) offsets(%dma_start3A_85 : memref<128xi32, #tpu.memory_space<vmem>>) semaphore(%arg11 : memref<!tpu.dma_semaphore, #tpu.memory_space<semaphore_mem>>)
        %dma_wait3A_89 = arith.constant 0 : i32
        %dma_wait3A_90 = arith.constant 0 : i32
        %dma_wait3A_91 = tpu.memref_slice %arg2[%dma_wait3A_89, %dma_wait3A_90] : memref<10000x128xf32, #tpu.memory_space<hbm>> -> memref<128x128xf32, #tpu.memory_space<hbm>>
        %dma_wait3A_92 = arith.constant 0 : i32
        %dma_wait3A_93 = arith.constant 0 : i32
        %dma_wait3A_94 = tpu.memref_slice %arg2[%dma_wait3A_92, %dma_wait3A_93] : memref<10000x128xf32, #tpu.memory_space<hbm>> -> memref<128x128xf32, #tpu.memory_space<hbm>>
        tpu.wait_dma2 semaphore(%arg12 : memref<!tpu.dma_semaphore, #tpu.memory_space<semaphore_mem>>) src(%dma_wait3A_94 : memref<128x128xf32, #tpu.memory_space<hbm>>) dst(%arg9 : memref<128x128xf32, #tpu.memory_space<vmem>>)
        %add3A_95 = arith.constant 1 : i32
        %add3A_96 = arith.addi %mul3A_66, %add3A_95 : i32
        "tpu.region"() ({
          %run_scoped3A_97 = tpu.sem_alloc : memref<!tpu.dma_semaphore, #tpu.memory_space<semaphore_mem>>
          %dma_start3A_98 = arith.constant 0 : i32
          %dma_start3A_99 = tpu.memref_slice %arg7[%add3A_96, %dma_start3A_98] : memref<16x128xi32, #tpu.memory_space<vmem>> -> memref<1x128xi32, #tpu.memory_space<vmem>>
          %dma_start3A_100 = tpu.memref_squeeze %dma_start3A_99 : memref<1x128xi32, #tpu.memory_space<vmem>> -> memref<128xi32, #tpu.memory_space<vmem>>
          %dma_start3A_101 = arith.constant 0 : i32
          %dma_start3A_102 = arith.constant 0 : i32
          %dma_start3A_103 = tpu.memref_slice %arg10[%dma_start3A_101, %dma_start3A_102] : memref<10112x128xf32, #tpu.memory_space<vmem_shared>> -> memref<10112x128xf32, #tpu.memory_space<vmem_shared>>
          tpu.enqueue_indirect_dma source(%arg9 : memref<128x128xf32, #tpu.memory_space<vmem>>) target(%dma_start3A_103 : memref<10112x128xf32, #tpu.memory_space<vmem_shared>>) offsets(%dma_start3A_100 : memref<128xi32, #tpu.memory_space<vmem>>) semaphore(%run_scoped3A_97 : memref<!tpu.dma_semaphore, #tpu.memory_space<semaphore_mem>>) {add = true}
          %dma_wait3A_104 = arith.constant 0 : i32
          %dma_wait3A_105 = tpu.memref_slice %arg7[%add3A_96, %dma_wait3A_104] : memref<16x128xi32, #tpu.memory_space<vmem>> -> memref<1x128xi32, #tpu.memory_space<vmem>>
          %dma_wait3A_106 = tpu.memref_squeeze %dma_wait3A_105 : memref<1x128xi32, #tpu.memory_space<vmem>> -> memref<128xi32, #tpu.memory_space<vmem>>
          %dma_wait3A_107 = arith.constant 0 : i32
          %dma_wait3A_108 = arith.constant 0 : i32
          %dma_wait3A_109 = tpu.memref_slice %arg10[%dma_wait3A_107, %dma_wait3A_108] : memref<10112x128xf32, #tpu.memory_space<vmem_shared>> -> memref<10112x128xf32, #tpu.memory_space<vmem_shared>>
          tpu.wait_indirect_dma semaphore(%run_scoped3A_97 : memref<!tpu.dma_semaphore, #tpu.memory_space<semaphore_mem>>) src(%arg9 : memref<128x128xf32, #tpu.memory_space<vmem>>) dst(%dma_wait3A_109 : memref<10112x128xf32, #tpu.memory_space<vmem_shared>>)
          tpu.yield
        }) : () -> ()
      }
      %scan3A_44 = arith.constant 7 : i32
      %dma_start3A_45 = arith.constant 15 : i32
      %dma_start3A_46 = arith.constant 0 : i32
      %dma_start3A_47 = tpu.memref_slice %arg6[%dma_start3A_45, %dma_start3A_46] : memref<16x128xi32, #tpu.memory_space<vmem>> -> memref<1x128xi32, #tpu.memory_space<vmem>>
      %dma_start3A_48 = tpu.memref_squeeze %dma_start3A_47 : memref<1x128xi32, #tpu.memory_space<vmem>> -> memref<128xi32, #tpu.memory_space<vmem>>
      %dma_start3A_49 = arith.constant 0 : i32
      %dma_start3A_50 = arith.constant 0 : i32
      %dma_start3A_51 = tpu.memref_slice %arg2[%dma_start3A_49, %dma_start3A_50] : memref<10000x128xf32, #tpu.memory_space<hbm>> -> memref<10000x128xf32, #tpu.memory_space<hbm>>
      tpu.enqueue_indirect_dma source(%dma_start3A_51 : memref<10000x128xf32, #tpu.memory_space<hbm>>) target(%arg9 : memref<128x128xf32, #tpu.memory_space<vmem>>) offsets(%dma_start3A_48 : memref<128xi32, #tpu.memory_space<vmem>>) semaphore(%arg12 : memref<!tpu.dma_semaphore, #tpu.memory_space<semaphore_mem>>)
      %dma_wait3A = arith.constant 0 : i32
      %dma_wait3A_52 = arith.constant 0 : i32
      %dma_wait3A_53 = tpu.memref_slice %arg2[%dma_wait3A, %dma_wait3A_52] : memref<10000x128xf32, #tpu.memory_space<hbm>> -> memref<128x128xf32, #tpu.memory_space<hbm>>
      %dma_wait3A_54 = arith.constant 0 : i32
      %dma_wait3A_55 = arith.constant 0 : i32
      %dma_wait3A_56 = tpu.memref_slice %arg2[%dma_wait3A_54, %dma_wait3A_55] : memref<10000x128xf32, #tpu.memory_space<hbm>> -> memref<128x128xf32, #tpu.memory_space<hbm>>
      tpu.wait_dma2 semaphore(%arg11 : memref<!tpu.dma_semaphore, #tpu.memory_space<semaphore_mem>>) src(%dma_wait3A_56 : memref<128x128xf32, #tpu.memory_space<hbm>>) dst(%arg8 : memref<128x128xf32, #tpu.memory_space<vmem>>)
      %run_scoped3A = arith.constant 14 : i32
      "tpu.region"() ({
        %run_scoped3A_64 = tpu.sem_alloc : memref<!tpu.dma_semaphore, #tpu.memory_space<semaphore_mem>>
        %dma_start3A_65 = arith.constant 0 : i32
        %dma_start3A_66 = tpu.memref_slice %arg7[%run_scoped3A, %dma_start3A_65] : memref<16x128xi32, #tpu.memory_space<vmem>> -> memref<1x128xi32, #tpu.memory_space<vmem>>
        %dma_start3A_67 = tpu.memref_squeeze %dma_start3A_66 : memref<1x128xi32, #tpu.memory_space<vmem>> -> memref<128xi32, #tpu.memory_space<vmem>>
        %dma_start3A_68 = arith.constant 0 : i32
        %dma_start3A_69 = arith.constant 0 : i32
        %dma_start3A_70 = tpu.memref_slice %arg10[%dma_start3A_68, %dma_start3A_69] : memref<10112x128xf32, #tpu.memory_space<vmem_shared>> -> memref<10112x128xf32, #tpu.memory_space<vmem_shared>>
        tpu.enqueue_indirect_dma source(%arg8 : memref<128x128xf32, #tpu.memory_space<vmem>>) target(%dma_start3A_70 : memref<10112x128xf32, #tpu.memory_space<vmem_shared>>) offsets(%dma_start3A_67 : memref<128xi32, #tpu.memory_space<vmem>>) semaphore(%run_scoped3A_64 : memref<!tpu.dma_semaphore, #tpu.memory_space<semaphore_mem>>) {add = true}
        %dma_wait3A_71 = arith.constant 0 : i32
        %dma_wait3A_72 = tpu.memref_slice %arg7[%run_scoped3A, %dma_wait3A_71] : memref<16x128xi32, #tpu.memory_space<vmem>> -> memref<1x128xi32, #tpu.memory_space<vmem>>
        %dma_wait3A_73 = tpu.memref_squeeze %dma_wait3A_72 : memref<1x128xi32, #tpu.memory_space<vmem>> -> memref<128xi32, #tpu.memory_space<vmem>>
        %dma_wait3A_74 = arith.constant 0 : i32
        %dma_wait3A_75 = arith.constant 0 : i32
        %dma_wait3A_76 = tpu.memref_slice %arg10[%dma_wait3A_74, %dma_wait3A_75] : memref<10112x128xf32, #tpu.memory_space<vmem_shared>> -> memref<10112x128xf32, #tpu.memory_space<vmem_shared>>
        tpu.wait_indirect_dma semaphore(%run_scoped3A_64 : memref<!tpu.dma_semaphore, #tpu.memory_space<semaphore_mem>>) src(%arg8 : memref<128x128xf32, #tpu.memory_space<vmem>>) dst(%dma_wait3A_76 : memref<10112x128xf32, #tpu.memory_space<vmem_shared>>)
        tpu.yield
      }) : () -> ()
      %dma_wait3A_57 = arith.constant 0 : i32
      %dma_wait3A_58 = arith.constant 0 : i32
      %dma_wait3A_59 = tpu.memref_slice %arg2[%dma_wait3A_57, %dma_wait3A_58] : memref<10000x128xf32, #tpu.memory_space<hbm>> -> memref<128x128xf32, #tpu.memory_space<hbm>>
      %dma_wait3A_60 = arith.constant 0 : i32
      %dma_wait3A_61 = arith.constant 0 : i32
      %dma_wait3A_62 = tpu.memref_slice %arg2[%dma_wait3A_60, %dma_wait3A_61] : memref<10000x128xf32, #tpu.memory_space<hbm>> -> memref<128x128xf32, #tpu.memory_space<hbm>>
      tpu.wait_dma2 semaphore(%arg12 : memref<!tpu.dma_semaphore, #tpu.memory_space<semaphore_mem>>) src(%dma_wait3A_62 : memref<128x128xf32, #tpu.memory_space<hbm>>) dst(%arg9 : memref<128x128xf32, #tpu.memory_space<vmem>>)
      %run_scoped3A_63 = arith.constant 15 : i32
      "tpu.region"() ({
        %run_scoped3A_64 = tpu.sem_alloc : memref<!tpu.dma_semaphore, #tpu.memory_space<semaphore_mem>>
        %dma_start3A_65 = arith.constant 0 : i32
        %dma_start3A_66 = tpu.memref_slice %arg7[%run_scoped3A_63, %dma_start3A_65] : memref<16x128xi32, #tpu.memory_space<vmem>> -> memref<1x128xi32, #tpu.memory_space<vmem>>
        %dma_start3A_67 = tpu.memref_squeeze %dma_start3A_66 : memref<1x128xi32, #tpu.memory_space<vmem>> -> memref<128xi32, #tpu.memory_space<vmem>>
        %dma_start3A_68 = arith.constant 0 : i32
        %dma_start3A_69 = arith.constant 0 : i32
        %dma_start3A_70 = tpu.memref_slice %arg10[%dma_start3A_68, %dma_start3A_69] : memref<10112x128xf32, #tpu.memory_space<vmem_shared>> -> memref<10112x128xf32, #tpu.memory_space<vmem_shared>>
        tpu.enqueue_indirect_dma source(%arg9 : memref<128x128xf32, #tpu.memory_space<vmem>>) target(%dma_start3A_70 : memref<10112x128xf32, #tpu.memory_space<vmem_shared>>) offsets(%dma_start3A_67 : memref<128xi32, #tpu.memory_space<vmem>>) semaphore(%run_scoped3A_64 : memref<!tpu.dma_semaphore, #tpu.memory_space<semaphore_mem>>) {add = true}
        %dma_wait3A_71 = arith.constant 0 : i32
        %dma_wait3A_72 = tpu.memref_slice %arg7[%run_scoped3A_63, %dma_wait3A_71] : memref<16x128xi32, #tpu.memory_space<vmem>> -> memref<1x128xi32, #tpu.memory_space<vmem>>
        %dma_wait3A_73 = tpu.memref_squeeze %dma_wait3A_72 : memref<1x128xi32, #tpu.memory_space<vmem>> -> memref<128xi32, #tpu.memory_space<vmem>>
        %dma_wait3A_74 = arith.constant 0 : i32
        %dma_wait3A_75 = arith.constant 0 : i32
        %dma_wait3A_76 = tpu.memref_slice %arg10[%dma_wait3A_74, %dma_wait3A_75] : memref<10112x128xf32, #tpu.memory_space<vmem_shared>> -> memref<10112x128xf32, #tpu.memory_space<vmem_shared>>
        tpu.wait_indirect_dma semaphore(%run_scoped3A_64 : memref<!tpu.dma_semaphore, #tpu.memory_space<semaphore_mem>>) src(%arg9 : memref<128x128xf32, #tpu.memory_space<vmem>>) dst(%dma_wait3A_76 : memref<10112x128xf32, #tpu.memory_space<vmem_shared>>)
        tpu.yield
      }) : () -> ()
    }
    %while3A_24 = arith.constant 1 : i32
    scf.for %while3A_30 = %while3A_22 to %while3A_18 step %while3A_24  : i32 {
      %mul3A_31 = arith.constant 16 : i32
      %mul3A_32 = arith.muli %while3A_30, %mul3A_31 : i32
      %add3A_33 = arith.addi %select_n3A, %mul3A_32 : i32
      %multiple_of3A = tpu.assume_multiple %add3A_33, 16 : i32
      "tpu.region"() ({
        %run_scoped3A_64 = tpu.sem_alloc : memref<!tpu.dma_semaphore, #tpu.memory_space<semaphore_mem>>
        %dma_start3A_65 = arith.constant 0 : i32
        %dma_start3A_66 = tpu.memref_slice %arg3[%multiple_of3A, %dma_start3A_65] : memref<2560x128xi32, #tpu.memory_space<hbm>> -> memref<16x128xi32, #tpu.memory_space<hbm>>
        %dma_start3A_67 = arith.constant 0 : i32
        %dma_start3A_68 = tpu.memref_slice %arg3[%multiple_of3A, %dma_start3A_67] : memref<2560x128xi32, #tpu.memory_space<hbm>> -> memref<16x128xi32, #tpu.memory_space<hbm>>
        tpu.enqueue_dma source(%dma_start3A_68 : memref<16x128xi32, #tpu.memory_space<hbm>>) target(%arg6 : memref<16x128xi32, #tpu.memory_space<vmem>>) target_semaphore(%run_scoped3A_64 : memref<!tpu.dma_semaphore, #tpu.memory_space<semaphore_mem>>)
        %dma_wait3A_69 = arith.constant 0 : i32
        %dma_wait3A_70 = tpu.memref_slice %arg3[%multiple_of3A, %dma_wait3A_69] : memref<2560x128xi32, #tpu.memory_space<hbm>> -> memref<16x128xi32, #tpu.memory_space<hbm>>
        %dma_wait3A_71 = arith.constant 0 : i32
        %dma_wait3A_72 = tpu.memref_slice %arg3[%multiple_of3A, %dma_wait3A_71] : memref<2560x128xi32, #tpu.memory_space<hbm>> -> memref<16x128xi32, #tpu.memory_space<hbm>>
        tpu.wait_dma2 semaphore(%run_scoped3A_64 : memref<!tpu.dma_semaphore, #tpu.memory_space<semaphore_mem>>) src(%dma_wait3A_72 : memref<16x128xi32, #tpu.memory_space<hbm>>) dst(%arg6 : memref<16x128xi32, #tpu.memory_space<vmem>>)
        tpu.yield
      }) : () -> ()
      "tpu.region"() ({
        %run_scoped3A_64 = tpu.sem_alloc : memref<!tpu.dma_semaphore, #tpu.memory_space<semaphore_mem>>
        %dma_start3A_65 = arith.constant 0 : i32
        %dma_start3A_66 = tpu.memref_slice %arg4[%multiple_of3A, %dma_start3A_65] : memref<2560x128xi32, #tpu.memory_space<hbm>> -> memref<16x128xi32, #tpu.memory_space<hbm>>
        %dma_start3A_67 = arith.constant 0 : i32
        %dma_start3A_68 = tpu.memref_slice %arg4[%multiple_of3A, %dma_start3A_67] : memref<2560x128xi32, #tpu.memory_space<hbm>> -> memref<16x128xi32, #tpu.memory_space<hbm>>
        tpu.enqueue_dma source(%dma_start3A_68 : memref<16x128xi32, #tpu.memory_space<hbm>>) target(%arg7 : memref<16x128xi32, #tpu.memory_space<vmem>>) target_semaphore(%run_scoped3A_64 : memref<!tpu.dma_semaphore, #tpu.memory_space<semaphore_mem>>)
        %dma_wait3A_69 = arith.constant 0 : i32
        %dma_wait3A_70 = tpu.memref_slice %arg4[%multiple_of3A, %dma_wait3A_69] : memref<2560x128xi32, #tpu.memory_space<hbm>> -> memref<16x128xi32, #tpu.memory_space<hbm>>
        %dma_wait3A_71 = arith.constant 0 : i32
        %dma_wait3A_72 = tpu.memref_slice %arg4[%multiple_of3A, %dma_wait3A_71] : memref<2560x128xi32, #tpu.memory_space<hbm>> -> memref<16x128xi32, #tpu.memory_space<hbm>>
        tpu.wait_dma2 semaphore(%run_scoped3A_64 : memref<!tpu.dma_semaphore, #tpu.memory_space<semaphore_mem>>) src(%dma_wait3A_72 : memref<16x128xi32, #tpu.memory_space<hbm>>) dst(%arg7 : memref<16x128xi32, #tpu.memory_space<vmem>>)
        tpu.yield
      }) : () -> ()
      %dma_start3A = arith.constant 0 : i32
      %dma_start3A_34 = arith.constant 0 : i32
      %dma_start3A_35 = tpu.memref_slice %arg6[%dma_start3A, %dma_start3A_34] : memref<16x128xi32, #tpu.memory_space<vmem>> -> memref<1x128xi32, #tpu.memory_space<vmem>>
      %dma_start3A_36 = tpu.memref_squeeze %dma_start3A_35 : memref<1x128xi32, #tpu.memory_space<vmem>> -> memref<128xi32, #tpu.memory_space<vmem>>
      %dma_start3A_37 = arith.constant 0 : i32
      %dma_start3A_38 = arith.constant 0 : i32
      %dma_start3A_39 = tpu.memref_slice %arg2[%dma_start3A_37, %dma_start3A_38] : memref<10000x128xf32, #tpu.memory_space<hbm>> -> memref<10000x128xf32, #tpu.memory_space<hbm>>
      tpu.enqueue_indirect_dma source(%dma_start3A_39 : memref<10000x128xf32, #tpu.memory_space<hbm>>) target(%arg8 : memref<128x128xf32, #tpu.memory_space<vmem>>) offsets(%dma_start3A_36 : memref<128xi32, #tpu.memory_space<vmem>>) semaphore(%arg11 : memref<!tpu.dma_semaphore, #tpu.memory_space<semaphore_mem>>)
      %scan3A = arith.constant 0 : i32
      %scan3A_40 = arith.constant 0 : i32
      %scan3A_41 = arith.constant 7 : i32
      %scan3A_42 = arith.addi %scan3A_40, %scan3A_41 : i32
      %scan3A_43 = arith.constant 1 : i32
      scf.for %scan3A_64 = %scan3A_40 to %scan3A_42 step %scan3A_43  : i32 {
        %mul3A_65 = arith.constant 2 : i32
        %mul3A_66 = arith.muli %mul3A_65, %scan3A_64 : i32
        %add3A_67 = arith.constant 1 : i32
        %add3A_68 = arith.addi %mul3A_66, %add3A_67 : i32
        %dma_start3A_69 = arith.constant 0 : i32
        %dma_start3A_70 = tpu.memref_slice %arg6[%add3A_68, %dma_start3A_69] : memref<16x128xi32, #tpu.memory_space<vmem>> -> memref<1x128xi32, #tpu.memory_space<vmem>>
        %dma_start3A_71 = tpu.memref_squeeze %dma_start3A_70 : memref<1x128xi32, #tpu.memory_space<vmem>> -> memref<128xi32, #tpu.memory_space<vmem>>
        %dma_start3A_72 = arith.constant 0 : i32
        %dma_start3A_73 = arith.constant 0 : i32
        %dma_start3A_74 = tpu.memref_slice %arg2[%dma_start3A_72, %dma_start3A_73] : memref<10000x128xf32, #tpu.memory_space<hbm>> -> memref<10000x128xf32, #tpu.memory_space<hbm>>
        tpu.enqueue_indirect_dma source(%dma_start3A_74 : memref<10000x128xf32, #tpu.memory_space<hbm>>) target(%arg9 : memref<128x128xf32, #tpu.memory_space<vmem>>) offsets(%dma_start3A_71 : memref<128xi32, #tpu.memory_space<vmem>>) semaphore(%arg12 : memref<!tpu.dma_semaphore, #tpu.memory_space<semaphore_mem>>)
        %dma_wait3A_75 = arith.constant 0 : i32
        %dma_wait3A_76 = arith.constant 0 : i32
        %dma_wait3A_77 = tpu.memref_slice %arg2[%dma_wait3A_75, %dma_wait3A_76] : memref<10000x128xf32, #tpu.memory_space<hbm>> -> memref<128x128xf32, #tpu.memory_space<hbm>>
        %dma_wait3A_78 = arith.constant 0 : i32
        %dma_wait3A_79 = arith.constant 0 : i32
        %dma_wait3A_80 = tpu.memref_slice %arg2[%dma_wait3A_78, %dma_wait3A_79] : memref<10000x128xf32, #tpu.memory_space<hbm>> -> memref<128x128xf32, #tpu.memory_space<hbm>>
        tpu.wait_dma2 semaphore(%arg11 : memref<!tpu.dma_semaphore, #tpu.memory_space<semaphore_mem>>) src(%dma_wait3A_80 : memref<128x128xf32, #tpu.memory_space<hbm>>) dst(%arg8 : memref<128x128xf32, #tpu.memory_space<vmem>>)
        "tpu.region"() ({
          %run_scoped3A_97 = tpu.sem_alloc : memref<!tpu.dma_semaphore, #tpu.memory_space<semaphore_mem>>
          %dma_start3A_98 = arith.constant 0 : i32
          %dma_start3A_99 = tpu.memref_slice %arg7[%mul3A_66, %dma_start3A_98] : memref<16x128xi32, #tpu.memory_space<vmem>> -> memref<1x128xi32, #tpu.memory_space<vmem>>
          %dma_start3A_100 = tpu.memref_squeeze %dma_start3A_99 : memref<1x128xi32, #tpu.memory_space<vmem>> -> memref<128xi32, #tpu.memory_space<vmem>>
          %dma_start3A_101 = arith.constant 0 : i32
          %dma_start3A_102 = arith.constant 0 : i32
          %dma_start3A_103 = tpu.memref_slice %arg10[%dma_start3A_101, %dma_start3A_102] : memref<10112x128xf32, #tpu.memory_space<vmem_shared>> -> memref<10112x128xf32, #tpu.memory_space<vmem_shared>>
          tpu.enqueue_indirect_dma source(%arg8 : memref<128x128xf32, #tpu.memory_space<vmem>>) target(%dma_start3A_103 : memref<10112x128xf32, #tpu.memory_space<vmem_shared>>) offsets(%dma_start3A_100 : memref<128xi32, #tpu.memory_space<vmem>>) semaphore(%run_scoped3A_97 : memref<!tpu.dma_semaphore, #tpu.memory_space<semaphore_mem>>) {add = true}
          %dma_wait3A_104 = arith.constant 0 : i32
          %dma_wait3A_105 = tpu.memref_slice %arg7[%mul3A_66, %dma_wait3A_104] : memref<16x128xi32, #tpu.memory_space<vmem>> -> memref<1x128xi32, #tpu.memory_space<vmem>>
          %dma_wait3A_106 = tpu.memref_squeeze %dma_wait3A_105 : memref<1x128xi32, #tpu.memory_space<vmem>> -> memref<128xi32, #tpu.memory_space<vmem>>
          %dma_wait3A_107 = arith.constant 0 : i32
          %dma_wait3A_108 = arith.constant 0 : i32
          %dma_wait3A_109 = tpu.memref_slice %arg10[%dma_wait3A_107, %dma_wait3A_108] : memref<10112x128xf32, #tpu.memory_space<vmem_shared>> -> memref<10112x128xf32, #tpu.memory_space<vmem_shared>>
          tpu.wait_indirect_dma semaphore(%run_scoped3A_97 : memref<!tpu.dma_semaphore, #tpu.memory_space<semaphore_mem>>) src(%arg8 : memref<128x128xf32, #tpu.memory_space<vmem>>) dst(%dma_wait3A_109 : memref<10112x128xf32, #tpu.memory_space<vmem_shared>>)
          tpu.yield
        }) : () -> ()
        %add3A_81 = arith.constant 2 : i32
        %add3A_82 = arith.addi %mul3A_66, %add3A_81 : i32
        %dma_start3A_83 = arith.constant 0 : i32
        %dma_start3A_84 = tpu.memref_slice %arg6[%add3A_82, %dma_start3A_83] : memref<16x128xi32, #tpu.memory_space<vmem>> -> memref<1x128xi32, #tpu.memory_space<vmem>>
        %dma_start3A_85 = tpu.memref_squeeze %dma_start3A_84 : memref<1x128xi32, #tpu.memory_space<vmem>> -> memref<128xi32, #tpu.memory_space<vmem>>
        %dma_start3A_86 = arith.constant 0 : i32
        %dma_start3A_87 = arith.constant 0 : i32
        %dma_start3A_88 = tpu.memref_slice %arg2[%dma_start3A_86, %dma_start3A_87] : memref<10000x128xf32, #tpu.memory_space<hbm>> -> memref<10000x128xf32, #tpu.memory_space<hbm>>
        tpu.enqueue_indirect_dma source(%dma_start3A_88 : memref<10000x128xf32, #tpu.memory_space<hbm>>) target(%arg8 : memref<128x128xf32, #tpu.memory_space<vmem>>) offsets(%dma_start3A_85 : memref<128xi32, #tpu.memory_space<vmem>>) semaphore(%arg11 : memref<!tpu.dma_semaphore, #tpu.memory_space<semaphore_mem>>)
        %dma_wait3A_89 = arith.constant 0 : i32
        %dma_wait3A_90 = arith.constant 0 : i32
        %dma_wait3A_91 = tpu.memref_slice %arg2[%dma_wait3A_89, %dma_wait3A_90] : memref<10000x128xf32, #tpu.memory_space<hbm>> -> memref<128x128xf32, #tpu.memory_space<hbm>>
        %dma_wait3A_92 = arith.constant 0 : i32
        %dma_wait3A_93 = arith.constant 0 : i32
        %dma_wait3A_94 = tpu.memref_slice %arg2[%dma_wait3A_92, %dma_wait3A_93] : memref<10000x128xf32, #tpu.memory_space<hbm>> -> memref<128x128xf32, #tpu.memory_space<hbm>>
        tpu.wait_dma2 semaphore(%arg12 : memref<!tpu.dma_semaphore, #tpu.memory_space<semaphore_mem>>) src(%dma_wait3A_94 : memref<128x128xf32, #tpu.memory_space<hbm>>) dst(%arg9 : memref<128x128xf32, #tpu.memory_space<vmem>>)
        %add3A_95 = arith.constant 1 : i32
        %add3A_96 = arith.addi %mul3A_66, %add3A_95 : i32
        "tpu.region"() ({
          %run_scoped3A_97 = tpu.sem_alloc : memref<!tpu.dma_semaphore, #tpu.memory_space<semaphore_mem>>
          %dma_start3A_98 = arith.constant 0 : i32
          %dma_start3A_99 = tpu.memref_slice %arg7[%add3A_96, %dma_start3A_98] : memref<16x128xi32, #tpu.memory_space<vmem>> -> memref<1x128xi32, #tpu.memory_space<vmem>>
          %dma_start3A_100 = tpu.memref_squeeze %dma_start3A_99 : memref<1x128xi32, #tpu.memory_space<vmem>> -> memref<128xi32, #tpu.memory_space<vmem>>
          %dma_start3A_101 = arith.constant 0 : i32
          %dma_start3A_102 = arith.constant 0 : i32
          %dma_start3A_103 = tpu.memref_slice %arg10[%dma_start3A_101, %dma_start3A_102] : memref<10112x128xf32, #tpu.memory_space<vmem_shared>> -> memref<10112x128xf32, #tpu.memory_space<vmem_shared>>
          tpu.enqueue_indirect_dma source(%arg9 : memref<128x128xf32, #tpu.memory_space<vmem>>) target(%dma_start3A_103 : memref<10112x128xf32, #tpu.memory_space<vmem_shared>>) offsets(%dma_start3A_100 : memref<128xi32, #tpu.memory_space<vmem>>) semaphore(%run_scoped3A_97 : memref<!tpu.dma_semaphore, #tpu.memory_space<semaphore_mem>>) {add = true}
          %dma_wait3A_104 = arith.constant 0 : i32
          %dma_wait3A_105 = tpu.memref_slice %arg7[%add3A_96, %dma_wait3A_104] : memref<16x128xi32, #tpu.memory_space<vmem>> -> memref<1x128xi32, #tpu.memory_space<vmem>>
          %dma_wait3A_106 = tpu.memref_squeeze %dma_wait3A_105 : memref<1x128xi32, #tpu.memory_space<vmem>> -> memref<128xi32, #tpu.memory_space<vmem>>
          %dma_wait3A_107 = arith.constant 0 : i32
          %dma_wait3A_108 = arith.constant 0 : i32
          %dma_wait3A_109 = tpu.memref_slice %arg10[%dma_wait3A_107, %dma_wait3A_108] : memref<10112x128xf32, #tpu.memory_space<vmem_shared>> -> memref<10112x128xf32, #tpu.memory_space<vmem_shared>>
          tpu.wait_indirect_dma semaphore(%run_scoped3A_97 : memref<!tpu.dma_semaphore, #tpu.memory_space<semaphore_mem>>) src(%arg9 : memref<128x128xf32, #tpu.memory_space<vmem>>) dst(%dma_wait3A_109 : memref<10112x128xf32, #tpu.memory_space<vmem_shared>>)
          tpu.yield
        }) : () -> ()
      }
      %scan3A_44 = arith.constant 7 : i32
      %dma_start3A_45 = arith.constant 15 : i32
      %dma_start3A_46 = arith.constant 0 : i32
      %dma_start3A_47 = tpu.memref_slice %arg6[%dma_start3A_45, %dma_start3A_46] : memref<16x128xi32, #tpu.memory_space<vmem>> -> memref<1x128xi32, #tpu.memory_space<vmem>>
      %dma_start3A_48 = tpu.memref_squeeze %dma_start3A_47 : memref<1x128xi32, #tpu.memory_space<vmem>> -> memref<128xi32, #tpu.memory_space<vmem>>
      %dma_start3A_49 = arith.constant 0 : i32
      %dma_start3A_50 = arith.constant 0 : i32
      %dma_start3A_51 = tpu.memref_slice %arg2[%dma_start3A_49, %dma_start3A_50] : memref<10000x128xf32, #tpu.memory_space<hbm>> -> memref<10000x128xf32, #tpu.memory_space<hbm>>
      tpu.enqueue_indirect_dma source(%dma_start3A_51 : memref<10000x128xf32, #tpu.memory_space<hbm>>) target(%arg9 : memref<128x128xf32, #tpu.memory_space<vmem>>) offsets(%dma_start3A_48 : memref<128xi32, #tpu.memory_space<vmem>>) semaphore(%arg12 : memref<!tpu.dma_semaphore, #tpu.memory_space<semaphore_mem>>)
      %dma_wait3A = arith.constant 0 : i32
      %dma_wait3A_52 = arith.constant 0 : i32
      %dma_wait3A_53 = tpu.memref_slice %arg2[%dma_wait3A, %dma_wait3A_52] : memref<10000x128xf32, #tpu.memory_space<hbm>> -> memref<128x128xf32, #tpu.memory_space<hbm>>
      %dma_wait3A_54 = arith.constant 0 : i32
      %dma_wait3A_55 = arith.constant 0 : i32
      %dma_wait3A_56 = tpu.memref_slice %arg2[%dma_wait3A_54, %dma_wait3A_55] : memref<10000x128xf32, #tpu.memory_space<hbm>> -> memref<128x128xf32, #tpu.memory_space<hbm>>
      tpu.wait_dma2 semaphore(%arg11 : memref<!tpu.dma_semaphore, #tpu.memory_space<semaphore_mem>>) src(%dma_wait3A_56 : memref<128x128xf32, #tpu.memory_space<hbm>>) dst(%arg8 : memref<128x128xf32, #tpu.memory_space<vmem>>)
      %run_scoped3A = arith.constant 14 : i32
      "tpu.region"() ({
        %run_scoped3A_64 = tpu.sem_alloc : memref<!tpu.dma_semaphore, #tpu.memory_space<semaphore_mem>>
        %dma_start3A_65 = arith.constant 0 : i32
        %dma_start3A_66 = tpu.memref_slice %arg7[%run_scoped3A, %dma_start3A_65] : memref<16x128xi32, #tpu.memory_space<vmem>> -> memref<1x128xi32, #tpu.memory_space<vmem>>
        %dma_start3A_67 = tpu.memref_squeeze %dma_start3A_66 : memref<1x128xi32, #tpu.memory_space<vmem>> -> memref<128xi32, #tpu.memory_space<vmem>>
        %dma_start3A_68 = arith.constant 0 : i32
        %dma_start3A_69 = arith.constant 0 : i32
        %dma_start3A_70 = tpu.memref_slice %arg10[%dma_start3A_68, %dma_start3A_69] : memref<10112x128xf32, #tpu.memory_space<vmem_shared>> -> memref<10112x128xf32, #tpu.memory_space<vmem_shared>>
        tpu.enqueue_indirect_dma source(%arg8 : memref<128x128xf32, #tpu.memory_space<vmem>>) target(%dma_start3A_70 : memref<10112x128xf32, #tpu.memory_space<vmem_shared>>) offsets(%dma_start3A_67 : memref<128xi32, #tpu.memory_space<vmem>>) semaphore(%run_scoped3A_64 : memref<!tpu.dma_semaphore, #tpu.memory_space<semaphore_mem>>) {add = true}
        %dma_wait3A_71 = arith.constant 0 : i32
        %dma_wait3A_72 = tpu.memref_slice %arg7[%run_scoped3A, %dma_wait3A_71] : memref<16x128xi32, #tpu.memory_space<vmem>> -> memref<1x128xi32, #tpu.memory_space<vmem>>
        %dma_wait3A_73 = tpu.memref_squeeze %dma_wait3A_72 : memref<1x128xi32, #tpu.memory_space<vmem>> -> memref<128xi32, #tpu.memory_space<vmem>>
        %dma_wait3A_74 = arith.constant 0 : i32
        %dma_wait3A_75 = arith.constant 0 : i32
        %dma_wait3A_76 = tpu.memref_slice %arg10[%dma_wait3A_74, %dma_wait3A_75] : memref<10112x128xf32, #tpu.memory_space<vmem_shared>> -> memref<10112x128xf32, #tpu.memory_space<vmem_shared>>
        tpu.wait_indirect_dma semaphore(%run_scoped3A_64 : memref<!tpu.dma_semaphore, #tpu.memory_space<semaphore_mem>>) src(%arg8 : memref<128x128xf32, #tpu.memory_space<vmem>>) dst(%dma_wait3A_76 : memref<10112x128xf32, #tpu.memory_space<vmem_shared>>)
        tpu.yield
      }) : () -> ()
      %dma_wait3A_57 = arith.constant 0 : i32
      %dma_wait3A_58 = arith.constant 0 : i32
      %dma_wait3A_59 = tpu.memref_slice %arg2[%dma_wait3A_57, %dma_wait3A_58] : memref<10000x128xf32, #tpu.memory_space<hbm>> -> memref<128x128xf32, #tpu.memory_space<hbm>>
      %dma_wait3A_60 = arith.constant 0 : i32
      %dma_wait3A_61 = arith.constant 0 : i32
      %dma_wait3A_62 = tpu.memref_slice %arg2[%dma_wait3A_60, %dma_wait3A_61] : memref<10000x128xf32, #tpu.memory_space<hbm>> -> memref<128x128xf32, #tpu.memory_space<hbm>>
      tpu.wait_dma2 semaphore(%arg12 : memref<!tpu.dma_semaphore, #tpu.memory_space<semaphore_mem>>) src(%dma_wait3A_62 : memref<128x128xf32, #tpu.memory_space<hbm>>) dst(%arg9 : memref<128x128xf32, #tpu.memory_space<vmem>>)
      %run_scoped3A_63 = arith.constant 15 : i32
      "tpu.region"() ({
        %run_scoped3A_64 = tpu.sem_alloc : memref<!tpu.dma_semaphore, #tpu.memory_space<semaphore_mem>>
        %dma_start3A_65 = arith.constant 0 : i32
        %dma_start3A_66 = tpu.memref_slice %arg7[%run_scoped3A_63, %dma_start3A_65] : memref<16x128xi32, #tpu.memory_space<vmem>> -> memref<1x128xi32, #tpu.memory_space<vmem>>
        %dma_start3A_67 = tpu.memref_squeeze %dma_start3A_66 : memref<1x128xi32, #tpu.memory_space<vmem>> -> memref<128xi32, #tpu.memory_space<vmem>>
        %dma_start3A_68 = arith.constant 0 : i32
        %dma_start3A_69 = arith.constant 0 : i32
        %dma_start3A_70 = tpu.memref_slice %arg10[%dma_start3A_68, %dma_start3A_69] : memref<10112x128xf32, #tpu.memory_space<vmem_shared>> -> memref<10112x128xf32, #tpu.memory_space<vmem_shared>>
        tpu.enqueue_indirect_dma source(%arg9 : memref<128x128xf32, #tpu.memory_space<vmem>>) target(%dma_start3A_70 : memref<10112x128xf32, #tpu.memory_space<vmem_shared>>) offsets(%dma_start3A_67 : memref<128xi32, #tpu.memory_space<vmem>>) semaphore(%run_scoped3A_64 : memref<!tpu.dma_semaphore, #tpu.memory_space<semaphore_mem>>) {add = true}
        %dma_wait3A_71 = arith.constant 0 : i32
        %dma_wait3A_72 = tpu.memref_slice %arg7[%run_scoped3A_63, %dma_wait3A_71] : memref<16x128xi32, #tpu.memory_space<vmem>> -> memref<1x128xi32, #tpu.memory_space<vmem>>
        %dma_wait3A_73 = tpu.memref_squeeze %dma_wait3A_72 : memref<1x128xi32, #tpu.memory_space<vmem>> -> memref<128xi32, #tpu.memory_space<vmem>>
        %dma_wait3A_74 = arith.constant 0 : i32
        %dma_wait3A_75 = arith.constant 0 : i32
        %dma_wait3A_76 = tpu.memref_slice %arg10[%dma_wait3A_74, %dma_wait3A_75] : memref<10112x128xf32, #tpu.memory_space<vmem_shared>> -> memref<10112x128xf32, #tpu.memory_space<vmem_shared>>
        tpu.wait_indirect_dma semaphore(%run_scoped3A_64 : memref<!tpu.dma_semaphore, #tpu.memory_space<semaphore_mem>>) src(%arg9 : memref<128x128xf32, #tpu.memory_space<vmem>>) dst(%dma_wait3A_76 : memref<10112x128xf32, #tpu.memory_space<vmem_shared>>)
        tpu.yield
      }) : () -> ()
    }
    %barrier3A_25 = arith.constant 0 : index
    tpu.barrier barrier_id(%barrier3A_25)
    %mul3A_26 = arith.constant 632 : i32
    %mul3A_27 = arith.muli %arg1, %mul3A_26 : i32
    %mul3A_28 = arith.constant 632 : i32
    %mul3A_29 = arith.muli %arg1, %mul3A_28 : i32
    "tpu.region"() ({
      %run_scoped3A = tpu.sem_alloc : memref<!tpu.dma_semaphore, #tpu.memory_space<semaphore_mem>>
      %dma_start3A = arith.constant 0 : i32
      %dma_start3A_30 = arith.constant 0 : i32
      %dma_start3A_31 = tpu.memref_slice %arg5[%arg0, %dma_start3A, %dma_start3A_30] : memref<2x10112x128xf32, #tpu.memory_space<hbm>> -> memref<1x10112x128xf32, #tpu.memory_space<hbm>>
      %dma_start3A_32 = tpu.memref_squeeze %dma_start3A_31 : memref<1x10112x128xf32, #tpu.memory_space<hbm>> -> memref<10112x128xf32, #tpu.memory_space<hbm>>
      %dma_start3A_33 = arith.constant 0 : i32
      %dma_start3A_34 = tpu.memref_slice %dma_start3A_32[%mul3A_29, %dma_start3A_33] : memref<10112x128xf32, #tpu.memory_space<hbm>> -> memref<632x128xf32, #tpu.memory_space<hbm>>
      %dma_start3A_35 = arith.constant 0 : i32
      %dma_start3A_36 = tpu.memref_slice %arg10[%mul3A_27, %dma_start3A_35] : memref<10112x128xf32, #tpu.memory_space<vmem_shared>> -> memref<632x128xf32, #tpu.memory_space<vmem_shared>>
      tpu.enqueue_dma source(%dma_start3A_36 : memref<632x128xf32, #tpu.memory_space<vmem_shared>>) target(%dma_start3A_34 : memref<632x128xf32, #tpu.memory_space<hbm>>) target_semaphore(%run_scoped3A : memref<!tpu.dma_semaphore, #tpu.memory_space<semaphore_mem>>)
      %dma_wait3A = arith.constant 0 : i32
      %dma_wait3A_37 = arith.constant 0 : i32
      %dma_wait3A_38 = tpu.memref_slice %arg5[%arg0, %dma_wait3A, %dma_wait3A_37] : memref<2x10112x128xf32, #tpu.memory_space<hbm>> -> memref<1x10112x128xf32, #tpu.memory_space<hbm>>
      %dma_wait3A_39 = tpu.memref_squeeze %dma_wait3A_38 : memref<1x10112x128xf32, #tpu.memory_space<hbm>> -> memref<10112x128xf32, #tpu.memory_space<hbm>>
      %dma_wait3A_40 = arith.constant 0 : i32
      %dma_wait3A_41 = tpu.memref_slice %dma_wait3A_39[%mul3A_29, %dma_wait3A_40] : memref<10112x128xf32, #tpu.memory_space<hbm>> -> memref<632x128xf32, #tpu.memory_space<hbm>>
      %dma_wait3A_42 = arith.constant 0 : i32
      %dma_wait3A_43 = tpu.memref_slice %arg10[%mul3A_27, %dma_wait3A_42] : memref<10112x128xf32, #tpu.memory_space<vmem_shared>> -> memref<632x128xf32, #tpu.memory_space<vmem_shared>>
      tpu.wait_dma2 semaphore(%run_scoped3A : memref<!tpu.dma_semaphore, #tpu.memory_space<semaphore_mem>>) src(%dma_wait3A_43 : memref<632x128xf32, #tpu.memory_space<vmem_shared>>) dst(%dma_wait3A_41 : memref<632x128xf32, #tpu.memory_space<hbm>>)
      tpu.yield
    }) : () -> ()
    return
  }
}

#map = affine_map<(d0, d1) -> (0, 0)>
#map1 = affine_map<(d0, d1) -> (0, 0, 0)>
module attributes {stable_mosaic.version = 14 : i64} {
  func.func @body(%arg0: i32, %arg1: i32, %arg2: memref<10000x128xf32, #tpu.memory_space<hbm>>, %arg3: memref<2560x128xi32, #tpu.memory_space<hbm>>, %arg4: memref<2560x128xi32, #tpu.memory_space<hbm>>, %arg5: memref<2x10112x128xf32, #tpu.memory_space<hbm>>, %arg6: memref<16x128xi32, #tpu.memory_space<vmem>>, %arg7: memref<16x128xi32, #tpu.memory_space<vmem>>, %arg8: memref<128x128xf32, #tpu.memory_space<vmem>>, %arg9: memref<128x128xf32, #tpu.memory_space<vmem>>, %arg10: memref<10112x128xf32, #tpu.memory_space<vmem_shared>>, %arg11: memref<!tpu.dma_semaphore, #tpu.memory_space<semaphore_mem>>, %arg12: memref<!tpu.dma_semaphore, #tpu.memory_space<semaphore_mem>>) attributes {dimension_semantics = [#tpu.dimension_semantics<core_parallel>, #tpu.dimension_semantics<subcore_parallel>], iteration_bounds = array<i64: 2, 16>, scalar_prefetch = 0 : i64, scratch_operands = 7 : i64, tpu.core_type = #tpu.core_type<sc_vector_subcore>, window_params = [{transform_indices = #map}, {transform_indices = #map}, {transform_indices = #map}, {transform_indices = #map1}]} {
    %mul3A = arith.constant 2 : i32
    %mul3A_0 = arith.muli %arg1, %mul3A : i32
    %add3A = arith.addi %mul3A_0, %arg0 : i32
    %mul3A_1 = arith.constant 624 : i32
    %mul3A_2 = arith.muli %arg1, %mul3A_1 : i32
    %mul3A_3 = arith.constant 624 : i32
    %mul3A_4 = arith.muli %arg1, %mul3A_3 : i32
    "tpu.region"() ({
      %run_scoped3A = tpu.sem_alloc : memref<!tpu.dma_semaphore, #tpu.memory_space<semaphore_mem>>
      %dma_start3A = arith.constant 0 : i32
      %dma_start3A_30 = tpu.memref_slice %arg10[%mul3A_4, %dma_start3A] : memref<10112x128xf32, #tpu.memory_space<vmem_shared>> -> memref<640x128xf32, #tpu.memory_space<vmem_shared>>
      %dma_start3A_31 = arith.constant 0 : i32
      %dma_start3A_32 = tpu.memref_slice %arg2[%mul3A_2, %dma_start3A_31] : memref<10000x128xf32, #tpu.memory_space<hbm>> -> memref<640x128xf32, #tpu.memory_space<hbm>>
      tpu.enqueue_dma source(%dma_start3A_32 : memref<640x128xf32, #tpu.memory_space<hbm>>) target(%dma_start3A_30 : memref<640x128xf32, #tpu.memory_space<vmem_shared>>) target_semaphore(%run_scoped3A : memref<!tpu.dma_semaphore, #tpu.memory_space<semaphore_mem>>)
      %dma_wait3A = arith.constant 0 : i32
      %dma_wait3A_33 = tpu.memref_slice %arg10[%mul3A_4, %dma_wait3A] : memref<10112x128xf32, #tpu.memory_space<vmem_shared>> -> memref<640x128xf32, #tpu.memory_space<vmem_shared>>
      %dma_wait3A_34 = arith.constant 0 : i32
      %dma_wait3A_35 = tpu.memref_slice %arg2[%mul3A_2, %dma_wait3A_34] : memref<10000x128xf32, #tpu.memory_space<hbm>> -> memref<640x128xf32, #tpu.memory_space<hbm>>
      tpu.wait_dma2 semaphore(%run_scoped3A : memref<!tpu.dma_semaphore, #tpu.memory_space<semaphore_mem>>) src(%dma_wait3A_35 : memref<640x128xf32, #tpu.memory_space<hbm>>) dst(%dma_wait3A_33 : memref<640x128xf32, #tpu.memory_space<vmem_shared>>)
      tpu.yield
    }) : () -> ()
    %barrier3A = arith.constant 0 : index
    tpu.barrier barrier_id(%barrier3A)
    %eq3A = arith.constant 1 : i32
    %eq3A_5 = arith.cmpi eq, %arg0, %eq3A : i32
    %mul3A_6 = arith.constant 80 : i32
    %mul3A_7 = arith.muli %arg1, %mul3A_6 : i32
    %mul3A_8 = arith.constant 80 : i32
    %mul3A_9 = arith.muli %arg1, %mul3A_8 : i32
    %add3A_10 = arith.constant 1280 : i32
    %add3A_11 = arith.addi %add3A_10, %mul3A_9 : i32
    %select_n3A = arith.select %eq3A_5, %mul3A_7, %add3A_11 : i32
    %eq3A_12 = arith.constant 1 : i32
    %eq3A_13 = arith.cmpi eq, %arg0, %eq3A_12 : i32
    %jit3A = arith.constant 5 : i32
    %jit3A_14 = arith.constant 5 : i32
    %select_n3A_15 = arith.select %eq3A_13, %jit3A, %jit3A_14 : i32
    %while3A = arith.constant 0 : i32
    %while3A_16 = arith.constant 0 : i32
    %while3A_17 = arith.subi %select_n3A_15, %while3A_16 : i32
    %while3A_18 = arith.addi %while3A_16, %while3A_17 : i32
    %while3A_19 = arith.constant 1 : i32
    %while3A_20 = arith.divsi %while3A_17, %while3A_19 : i32
    %while3A_21 = arith.muli %while3A_20, %while3A_19 : i32
    %while3A_22 = arith.addi %while3A_16, %while3A_21 : i32
    %while3A_23 = arith.constant 1 : i32
    scf.for %while3A_30 = %while3A_16 to %while3A_22 step %while3A_23  : i32 {
      %mul3A_31 = arith.constant 16 : i32
      %mul3A_32 = arith.muli %while3A_30, %mul3A_31 : i32
      %add3A_33 = arith.addi %select_n3A, %mul3A_32 : i32
      %multiple_of3A = tpu.assume_multiple %add3A_33, 16 : i32
      "tpu.region"() ({
        %run_scoped3A_64 = tpu.sem_alloc : memref<!tpu.dma_semaphore, #tpu.memory_space<semaphore_mem>>
        %dma_start3A_65 = arith.constant 0 : i32
        %dma_start3A_66 = tpu.memref_slice %arg3[%multiple_of3A, %dma_start3A_65] : memref<2560x128xi32, #tpu.memory_space<hbm>> -> memref<16x128xi32, #tpu.memory_space<hbm>>
        %dma_start3A_67 = arith.constant 0 : i32
        %dma_start3A_68 = tpu.memref_slice %arg3[%multiple_of3A, %dma_start3A_67] : memref<2560x128xi32, #tpu.memory_space<hbm>> -> memref<16x128xi32, #tpu.memory_space<hbm>>
        tpu.enqueue_dma source(%dma_start3A_68 : memref<16x128xi32, #tpu.memory_space<hbm>>) target(%arg6 : memref<16x128xi32, #tpu.memory_space<vmem>>) target_semaphore(%run_scoped3A_64 : memref<!tpu.dma_semaphore, #tpu.memory_space<semaphore_mem>>)
        %dma_wait3A_69 = arith.constant 0 : i32
        %dma_wait3A_70 = tpu.memref_slice %arg3[%multiple_of3A, %dma_wait3A_69] : memref<2560x128xi32, #tpu.memory_space<hbm>> -> memref<16x128xi32, #tpu.memory_space<hbm>>
        %dma_wait3A_71 = arith.constant 0 : i32
        %dma_wait3A_72 = tpu.memref_slice %arg3[%multiple_of3A, %dma_wait3A_71] : memref<2560x128xi32, #tpu.memory_space<hbm>> -> memref<16x128xi32, #tpu.memory_space<hbm>>
        tpu.wait_dma2 semaphore(%run_scoped3A_64 : memref<!tpu.dma_semaphore, #tpu.memory_space<semaphore_mem>>) src(%dma_wait3A_72 : memref<16x128xi32, #tpu.memory_space<hbm>>) dst(%arg6 : memref<16x128xi32, #tpu.memory_space<vmem>>)
        tpu.yield
      }) : () -> ()
      "tpu.region"() ({
        %run_scoped3A_64 = tpu.sem_alloc : memref<!tpu.dma_semaphore, #tpu.memory_space<semaphore_mem>>
        %dma_start3A_65 = arith.constant 0 : i32
        %dma_start3A_66 = tpu.memref_slice %arg4[%multiple_of3A, %dma_start3A_65] : memref<2560x128xi32, #tpu.memory_space<hbm>> -> memref<16x128xi32, #tpu.memory_space<hbm>>
        %dma_start3A_67 = arith.constant 0 : i32
        %dma_start3A_68 = tpu.memref_slice %arg4[%multiple_of3A, %dma_start3A_67] : memref<2560x128xi32, #tpu.memory_space<hbm>> -> memref<16x128xi32, #tpu.memory_space<hbm>>
        tpu.enqueue_dma source(%dma_start3A_68 : memref<16x128xi32, #tpu.memory_space<hbm>>) target(%arg7 : memref<16x128xi32, #tpu.memory_space<vmem>>) target_semaphore(%run_scoped3A_64 : memref<!tpu.dma_semaphore, #tpu.memory_space<semaphore_mem>>)
        %dma_wait3A_69 = arith.constant 0 : i32
        %dma_wait3A_70 = tpu.memref_slice %arg4[%multiple_of3A, %dma_wait3A_69] : memref<2560x128xi32, #tpu.memory_space<hbm>> -> memref<16x128xi32, #tpu.memory_space<hbm>>
        %dma_wait3A_71 = arith.constant 0 : i32
        %dma_wait3A_72 = tpu.memref_slice %arg4[%multiple_of3A, %dma_wait3A_71] : memref<2560x128xi32, #tpu.memory_space<hbm>> -> memref<16x128xi32, #tpu.memory_space<hbm>>
        tpu.wait_dma2 semaphore(%run_scoped3A_64 : memref<!tpu.dma_semaphore, #tpu.memory_space<semaphore_mem>>) src(%dma_wait3A_72 : memref<16x128xi32, #tpu.memory_space<hbm>>) dst(%arg7 : memref<16x128xi32, #tpu.memory_space<vmem>>)
        tpu.yield
      }) : () -> ()
      %dma_start3A = arith.constant 0 : i32
      %dma_start3A_34 = arith.constant 0 : i32
      %dma_start3A_35 = tpu.memref_slice %arg6[%dma_start3A, %dma_start3A_34] : memref<16x128xi32, #tpu.memory_space<vmem>> -> memref<1x128xi32, #tpu.memory_space<vmem>>
      %dma_start3A_36 = tpu.memref_squeeze %dma_start3A_35 : memref<1x128xi32, #tpu.memory_space<vmem>> -> memref<128xi32, #tpu.memory_space<vmem>>
      %dma_start3A_37 = arith.constant 0 : i32
      %dma_start3A_38 = arith.constant 0 : i32
      %dma_start3A_39 = tpu.memref_slice %arg2[%dma_start3A_37, %dma_start3A_38] : memref<10000x128xf32, #tpu.memory_space<hbm>> -> memref<10000x128xf32, #tpu.memory_space<hbm>>
      tpu.enqueue_indirect_dma source(%dma_start3A_39 : memref<10000x128xf32, #tpu.memory_space<hbm>>) target(%arg8 : memref<128x128xf32, #tpu.memory_space<vmem>>) offsets(%dma_start3A_36 : memref<128xi32, #tpu.memory_space<vmem>>) semaphore(%arg11 : memref<!tpu.dma_semaphore, #tpu.memory_space<semaphore_mem>>)
      %scan3A = arith.constant 0 : i32
      %scan3A_40 = arith.constant 0 : i32
      %scan3A_41 = arith.constant 7 : i32
      %scan3A_42 = arith.addi %scan3A_40, %scan3A_41 : i32
      %scan3A_43 = arith.constant 1 : i32
      scf.for %scan3A_64 = %scan3A_40 to %scan3A_42 step %scan3A_43  : i32 {
        %mul3A_65 = arith.constant 2 : i32
        %mul3A_66 = arith.muli %mul3A_65, %scan3A_64 : i32
        %add3A_67 = arith.constant 1 : i32
        %add3A_68 = arith.addi %mul3A_66, %add3A_67 : i32
        %dma_start3A_69 = arith.constant 0 : i32
        %dma_start3A_70 = tpu.memref_slice %arg6[%add3A_68, %dma_start3A_69] : memref<16x128xi32, #tpu.memory_space<vmem>> -> memref<1x128xi32, #tpu.memory_space<vmem>>
        %dma_start3A_71 = tpu.memref_squeeze %dma_start3A_70 : memref<1x128xi32, #tpu.memory_space<vmem>> -> memref<128xi32, #tpu.memory_space<vmem>>
        %dma_start3A_72 = arith.constant 0 : i32
        %dma_start3A_73 = arith.constant 0 : i32
        %dma_start3A_74 = tpu.memref_slice %arg2[%dma_start3A_72, %dma_start3A_73] : memref<10000x128xf32, #tpu.memory_space<hbm>> -> memref<10000x128xf32, #tpu.memory_space<hbm>>
        tpu.enqueue_indirect_dma source(%dma_start3A_74 : memref<10000x128xf32, #tpu.memory_space<hbm>>) target(%arg9 : memref<128x128xf32, #tpu.memory_space<vmem>>) offsets(%dma_start3A_71 : memref<128xi32, #tpu.memory_space<vmem>>) semaphore(%arg12 : memref<!tpu.dma_semaphore, #tpu.memory_space<semaphore_mem>>)
        %dma_wait3A_75 = arith.constant 0 : i32
        %dma_wait3A_76 = arith.constant 0 : i32
        %dma_wait3A_77 = tpu.memref_slice %arg2[%dma_wait3A_75, %dma_wait3A_76] : memref<10000x128xf32, #tpu.memory_space<hbm>> -> memref<128x128xf32, #tpu.memory_space<hbm>>
        %dma_wait3A_78 = arith.constant 0 : i32
        %dma_wait3A_79 = arith.constant 0 : i32
        %dma_wait3A_80 = tpu.memref_slice %arg2[%dma_wait3A_78, %dma_wait3A_79] : memref<10000x128xf32, #tpu.memory_space<hbm>> -> memref<128x128xf32, #tpu.memory_space<hbm>>
        tpu.wait_dma2 semaphore(%arg11 : memref<!tpu.dma_semaphore, #tpu.memory_space<semaphore_mem>>) src(%dma_wait3A_80 : memref<128x128xf32, #tpu.memory_space<hbm>>) dst(%arg8 : memref<128x128xf32, #tpu.memory_space<vmem>>)
        "tpu.region"() ({
          %run_scoped3A_97 = tpu.sem_alloc : memref<!tpu.dma_semaphore, #tpu.memory_space<semaphore_mem>>
          %dma_start3A_98 = arith.constant 0 : i32
          %dma_start3A_99 = tpu.memref_slice %arg7[%mul3A_66, %dma_start3A_98] : memref<16x128xi32, #tpu.memory_space<vmem>> -> memref<1x128xi32, #tpu.memory_space<vmem>>
          %dma_start3A_100 = tpu.memref_squeeze %dma_start3A_99 : memref<1x128xi32, #tpu.memory_space<vmem>> -> memref<128xi32, #tpu.memory_space<vmem>>
          %dma_start3A_101 = arith.constant 0 : i32
          %dma_start3A_102 = arith.constant 0 : i32
          %dma_start3A_103 = tpu.memref_slice %arg10[%dma_start3A_101, %dma_start3A_102] : memref<10112x128xf32, #tpu.memory_space<vmem_shared>> -> memref<10112x128xf32, #tpu.memory_space<vmem_shared>>
          tpu.enqueue_indirect_dma source(%arg8 : memref<128x128xf32, #tpu.memory_space<vmem>>) target(%dma_start3A_103 : memref<10112x128xf32, #tpu.memory_space<vmem_shared>>) offsets(%dma_start3A_100 : memref<128xi32, #tpu.memory_space<vmem>>) semaphore(%run_scoped3A_97 : memref<!tpu.dma_semaphore, #tpu.memory_space<semaphore_mem>>) {add = true}
          %dma_wait3A_104 = arith.constant 0 : i32
          %dma_wait3A_105 = tpu.memref_slice %arg7[%mul3A_66, %dma_wait3A_104] : memref<16x128xi32, #tpu.memory_space<vmem>> -> memref<1x128xi32, #tpu.memory_space<vmem>>
          %dma_wait3A_106 = tpu.memref_squeeze %dma_wait3A_105 : memref<1x128xi32, #tpu.memory_space<vmem>> -> memref<128xi32, #tpu.memory_space<vmem>>
          %dma_wait3A_107 = arith.constant 0 : i32
          %dma_wait3A_108 = arith.constant 0 : i32
          %dma_wait3A_109 = tpu.memref_slice %arg10[%dma_wait3A_107, %dma_wait3A_108] : memref<10112x128xf32, #tpu.memory_space<vmem_shared>> -> memref<10112x128xf32, #tpu.memory_space<vmem_shared>>
          tpu.wait_indirect_dma semaphore(%run_scoped3A_97 : memref<!tpu.dma_semaphore, #tpu.memory_space<semaphore_mem>>) src(%arg8 : memref<128x128xf32, #tpu.memory_space<vmem>>) dst(%dma_wait3A_109 : memref<10112x128xf32, #tpu.memory_space<vmem_shared>>)
          tpu.yield
        }) : () -> ()
        %add3A_81 = arith.constant 2 : i32
        %add3A_82 = arith.addi %mul3A_66, %add3A_81 : i32
        %dma_start3A_83 = arith.constant 0 : i32
        %dma_start3A_84 = tpu.memref_slice %arg6[%add3A_82, %dma_start3A_83] : memref<16x128xi32, #tpu.memory_space<vmem>> -> memref<1x128xi32, #tpu.memory_space<vmem>>
        %dma_start3A_85 = tpu.memref_squeeze %dma_start3A_84 : memref<1x128xi32, #tpu.memory_space<vmem>> -> memref<128xi32, #tpu.memory_space<vmem>>
        %dma_start3A_86 = arith.constant 0 : i32
        %dma_start3A_87 = arith.constant 0 : i32
        %dma_start3A_88 = tpu.memref_slice %arg2[%dma_start3A_86, %dma_start3A_87] : memref<10000x128xf32, #tpu.memory_space<hbm>> -> memref<10000x128xf32, #tpu.memory_space<hbm>>
        tpu.enqueue_indirect_dma source(%dma_start3A_88 : memref<10000x128xf32, #tpu.memory_space<hbm>>) target(%arg8 : memref<128x128xf32, #tpu.memory_space<vmem>>) offsets(%dma_start3A_85 : memref<128xi32, #tpu.memory_space<vmem>>) semaphore(%arg11 : memref<!tpu.dma_semaphore, #tpu.memory_space<semaphore_mem>>)
        %dma_wait3A_89 = arith.constant 0 : i32
        %dma_wait3A_90 = arith.constant 0 : i32
        %dma_wait3A_91 = tpu.memref_slice %arg2[%dma_wait3A_89, %dma_wait3A_90] : memref<10000x128xf32, #tpu.memory_space<hbm>> -> memref<128x128xf32, #tpu.memory_space<hbm>>
        %dma_wait3A_92 = arith.constant 0 : i32
        %dma_wait3A_93 = arith.constant 0 : i32
        %dma_wait3A_94 = tpu.memref_slice %arg2[%dma_wait3A_92, %dma_wait3A_93] : memref<10000x128xf32, #tpu.memory_space<hbm>> -> memref<128x128xf32, #tpu.memory_space<hbm>>
        tpu.wait_dma2 semaphore(%arg12 : memref<!tpu.dma_semaphore, #tpu.memory_space<semaphore_mem>>) src(%dma_wait3A_94 : memref<128x128xf32, #tpu.memory_space<hbm>>) dst(%arg9 : memref<128x128xf32, #tpu.memory_space<vmem>>)
        %add3A_95 = arith.constant 1 : i32
        %add3A_96 = arith.addi %mul3A_66, %add3A_95 : i32
        "tpu.region"() ({
          %run_scoped3A_97 = tpu.sem_alloc : memref<!tpu.dma_semaphore, #tpu.memory_space<semaphore_mem>>
          %dma_start3A_98 = arith.constant 0 : i32
          %dma_start3A_99 = tpu.memref_slice %arg7[%add3A_96, %dma_start3A_98] : memref<16x128xi32, #tpu.memory_space<vmem>> -> memref<1x128xi32, #tpu.memory_space<vmem>>
          %dma_start3A_100 = tpu.memref_squeeze %dma_start3A_99 : memref<1x128xi32, #tpu.memory_space<vmem>> -> memref<128xi32, #tpu.memory_space<vmem>>
          %dma_start3A_101 = arith.constant 0 : i32
          %dma_start3A_102 = arith.constant 0 : i32
          %dma_start3A_103 = tpu.memref_slice %arg10[%dma_start3A_101, %dma_start3A_102] : memref<10112x128xf32, #tpu.memory_space<vmem_shared>> -> memref<10112x128xf32, #tpu.memory_space<vmem_shared>>
          tpu.enqueue_indirect_dma source(%arg9 : memref<128x128xf32, #tpu.memory_space<vmem>>) target(%dma_start3A_103 : memref<10112x128xf32, #tpu.memory_space<vmem_shared>>) offsets(%dma_start3A_100 : memref<128xi32, #tpu.memory_space<vmem>>) semaphore(%run_scoped3A_97 : memref<!tpu.dma_semaphore, #tpu.memory_space<semaphore_mem>>) {add = true}
          %dma_wait3A_104 = arith.constant 0 : i32
          %dma_wait3A_105 = tpu.memref_slice %arg7[%add3A_96, %dma_wait3A_104] : memref<16x128xi32, #tpu.memory_space<vmem>> -> memref<1x128xi32, #tpu.memory_space<vmem>>
          %dma_wait3A_106 = tpu.memref_squeeze %dma_wait3A_105 : memref<1x128xi32, #tpu.memory_space<vmem>> -> memref<128xi32, #tpu.memory_space<vmem>>
          %dma_wait3A_107 = arith.constant 0 : i32
          %dma_wait3A_108 = arith.constant 0 : i32
          %dma_wait3A_109 = tpu.memref_slice %arg10[%dma_wait3A_107, %dma_wait3A_108] : memref<10112x128xf32, #tpu.memory_space<vmem_shared>> -> memref<10112x128xf32, #tpu.memory_space<vmem_shared>>
          tpu.wait_indirect_dma semaphore(%run_scoped3A_97 : memref<!tpu.dma_semaphore, #tpu.memory_space<semaphore_mem>>) src(%arg9 : memref<128x128xf32, #tpu.memory_space<vmem>>) dst(%dma_wait3A_109 : memref<10112x128xf32, #tpu.memory_space<vmem_shared>>)
          tpu.yield
        }) : () -> ()
      }
      %scan3A_44 = arith.constant 7 : i32
      %dma_start3A_45 = arith.constant 15 : i32
      %dma_start3A_46 = arith.constant 0 : i32
      %dma_start3A_47 = tpu.memref_slice %arg6[%dma_start3A_45, %dma_start3A_46] : memref<16x128xi32, #tpu.memory_space<vmem>> -> memref<1x128xi32, #tpu.memory_space<vmem>>
      %dma_start3A_48 = tpu.memref_squeeze %dma_start3A_47 : memref<1x128xi32, #tpu.memory_space<vmem>> -> memref<128xi32, #tpu.memory_space<vmem>>
      %dma_start3A_49 = arith.constant 0 : i32
      %dma_start3A_50 = arith.constant 0 : i32
      %dma_start3A_51 = tpu.memref_slice %arg2[%dma_start3A_49, %dma_start3A_50] : memref<10000x128xf32, #tpu.memory_space<hbm>> -> memref<10000x128xf32, #tpu.memory_space<hbm>>
      tpu.enqueue_indirect_dma source(%dma_start3A_51 : memref<10000x128xf32, #tpu.memory_space<hbm>>) target(%arg9 : memref<128x128xf32, #tpu.memory_space<vmem>>) offsets(%dma_start3A_48 : memref<128xi32, #tpu.memory_space<vmem>>) semaphore(%arg12 : memref<!tpu.dma_semaphore, #tpu.memory_space<semaphore_mem>>)
      %dma_wait3A = arith.constant 0 : i32
      %dma_wait3A_52 = arith.constant 0 : i32
      %dma_wait3A_53 = tpu.memref_slice %arg2[%dma_wait3A, %dma_wait3A_52] : memref<10000x128xf32, #tpu.memory_space<hbm>> -> memref<128x128xf32, #tpu.memory_space<hbm>>
      %dma_wait3A_54 = arith.constant 0 : i32
      %dma_wait3A_55 = arith.constant 0 : i32
      %dma_wait3A_56 = tpu.memref_slice %arg2[%dma_wait3A_54, %dma_wait3A_55] : memref<10000x128xf32, #tpu.memory_space<hbm>> -> memref<128x128xf32, #tpu.memory_space<hbm>>
      tpu.wait_dma2 semaphore(%arg11 : memref<!tpu.dma_semaphore, #tpu.memory_space<semaphore_mem>>) src(%dma_wait3A_56 : memref<128x128xf32, #tpu.memory_space<hbm>>) dst(%arg8 : memref<128x128xf32, #tpu.memory_space<vmem>>)
      %run_scoped3A = arith.constant 14 : i32
      "tpu.region"() ({
        %run_scoped3A_64 = tpu.sem_alloc : memref<!tpu.dma_semaphore, #tpu.memory_space<semaphore_mem>>
        %dma_start3A_65 = arith.constant 0 : i32
        %dma_start3A_66 = tpu.memref_slice %arg7[%run_scoped3A, %dma_start3A_65] : memref<16x128xi32, #tpu.memory_space<vmem>> -> memref<1x128xi32, #tpu.memory_space<vmem>>
        %dma_start3A_67 = tpu.memref_squeeze %dma_start3A_66 : memref<1x128xi32, #tpu.memory_space<vmem>> -> memref<128xi32, #tpu.memory_space<vmem>>
        %dma_start3A_68 = arith.constant 0 : i32
        %dma_start3A_69 = arith.constant 0 : i32
        %dma_start3A_70 = tpu.memref_slice %arg10[%dma_start3A_68, %dma_start3A_69] : memref<10112x128xf32, #tpu.memory_space<vmem_shared>> -> memref<10112x128xf32, #tpu.memory_space<vmem_shared>>
        tpu.enqueue_indirect_dma source(%arg8 : memref<128x128xf32, #tpu.memory_space<vmem>>) target(%dma_start3A_70 : memref<10112x128xf32, #tpu.memory_space<vmem_shared>>) offsets(%dma_start3A_67 : memref<128xi32, #tpu.memory_space<vmem>>) semaphore(%run_scoped3A_64 : memref<!tpu.dma_semaphore, #tpu.memory_space<semaphore_mem>>) {add = true}
        %dma_wait3A_71 = arith.constant 0 : i32
        %dma_wait3A_72 = tpu.memref_slice %arg7[%run_scoped3A, %dma_wait3A_71] : memref<16x128xi32, #tpu.memory_space<vmem>> -> memref<1x128xi32, #tpu.memory_space<vmem>>
        %dma_wait3A_73 = tpu.memref_squeeze %dma_wait3A_72 : memref<1x128xi32, #tpu.memory_space<vmem>> -> memref<128xi32, #tpu.memory_space<vmem>>
        %dma_wait3A_74 = arith.constant 0 : i32
        %dma_wait3A_75 = arith.constant 0 : i32
        %dma_wait3A_76 = tpu.memref_slice %arg10[%dma_wait3A_74, %dma_wait3A_75] : memref<10112x128xf32, #tpu.memory_space<vmem_shared>> -> memref<10112x128xf32, #tpu.memory_space<vmem_shared>>
        tpu.wait_indirect_dma semaphore(%run_scoped3A_64 : memref<!tpu.dma_semaphore, #tpu.memory_space<semaphore_mem>>) src(%arg8 : memref<128x128xf32, #tpu.memory_space<vmem>>) dst(%dma_wait3A_76 : memref<10112x128xf32, #tpu.memory_space<vmem_shared>>)
        tpu.yield
      }) : () -> ()
      %dma_wait3A_57 = arith.constant 0 : i32
      %dma_wait3A_58 = arith.constant 0 : i32
      %dma_wait3A_59 = tpu.memref_slice %arg2[%dma_wait3A_57, %dma_wait3A_58] : memref<10000x128xf32, #tpu.memory_space<hbm>> -> memref<128x128xf32, #tpu.memory_space<hbm>>
      %dma_wait3A_60 = arith.constant 0 : i32
      %dma_wait3A_61 = arith.constant 0 : i32
      %dma_wait3A_62 = tpu.memref_slice %arg2[%dma_wait3A_60, %dma_wait3A_61] : memref<10000x128xf32, #tpu.memory_space<hbm>> -> memref<128x128xf32, #tpu.memory_space<hbm>>
      tpu.wait_dma2 semaphore(%arg12 : memref<!tpu.dma_semaphore, #tpu.memory_space<semaphore_mem>>) src(%dma_wait3A_62 : memref<128x128xf32, #tpu.memory_space<hbm>>) dst(%arg9 : memref<128x128xf32, #tpu.memory_space<vmem>>)
      %run_scoped3A_63 = arith.constant 15 : i32
      "tpu.region"() ({
        %run_scoped3A_64 = tpu.sem_alloc : memref<!tpu.dma_semaphore, #tpu.memory_space<semaphore_mem>>
        %dma_start3A_65 = arith.constant 0 : i32
        %dma_start3A_66 = tpu.memref_slice %arg7[%run_scoped3A_63, %dma_start3A_65] : memref<16x128xi32, #tpu.memory_space<vmem>> -> memref<1x128xi32, #tpu.memory_space<vmem>>
        %dma_start3A_67 = tpu.memref_squeeze %dma_start3A_66 : memref<1x128xi32, #tpu.memory_space<vmem>> -> memref<128xi32, #tpu.memory_space<vmem>>
        %dma_start3A_68 = arith.constant 0 : i32
        %dma_start3A_69 = arith.constant 0 : i32
        %dma_start3A_70 = tpu.memref_slice %arg10[%dma_start3A_68, %dma_start3A_69] : memref<10112x128xf32, #tpu.memory_space<vmem_shared>> -> memref<10112x128xf32, #tpu.memory_space<vmem_shared>>
        tpu.enqueue_indirect_dma source(%arg9 : memref<128x128xf32, #tpu.memory_space<vmem>>) target(%dma_start3A_70 : memref<10112x128xf32, #tpu.memory_space<vmem_shared>>) offsets(%dma_start3A_67 : memref<128xi32, #tpu.memory_space<vmem>>) semaphore(%run_scoped3A_64 : memref<!tpu.dma_semaphore, #tpu.memory_space<semaphore_mem>>) {add = true}
        %dma_wait3A_71 = arith.constant 0 : i32
        %dma_wait3A_72 = tpu.memref_slice %arg7[%run_scoped3A_63, %dma_wait3A_71] : memref<16x128xi32, #tpu.memory_space<vmem>> -> memref<1x128xi32, #tpu.memory_space<vmem>>
        %dma_wait3A_73 = tpu.memref_squeeze %dma_wait3A_72 : memref<1x128xi32, #tpu.memory_space<vmem>> -> memref<128xi32, #tpu.memory_space<vmem>>
        %dma_wait3A_74 = arith.constant 0 : i32
        %dma_wait3A_75 = arith.constant 0 : i32
        %dma_wait3A_76 = tpu.memref_slice %arg10[%dma_wait3A_74, %dma_wait3A_75] : memref<10112x128xf32, #tpu.memory_space<vmem_shared>> -> memref<10112x128xf32, #tpu.memory_space<vmem_shared>>
        tpu.wait_indirect_dma semaphore(%run_scoped3A_64 : memref<!tpu.dma_semaphore, #tpu.memory_space<semaphore_mem>>) src(%arg9 : memref<128x128xf32, #tpu.memory_space<vmem>>) dst(%dma_wait3A_76 : memref<10112x128xf32, #tpu.memory_space<vmem_shared>>)
        tpu.yield
      }) : () -> ()
    }
    %while3A_24 = arith.constant 1 : i32
    scf.for %while3A_30 = %while3A_22 to %while3A_18 step %while3A_24  : i32 {
      %mul3A_31 = arith.constant 16 : i32
      %mul3A_32 = arith.muli %while3A_30, %mul3A_31 : i32
      %add3A_33 = arith.addi %select_n3A, %mul3A_32 : i32
      %multiple_of3A = tpu.assume_multiple %add3A_33, 16 : i32
      "tpu.region"() ({
        %run_scoped3A_64 = tpu.sem_alloc : memref<!tpu.dma_semaphore, #tpu.memory_space<semaphore_mem>>
        %dma_start3A_65 = arith.constant 0 : i32
        %dma_start3A_66 = tpu.memref_slice %arg3[%multiple_of3A, %dma_start3A_65] : memref<2560x128xi32, #tpu.memory_space<hbm>> -> memref<16x128xi32, #tpu.memory_space<hbm>>
        %dma_start3A_67 = arith.constant 0 : i32
        %dma_start3A_68 = tpu.memref_slice %arg3[%multiple_of3A, %dma_start3A_67] : memref<2560x128xi32, #tpu.memory_space<hbm>> -> memref<16x128xi32, #tpu.memory_space<hbm>>
        tpu.enqueue_dma source(%dma_start3A_68 : memref<16x128xi32, #tpu.memory_space<hbm>>) target(%arg6 : memref<16x128xi32, #tpu.memory_space<vmem>>) target_semaphore(%run_scoped3A_64 : memref<!tpu.dma_semaphore, #tpu.memory_space<semaphore_mem>>)
        %dma_wait3A_69 = arith.constant 0 : i32
        %dma_wait3A_70 = tpu.memref_slice %arg3[%multiple_of3A, %dma_wait3A_69] : memref<2560x128xi32, #tpu.memory_space<hbm>> -> memref<16x128xi32, #tpu.memory_space<hbm>>
        %dma_wait3A_71 = arith.constant 0 : i32
        %dma_wait3A_72 = tpu.memref_slice %arg3[%multiple_of3A, %dma_wait3A_71] : memref<2560x128xi32, #tpu.memory_space<hbm>> -> memref<16x128xi32, #tpu.memory_space<hbm>>
        tpu.wait_dma2 semaphore(%run_scoped3A_64 : memref<!tpu.dma_semaphore, #tpu.memory_space<semaphore_mem>>) src(%dma_wait3A_72 : memref<16x128xi32, #tpu.memory_space<hbm>>) dst(%arg6 : memref<16x128xi32, #tpu.memory_space<vmem>>)
        tpu.yield
      }) : () -> ()
      "tpu.region"() ({
        %run_scoped3A_64 = tpu.sem_alloc : memref<!tpu.dma_semaphore, #tpu.memory_space<semaphore_mem>>
        %dma_start3A_65 = arith.constant 0 : i32
        %dma_start3A_66 = tpu.memref_slice %arg4[%multiple_of3A, %dma_start3A_65] : memref<2560x128xi32, #tpu.memory_space<hbm>> -> memref<16x128xi32, #tpu.memory_space<hbm>>
        %dma_start3A_67 = arith.constant 0 : i32
        %dma_start3A_68 = tpu.memref_slice %arg4[%multiple_of3A, %dma_start3A_67] : memref<2560x128xi32, #tpu.memory_space<hbm>> -> memref<16x128xi32, #tpu.memory_space<hbm>>
        tpu.enqueue_dma source(%dma_start3A_68 : memref<16x128xi32, #tpu.memory_space<hbm>>) target(%arg7 : memref<16x128xi32, #tpu.memory_space<vmem>>) target_semaphore(%run_scoped3A_64 : memref<!tpu.dma_semaphore, #tpu.memory_space<semaphore_mem>>)
        %dma_wait3A_69 = arith.constant 0 : i32
        %dma_wait3A_70 = tpu.memref_slice %arg4[%multiple_of3A, %dma_wait3A_69] : memref<2560x128xi32, #tpu.memory_space<hbm>> -> memref<16x128xi32, #tpu.memory_space<hbm>>
        %dma_wait3A_71 = arith.constant 0 : i32
        %dma_wait3A_72 = tpu.memref_slice %arg4[%multiple_of3A, %dma_wait3A_71] : memref<2560x128xi32, #tpu.memory_space<hbm>> -> memref<16x128xi32, #tpu.memory_space<hbm>>
        tpu.wait_dma2 semaphore(%run_scoped3A_64 : memref<!tpu.dma_semaphore, #tpu.memory_space<semaphore_mem>>) src(%dma_wait3A_72 : memref<16x128xi32, #tpu.memory_space<hbm>>) dst(%arg7 : memref<16x128xi32, #tpu.memory_space<vmem>>)
        tpu.yield
      }) : () -> ()
      %dma_start3A = arith.constant 0 : i32
      %dma_start3A_34 = arith.constant 0 : i32
      %dma_start3A_35 = tpu.memref_slice %arg6[%dma_start3A, %dma_start3A_34] : memref<16x128xi32, #tpu.memory_space<vmem>> -> memref<1x128xi32, #tpu.memory_space<vmem>>
      %dma_start3A_36 = tpu.memref_squeeze %dma_start3A_35 : memref<1x128xi32, #tpu.memory_space<vmem>> -> memref<128xi32, #tpu.memory_space<vmem>>
      %dma_start3A_37 = arith.constant 0 : i32
      %dma_start3A_38 = arith.constant 0 : i32
      %dma_start3A_39 = tpu.memref_slice %arg2[%dma_start3A_37, %dma_start3A_38] : memref<10000x128xf32, #tpu.memory_space<hbm>> -> memref<10000x128xf32, #tpu.memory_space<hbm>>
      tpu.enqueue_indirect_dma source(%dma_start3A_39 : memref<10000x128xf32, #tpu.memory_space<hbm>>) target(%arg8 : memref<128x128xf32, #tpu.memory_space<vmem>>) offsets(%dma_start3A_36 : memref<128xi32, #tpu.memory_space<vmem>>) semaphore(%arg11 : memref<!tpu.dma_semaphore, #tpu.memory_space<semaphore_mem>>)
      %scan3A = arith.constant 0 : i32
      %scan3A_40 = arith.constant 0 : i32
      %scan3A_41 = arith.constant 7 : i32
      %scan3A_42 = arith.addi %scan3A_40, %scan3A_41 : i32
      %scan3A_43 = arith.constant 1 : i32
      scf.for %scan3A_64 = %scan3A_40 to %scan3A_42 step %scan3A_43  : i32 {
        %mul3A_65 = arith.constant 2 : i32
        %mul3A_66 = arith.muli %mul3A_65, %scan3A_64 : i32
        %add3A_67 = arith.constant 1 : i32
        %add3A_68 = arith.addi %mul3A_66, %add3A_67 : i32
        %dma_start3A_69 = arith.constant 0 : i32
        %dma_start3A_70 = tpu.memref_slice %arg6[%add3A_68, %dma_start3A_69] : memref<16x128xi32, #tpu.memory_space<vmem>> -> memref<1x128xi32, #tpu.memory_space<vmem>>
        %dma_start3A_71 = tpu.memref_squeeze %dma_start3A_70 : memref<1x128xi32, #tpu.memory_space<vmem>> -> memref<128xi32, #tpu.memory_space<vmem>>
        %dma_start3A_72 = arith.constant 0 : i32
        %dma_start3A_73 = arith.constant 0 : i32
        %dma_start3A_74 = tpu.memref_slice %arg2[%dma_start3A_72, %dma_start3A_73] : memref<10000x128xf32, #tpu.memory_space<hbm>> -> memref<10000x128xf32, #tpu.memory_space<hbm>>
        tpu.enqueue_indirect_dma source(%dma_start3A_74 : memref<10000x128xf32, #tpu.memory_space<hbm>>) target(%arg9 : memref<128x128xf32, #tpu.memory_space<vmem>>) offsets(%dma_start3A_71 : memref<128xi32, #tpu.memory_space<vmem>>) semaphore(%arg12 : memref<!tpu.dma_semaphore, #tpu.memory_space<semaphore_mem>>)
        %dma_wait3A_75 = arith.constant 0 : i32
        %dma_wait3A_76 = arith.constant 0 : i32
        %dma_wait3A_77 = tpu.memref_slice %arg2[%dma_wait3A_75, %dma_wait3A_76] : memref<10000x128xf32, #tpu.memory_space<hbm>> -> memref<128x128xf32, #tpu.memory_space<hbm>>
        %dma_wait3A_78 = arith.constant 0 : i32
        %dma_wait3A_79 = arith.constant 0 : i32
        %dma_wait3A_80 = tpu.memref_slice %arg2[%dma_wait3A_78, %dma_wait3A_79] : memref<10000x128xf32, #tpu.memory_space<hbm>> -> memref<128x128xf32, #tpu.memory_space<hbm>>
        tpu.wait_dma2 semaphore(%arg11 : memref<!tpu.dma_semaphore, #tpu.memory_space<semaphore_mem>>) src(%dma_wait3A_80 : memref<128x128xf32, #tpu.memory_space<hbm>>) dst(%arg8 : memref<128x128xf32, #tpu.memory_space<vmem>>)
        "tpu.region"() ({
          %run_scoped3A_97 = tpu.sem_alloc : memref<!tpu.dma_semaphore, #tpu.memory_space<semaphore_mem>>
          %dma_start3A_98 = arith.constant 0 : i32
          %dma_start3A_99 = tpu.memref_slice %arg7[%mul3A_66, %dma_start3A_98] : memref<16x128xi32, #tpu.memory_space<vmem>> -> memref<1x128xi32, #tpu.memory_space<vmem>>
          %dma_start3A_100 = tpu.memref_squeeze %dma_start3A_99 : memref<1x128xi32, #tpu.memory_space<vmem>> -> memref<128xi32, #tpu.memory_space<vmem>>
          %dma_start3A_101 = arith.constant 0 : i32
          %dma_start3A_102 = arith.constant 0 : i32
          %dma_start3A_103 = tpu.memref_slice %arg10[%dma_start3A_101, %dma_start3A_102] : memref<10112x128xf32, #tpu.memory_space<vmem_shared>> -> memref<10112x128xf32, #tpu.memory_space<vmem_shared>>
          tpu.enqueue_indirect_dma source(%arg8 : memref<128x128xf32, #tpu.memory_space<vmem>>) target(%dma_start3A_103 : memref<10112x128xf32, #tpu.memory_space<vmem_shared>>) offsets(%dma_start3A_100 : memref<128xi32, #tpu.memory_space<vmem>>) semaphore(%run_scoped3A_97 : memref<!tpu.dma_semaphore, #tpu.memory_space<semaphore_mem>>) {add = true}
          %dma_wait3A_104 = arith.constant 0 : i32
          %dma_wait3A_105 = tpu.memref_slice %arg7[%mul3A_66, %dma_wait3A_104] : memref<16x128xi32, #tpu.memory_space<vmem>> -> memref<1x128xi32, #tpu.memory_space<vmem>>
          %dma_wait3A_106 = tpu.memref_squeeze %dma_wait3A_105 : memref<1x128xi32, #tpu.memory_space<vmem>> -> memref<128xi32, #tpu.memory_space<vmem>>
          %dma_wait3A_107 = arith.constant 0 : i32
          %dma_wait3A_108 = arith.constant 0 : i32
          %dma_wait3A_109 = tpu.memref_slice %arg10[%dma_wait3A_107, %dma_wait3A_108] : memref<10112x128xf32, #tpu.memory_space<vmem_shared>> -> memref<10112x128xf32, #tpu.memory_space<vmem_shared>>
          tpu.wait_indirect_dma semaphore(%run_scoped3A_97 : memref<!tpu.dma_semaphore, #tpu.memory_space<semaphore_mem>>) src(%arg8 : memref<128x128xf32, #tpu.memory_space<vmem>>) dst(%dma_wait3A_109 : memref<10112x128xf32, #tpu.memory_space<vmem_shared>>)
          tpu.yield
        }) : () -> ()
        %add3A_81 = arith.constant 2 : i32
        %add3A_82 = arith.addi %mul3A_66, %add3A_81 : i32
        %dma_start3A_83 = arith.constant 0 : i32
        %dma_start3A_84 = tpu.memref_slice %arg6[%add3A_82, %dma_start3A_83] : memref<16x128xi32, #tpu.memory_space<vmem>> -> memref<1x128xi32, #tpu.memory_space<vmem>>
        %dma_start3A_85 = tpu.memref_squeeze %dma_start3A_84 : memref<1x128xi32, #tpu.memory_space<vmem>> -> memref<128xi32, #tpu.memory_space<vmem>>
        %dma_start3A_86 = arith.constant 0 : i32
        %dma_start3A_87 = arith.constant 0 : i32
        %dma_start3A_88 = tpu.memref_slice %arg2[%dma_start3A_86, %dma_start3A_87] : memref<10000x128xf32, #tpu.memory_space<hbm>> -> memref<10000x128xf32, #tpu.memory_space<hbm>>
        tpu.enqueue_indirect_dma source(%dma_start3A_88 : memref<10000x128xf32, #tpu.memory_space<hbm>>) target(%arg8 : memref<128x128xf32, #tpu.memory_space<vmem>>) offsets(%dma_start3A_85 : memref<128xi32, #tpu.memory_space<vmem>>) semaphore(%arg11 : memref<!tpu.dma_semaphore, #tpu.memory_space<semaphore_mem>>)
        %dma_wait3A_89 = arith.constant 0 : i32
        %dma_wait3A_90 = arith.constant 0 : i32
        %dma_wait3A_91 = tpu.memref_slice %arg2[%dma_wait3A_89, %dma_wait3A_90] : memref<10000x128xf32, #tpu.memory_space<hbm>> -> memref<128x128xf32, #tpu.memory_space<hbm>>
        %dma_wait3A_92 = arith.constant 0 : i32
        %dma_wait3A_93 = arith.constant 0 : i32
        %dma_wait3A_94 = tpu.memref_slice %arg2[%dma_wait3A_92, %dma_wait3A_93] : memref<10000x128xf32, #tpu.memory_space<hbm>> -> memref<128x128xf32, #tpu.memory_space<hbm>>
        tpu.wait_dma2 semaphore(%arg12 : memref<!tpu.dma_semaphore, #tpu.memory_space<semaphore_mem>>) src(%dma_wait3A_94 : memref<128x128xf32, #tpu.memory_space<hbm>>) dst(%arg9 : memref<128x128xf32, #tpu.memory_space<vmem>>)
        %add3A_95 = arith.constant 1 : i32
        %add3A_96 = arith.addi %mul3A_66, %add3A_95 : i32
        "tpu.region"() ({
          %run_scoped3A_97 = tpu.sem_alloc : memref<!tpu.dma_semaphore, #tpu.memory_space<semaphore_mem>>
          %dma_start3A_98 = arith.constant 0 : i32
          %dma_start3A_99 = tpu.memref_slice %arg7[%add3A_96, %dma_start3A_98] : memref<16x128xi32, #tpu.memory_space<vmem>> -> memref<1x128xi32, #tpu.memory_space<vmem>>
          %dma_start3A_100 = tpu.memref_squeeze %dma_start3A_99 : memref<1x128xi32, #tpu.memory_space<vmem>> -> memref<128xi32, #tpu.memory_space<vmem>>
          %dma_start3A_101 = arith.constant 0 : i32
          %dma_start3A_102 = arith.constant 0 : i32
          %dma_start3A_103 = tpu.memref_slice %arg10[%dma_start3A_101, %dma_start3A_102] : memref<10112x128xf32, #tpu.memory_space<vmem_shared>> -> memref<10112x128xf32, #tpu.memory_space<vmem_shared>>
          tpu.enqueue_indirect_dma source(%arg9 : memref<128x128xf32, #tpu.memory_space<vmem>>) target(%dma_start3A_103 : memref<10112x128xf32, #tpu.memory_space<vmem_shared>>) offsets(%dma_start3A_100 : memref<128xi32, #tpu.memory_space<vmem>>) semaphore(%run_scoped3A_97 : memref<!tpu.dma_semaphore, #tpu.memory_space<semaphore_mem>>) {add = true}
          %dma_wait3A_104 = arith.constant 0 : i32
          %dma_wait3A_105 = tpu.memref_slice %arg7[%add3A_96, %dma_wait3A_104] : memref<16x128xi32, #tpu.memory_space<vmem>> -> memref<1x128xi32, #tpu.memory_space<vmem>>
          %dma_wait3A_106 = tpu.memref_squeeze %dma_wait3A_105 : memref<1x128xi32, #tpu.memory_space<vmem>> -> memref<128xi32, #tpu.memory_space<vmem>>
          %dma_wait3A_107 = arith.constant 0 : i32
          %dma_wait3A_108 = arith.constant 0 : i32
          %dma_wait3A_109 = tpu.memref_slice %arg10[%dma_wait3A_107, %dma_wait3A_108] : memref<10112x128xf32, #tpu.memory_space<vmem_shared>> -> memref<10112x128xf32, #tpu.memory_space<vmem_shared>>
          tpu.wait_indirect_dma semaphore(%run_scoped3A_97 : memref<!tpu.dma_semaphore, #tpu.memory_space<semaphore_mem>>) src(%arg9 : memref<128x128xf32, #tpu.memory_space<vmem>>) dst(%dma_wait3A_109 : memref<10112x128xf32, #tpu.memory_space<vmem_shared>>)
          tpu.yield
        }) : () -> ()
      }
      %scan3A_44 = arith.constant 7 : i32
      %dma_start3A_45 = arith.constant 15 : i32
      %dma_start3A_46 = arith.constant 0 : i32
      %dma_start3A_47 = tpu.memref_slice %arg6[%dma_start3A_45, %dma_start3A_46] : memref<16x128xi32, #tpu.memory_space<vmem>> -> memref<1x128xi32, #tpu.memory_space<vmem>>
      %dma_start3A_48 = tpu.memref_squeeze %dma_start3A_47 : memref<1x128xi32, #tpu.memory_space<vmem>> -> memref<128xi32, #tpu.memory_space<vmem>>
      %dma_start3A_49 = arith.constant 0 : i32
      %dma_start3A_50 = arith.constant 0 : i32
      %dma_start3A_51 = tpu.memref_slice %arg2[%dma_start3A_49, %dma_start3A_50] : memref<10000x128xf32, #tpu.memory_space<hbm>> -> memref<10000x128xf32, #tpu.memory_space<hbm>>
      tpu.enqueue_indirect_dma source(%dma_start3A_51 : memref<10000x128xf32, #tpu.memory_space<hbm>>) target(%arg9 : memref<128x128xf32, #tpu.memory_space<vmem>>) offsets(%dma_start3A_48 : memref<128xi32, #tpu.memory_space<vmem>>) semaphore(%arg12 : memref<!tpu.dma_semaphore, #tpu.memory_space<semaphore_mem>>)
      %dma_wait3A = arith.constant 0 : i32
      %dma_wait3A_52 = arith.constant 0 : i32
      %dma_wait3A_53 = tpu.memref_slice %arg2[%dma_wait3A, %dma_wait3A_52] : memref<10000x128xf32, #tpu.memory_space<hbm>> -> memref<128x128xf32, #tpu.memory_space<hbm>>
      %dma_wait3A_54 = arith.constant 0 : i32
      %dma_wait3A_55 = arith.constant 0 : i32
      %dma_wait3A_56 = tpu.memref_slice %arg2[%dma_wait3A_54, %dma_wait3A_55] : memref<10000x128xf32, #tpu.memory_space<hbm>> -> memref<128x128xf32, #tpu.memory_space<hbm>>
      tpu.wait_dma2 semaphore(%arg11 : memref<!tpu.dma_semaphore, #tpu.memory_space<semaphore_mem>>) src(%dma_wait3A_56 : memref<128x128xf32, #tpu.memory_space<hbm>>) dst(%arg8 : memref<128x128xf32, #tpu.memory_space<vmem>>)
      %run_scoped3A = arith.constant 14 : i32
      "tpu.region"() ({
        %run_scoped3A_64 = tpu.sem_alloc : memref<!tpu.dma_semaphore, #tpu.memory_space<semaphore_mem>>
        %dma_start3A_65 = arith.constant 0 : i32
        %dma_start3A_66 = tpu.memref_slice %arg7[%run_scoped3A, %dma_start3A_65] : memref<16x128xi32, #tpu.memory_space<vmem>> -> memref<1x128xi32, #tpu.memory_space<vmem>>
        %dma_start3A_67 = tpu.memref_squeeze %dma_start3A_66 : memref<1x128xi32, #tpu.memory_space<vmem>> -> memref<128xi32, #tpu.memory_space<vmem>>
        %dma_start3A_68 = arith.constant 0 : i32
        %dma_start3A_69 = arith.constant 0 : i32
        %dma_start3A_70 = tpu.memref_slice %arg10[%dma_start3A_68, %dma_start3A_69] : memref<10112x128xf32, #tpu.memory_space<vmem_shared>> -> memref<10112x128xf32, #tpu.memory_space<vmem_shared>>
        tpu.enqueue_indirect_dma source(%arg8 : memref<128x128xf32, #tpu.memory_space<vmem>>) target(%dma_start3A_70 : memref<10112x128xf32, #tpu.memory_space<vmem_shared>>) offsets(%dma_start3A_67 : memref<128xi32, #tpu.memory_space<vmem>>) semaphore(%run_scoped3A_64 : memref<!tpu.dma_semaphore, #tpu.memory_space<semaphore_mem>>) {add = true}
        %dma_wait3A_71 = arith.constant 0 : i32
        %dma_wait3A_72 = tpu.memref_slice %arg7[%run_scoped3A, %dma_wait3A_71] : memref<16x128xi32, #tpu.memory_space<vmem>> -> memref<1x128xi32, #tpu.memory_space<vmem>>
        %dma_wait3A_73 = tpu.memref_squeeze %dma_wait3A_72 : memref<1x128xi32, #tpu.memory_space<vmem>> -> memref<128xi32, #tpu.memory_space<vmem>>
        %dma_wait3A_74 = arith.constant 0 : i32
        %dma_wait3A_75 = arith.constant 0 : i32
        %dma_wait3A_76 = tpu.memref_slice %arg10[%dma_wait3A_74, %dma_wait3A_75] : memref<10112x128xf32, #tpu.memory_space<vmem_shared>> -> memref<10112x128xf32, #tpu.memory_space<vmem_shared>>
        tpu.wait_indirect_dma semaphore(%run_scoped3A_64 : memref<!tpu.dma_semaphore, #tpu.memory_space<semaphore_mem>>) src(%arg8 : memref<128x128xf32, #tpu.memory_space<vmem>>) dst(%dma_wait3A_76 : memref<10112x128xf32, #tpu.memory_space<vmem_shared>>)
        tpu.yield
      }) : () -> ()
      %dma_wait3A_57 = arith.constant 0 : i32
      %dma_wait3A_58 = arith.constant 0 : i32
      %dma_wait3A_59 = tpu.memref_slice %arg2[%dma_wait3A_57, %dma_wait3A_58] : memref<10000x128xf32, #tpu.memory_space<hbm>> -> memref<128x128xf32, #tpu.memory_space<hbm>>
      %dma_wait3A_60 = arith.constant 0 : i32
      %dma_wait3A_61 = arith.constant 0 : i32
      %dma_wait3A_62 = tpu.memref_slice %arg2[%dma_wait3A_60, %dma_wait3A_61] : memref<10000x128xf32, #tpu.memory_space<hbm>> -> memref<128x128xf32, #tpu.memory_space<hbm>>
      tpu.wait_dma2 semaphore(%arg12 : memref<!tpu.dma_semaphore, #tpu.memory_space<semaphore_mem>>) src(%dma_wait3A_62 : memref<128x128xf32, #tpu.memory_space<hbm>>) dst(%arg9 : memref<128x128xf32, #tpu.memory_space<vmem>>)
      %run_scoped3A_63 = arith.constant 15 : i32
      "tpu.region"() ({
        %run_scoped3A_64 = tpu.sem_alloc : memref<!tpu.dma_semaphore, #tpu.memory_space<semaphore_mem>>
        %dma_start3A_65 = arith.constant 0 : i32
        %dma_start3A_66 = tpu.memref_slice %arg7[%run_scoped3A_63, %dma_start3A_65] : memref<16x128xi32, #tpu.memory_space<vmem>> -> memref<1x128xi32, #tpu.memory_space<vmem>>
        %dma_start3A_67 = tpu.memref_squeeze %dma_start3A_66 : memref<1x128xi32, #tpu.memory_space<vmem>> -> memref<128xi32, #tpu.memory_space<vmem>>
        %dma_start3A_68 = arith.constant 0 : i32
        %dma_start3A_69 = arith.constant 0 : i32
        %dma_start3A_70 = tpu.memref_slice %arg10[%dma_start3A_68, %dma_start3A_69] : memref<10112x128xf32, #tpu.memory_space<vmem_shared>> -> memref<10112x128xf32, #tpu.memory_space<vmem_shared>>
        tpu.enqueue_indirect_dma source(%arg9 : memref<128x128xf32, #tpu.memory_space<vmem>>) target(%dma_start3A_70 : memref<10112x128xf32, #tpu.memory_space<vmem_shared>>) offsets(%dma_start3A_67 : memref<128xi32, #tpu.memory_space<vmem>>) semaphore(%run_scoped3A_64 : memref<!tpu.dma_semaphore, #tpu.memory_space<semaphore_mem>>) {add = true}
        %dma_wait3A_71 = arith.constant 0 : i32
        %dma_wait3A_72 = tpu.memref_slice %arg7[%run_scoped3A_63, %dma_wait3A_71] : memref<16x128xi32, #tpu.memory_space<vmem>> -> memref<1x128xi32, #tpu.memory_space<vmem>>
        %dma_wait3A_73 = tpu.memref_squeeze %dma_wait3A_72 : memref<1x128xi32, #tpu.memory_space<vmem>> -> memref<128xi32, #tpu.memory_space<vmem>>
        %dma_wait3A_74 = arith.constant 0 : i32
        %dma_wait3A_75 = arith.constant 0 : i32
        %dma_wait3A_76 = tpu.memref_slice %arg10[%dma_wait3A_74, %dma_wait3A_75] : memref<10112x128xf32, #tpu.memory_space<vmem_shared>> -> memref<10112x128xf32, #tpu.memory_space<vmem_shared>>
        tpu.wait_indirect_dma semaphore(%run_scoped3A_64 : memref<!tpu.dma_semaphore, #tpu.memory_space<semaphore_mem>>) src(%arg9 : memref<128x128xf32, #tpu.memory_space<vmem>>) dst(%dma_wait3A_76 : memref<10112x128xf32, #tpu.memory_space<vmem_shared>>)
        tpu.yield
      }) : () -> ()
    }
    %barrier3A_25 = arith.constant 0 : index
    tpu.barrier barrier_id(%barrier3A_25)
    %mul3A_26 = arith.constant 632 : i32
    %mul3A_27 = arith.muli %arg1, %mul3A_26 : i32
    %mul3A_28 = arith.constant 632 : i32
    %mul3A_29 = arith.muli %arg1, %mul3A_28 : i32
    "tpu.region"() ({
      %run_scoped3A = tpu.sem_alloc : memref<!tpu.dma_semaphore, #tpu.memory_space<semaphore_mem>>
      %dma_start3A = arith.constant 0 : i32
      %dma_start3A_30 = arith.constant 0 : i32
      %dma_start3A_31 = tpu.memref_slice %arg5[%arg0, %dma_start3A, %dma_start3A_30] : memref<2x10112x128xf32, #tpu.memory_space<hbm>> -> memref<1x10112x128xf32, #tpu.memory_space<hbm>>
      %dma_start3A_32 = tpu.memref_squeeze %dma_start3A_31 : memref<1x10112x128xf32, #tpu.memory_space<hbm>> -> memref<10112x128xf32, #tpu.memory_space<hbm>>
      %dma_start3A_33 = arith.constant 0 : i32
      %dma_start3A_34 = tpu.memref_slice %dma_start3A_32[%mul3A_29, %dma_start3A_33] : memref<10112x128xf32, #tpu.memory_space<hbm>> -> memref<632x128xf32, #tpu.memory_space<hbm>>
      %dma_start3A_35 = arith.constant 0 : i32
      %dma_start3A_36 = tpu.memref_slice %arg10[%mul3A_27, %dma_start3A_35] : memref<10112x128xf32, #tpu.memory_space<vmem_shared>> -> memref<632x128xf32, #tpu.memory_space<vmem_shared>>
      tpu.enqueue_dma source(%dma_start3A_36 : memref<632x128xf32, #tpu.memory_space<vmem_shared>>) target(%dma_start3A_34 : memref<632x128xf32, #tpu.memory_space<hbm>>) target_semaphore(%run_scoped3A : memref<!tpu.dma_semaphore, #tpu.memory_space<semaphore_mem>>)
      %dma_wait3A = arith.constant 0 : i32
      %dma_wait3A_37 = arith.constant 0 : i32
      %dma_wait3A_38 = tpu.memref_slice %arg5[%arg0, %dma_wait3A, %dma_wait3A_37] : memref<2x10112x128xf32, #tpu.memory_space<hbm>> -> memref<1x10112x128xf32, #tpu.memory_space<hbm>>
      %dma_wait3A_39 = tpu.memref_squeeze %dma_wait3A_38 : memref<1x10112x128xf32, #tpu.memory_space<hbm>> -> memref<10112x128xf32, #tpu.memory_space<hbm>>
      %dma_wait3A_40 = arith.constant 0 : i32
      %dma_wait3A_41 = tpu.memref_slice %dma_wait3A_39[%mul3A_29, %dma_wait3A_40] : memref<10112x128xf32, #tpu.memory_space<hbm>> -> memref<632x128xf32, #tpu.memory_space<hbm>>
      %dma_wait3A_42 = arith.constant 0 : i32
      %dma_wait3A_43 = tpu.memref_slice %arg10[%mul3A_27, %dma_wait3A_42] : memref<10112x128xf32, #tpu.memory_space<vmem_shared>> -> memref<632x128xf32, #tpu.memory_space<vmem_shared>>
      tpu.wait_dma2 semaphore(%run_scoped3A : memref<!tpu.dma_semaphore, #tpu.memory_space<semaphore_mem>>) src(%dma_wait3A_43 : memref<632x128xf32, #tpu.memory_space<vmem_shared>>) dst(%dma_wait3A_41 : memref<632x128xf32, #tpu.memory_space<hbm>>)
      tpu.yield
    }) : () -> ()
    return
  }
}

module attributes {stable_mosaic.version = 14 : i64} {
  func.func @body(%arg0: i32, %arg1: memref<1000x128xf32, #tpu.memory_space<vmem>>, %arg2: memref<128x128xf32, #tpu.memory_space<vmem>>, %arg3: memref<1x128xf32, #tpu.memory_space<vmem>>, %arg4: memref<1000x128xf32, #tpu.memory_space<vmem>>) attributes {dimension_semantics = [#tpu.dimension_semantics<arbitrary>], iteration_bounds = array<i64: 10>, scalar_prefetch = 0 : i64, scratch_operands = 0 : i64, tpu.core_type = #tpu.core_type<tc>, window_params = [{transform_indices = @transform_0, window_bounds = array<i64: 1000, 128>}, {pipeline_mode = #tpu.pipeline_mode<synchronous>, transform_indices = @transform_1, window_bounds = array<i64: 128, 128>}, {pipeline_mode = #tpu.pipeline_mode<synchronous>, transform_indices = @transform_2, window_bounds = array<i64: 1, 128>}, {transform_indices = @transform_3, window_bounds = array<i64: 1000, 128>}]} {
    %get3A = arith.constant 0 : index
    %get3A_0 = arith.constant 0 : index
    %get3A_1 = vector.load %arg1[%get3A, %get3A_0] : memref<1000x128xf32, #tpu.memory_space<vmem>>, vector<1000x128xf32>
    %get3A_2 = arith.constant 0 : index
    %get3A_3 = arith.constant 0 : index
    %get3A_4 = vector.load %arg2[%get3A_2, %get3A_3] : memref<128x128xf32, #tpu.memory_space<vmem>>, vector<128x128xf32>
    %dot_general3A = arith.constant dense<0.000000e+00> : vector<1000x128xf32>
    %dot_general3A_5 = tpu.matmul %get3A_1, %get3A_4, %dot_general3A {dimension_numbers = #tpu.dot_dimension_numbers<[1], [0], [0], [1], [0, 0, 1, 1], [], []>, transpose_lhs_hint = false} : vector<1000x128xf32>, vector<128x128xf32>, vector<1000x128xf32> -> vector<1000x128xf32>
    %get3A_6 = arith.constant 0 : index
    %get3A_7 = arith.constant 0 : index
    %get3A_8 = vector.load %arg3[%get3A_6, %get3A_7] : memref<1x128xf32, #tpu.memory_space<vmem>>, vector<1x128xf32>
    %add3A = vector.broadcast %get3A_8 : vector<1x128xf32> to vector<1000x128xf32>
    %add3A_9 = arith.addf %dot_general3A_5, %add3A : vector<1000x128xf32>
    %swap3A = arith.constant 0 : index
    %swap3A_10 = arith.constant 0 : index
    %swap3A_11 = vector.load %arg4[%swap3A, %swap3A_10] : memref<1000x128xf32, #tpu.memory_space<vmem>>, vector<1000x128xf32>
    tpu.vector_store %arg4[%swap3A, %swap3A_10], %add3A_9 {strides = array<i32>} : memref<1000x128xf32, #tpu.memory_space<vmem>>, vector<1000x128xf32>,
    return
  }
  func.func @transform_0(%arg0: i32) -> (i32, i32) {
    %c0_i32 = arith.constant 0 : i32
    %c0_i32_0 = arith.constant 0 : i32
    return %arg0, %c0_i32 : i32, i32
  }
  func.func @transform_1(%arg0: i32) -> (i32, i32) {
    %c0_i32 = arith.constant 0 : i32
    %c0_i32_0 = arith.constant 0 : i32
    %c0_i32_1 = arith.constant 0 : i32
    return %c0_i32, %c0_i32_0 : i32, i32
  }
  func.func @transform_2(%arg0: i32) -> (i32, i32) {
    %c0_i32 = arith.constant 0 : i32
    %c0_i32_0 = arith.constant 0 : i32
    %c0_i32_1 = arith.constant 0 : i32
    return %c0_i32, %c0_i32_0 : i32, i32
  }
  func.func @transform_3(%arg0: i32) -> (i32, i32) {
    %c0_i32 = arith.constant 0 : i32
    %c0_i32_0 = arith.constant 0 : i32
    return %arg0, %c0_i32 : i32, i32
  }
}

module attributes {stable_mosaic.version = 14 : i64} {
  func.func @body(%arg0: i32, %arg1: memref<1x1000x128xf32, #tpu.memory_space<vmem>>, %arg2: memref<1x1000x128xf32, #tpu.memory_space<vmem>>, %arg3: memref<1x1000x128xf32, #tpu.memory_space<vmem>>, %arg4: memref<1x1000x128xf32, #tpu.memory_space<vmem>>, %arg5: memref<1000x128xf32, #tpu.memory_space<vmem>>, %arg6: memref<1000x64xf32, #tpu.memory_space<vmem>>) attributes {dimension_semantics = [#tpu.dimension_semantics<arbitrary>], iteration_bounds = array<i64: 10>, scalar_prefetch = 0 : i64, scratch_operands = 0 : i64, tpu.core_type = #tpu.core_type<tc>, window_params = [{transform_indices = @transform_0, window_bounds = array<i64: 1, 1000, 128>}, {transform_indices = @transform_1, window_bounds = array<i64: 1, 1000, 128>}, {transform_indices = @transform_2, window_bounds = array<i64: 1, 1000, 128>}, {transform_indices = @transform_3, window_bounds = array<i64: 1, 1000, 128>}, {transform_indices = @transform_4, window_bounds = array<i64: 1000, 128>}, {transform_indices = @transform_5, window_bounds = array<i64: 1000, 64>}]} {
    %get3A = arith.constant 0 : index
    %get3A_0 = arith.constant 0 : index
    %get3A_1 = arith.constant 0 : index
    %get3A_2 = vector.load %arg1[%get3A, %get3A_0, %get3A_1] : memref<1x1000x128xf32, #tpu.memory_space<vmem>>, vector<1x1000x128xf32>
    %get3A_3 = vector.shape_cast %get3A_2 : vector<1x1000x128xf32> to vector<1000x128xf32>
    %get3A_4 = arith.constant 0 : index
    %get3A_5 = arith.constant 0 : index
    %get3A_6 = arith.constant 0 : index
    %get3A_7 = vector.load %arg2[%get3A_4, %get3A_5, %get3A_6] : memref<1x1000x128xf32, #tpu.memory_space<vmem>>, vector<1x1000x128xf32>
    %get3A_8 = vector.shape_cast %get3A_7 : vector<1x1000x128xf32> to vector<1000x128xf32>
    %add3A = arith.addf %get3A_3, %get3A_8 : vector<1000x128xf32>
    %get3A_9 = arith.constant 0 : index
    %get3A_10 = arith.constant 0 : index
    %get3A_11 = vector.load %arg5[%get3A_9, %get3A_10] : memref<1000x128xf32, #tpu.memory_space<vmem>>, vector<1000x128xf32>
    %sub3A = arith.subf %add3A, %get3A_11 : vector<1000x128xf32>
    %get3A_12 = arith.constant 0 : index
    %get3A_13 = arith.constant 0 : index
    %get3A_14 = arith.constant 0 : index
    %get3A_15 = vector.load %arg3[%get3A_12, %get3A_13, %get3A_14] : memref<1x1000x128xf32, #tpu.memory_space<vmem>>, vector<1x1000x128xf32>
    %get3A_16 = vector.shape_cast %get3A_15 : vector<1x1000x128xf32> to vector<1000x128xf32>
    %slice3A = vector.extract_strided_slice %get3A_16 {offsets = [0, 0], sizes = [1000, 1], strides = [1, 1]} : vector<1000x128xf32> to vector<1000x1xf32>
    %get3A_17 = arith.constant 0 : index
    %get3A_18 = arith.constant 0 : index
    %get3A_19 = arith.constant 0 : index
    %get3A_20 = vector.load %arg4[%get3A_17, %get3A_18, %get3A_19] : memref<1x1000x128xf32, #tpu.memory_space<vmem>>, vector<1x1000x128xf32>
    %get3A_21 = vector.shape_cast %get3A_20 : vector<1x1000x128xf32> to vector<1000x128xf32>
    %slice3A_22 = vector.extract_strided_slice %get3A_21 {offsets = [0, 0], sizes = [1000, 1], strides = [1, 1]} : vector<1000x128xf32> to vector<1000x1xf32>
    %add3A_23 = arith.addf %slice3A, %slice3A_22 : vector<1000x1xf32>
    %add3A_24 = arith.constant 1.000000e+00 : f32
    %add3A_25 = vector.broadcast %add3A_24 : f32 to vector<1000x1xf32>
    %add3A_26 = arith.addf %add3A_23, %add3A_25 : vector<1000x1xf32>
    %div3A = vector.broadcast %add3A_26 : vector<1000x1xf32> to vector<1000x128xf32>
    %div3A_27 = arith.divf %sub3A, %div3A : vector<1000x128xf32>
    %slice3A_28 = vector.extract_strided_slice %div3A_27 {offsets = [0, 0], sizes = [1000, 64], strides = [1, 1]} : vector<1000x128xf32> to vector<1000x64xf32>
    %reduce_max3A = arith.constant dense<0xFF800000> : vector<1000xf32>
    %reduce_max3A_29 = vector.multi_reduction <maximumf>, %slice3A_28, %reduce_max3A [1] : vector<1000x64xf32> to vector<1000xf32>
    %broadcast_in_dim3A = vector.shape_cast %reduce_max3A_29 : vector<1000xf32> to vector<1000x1xf32>
    %sub3A_30 = vector.broadcast %broadcast_in_dim3A : vector<1000x1xf32> to vector<1000x64xf32>
    %sub3A_31 = arith.subf %slice3A_28, %sub3A_30 : vector<1000x64xf32>
    %exp3A = math.exp %sub3A_31 : vector<1000x64xf32>
    %reduce_sum3A = arith.constant dense<0.000000e+00> : vector<1000xf32>
    %reduce_sum3A_32 = vector.multi_reduction <add>, %exp3A, %reduce_sum3A [1] : vector<1000x64xf32> to vector<1000xf32>
    %broadcast_in_dim3A_33 = vector.shape_cast %reduce_sum3A_32 : vector<1000xf32> to vector<1000x1xf32>
    %log3A = math.log %broadcast_in_dim3A_33 : vector<1000x1xf32>
    %sub3A_34 = vector.broadcast %log3A : vector<1000x1xf32> to vector<1000x64xf32>
    %sub3A_35 = arith.subf %sub3A_31, %sub3A_34 : vector<1000x64xf32>
    %swap3A = arith.constant 0 : index
    %swap3A_36 = arith.constant 0 : index
    %swap3A_37 = vector.load %arg6[%swap3A, %swap3A_36] : memref<1000x64xf32, #tpu.memory_space<vmem>>, vector<1000x64xf32>
    tpu.vector_store %arg6[%swap3A, %swap3A_36], %sub3A_35 {strides = array<i32>} : memref<1000x64xf32, #tpu.memory_space<vmem>>, vector<1000x64xf32>,
    return
  }
  func.func @transform_0(%arg0: i32) -> (i32, i32, i32) {
    %c0_i32 = arith.constant 0 : i32
    %c0_i32_0 = arith.constant 0 : i32
    %c0_i32_1 = arith.constant 0 : i32
    return %c0_i32, %arg0, %c0_i32_0 : i32, i32, i32
  }
  func.func @transform_1(%arg0: i32) -> (i32, i32, i32) {
    %c1_i32 = arith.constant 1 : i32
    %c0_i32 = arith.constant 0 : i32
    %c0_i32_0 = arith.constant 0 : i32
    return %c1_i32, %arg0, %c0_i32 : i32, i32, i32
  }
  func.func @transform_2(%arg0: i32) -> (i32, i32, i32) {
    %c0_i32 = arith.constant 0 : i32
    %c0_i32_0 = arith.constant 0 : i32
    %c0_i32_1 = arith.constant 0 : i32
    return %c0_i32, %arg0, %c0_i32_0 : i32, i32, i32
  }
  func.func @transform_3(%arg0: i32) -> (i32, i32, i32) {
    %c1_i32 = arith.constant 1 : i32
    %c0_i32 = arith.constant 0 : i32
    %c0_i32_0 = arith.constant 0 : i32
    return %c1_i32, %arg0, %c0_i32 : i32, i32, i32
  }
  func.func @transform_4(%arg0: i32) -> (i32, i32) {
    %c0_i32 = arith.constant 0 : i32
    %c0_i32_0 = arith.constant 0 : i32
    return %arg0, %c0_i32 : i32, i32
  }
  func.func @transform_5(%arg0: i32) -> (i32, i32) {
    %c0_i32 = arith.constant 0 : i32
    %c0_i32_0 = arith.constant 0 : i32
    return %arg0, %c0_i32 : i32, i32
  }
}

module attributes {stable_mosaic.version = 14 : i64} {
  func.func @body(%arg0: i32, %arg1: memref<1x1000x128xf32, #tpu.memory_space<vmem>>, %arg2: memref<1x1000x128xf32, #tpu.memory_space<vmem>>, %arg3: memref<1x1000x128xf32, #tpu.memory_space<vmem>>, %arg4: memref<1x1000x128xf32, #tpu.memory_space<vmem>>, %arg5: memref<1000x128xf32, #tpu.memory_space<vmem>>, %arg6: memref<128x128xf32, #tpu.memory_space<vmem>>, %arg7: memref<1x128xf32, #tpu.memory_space<vmem>>, %arg8: memref<1000x128xf32, #tpu.memory_space<vmem>>) attributes {dimension_semantics = [#tpu.dimension_semantics<arbitrary>], iteration_bounds = array<i64: 10>, scalar_prefetch = 0 : i64, scratch_operands = 0 : i64, tpu.core_type = #tpu.core_type<tc>, window_params = [{transform_indices = @transform_0, window_bounds = array<i64: 1, 1000, 128>}, {transform_indices = @transform_1, window_bounds = array<i64: 1, 1000, 128>}, {transform_indices = @transform_2, window_bounds = array<i64: 1, 1000, 128>}, {transform_indices = @transform_3, window_bounds = array<i64: 1, 1000, 128>}, {transform_indices = @transform_4, window_bounds = array<i64: 1000, 128>}, {pipeline_mode = #tpu.pipeline_mode<synchronous>, transform_indices = @transform_5, window_bounds = array<i64: 128, 128>}, {pipeline_mode = #tpu.pipeline_mode<synchronous>, transform_indices = @transform_6, window_bounds = array<i64: 1, 128>}, {transform_indices = @transform_7, window_bounds = array<i64: 1000, 128>}]} {
    %get3A = arith.constant 0 : index
    %get3A_0 = arith.constant 0 : index
    %get3A_1 = arith.constant 0 : index
    %get3A_2 = vector.load %arg1[%get3A, %get3A_0, %get3A_1] : memref<1x1000x128xf32, #tpu.memory_space<vmem>>, vector<1x1000x128xf32>
    %get3A_3 = vector.shape_cast %get3A_2 : vector<1x1000x128xf32> to vector<1000x128xf32>
    %get3A_4 = arith.constant 0 : index
    %get3A_5 = arith.constant 0 : index
    %get3A_6 = arith.constant 0 : index
    %get3A_7 = vector.load %arg2[%get3A_4, %get3A_5, %get3A_6] : memref<1x1000x128xf32, #tpu.memory_space<vmem>>, vector<1x1000x128xf32>
    %get3A_8 = vector.shape_cast %get3A_7 : vector<1x1000x128xf32> to vector<1000x128xf32>
    %add3A = arith.addf %get3A_3, %get3A_8 : vector<1000x128xf32>
    %get3A_9 = arith.constant 0 : index
    %get3A_10 = arith.constant 0 : index
    %get3A_11 = vector.load %arg5[%get3A_9, %get3A_10] : memref<1000x128xf32, #tpu.memory_space<vmem>>, vector<1000x128xf32>
    %sub3A = arith.subf %add3A, %get3A_11 : vector<1000x128xf32>
    %get3A_12 = arith.constant 0 : index
    %get3A_13 = arith.constant 0 : index
    %get3A_14 = arith.constant 0 : index
    %get3A_15 = vector.load %arg3[%get3A_12, %get3A_13, %get3A_14] : memref<1x1000x128xf32, #tpu.memory_space<vmem>>, vector<1x1000x128xf32>
    %get3A_16 = vector.shape_cast %get3A_15 : vector<1x1000x128xf32> to vector<1000x128xf32>
    %slice3A = vector.extract_strided_slice %get3A_16 {offsets = [0, 0], sizes = [1000, 1], strides = [1, 1]} : vector<1000x128xf32> to vector<1000x1xf32>
    %get3A_17 = arith.constant 0 : index
    %get3A_18 = arith.constant 0 : index
    %get3A_19 = arith.constant 0 : index
    %get3A_20 = vector.load %arg4[%get3A_17, %get3A_18, %get3A_19] : memref<1x1000x128xf32, #tpu.memory_space<vmem>>, vector<1x1000x128xf32>
    %get3A_21 = vector.shape_cast %get3A_20 : vector<1x1000x128xf32> to vector<1000x128xf32>
    %slice3A_22 = vector.extract_strided_slice %get3A_21 {offsets = [0, 0], sizes = [1000, 1], strides = [1, 1]} : vector<1000x128xf32> to vector<1000x1xf32>
    %add3A_23 = arith.addf %slice3A, %slice3A_22 : vector<1000x1xf32>
    %add3A_24 = arith.constant 1.000000e+00 : f32
    %add3A_25 = vector.broadcast %add3A_24 : f32 to vector<1000x1xf32>
    %add3A_26 = arith.addf %add3A_23, %add3A_25 : vector<1000x1xf32>
    %div3A = vector.broadcast %add3A_26 : vector<1000x1xf32> to vector<1000x128xf32>
    %div3A_27 = arith.divf %sub3A, %div3A : vector<1000x128xf32>
    %max3A = arith.constant 0.000000e+00 : f32
    %max3A_28 = vector.broadcast %max3A : f32 to vector<1000x128xf32>
    %max3A_29 = arith.maximumf %div3A_27, %max3A_28 : vector<1000x128xf32>
    %get3A_30 = arith.constant 0 : index
    %get3A_31 = arith.constant 0 : index
    %get3A_32 = vector.load %arg6[%get3A_30, %get3A_31] : memref<128x128xf32, #tpu.memory_space<vmem>>, vector<128x128xf32>
    %dot_general3A = arith.constant dense<0.000000e+00> : vector<1000x128xf32>
    %dot_general3A_33 = tpu.matmul %max3A_29, %get3A_32, %dot_general3A {dimension_numbers = #tpu.dot_dimension_numbers<[1], [0], [0], [1], [0, 0, 1, 1], [], []>, transpose_lhs_hint = false} : vector<1000x128xf32>, vector<128x128xf32>, vector<1000x128xf32> -> vector<1000x128xf32>
    %get3A_34 = arith.constant 0 : index
    %get3A_35 = arith.constant 0 : index
    %get3A_36 = vector.load %arg7[%get3A_34, %get3A_35] : memref<1x128xf32, #tpu.memory_space<vmem>>, vector<1x128xf32>
    %add3A_37 = vector.broadcast %get3A_36 : vector<1x128xf32> to vector<1000x128xf32>
    %add3A_38 = arith.addf %dot_general3A_33, %add3A_37 : vector<1000x128xf32>
    %swap3A = arith.constant 0 : index
    %swap3A_39 = arith.constant 0 : index
    %swap3A_40 = vector.load %arg8[%swap3A, %swap3A_39] : memref<1000x128xf32, #tpu.memory_space<vmem>>, vector<1000x128xf32>
    tpu.vector_store %arg8[%swap3A, %swap3A_39], %add3A_38 {strides = array<i32>} : memref<1000x128xf32, #tpu.memory_space<vmem>>, vector<1000x128xf32>,
    return
  }
  func.func @transform_0(%arg0: i32) -> (i32, i32, i32) {
    %c0_i32 = arith.constant 0 : i32
    %c0_i32_0 = arith.constant 0 : i32
    %c0_i32_1 = arith.constant 0 : i32
    return %c0_i32, %arg0, %c0_i32_0 : i32, i32, i32
  }
  func.func @transform_1(%arg0: i32) -> (i32, i32, i32) {
    %c1_i32 = arith.constant 1 : i32
    %c0_i32 = arith.constant 0 : i32
    %c0_i32_0 = arith.constant 0 : i32
    return %c1_i32, %arg0, %c0_i32 : i32, i32, i32
  }
  func.func @transform_2(%arg0: i32) -> (i32, i32, i32) {
    %c0_i32 = arith.constant 0 : i32
    %c0_i32_0 = arith.constant 0 : i32
    %c0_i32_1 = arith.constant 0 : i32
    return %c0_i32, %arg0, %c0_i32_0 : i32, i32, i32
  }
  func.func @transform_3(%arg0: i32) -> (i32, i32, i32) {
    %c1_i32 = arith.constant 1 : i32
    %c0_i32 = arith.constant 0 : i32
    %c0_i32_0 = arith.constant 0 : i32
    return %c1_i32, %arg0, %c0_i32 : i32, i32, i32
  }
  func.func @transform_4(%arg0: i32) -> (i32, i32) {
    %c0_i32 = arith.constant 0 : i32
    %c0_i32_0 = arith.constant 0 : i32
    return %arg0, %c0_i32 : i32, i32
  }
  func.func @transform_5(%arg0: i32) -> (i32, i32) {
    %c0_i32 = arith.constant 0 : i32
    %c0_i32_0 = arith.constant 0 : i32
    %c0_i32_1 = arith.constant 0 : i32
    return %c0_i32, %c0_i32_0 : i32, i32
  }
  func.func @transform_6(%arg0: i32) -> (i32, i32) {
    %c0_i32 = arith.constant 0 : i32
    %c0_i32_0 = arith.constant 0 : i32
    %c0_i32_1 = arith.constant 0 : i32
    return %c0_i32, %c0_i32_0 : i32, i32
  }
  func.func @transform_7(%arg0: i32) -> (i32, i32) {
    %c0_i32 = arith.constant 0 : i32
    %c0_i32_0 = arith.constant 0 : i32
    return %arg0, %c0_i32 : i32, i32
  }
}

</mosaic_0001>

<sc_bundles>
// kernel: kernel.11.cloned.1.call-start
scs
__scs_entry_jumppad:
0x0: {  	(pc) =	sbr.rel $0x88, $3  }
0x1: {  	(tag) =	ssettag $0x0;
	lr =	simm.s32 $0x1  }
0x2: {  	[smem:$0x3F9B] =	sst lr;
	_ =	strace $0xD0000000  }
0x3: {  	_ = 	snop  }
0x4: {  	_ = 	snop  }
0x5: {  	_ = 	snop  }
0x6: {  	_ = 	snop  }
0x7: {  	_ = 	snop  }
__scs_overlays_trampoline_lowered:
0x8: {  	[smem:$0x3FAA] =	sst s0  }
0x9: {  	[smem:$0x3FAB] =	sst s1  }
0xa: {  	[smem:$0x3FAC] =	sst s2  }
0xb: {  	[smem:$0x3FAD] =	sst s3  }
0xc: {  	[smem:$0x3FAE] =	sst s4  }
0xd: {  	[smem:$0x3FAF] =	sst s5  }
0xe: {  	[smem:$0x3FB0] =	sst s6  }
0xf: {  	[smem:$0x3FB1] =	sst s7  }
0x10: {  	[smem:$0x3FB2] =	sst s8  }
0x11: {  	[smem:$0x3FB3] =	sst s9;
	s0 =	simm.s32 @!p0 $0x0  }
0x12: {  	s1 =	sld [smem:$0x3F99];
	s0 =	simm.s32 @p0 $0x1  }
0x13: {  	[smem:$0x3FB4] =	sst s0;
	s0 =	simm.s32 @!p1 $0x0  }
0x14: {  	s2 =	sld [smem:$0x3F98];
	s0 =	simm.s32 @p1 $0x1  }
0x15: {  	[smem:$0x3FB5] =	sst s0;
	s0 =	simm.s32 @!p2 $0x0  }
0x16: {  	s3 =	sld [smem:$0x3FDB];
	s0 =	simm.s32 @p2 $0x1  }
0x17: {  	s4 =	simm.s32 $0x1BF5;
	[smem:$0x3FB7] =	sst s0  }
0x18: {  	s0 =	sld [smem:$0x3F9A];
	_ =	swait.ge [sflag:s4], $0x0  }
0x19: {  	s7 =	sld [smem:$0x3F9B]  }
0x1a: {  	s8 =	sadd.s32 $0xFFFFE003, lr  }
0x1b: {  	s9 =	sadd.s32 $0xFFFFFEF7, lr;
	s5 =	simm.s32 $0xFFFFFFFF;
	p2 =	slt.u32 s8, $0xFFFFF086  }
0x1c: {  	p1 =	slt.u32 s9, $0xF7A;
	s5 =	simm.s32 @!p2 $0x0  }
0x1d: {  	s5 =	simm.s32 @p1 $0x1;
	p0 =	seq.s32 s7, s2  }
0x1e: {  	s7 =	smul.u32 @!p0 $0xF7A, s2;
	p2 =	seq.s32 @!p0 s5, $0x0  }
0x1f: {  	s9 =	smul.u32 $0xF7A, s1;
	s8 =	simm.s32 @!p0 $0x1BF5;
	p2 =	por !p2, p0  }
0x20: {  	[sflag:s8] =	ssyncset.s32 @!p0 $0xFFFFF086;
	s6 =	sadd.s32 @!p0 s3, s7;
	s7 =	simm.s32 @!p0 $0x108  }
0x21: {  	s3 =	sadd.s32 s3, s9;
	s6 =	sadd.s32 @!p0 $0x88, s6;
	s7 =	simm.s32 @p2 $0x1082  }
0x22: {  	[simem:s7], [sflag:s8] =	dma.local @!p0 [hbm:s6], $0xF7A  }
0x23: {  	s9 =	sor.u32 $0xD0000000, s2;
	s6 =	simm.s32 $0x108;
	_ =	swait.ge @!p0 [sflag:s8], $0x0  }
0x24: {  	s3 =	sadd.s32 $0x88, s3;
	s6 =	simm.s32 @!p1 $0x1082;
	[sflag:s4] =	ssyncset.s32 $0xFFFFF086  }
0x25: {  	[simem:s6], [sflag:s4] =	dma.local [hbm:s3], $0xF7A  }
0x26: {  	[smem:$0x3F9B] =	sst s1;
	(tag) =	ssettag s2;
	_ =	strace s9  }
0x27: {  	s1 =	sld [smem:$0x3FAB]  }
0x28: {  	s2 =	sld [smem:$0x3FAC]  }
0x29: {  	s4 =	sld [smem:$0x3FAE]  }
0x2a: {  	p0 =	seq.s32 s5, $0x0;
	s5 =	sld [smem:$0x3FAF]  }
0x2b: {  	s6 =	sld [smem:$0x3FB0]  }
0x2c: {  	s7 =	sld [smem:$0x3FB1]  }
0x2d: {  	s3 =	simm.s32 $0x108;
	s8 =	sld [smem:$0x3FB2]  }
0x2e: {  	s3 =	simm.s32 @!p0 $0x1082;
	s9 =	sld [smem:$0x3FB3]  }
0x2f: {  	lr =	sadd.s32 s0, s3;
	s0 =	sld [smem:$0x3FAA]  }
0x30: {  	s3 =	sld [smem:$0x3FAD]  }
0x31: {  	[smem:$0x3FB6] =	sst s10  }
0x32: {  	s10 =	sld [smem:$0x3FB4];
	_ =	sdelay $0x3  }
0x33: {  	p0 =	seq.s32 s10, $0x1;
	s10 =	sld [smem:$0x3FB6];
	_ =	sdelay $0x3  }
0x34: {  	[smem:$0x3FB6] =	sst s10  }
0x35: {  	s10 =	sld [smem:$0x3FB5];
	_ =	sdelay $0x3  }
0x36: {  	p1 =	seq.s32 s10, $0x1;
	s10 =	sld [smem:$0x3FB6];
	_ =	sdelay $0x3  }
0x37: {  	[smem:$0x3FB6] =	sst s10  }
0x38: {  	s10 =	sld [smem:$0x3FB7]  }
0x39: {  	_ = 	snop;
	(pc) =	sbr.ind lr, $3  }
0x3a: {  	_ = 	snop  }
0x3b: {  	_ = 	snop  }
0x3c: {  	p2 =	seq.s32 s10, $0x1;
	s10 =	sld [smem:$0x3FB6]  }
0x3d: {  	_ =	shalt  }
0x3e: {  	_ =	shalt  }
0x3f: {  	_ =	shalt  }
0x40: {  	_ =	shalt  }
0x41: {  	_ =	shalt  }
0x42: {  	_ =	shalt  }
0x43: {  	_ =	shalt  }
0x44: {  	_ =	shalt  }
0x45: {  	_ =	shalt  }
0x46: {  	_ =	shalt  }
0x47: {  	_ =	shalt  }
0x48: {  	_ =	shalt  }
0x49: {  	_ =	shalt  }
0x4a: {  	_ =	shalt  }
0x4b: {  	_ =	shalt  }
0x4c: {  	_ =	shalt  }
0x4d: {  	_ =	shalt  }
0x4e: {  	_ =	shalt  }
0x4f: {  	_ =	shalt  }
0x50: {  	_ =	shalt  }
0x51: {  	_ =	shalt  }
0x52: {  	_ =	shalt  }
0x53: {  	_ =	shalt  }
0x54: {  	_ =	shalt  }
0x55: {  	_ =	shalt  }
0x56: {  	_ =	shalt  }
0x57: {  	_ =	shalt  }
0x58: {  	_ =	shalt  }
0x59: {  	_ =	shalt  }
0x5a: {  	_ =	shalt  }
0x5b: {  	_ =	shalt  }
0x5c: {  	_ =	shalt  }
0x5d: {  	_ =	shalt  }
0x5e: {  	_ =	shalt  }
0x5f: {  	_ =	shalt  }
0x60: {  	_ =	shalt  }
0x61: {  	_ =	shalt  }
0x62: {  	_ =	shalt  }
0x63: {  	_ =	shalt  }
0x64: {  	_ =	shalt  }
0x65: {  	_ =	shalt  }
0x66: {  	_ =	shalt  }
0x67: {  	_ =	shalt  }
0x68: {  	_ =	shalt  }
0x69: {  	_ =	shalt  }
0x6a: {  	_ =	shalt  }
0x6b: {  	_ =	shalt  }
0x6c: {  	_ =	shalt  }
0x6d: {  	_ =	shalt  }
0x6e: {  	_ =	shalt  }
0x6f: {  	_ =	shalt  }
0x70: {  	_ =	shalt  }
0x71: {  	_ =	shalt  }
0x72: {  	_ =	shalt  }
0x73: {  	_ =	shalt  }
0x74: {  	_ =	shalt  }
0x75: {  	_ =	shalt  }
0x76: {  	_ =	shalt  }
0x77: {  	_ =	shalt  }
0x78: {  	_ =	shalt  }
0x79: {  	_ =	shalt  }
0x7a: {  	_ =	shalt  }
0x7b: {  	_ =	shalt  }
0x7c: {  	_ =	shalt  }
0x7d: {  	_ =	shalt  }
0x7e: {  	_ =	shalt  }
0x7f: {  	_ =	shalt  }
0x80: {  	_ =	shalt  }
0x81: {  	_ =	shalt  }
0x82: {  	_ =	shalt  }
0x83: {  	_ =	shalt  }
0x84: {  	_ =	shalt  }
0x85: {  	_ =	shalt  }
0x86: {  	_ =	shalt  }
0x87: {  	_ =	shalt  }
.Lfunc_end0:
.L_simem_size_0:
called_computation.1_lowered:
.L_overlay_start_0:
0x88: {  	s2 =	sld [smem:$0x3FD9]  }
0x89: {  	s3 =	sld [smem:$0x3FFE];
	_ =	sdelay $0x1  }
0x8a: {  	s1 =	srdreg.scid  }
0x8b: {  	s0 =	sand.u32 $0x1, s1  }
0x8c: {  	s17 =	sshll.u32 s0, $0xA;
	s2 =	sadd.s32 s3, s2  }
0x8d: {  	s2 =	sadd.s32 s2, s17  }
0x8e: {  	[smem:$0x3FC2] =	sst s2  }
0x8f: {  	_ = 	snop  }
0x90: {  	s18 =	sld [smem:$0x3FD0];
	(tm) =	ssettm $0x1  }
0x91: {  	s19 =	sld [smem:$0x3FFB];
	_ =	sdelay $0x3  }
0x92: {  	_ =	strace s19  }
0x93: {  	s2 =	sld [smem:$0x3FFC];
	_ =	sdelay $0x3  }
0x94: {  	_ =	strace s2  }
0x95: {  	s2 =	sld [smem:$0x3FFD];
	_ =	sdelay $0x3  }
0x96: {  	_ =	strace s2  }
0x97: {  	_ =	strace $0x8FFFFFFF  }
0x98: {  	s20 =	sld [smem:$0x3FDB];
	_ =	sdelay $0x1  }
0x99: {  	s4 =	simm.s32 $_scs_section_size  }
0x9a: {  	s5 =	simm.s32 $_size__tile_overlayer_lowered;
	s6 =	simm.s32 $_tile_overlayer_lowered  }
0x9b: {  	s7 =	simm.s32 $0x1BFF;
	s21 =	sshll.u32 s6, $0x1;
	s4 =	sadd.s32 s4, s20  }
0x9c: {  	s22 =	simm.s32 $0x0;
	s5 =	sshll.u32 s5, $0x1;
	s6 =	sadd.s32 s21, s4  }
0x9d: {  	[timem:s22], [sflag:s7] =	dma.local [hbm:s6], s5  }
0x9e: {  	_ =	swait.ge [sflag:s7], s5  }
0x9f: {  	s5 =	ssub.s32 $0x0, s5;
	[sflag:s7] =	ssyncset.done $0x0  }
0xa0: {  	[sflag:s7] =	ssyncadd.s32 s5;
	_ =	sdelay $0x1  }
0xa1: {  	s23 =	simm.s32 $0x1B8B  }
0xa2: {  	_ =	swait.ge [sflag:s23], $0x1  }
0xa3: {  	[sflag:s23] =	ssyncset.done $0x0  }
0xa4: {  	[sflag:s23] =	ssyncadd.s32 $0xFFFFFFFF  }
0xa5: {  	s5 =	sld [smem:$0x0]  }
0xa6: {  	s6 =	sand.u32 $0xFFFFFFFE, s1  }
0xa7: {  	p0 =	sne.s32 s1, s6  }
0xa8: {  	s6 =	sshll.u32 @p0 s6, $0xE  }
0xa9: {  	s6 =	sadd.s32 @p0 $0x11B8D, s6;
	s7 =	sshll.u32 @p0 s5, $0x11  }
0xaa: {  	s6 =	sor.u32 @p0 s7, s6  }
0xab: {  	[sflag:s6] =	ssyncadd.remote.s32 @p0 $0x1;
	_ =	sdelay $0x1  }
0xac: {  	s6 =	simm.s32 @p0 $0x1B8D  }
0xad: {  	_ =	swait.eq @p0 [sflag:s6], $0x1  }
0xae: {  	[sflag:s6] =	ssyncadd.s32 @p0 $0xFFFFFFFF  }
0xaf: {  	s7 =	sshll.u32 @!p0 s1, $0xE  }
0xb0: {  	s7 =	sor.u32 @!p0 $0x4000, s7;
	s6 =	simm.s32 @!p0 $0x1B8D  }
0xb1: {  	s5 =	sshll.u32 @!p0 s5, $0x11;
	s7 =	sadd.s32 @!p0 $0x11B8D, s7;
	_ =	swait.eq @!p0 [sflag:s6], $0x1  }
0xb2: {  	s5 =	sor.u32 @!p0 s5, s7;
	[sflag:s6] =	ssyncadd.s32 @!p0 $0xFFFFFFFF  }
0xb3: {  	s25 =	simm.s32 $0x1B8E;
	s24 =	sld [smem:$0x3FFE];
	[sflag:s5] =	ssyncadd.remote.s32 @!p0 $0x1  }
0xb4: {  	s26 =	simm.s32 $execute0_lowered;
	[smem:$0x3FD2] =	sst s25  }
0xb5: {  	s6 =	sshll.u32 s26, $0x1;
	_ =	strace $0x80000049;
	[dreg:$0x1] =	wrdreg $0xFFFFFFFF  }
0xb6: {  	s28 =	simm.s32 $_size_execute0_lowered;
	s4 =	sadd.s32 s4, s6;
	[dreg:$0x0] =	wrdreg $0x0  }
0xb7: {  	s6 =	sshll.u32 s28, $0x1;
	[dreg:$0x2] =	wrdreg s4  }
0xb8: {  	[dreg:$0x3] =	wrdreg s6  }
0xb9: {  	[dreg:$0x4] =	wrdreg $0xC0  }
0xba: {  	_ =	task [dreg:s22], $0x5FFFF  }
0xbb: {  	[dreg:$0x1] =	wrdreg $0xFFFFFFFF  }
0xbc: {  	[dreg:$0x0] =	wrdreg $0x60  }
0xbd: {  	[dreg:$0x2] =	wrdreg s24  }
0xbe: {  	[dreg:$0x3] =	wrdreg s18  }
0xbf: {  	[dreg:$0x4] =	wrdreg $0x90000  }
0xc0: {  	[dreg:$0x5] =	wrdreg $0xA  }
0xc1: {  	_ =	task.clear_ibuf [dreg:s22], $0x6FFFF;
	_ =	strace $0x90000049  }
0xc2: {  	s29 =	simm.s32 $0xA;
	_ =	strace $0x8000004B  }
0xc3: {  	_ =	swait.ge [sflag:s29], $0x1  }
0xc4: {  	[sflag:s29] =	ssyncadd.s32 $0xFFFFFFFF  }
0xc5: {  	_ =	strace $0x9000004B  }
0xc6: {  	_ =	sfence  }
0xc7: {  	s30 =	sld [smem:$0x0];
	_ =	sdelay $0x2  }
0xc8: {  	s31 =	sshll.u32 s1, $0xD;
	s1 =	sshrl.u32 s1, $0x2  }
0xc9: {  	s4 =	sand.u32 $0x4000, s31;
	s1 =	sadd.s32 s1, s30  }
0xca: {  	s0 =	sor.u32 s4, s0;
	s1 =	sshll.u32 s1, $0x11  }
0xcb: {  	s0 =	sor.u32 s1, s0  }
0xcc: {  	s0 =	sadd.s32 $0x8F2B, s0  }
0xcd: {  	[sflag:s0] =	ssyncadd.remote.s32 $0x1  }
0xce: {  	_ =	sfence.sel $0xFFFF  }
0xcf: {  	[dreg:$0x0] =	wrdreg $0xFFFFFFFF;
	(pc) =	sbr.abs _section_cstart, $3  }
0xd0: {  	[dreg:$0x1] =	wrdreg $0xFFFFFFFF  }
0xd1: {  	_ =	task.clear_ibuf [dreg:s22], $0x2FFFF;
	_ =	strace $0x9FFFFFFF  }
0xd2: {  	(tm) =	ssettm $0x7FFFFFFF  }
0xd3: {  	_ =	shalt  }
tec
execute0_lowered:
.L_overlay_start_1:
0x0: {  	(tag) =	ssettag $0x1  }
0x1: {  	s0 =	rddreg [dreg:$0x0]  }
0x2: {  	s1 =	rddreg [dreg:$0x1]  }
0x3: {  	s2 =	rddreg [dreg:$0x2]  }
0x4: {  	s12 =	stileid.u32;
	s3 =	simm.s32 $0x0;
	s4 =	srdreg.scid  }
0x5: {  	s24 =	simm.s32 $0x100;
	s25 =	simm.s32 $0x880;
	s14 =	simm.s32 $0x180  }
0x6: {  	s15 =	simm.s32 $0x900;
	s13 =	simm.s32 $0x5000;
	s5 =	smul.u32 $0x2800, s12  }
0x7: {  	s28 =	simm.s32 $0xD80;
	s29 =	simm.s32 $0x680;
	s8 =	smul.u32 $0x4E000, s12  }
0x8: {  	s30 =	simm.s32 $0xE00;
	s31 =	simm.s32 $0x700;
	s11 =	smul.u32 $0x2700, s12  }
0x9: {  	[smem:$0x7FF] =	sst s3;
	s6 =	sand.u32 $0x1, s4;
	s21 =	smul.u32 $0x4F000, s12  }
0xa: {  	s4 =	sadd.s32 $0x83200, s0;
	s20 =	sshll.u32 s12, $0x6;
	s26 =	smul.u32 $0x2780, s12  }
0xb: {  	s12 =	simm.s32 $0x1000;
	_ =	strace $0x8000004A;
	[dreg:$0x6] =	wrdreg s24  }
0xc: {  	p0 =	seq.s32 s6, $0x0;
	s17 =	smul.u32 $0x27800, s6;
	[dreg:$0x7] =	wrdreg s25  }
0xd: {  	s6 =	ssub.s32 $0x2, s6;
	s23 =	sor.u32 $0x1C03, s20;
	[dreg:$0x8] =	wrdreg s14  }
0xe: {  	[dreg:$0x9] =	wrdreg s15;
	s20 =	simm.s32 $0xA00;
	s14 =	simm.s32 $0x1  }
0xf: {  	s24 =	simm.s32 $0x380;
	s15 =	simm.s32 $0x2;
	s25 =	simm.s32 $0xB00  }
0x10: {  	s7 =	sadd.s32 $0x28000, s5;
	s10 =	sshrl.u32 s6, $0x1;
	s18 =	sshrl.u32 s8, $0x2  }
0x11: {  	s19 =	sadd.s32 s4, s11;
	s22 =	sshrl.u32 s21, $0x2;
	[dreg:$0xd] =	wrdreg s20  }
0x12: {  	s11 =	simm.s32 $0x80;
	s21 =	simm.s32 $0x300;
	[dreg:$0x10] =	wrdreg s24  }
0x13: {  	[dreg:$0x11] =	wrdreg s25;
	s20 =	simm.s32 $0x500;
	s24 =	simm.s32 $0xD00  }
0x14: {  	s8 =	simm.s32 $0x0;
	[dreg:$0x13] =	wrdreg s23;
	s5 =	smov.u32 @p0 s7  }
0x15: {  	s6 =	ssub.s32 s6, s10;
	s7 =	sadd.s32 s18, s2;
	[dreg:$0x12] =	wrdreg s19  }
0x16: {  	s18 =	simm.s32 $0x980;
	s10 =	simm.s32 $0x800;
	s19 =	simm.s32 $0x280  }
0x17: {  	[dreg:$0xe] =	wrdreg s21;
	s21 =	simm.s32 $0xC80;
	s5 =	sshrl.u32 s5, $0x3  }
0x18: {  	s6 =	smax.u32 s6, $0x1;
	s16 =	sshrl.u32 s7, $0x3;
	[dreg:$0xb] =	wrdreg s18  }
0x19: {  	[dreg:$0xc] =	wrdreg s19;
	s18 =	simm.s32 $0x480;
	s19 =	simm.s32 $0xC00  }
0x1a: {  	s7 =	simm.s32 $0xF80;
	s9 =	sadd.s32 s5, s0;
	[dreg:$0x14] =	wrdreg s6  }
0x1b: {  	s0 =	sadd.s32 s17, s0;
	s1 =	sadd.s32 s5, s1;
	[dreg:$0x15] =	wrdreg s16  }
0x1c: {  	s5 =	sadd.s32 s22, s2;
	s17 =	simm.s32 $0x200;
	[dreg:$0x5] =	wrdreg s1  }
0x1d: {  	s22 =	simm.s32 $0xA80;
	s16 =	simm.s32 $0x400;
	[dreg:$0xa] =	wrdreg s17  }
0x1e: {  	s9 =	sadd.s32 $0x2200, s9;
	s0 =	sadd.s32 $0xAA400, s0;
	[dreg:$0xf] =	wrdreg s22  }
0x1f: {  	s17 =	simm.s32 $0xB80;
	s22 =	simm.s32 $0x580;
	s1 =	simm.s32 $0x780  }
0x20: {  	[dreg:$0x4] =	wrdreg s9;
	s9 =	simm.s32 $0x3;
	s0 =	sadd.s32 s26, s0  }
0x21: {  	s26 =	sshrl.u32 s5, $0x3;
	s5 =	simm.s32 $0xF00;
	[dreg:$0x16] =	wrdreg s0  }
0x22: {  	[dreg:$0x17] =	wrdreg s26;
	s26 =	simm.s32 $0x600;
	s0 =	simm.s32 $0xE80  }
.LBB2_1:
0x23: {  	[dreg:$0x18] =	wrdreg s8  }
0x24: {  	s6 =	rddreg [dreg:$0x12]  }
0x25: {  	s25 =	rddreg [dreg:$0x15]  }
0x26: {  	[spmem:s25], [sflag:s23] =	dma.local [hbm:s6], $0x2800  }
0x27: {  	_ =	swait.ge [sflag:s9], $0x2800  }
0x28: {  	[sflag:s9] =	ssyncset.done $0x0  }
0x29: {  	[sflag:s9] =	ssyncadd.s32 $0xFFFFD800  }
0x2a: {  	[bflag:$0x0] =	sbarrier.arrive $0xFFFF  }
0x2b: {  	s23 =	rddreg [dreg:$0x5]  }
0x2c: {  	s6 =	sadd.s32 $0x0, s23  }
0x2d: {  	[tilespmem:s3], [sflag:$0x3] =	stream.linear.gather [hbm4b:s6+s3], $0x800, $0x38;
	[tilespmem:$0x1CC00] =	vst v63  }
0x2e: {  	_ =	swait.ge [sflag:s9], $0x800  }
0x2f: {  	s25 =	rddreg [dreg:$0x4];
	[sflag:s9] =	ssyncset.done $0x0  }
0x30: {  	[sflag:s9] =	ssyncadd.s32 $0xFFFFF800;
	s6 =	sadd.s32 $0x0, s25  }
0x31: {  	[tilespmem:s10], [sflag:$0x3] =	stream.linear.gather [hbm4b:s6+s3], $0x800, $0x38;
	[tilespmem:$0x1CC00] =	vst v63  }
0x32: {  	_ =	swait.ge [sflag:s9], $0x800  }
0x33: {  	[sflag:s9] =	ssyncset.done $0x0  }
0x34: {  	[sflag:s9] =	ssyncadd.s32 $0xFFFFF800  }
0x35: {  	[tilespmem:s12], [sflag:$0x1] =	stream.indirect.gather [hbm4b:s4+s11], $0x80, s3, s11, $0xb8;
	[tilespmem:$0x1CC00] =	vst v63  }
0x36: {  	_ = 	snop  }
0x37: {  	[tilespmem:s13], [sflag:$0x2] =	stream.indirect.gather [hbm4b:s4+s11], $0x80, s11, s11, $0xb8;
	[tilespmem:$0x1CC00] =	vst v63  }
0x38: {  	_ =	swait.ge [sflag:s14], $0x4000  }
0x39: {  	[sflag:s14] =	ssyncset.done $0x0  }
0x3a: {  	[sflag:s14] =	ssyncadd.s32 $0xFFFFC000  }
0x3b: {  	[spmem:s2] =	stream.indirect.scatter.add.f32 [tilespmem:s12], [sflag:$0x3], $0x80, s10, s11, $0xb8;
	[tilespmem:$0x1CC00] =	vst v63  }
0x3c: {  	_ =	swait.ge [sflag:s9], $0x4000  }
0x3d: {  	[sflag:s9] =	ssyncset.done $0x0  }
0x3e: {  	s8 =	rddreg [dreg:$0x6];
	[sflag:s9] =	ssyncadd.s32 $0xFFFFC000  }
0x3f: {  	[tilespmem:s12], [sflag:$0x1] =	stream.indirect.gather [hbm4b:s4+s11], $0x80, s8, s11, $0xb8;
	[tilespmem:$0x1CC00] =	vst v63  }
0x40: {  	_ =	swait.ge [sflag:s15], $0x4000  }
0x41: {  	[sflag:s15] =	ssyncset.done $0x0  }
0x42: {  	s23 =	rddreg [dreg:$0x7];
	[sflag:s15] =	ssyncadd.s32 $0xFFFFC000  }
0x43: {  	[spmem:s2] =	stream.indirect.scatter.add.f32 [tilespmem:s13], [sflag:$0x3], $0x80, s23, s11, $0xb8;
	[tilespmem:$0x1CC00] =	vst v63  }
0x44: {  	_ =	swait.ge [sflag:s9], $0x4000  }
0x45: {  	[sflag:s9] =	ssyncset.done $0x0  }
0x46: {  	s25 =	rddreg [dreg:$0x8];
	[sflag:s9] =	ssyncadd.s32 $0xFFFFC000  }
0x47: {  	[tilespmem:s13], [sflag:$0x2] =	stream.indirect.gather [hbm4b:s4+s11], $0x80, s25, s11, $0xb8;
	[tilespmem:$0x1CC00] =	vst v63  }
0x48: {  	_ =	swait.ge [sflag:s14], $0x4000  }
0x49: {  	[sflag:s14] =	ssyncset.done $0x0  }
0x4a: {  	s8 =	rddreg [dreg:$0x9];
	[sflag:s14] =	ssyncadd.s32 $0xFFFFC000  }
0x4b: {  	[spmem:s2] =	stream.indirect.scatter.add.f32 [tilespmem:s12], [sflag:$0x3], $0x80, s8, s11, $0xb8;
	[tilespmem:$0x1CC00] =	vst v63  }
0x4c: {  	_ =	swait.ge [sflag:s9], $0x4000  }
0x4d: {  	[sflag:s9] =	ssyncset.done $0x0  }
0x4e: {  	s23 =	rddreg [dreg:$0xa];
	[sflag:s9] =	ssyncadd.s32 $0xFFFFC000  }
0x4f: {  	[tilespmem:s12], [sflag:$0x1] =	stream.indirect.gather [hbm4b:s4+s11], $0x80, s23, s11, $0xb8;
	[tilespmem:$0x1CC00] =	vst v63  }
0x50: {  	_ =	swait.ge [sflag:s15], $0x4000  }
0x51: {  	[sflag:s15] =	ssyncset.done $0x0  }
0x52: {  	s25 =	rddreg [dreg:$0xb];
	[sflag:s15] =	ssyncadd.s32 $0xFFFFC000  }
0x53: {  	[spmem:s2] =	stream.indirect.scatter.add.f32 [tilespmem:s13], [sflag:$0x3], $0x80, s25, s11, $0xb8;
	[tilespmem:$0x1CC00] =	vst v63  }
0x54: {  	_ =	swait.ge [sflag:s9], $0x4000  }
0x55: {  	[sflag:s9] =	ssyncset.done $0x0  }
0x56: {  	s8 =	rddreg [dreg:$0xc];
	[sflag:s9] =	ssyncadd.s32 $0xFFFFC000  }
0x57: {  	[tilespmem:s13], [sflag:$0x2] =	stream.indirect.gather [hbm4b:s4+s11], $0x80, s8, s11, $0xb8;
	[tilespmem:$0x1CC00] =	vst v63  }
0x58: {  	_ =	swait.ge [sflag:s14], $0x4000  }
0x59: {  	[sflag:s14] =	ssyncset.done $0x0  }
0x5a: {  	s23 =	rddreg [dreg:$0xd];
	[sflag:s14] =	ssyncadd.s32 $0xFFFFC000  }
0x5b: {  	[spmem:s2] =	stream.indirect.scatter.add.f32 [tilespmem:s12], [sflag:$0x3], $0x80, s23, s11, $0xb8;
	[tilespmem:$0x1CC00] =	vst v63  }
0x5c: {  	_ =	swait.ge [sflag:s9], $0x4000  }
0x5d: {  	[sflag:s9] =	ssyncset.done $0x0  }
0x5e: {  	s25 =	rddreg [dreg:$0xe];
	[sflag:s9] =	ssyncadd.s32 $0xFFFFC000  }
0x5f: {  	[tilespmem:s12], [sflag:$0x1] =	stream.indirect.gather [hbm4b:s4+s11], $0x80, s25, s11, $0xb8;
	[tilespmem:$0x1CC00] =	vst v63  }
0x60: {  	_ =	swait.ge [sflag:s15], $0x4000  }
0x61: {  	[sflag:s15] =	ssyncset.done $0x0  }
0x62: {  	s8 =	rddreg [dreg:$0xf];
	[sflag:s15] =	ssyncadd.s32 $0xFFFFC000  }
0x63: {  	[spmem:s2] =	stream.indirect.scatter.add.f32 [tilespmem:s13], [sflag:$0x3], $0x80, s8, s11, $0xb8;
	[tilespmem:$0x1CC00] =	vst v63  }
0x64: {  	_ =	swait.ge [sflag:s9], $0x4000  }
0x65: {  	[sflag:s9] =	ssyncset.done $0x0  }
0x66: {  	s23 =	rddreg [dreg:$0x10];
	[sflag:s9] =	ssyncadd.s32 $0xFFFFC000  }
0x67: {  	[tilespmem:s13], [sflag:$0x2] =	stream.indirect.gather [hbm4b:s4+s11], $0x80, s23, s11, $0xb8;
	[tilespmem:$0x1CC00] =	vst v63  }
0x68: {  	_ =	swait.ge [sflag:s14], $0x4000  }
0x69: {  	[sflag:s14] =	ssyncset.done $0x0  }
0x6a: {  	s25 =	rddreg [dreg:$0x11];
	[sflag:s14] =	ssyncadd.s32 $0xFFFFC000  }
0x6b: {  	[spmem:s2] =	stream.indirect.scatter.add.f32 [tilespmem:s12], [sflag:$0x3], $0x80, s25, s11, $0xb8;
	[tilespmem:$0x1CC00] =	vst v63  }
0x6c: {  	_ =	swait.ge [sflag:s9], $0x4000  }
0x6d: {  	[sflag:s9] =	ssyncset.done $0x0  }
0x6e: {  	[sflag:s9] =	ssyncadd.s32 $0xFFFFC000  }
0x6f: {  	[tilespmem:s12], [sflag:$0x1] =	stream.indirect.gather [hbm4b:s4+s11], $0x80, s16, s11, $0xb8;
	[tilespmem:$0x1CC00] =	vst v63  }
0x70: {  	_ =	swait.ge [sflag:s15], $0x4000  }
0x71: {  	[sflag:s15] =	ssyncset.done $0x0  }
0x72: {  	[sflag:s15] =	ssyncadd.s32 $0xFFFFC000  }
0x73: {  	[spmem:s2] =	stream.indirect.scatter.add.f32 [tilespmem:s13], [sflag:$0x3], $0x80, s17, s11, $0xb8;
	[tilespmem:$0x1CC00] =	vst v63  }
0x74: {  	_ =	swait.ge [sflag:s9], $0x4000  }
0x75: {  	[sflag:s9] =	ssyncset.done $0x0  }
0x76: {  	[sflag:s9] =	ssyncadd.s32 $0xFFFFC000  }
0x77: {  	[tilespmem:s13], [sflag:$0x2] =	stream.indirect.gather [hbm4b:s4+s11], $0x80, s18, s11, $0xb8;
	[tilespmem:$0x1CC00] =	vst v63  }
0x78: {  	_ =	swait.ge [sflag:s14], $0x4000  }
0x79: {  	[sflag:s14] =	ssyncset.done $0x0  }
0x7a: {  	[sflag:s14] =	ssyncadd.s32 $0xFFFFC000  }
0x7b: {  	[spmem:s2] =	stream.indirect.scatter.add.f32 [tilespmem:s12], [sflag:$0x3], $0x80, s19, s11, $0xb8;
	[tilespmem:$0x1CC00] =	vst v63  }
0x7c: {  	_ =	swait.ge [sflag:s9], $0x4000  }
0x7d: {  	[sflag:s9] =	ssyncset.done $0x0  }
0x7e: {  	[sflag:s9] =	ssyncadd.s32 $0xFFFFC000  }
0x7f: {  	[tilespmem:s12], [sflag:$0x1] =	stream.indirect.gather [hbm4b:s4+s11], $0x80, s20, s11, $0xb8;
	[tilespmem:$0x1CC00] =	vst v63  }
0x80: {  	_ =	swait.ge [sflag:s15], $0x4000  }
0x81: {  	[sflag:s15] =	ssyncset.done $0x0  }
0x82: {  	[sflag:s15] =	ssyncadd.s32 $0xFFFFC000  }
0x83: {  	[spmem:s2] =	stream.indirect.scatter.add.f32 [tilespmem:s13], [sflag:$0x3], $0x80, s21, s11, $0xb8;
	[tilespmem:$0x1CC00] =	vst v63  }
0x84: {  	_ =	swait.ge [sflag:s9], $0x4000  }
0x85: {  	[sflag:s9] =	ssyncset.done $0x0  }
0x86: {  	[sflag:s9] =	ssyncadd.s32 $0xFFFFC000  }
0x87: {  	[tilespmem:s13], [sflag:$0x2] =	stream.indirect.gather [hbm4b:s4+s11], $0x80, s22, s11, $0xb8;
	[tilespmem:$0x1CC00] =	vst v63  }
0x88: {  	_ =	swait.ge [sflag:s14], $0x4000  }
0x89: {  	[sflag:s14] =	ssyncset.done $0x0  }
0x8a: {  	[sflag:s14] =	ssyncadd.s32 $0xFFFFC000  }
0x8b: {  	[spmem:s2] =	stream.indirect.scatter.add.f32 [tilespmem:s12], [sflag:$0x3], $0x80, s24, s11, $0xb8;
	[tilespmem:$0x1CC00] =	vst v63  }
0x8c: {  	_ =	swait.ge [sflag:s9], $0x4000  }
0x8d: {  	[sflag:s9] =	ssyncset.done $0x0  }
0x8e: {  	[sflag:s9] =	ssyncadd.s32 $0xFFFFC000  }
0x8f: {  	[tilespmem:s12], [sflag:$0x1] =	stream.indirect.gather [hbm4b:s4+s11], $0x80, s26, s11, $0xb8;
	[tilespmem:$0x1CC00] =	vst v63  }
0x90: {  	_ =	swait.ge [sflag:s15], $0x4000  }
0x91: {  	[sflag:s15] =	ssyncset.done $0x0  }
0x92: {  	[sflag:s15] =	ssyncadd.s32 $0xFFFFC000  }
0x93: {  	[spmem:s2] =	stream.indirect.scatter.add.f32 [tilespmem:s13], [sflag:$0x3], $0x80, s28, s11, $0xb8;
	[tilespmem:$0x1CC00] =	vst v63  }
0x94: {  	_ =	swait.ge [sflag:s9], $0x4000  }
0x95: {  	[sflag:s9] =	ssyncset.done $0x0  }
0x96: {  	[sflag:s9] =	ssyncadd.s32 $0xFFFFC000  }
0x97: {  	[tilespmem:s13], [sflag:$0x2] =	stream.indirect.gather [hbm4b:s4+s11], $0x80, s29, s11, $0xb8;
	[tilespmem:$0x1CC00] =	vst v63  }
0x98: {  	_ =	swait.ge [sflag:s14], $0x4000  }
0x99: {  	[sflag:s14] =	ssyncset.done $0x0  }
0x9a: {  	[sflag:s14] =	ssyncadd.s32 $0xFFFFC000  }
0x9b: {  	[spmem:s2] =	stream.indirect.scatter.add.f32 [tilespmem:s12], [sflag:$0x3], $0x80, s30, s11, $0xb8;
	[tilespmem:$0x1CC00] =	vst v63  }
0x9c: {  	_ =	swait.ge [sflag:s9], $0x4000  }
0x9d: {  	[sflag:s9] =	ssyncset.done $0x0  }
0x9e: {  	[sflag:s9] =	ssyncadd.s32 $0xFFFFC000  }
0x9f: {  	[tilespmem:s12], [sflag:$0x1] =	stream.indirect.gather [hbm4b:s4+s11], $0x80, s31, s11, $0xb8;
	[tilespmem:$0x1CC00] =	vst v63  }
0xa0: {  	_ =	swait.ge [sflag:s15], $0x4000  }
0xa1: {  	[sflag:s15] =	ssyncset.done $0x0  }
0xa2: {  	[sflag:s15] =	ssyncadd.s32 $0xFFFFC000  }
0xa3: {  	[spmem:s2] =	stream.indirect.scatter.add.f32 [tilespmem:s13], [sflag:$0x3], $0x80, s0, s11, $0xb8;
	[tilespmem:$0x1CC00] =	vst v63  }
0xa4: {  	_ =	swait.ge [sflag:s9], $0x4000  }
0xa5: {  	[sflag:s9] =	ssyncset.done $0x0  }
0xa6: {  	[sflag:s9] =	ssyncadd.s32 $0xFFFFC000  }
0xa7: {  	[tilespmem:s13], [sflag:$0x2] =	stream.indirect.gather [hbm4b:s4+s11], $0x80, s1, s11, $0xb8;
	[tilespmem:$0x1CC00] =	vst v63  }
0xa8: {  	_ =	swait.ge [sflag:s14], $0x4000  }
0xa9: {  	[sflag:s14] =	ssyncset.done $0x0  }
0xaa: {  	[sflag:s14] =	ssyncadd.s32 $0xFFFFC000  }
0xab: {  	[spmem:s2] =	stream.indirect.scatter.add.f32 [tilespmem:s12], [sflag:$0x3], $0x80, s5, s11, $0xb8;
	[tilespmem:$0x1CC00] =	vst v63  }
0xac: {  	_ =	swait.ge [sflag:s9], $0x4000  }
0xad: {  	[sflag:s9] =	ssyncset.done $0x0  }
0xae: {  	[sflag:s9] =	ssyncadd.s32 $0xFFFFC000  }
0xaf: {  	_ =	swait.ge [sflag:s15], $0x4000  }
0xb0: {  	[sflag:s15] =	ssyncset.done $0x0  }
0xb1: {  	[sflag:s15] =	ssyncadd.s32 $0xFFFFC000  }
0xb2: {  	[spmem:s2] =	stream.indirect.scatter.add.f32 [tilespmem:s13], [sflag:$0x3], $0x80, s7, s11, $0xb8;
	[tilespmem:$0x1CC00] =	vst v63  }
0xb3: {  	s23 =	simm.s32 $0x100;
	_ =	swait.ge [sflag:s9], $0x4000  }
0xb4: {  	s25 =	simm.s32 $0x200;
	s6 =	rddreg [dreg:$0x5];
	[sflag:s9] =	ssyncset.done $0x0  }
.LBB2_2:
0xb5: {  	[sflag:s9] =	ssyncadd.s32 $0xFFFFC000;
	s6 =	sadd.s32 s23, s6  }
0xb6: {  	[tilespmem:s3], [sflag:$0x3] =	stream.linear.gather [hbm4b:s6+s3], $0x800, $0x38;
	[tilespmem:$0x1CC00] =	vst v63  }
0xb7: {  	_ =	swait.ge [sflag:s9], $0x800  }
0xb8: {  	s6 =	rddreg [dreg:$0x4];
	[sflag:s9] =	ssyncset.done $0x0  }
0xb9: {  	[sflag:s9] =	ssyncadd.s32 $0xFFFFF800;
	s6 =	sadd.s32 s23, s6  }
0xba: {  	[tilespmem:s10], [sflag:$0x3] =	stream.linear.gather [hbm4b:s6+s3], $0x800, $0x38;
	[tilespmem:$0x1CC00] =	vst v63  }
0xbb: {  	_ =	swait.ge [sflag:s9], $0x800  }
0xbc: {  	[sflag:s9] =	ssyncset.done $0x0  }
0xbd: {  	[sflag:s9] =	ssyncadd.s32 $0xFFFFF800  }
0xbe: {  	[tilespmem:s12], [sflag:$0x1] =	stream.indirect.gather [hbm4b:s4+s11], $0x80, s3, s11, $0xb8;
	[tilespmem:$0x1CC00] =	vst v63  }
0xbf: {  	_ = 	snop  }
0xc0: {  	[tilespmem:s13], [sflag:$0x2] =	stream.indirect.gather [hbm4b:s4+s11], $0x80, s11, s11, $0xb8;
	[tilespmem:$0x1CC00] =	vst v63  }
0xc1: {  	_ =	swait.ge [sflag:s14], $0x4000  }
0xc2: {  	[sflag:s14] =	ssyncset.done $0x0  }
0xc3: {  	[sflag:s14] =	ssyncadd.s32 $0xFFFFC000  }
0xc4: {  	[spmem:s2] =	stream.indirect.scatter.add.f32 [tilespmem:s12], [sflag:$0x3], $0x80, s10, s11, $0xb8;
	[tilespmem:$0x1CC00] =	vst v63  }
0xc5: {  	_ =	swait.ge [sflag:s9], $0x4000  }
0xc6: {  	s8 =	smov.u32 s25;
	[sflag:s9] =	ssyncset.done $0x0  }
0xc7: {  	s23 =	smov.u32 s8;
	s8 =	rddreg [dreg:$0x6];
	[sflag:s9] =	ssyncadd.s32 $0xFFFFC000  }
0xc8: {  	[tilespmem:s12], [sflag:$0x1] =	stream.indirect.gather [hbm4b:s4+s11], $0x80, s8, s11, $0xb8;
	[tilespmem:$0x1CC00] =	vst v63  }
0xc9: {  	_ =	swait.ge [sflag:s15], $0x4000  }
0xca: {  	[sflag:s15] =	ssyncset.done $0x0  }
0xcb: {  	s8 =	rddreg [dreg:$0x7];
	[sflag:s15] =	ssyncadd.s32 $0xFFFFC000  }
0xcc: {  	[spmem:s2] =	stream.indirect.scatter.add.f32 [tilespmem:s13], [sflag:$0x3], $0x80, s8, s11, $0xb8;
	[tilespmem:$0x1CC00] =	vst v63  }
0xcd: {  	_ =	swait.ge [sflag:s9], $0x4000  }
0xce: {  	[sflag:s9] =	ssyncset.done $0x0  }
0xcf: {  	s8 =	rddreg [dreg:$0x8];
	[sflag:s9] =	ssyncadd.s32 $0xFFFFC000  }
0xd0: {  	[tilespmem:s13], [sflag:$0x2] =	stream.indirect.gather [hbm4b:s4+s11], $0x80, s8, s11, $0xb8;
	[tilespmem:$0x1CC00] =	vst v63  }
0xd1: {  	_ =	swait.ge [sflag:s14], $0x4000  }
0xd2: {  	[sflag:s14] =	ssyncset.done $0x0  }
0xd3: {  	s8 =	rddreg [dreg:$0x9];
	[sflag:s14] =	ssyncadd.s32 $0xFFFFC000  }
0xd4: {  	[spmem:s2] =	stream.indirect.scatter.add.f32 [tilespmem:s12], [sflag:$0x3], $0x80, s8, s11, $0xb8;
	[tilespmem:$0x1CC00] =	vst v63  }
0xd5: {  	_ =	swait.ge [sflag:s9], $0x4000  }
0xd6: {  	[sflag:s9] =	ssyncset.done $0x0  }
0xd7: {  	s8 =	rddreg [dreg:$0xa];
	[sflag:s9] =	ssyncadd.s32 $0xFFFFC000  }
0xd8: {  	[tilespmem:s12], [sflag:$0x1] =	stream.indirect.gather [hbm4b:s4+s11], $0x80, s8, s11, $0xb8;
	[tilespmem:$0x1CC00] =	vst v63  }
0xd9: {  	_ =	swait.ge [sflag:s15], $0x4000  }
0xda: {  	[sflag:s15] =	ssyncset.done $0x0  }
0xdb: {  	s8 =	rddreg [dreg:$0xb];
	[sflag:s15] =	ssyncadd.s32 $0xFFFFC000  }
0xdc: {  	[spmem:s2] =	stream.indirect.scatter.add.f32 [tilespmem:s13], [sflag:$0x3], $0x80, s8, s11, $0xb8;
	[tilespmem:$0x1CC00] =	vst v63  }
0xdd: {  	_ =	swait.ge [sflag:s9], $0x4000  }
0xde: {  	[sflag:s9] =	ssyncset.done $0x0  }
0xdf: {  	s8 =	rddreg [dreg:$0xc];
	[sflag:s9] =	ssyncadd.s32 $0xFFFFC000  }
0xe0: {  	[tilespmem:s13], [sflag:$0x2] =	stream.indirect.gather [hbm4b:s4+s11], $0x80, s8, s11, $0xb8;
	[tilespmem:$0x1CC00] =	vst v63  }
0xe1: {  	_ =	swait.ge [sflag:s14], $0x4000  }
0xe2: {  	[sflag:s14] =	ssyncset.done $0x0  }
0xe3: {  	s8 =	rddreg [dreg:$0xd];
	[sflag:s14] =	ssyncadd.s32 $0xFFFFC000  }
0xe4: {  	[spmem:s2] =	stream.indirect.scatter.add.f32 [tilespmem:s12], [sflag:$0x3], $0x80, s8, s11, $0xb8;
	[tilespmem:$0x1CC00] =	vst v63  }
0xe5: {  	_ =	swait.ge [sflag:s9], $0x4000  }
0xe6: {  	[sflag:s9] =	ssyncset.done $0x0  }
0xe7: {  	s8 =	rddreg [dreg:$0xe];
	[sflag:s9] =	ssyncadd.s32 $0xFFFFC000  }
0xe8: {  	[tilespmem:s12], [sflag:$0x1] =	stream.indirect.gather [hbm4b:s4+s11], $0x80, s8, s11, $0xb8;
	[tilespmem:$0x1CC00] =	vst v63  }
0xe9: {  	_ =	swait.ge [sflag:s15], $0x4000  }
0xea: {  	[sflag:s15] =	ssyncset.done $0x0  }
0xeb: {  	s8 =	rddreg [dreg:$0xf];
	[sflag:s15] =	ssyncadd.s32 $0xFFFFC000  }
0xec: {  	[spmem:s2] =	stream.indirect.scatter.add.f32 [tilespmem:s13], [sflag:$0x3], $0x80, s8, s11, $0xb8;
	[tilespmem:$0x1CC00] =	vst v63  }
0xed: {  	_ =	swait.ge [sflag:s9], $0x4000  }
0xee: {  	[sflag:s9] =	ssyncset.done $0x0  }
0xef: {  	s8 =	rddreg [dreg:$0x10];
	[sflag:s9] =	ssyncadd.s32 $0xFFFFC000  }
0xf0: {  	[tilespmem:s13], [sflag:$0x2] =	stream.indirect.gather [hbm4b:s4+s11], $0x80, s8, s11, $0xb8;
	[tilespmem:$0x1CC00] =	vst v63  }
0xf1: {  	_ =	swait.ge [sflag:s14], $0x4000  }
0xf2: {  	[sflag:s14] =	ssyncset.done $0x0  }
0xf3: {  	s8 =	rddreg [dreg:$0x11];
	[sflag:s14] =	ssyncadd.s32 $0xFFFFC000  }
0xf4: {  	[spmem:s2] =	stream.indirect.scatter.add.f32 [tilespmem:s12], [sflag:$0x3], $0x80, s8, s11, $0xb8;
	[tilespmem:$0x1CC00] =	vst v63  }
0xf5: {  	_ =	swait.ge [sflag:s9], $0x4000  }
0xf6: {  	[sflag:s9] =	ssyncset.done $0x0  }
0xf7: {  	[sflag:s9] =	ssyncadd.s32 $0xFFFFC000  }
0xf8: {  	[tilespmem:s12], [sflag:$0x1] =	stream.indirect.gather [hbm4b:s4+s11], $0x80, s16, s11, $0xb8;
	[tilespmem:$0x1CC00] =	vst v63  }
0xf9: {  	_ =	swait.ge [sflag:s15], $0x4000  }
0xfa: {  	[sflag:s15] =	ssyncset.done $0x0  }
0xfb: {  	[sflag:s15] =	ssyncadd.s32 $0xFFFFC000  }
0xfc: {  	[spmem:s2] =	stream.indirect.scatter.add.f32 [tilespmem:s13], [sflag:$0x3], $0x80, s17, s11, $0xb8;
	[tilespmem:$0x1CC00] =	vst v63  }
0xfd: {  	_ =	swait.ge [sflag:s9], $0x4000  }
0xfe: {  	[sflag:s9] =	ssyncset.done $0x0  }
0xff: {  	[sflag:s9] =	ssyncadd.s32 $0xFFFFC000  }
0x100: {  	[tilespmem:s13], [sflag:$0x2] =	stream.indirect.gather [hbm4b:s4+s11], $0x80, s18, s11, $0xb8;
	[tilespmem:$0x1CC00] =	vst v63  }
0x101: {  	_ =	swait.ge [sflag:s14], $0x4000  }
0x102: {  	[sflag:s14] =	ssyncset.done $0x0  }
0x103: {  	[sflag:s14] =	ssyncadd.s32 $0xFFFFC000  }
0x104: {  	[spmem:s2] =	stream.indirect.scatter.add.f32 [tilespmem:s12], [sflag:$0x3], $0x80, s19, s11, $0xb8;
	[tilespmem:$0x1CC00] =	vst v63  }
0x105: {  	_ =	swait.ge [sflag:s9], $0x4000  }
0x106: {  	[sflag:s9] =	ssyncset.done $0x0  }
0x107: {  	[sflag:s9] =	ssyncadd.s32 $0xFFFFC000  }
0x108: {  	[tilespmem:s12], [sflag:$0x1] =	stream.indirect.gather [hbm4b:s4+s11], $0x80, s20, s11, $0xb8;
	[tilespmem:$0x1CC00] =	vst v63  }
0x109: {  	_ =	swait.ge [sflag:s15], $0x4000  }
0x10a: {  	[sflag:s15] =	ssyncset.done $0x0  }
0x10b: {  	[sflag:s15] =	ssyncadd.s32 $0xFFFFC000  }
0x10c: {  	[spmem:s2] =	stream.indirect.scatter.add.f32 [tilespmem:s13], [sflag:$0x3], $0x80, s21, s11, $0xb8;
	[tilespmem:$0x1CC00] =	vst v63  }
0x10d: {  	_ =	swait.ge [sflag:s9], $0x4000  }
0x10e: {  	[sflag:s9] =	ssyncset.done $0x0  }
0x10f: {  	[sflag:s9] =	ssyncadd.s32 $0xFFFFC000  }
0x110: {  	[tilespmem:s13], [sflag:$0x2] =	stream.indirect.gather [hbm4b:s4+s11], $0x80, s22, s11, $0xb8;
	[tilespmem:$0x1CC00] =	vst v63  }
0x111: {  	_ =	swait.ge [sflag:s14], $0x4000  }
0x112: {  	[sflag:s14] =	ssyncset.done $0x0  }
0x113: {  	[sflag:s14] =	ssyncadd.s32 $0xFFFFC000  }
0x114: {  	[spmem:s2] =	stream.indirect.scatter.add.f32 [tilespmem:s12], [sflag:$0x3], $0x80, s24, s11, $0xb8;
	[tilespmem:$0x1CC00] =	vst v63  }
0x115: {  	_ =	swait.ge [sflag:s9], $0x4000  }
0x116: {  	[sflag:s9] =	ssyncset.done $0x0  }
0x117: {  	[sflag:s9] =	ssyncadd.s32 $0xFFFFC000  }
0x118: {  	[tilespmem:s12], [sflag:$0x1] =	stream.indirect.gather [hbm4b:s4+s11], $0x80, s26, s11, $0xb8;
	[tilespmem:$0x1CC00] =	vst v63  }
0x119: {  	_ =	swait.ge [sflag:s15], $0x4000  }
0x11a: {  	[sflag:s15] =	ssyncset.done $0x0  }
0x11b: {  	[sflag:s15] =	ssyncadd.s32 $0xFFFFC000  }
0x11c: {  	[spmem:s2] =	stream.indirect.scatter.add.f32 [tilespmem:s13], [sflag:$0x3], $0x80, s28, s11, $0xb8;
	[tilespmem:$0x1CC00] =	vst v63  }
0x11d: {  	_ =	swait.ge [sflag:s9], $0x4000  }
0x11e: {  	[sflag:s9] =	ssyncset.done $0x0  }
0x11f: {  	[sflag:s9] =	ssyncadd.s32 $0xFFFFC000  }
0x120: {  	[tilespmem:s13], [sflag:$0x2] =	stream.indirect.gather [hbm4b:s4+s11], $0x80, s29, s11, $0xb8;
	[tilespmem:$0x1CC00] =	vst v63  }
0x121: {  	_ =	swait.ge [sflag:s14], $0x4000  }
0x122: {  	[sflag:s14] =	ssyncset.done $0x0  }
0x123: {  	[sflag:s14] =	ssyncadd.s32 $0xFFFFC000  }
0x124: {  	[spmem:s2] =	stream.indirect.scatter.add.f32 [tilespmem:s12], [sflag:$0x3], $0x80, s30, s11, $0xb8;
	[tilespmem:$0x1CC00] =	vst v63  }
0x125: {  	_ =	swait.ge [sflag:s9], $0x4000  }
0x126: {  	[sflag:s9] =	ssyncset.done $0x0  }
0x127: {  	[sflag:s9] =	ssyncadd.s32 $0xFFFFC000  }
0x128: {  	[tilespmem:s12], [sflag:$0x1] =	stream.indirect.gather [hbm4b:s4+s11], $0x80, s31, s11, $0xb8;
	[tilespmem:$0x1CC00] =	vst v63  }
0x129: {  	_ =	swait.ge [sflag:s15], $0x4000  }
0x12a: {  	[sflag:s15] =	ssyncset.done $0x0  }
0x12b: {  	[sflag:s15] =	ssyncadd.s32 $0xFFFFC000  }
0x12c: {  	[spmem:s2] =	stream.indirect.scatter.add.f32 [tilespmem:s13], [sflag:$0x3], $0x80, s0, s11, $0xb8;
	[tilespmem:$0x1CC00] =	vst v63  }
0x12d: {  	_ =	swait.ge [sflag:s9], $0x4000  }
0x12e: {  	[sflag:s9] =	ssyncset.done $0x0  }
0x12f: {  	[sflag:s9] =	ssyncadd.s32 $0xFFFFC000  }
0x130: {  	[tilespmem:s13], [sflag:$0x2] =	stream.indirect.gather [hbm4b:s4+s11], $0x80, s1, s11, $0xb8;
	[tilespmem:$0x1CC00] =	vst v63  }
0x131: {  	_ =	swait.ge [sflag:s14], $0x4000  }
0x132: {  	[sflag:s14] =	ssyncset.done $0x0  }
0x133: {  	[sflag:s14] =	ssyncadd.s32 $0xFFFFC000  }
0x134: {  	[spmem:s2] =	stream.indirect.scatter.add.f32 [tilespmem:s12], [sflag:$0x3], $0x80, s5, s11, $0xb8;
	[tilespmem:$0x1CC00] =	vst v63  }
0x135: {  	_ =	swait.ge [sflag:s9], $0x4000  }
0x136: {  	[sflag:s9] =	ssyncset.done $0x0  }
0x137: {  	[sflag:s9] =	ssyncadd.s32 $0xFFFFC000  }
0x138: {  	p0 =	sne.s32 s25, $0x400;
	_ =	swait.ge [sflag:s15], $0x4000  }
.Ltmp0:
0x139: {  	[sflag:s15] =	ssyncset.done $0x0;
	(pc) =	sbr.rel @p0 .LBB2_2-.Ltmp0, $4  }
0x13a: {  	[sflag:s15] =	ssyncadd.s32 $0xFFFFC000  }
0x13b: {  	[spmem:s2] =	stream.indirect.scatter.add.f32 [tilespmem:s13], [sflag:$0x3], $0x80, s7, s11, $0xb8;
	[tilespmem:$0x1CC00] =	vst v63  }
0x13c: {  	_ =	swait.ge [sflag:s9], $0x4000  }
0x13d: {  	s25 =	sadd.s32 $0x100, s25;
	s6 =	rddreg [dreg:$0x5];
	[sflag:s9] =	ssyncset.done $0x0  }
0x13e: {  	[sflag:s9] =	ssyncadd.s32 $0xFFFFC000;
	s6 =	sadd.s32 s23, s6  }
0x13f: {  	[tilespmem:s3], [sflag:$0x3] =	stream.linear.gather [hbm4b:s6+s3], $0x800, $0x38;
	[tilespmem:$0x1CC00] =	vst v63  }
0x140: {  	_ =	swait.ge [sflag:s9], $0x800  }
0x141: {  	s8 =	rddreg [dreg:$0x4];
	[sflag:s9] =	ssyncset.done $0x0  }
0x142: {  	s6 =	sadd.s32 s23, s8;
	[sflag:s9] =	ssyncadd.s32 $0xFFFFF800  }
0x143: {  	[tilespmem:s10], [sflag:$0x3] =	stream.linear.gather [hbm4b:s6+s3], $0x800, $0x38;
	[tilespmem:$0x1CC00] =	vst v63  }
0x144: {  	_ =	swait.ge [sflag:s9], $0x800  }
0x145: {  	[sflag:s9] =	ssyncset.done $0x0  }
0x146: {  	[sflag:s9] =	ssyncadd.s32 $0xFFFFF800  }
0x147: {  	[tilespmem:s12], [sflag:$0x1] =	stream.indirect.gather [hbm4b:s4+s11], $0x80, s3, s11, $0xb8;
	[tilespmem:$0x1CC00] =	vst v63  }
0x148: {  	_ = 	snop  }
0x149: {  	[tilespmem:s13], [sflag:$0x2] =	stream.indirect.gather [hbm4b:s4+s11], $0x80, s11, s11, $0xb8;
	[tilespmem:$0x1CC00] =	vst v63  }
0x14a: {  	_ =	swait.ge [sflag:s14], $0x4000  }
0x14b: {  	[sflag:s14] =	ssyncset.done $0x0  }
0x14c: {  	[sflag:s14] =	ssyncadd.s32 $0xFFFFC000  }
0x14d: {  	[spmem:s2] =	stream.indirect.scatter.add.f32 [tilespmem:s12], [sflag:$0x3], $0x80, s10, s11, $0xb8;
	[tilespmem:$0x1CC00] =	vst v63  }
0x14e: {  	_ =	swait.ge [sflag:s9], $0x4000  }
0x14f: {  	[sflag:s9] =	ssyncset.done $0x0  }
0x150: {  	s25 =	rddreg [dreg:$0x6];
	[sflag:s9] =	ssyncadd.s32 $0xFFFFC000  }
0x151: {  	[tilespmem:s12], [sflag:$0x1] =	stream.indirect.gather [hbm4b:s4+s11], $0x80, s25, s11, $0xb8;
	[tilespmem:$0x1CC00] =	vst v63  }
0x152: {  	_ =	swait.ge [sflag:s15], $0x4000  }
0x153: {  	[sflag:s15] =	ssyncset.done $0x0  }
0x154: {  	s8 =	rddreg [dreg:$0x7];
	[sflag:s15] =	ssyncadd.s32 $0xFFFFC000  }
0x155: {  	[spmem:s2] =	stream.indirect.scatter.add.f32 [tilespmem:s13], [sflag:$0x3], $0x80, s8, s11, $0xb8;
	[tilespmem:$0x1CC00] =	vst v63  }
0x156: {  	_ =	swait.ge [sflag:s9], $0x4000  }
0x157: {  	[sflag:s9] =	ssyncset.done $0x0  }
0x158: {  	s23 =	rddreg [dreg:$0x8];
	[sflag:s9] =	ssyncadd.s32 $0xFFFFC000  }
0x159: {  	[tilespmem:s13], [sflag:$0x2] =	stream.indirect.gather [hbm4b:s4+s11], $0x80, s23, s11, $0xb8;
	[tilespmem:$0x1CC00] =	vst v63  }
0x15a: {  	_ =	swait.ge [sflag:s14], $0x4000  }
0x15b: {  	[sflag:s14] =	ssyncset.done $0x0  }
0x15c: {  	s25 =	rddreg [dreg:$0x9];
	[sflag:s14] =	ssyncadd.s32 $0xFFFFC000  }
0x15d: {  	[spmem:s2] =	stream.indirect.scatter.add.f32 [tilespmem:s12], [sflag:$0x3], $0x80, s25, s11, $0xb8;
	[tilespmem:$0x1CC00] =	vst v63  }
0x15e: {  	_ =	swait.ge [sflag:s9], $0x4000  }
0x15f: {  	[sflag:s9] =	ssyncset.done $0x0  }
0x160: {  	s8 =	rddreg [dreg:$0xa];
	[sflag:s9] =	ssyncadd.s32 $0xFFFFC000  }
0x161: {  	[tilespmem:s12], [sflag:$0x1] =	stream.indirect.gather [hbm4b:s4+s11], $0x80, s8, s11, $0xb8;
	[tilespmem:$0x1CC00] =	vst v63  }
0x162: {  	_ =	swait.ge [sflag:s15], $0x4000  }
0x163: {  	[sflag:s15] =	ssyncset.done $0x0  }
0x164: {  	s23 =	rddreg [dreg:$0xb];
	[sflag:s15] =	ssyncadd.s32 $0xFFFFC000  }
0x165: {  	[spmem:s2] =	stream.indirect.scatter.add.f32 [tilespmem:s13], [sflag:$0x3], $0x80, s23, s11, $0xb8;
	[tilespmem:$0x1CC00] =	vst v63  }
0x166: {  	_ =	swait.ge [sflag:s9], $0x4000  }
0x167: {  	[sflag:s9] =	ssyncset.done $0x0  }
0x168: {  	s25 =	rddreg [dreg:$0xc];
	[sflag:s9] =	ssyncadd.s32 $0xFFFFC000  }
0x169: {  	[tilespmem:s13], [sflag:$0x2] =	stream.indirect.gather [hbm4b:s4+s11], $0x80, s25, s11, $0xb8;
	[tilespmem:$0x1CC00] =	vst v63  }
0x16a: {  	_ =	swait.ge [sflag:s14], $0x4000  }
0x16b: {  	[sflag:s14] =	ssyncset.done $0x0  }
0x16c: {  	s8 =	rddreg [dreg:$0xd];
	[sflag:s14] =	ssyncadd.s32 $0xFFFFC000  }
0x16d: {  	[spmem:s2] =	stream.indirect.scatter.add.f32 [tilespmem:s12], [sflag:$0x3], $0x80, s8, s11, $0xb8;
	[tilespmem:$0x1CC00] =	vst v63  }
0x16e: {  	_ =	swait.ge [sflag:s9], $0x4000  }
0x16f: {  	[sflag:s9] =	ssyncset.done $0x0  }
0x170: {  	s23 =	rddreg [dreg:$0xe];
	[sflag:s9] =	ssyncadd.s32 $0xFFFFC000  }
0x171: {  	[tilespmem:s12], [sflag:$0x1] =	stream.indirect.gather [hbm4b:s4+s11], $0x80, s23, s11, $0xb8;
	[tilespmem:$0x1CC00] =	vst v63  }
0x172: {  	_ =	swait.ge [sflag:s15], $0x4000  }
0x173: {  	[sflag:s15] =	ssyncset.done $0x0  }
0x174: {  	s25 =	rddreg [dreg:$0xf];
	[sflag:s15] =	ssyncadd.s32 $0xFFFFC000  }
0x175: {  	[spmem:s2] =	stream.indirect.scatter.add.f32 [tilespmem:s13], [sflag:$0x3], $0x80, s25, s11, $0xb8;
	[tilespmem:$0x1CC00] =	vst v63  }
0x176: {  	_ =	swait.ge [sflag:s9], $0x4000  }
0x177: {  	[sflag:s9] =	ssyncset.done $0x0  }
0x178: {  	s8 =	rddreg [dreg:$0x10];
	[sflag:s9] =	ssyncadd.s32 $0xFFFFC000  }
0x179: {  	[tilespmem:s13], [sflag:$0x2] =	stream.indirect.gather [hbm4b:s4+s11], $0x80, s8, s11, $0xb8;
	[tilespmem:$0x1CC00] =	vst v63  }
0x17a: {  	_ =	swait.ge [sflag:s14], $0x4000  }
0x17b: {  	[sflag:s14] =	ssyncset.done $0x0  }
0x17c: {  	s23 =	rddreg [dreg:$0x11];
	[sflag:s14] =	ssyncadd.s32 $0xFFFFC000  }
0x17d: {  	[spmem:s2] =	stream.indirect.scatter.add.f32 [tilespmem:s12], [sflag:$0x3], $0x80, s23, s11, $0xb8;
	[tilespmem:$0x1CC00] =	vst v63  }
0x17e: {  	_ =	swait.ge [sflag:s9], $0x4000  }
0x17f: {  	[sflag:s9] =	ssyncset.done $0x0  }
0x180: {  	[sflag:s9] =	ssyncadd.s32 $0xFFFFC000  }
0x181: {  	[tilespmem:s12], [sflag:$0x1] =	stream.indirect.gather [hbm4b:s4+s11], $0x80, s16, s11, $0xb8;
	[tilespmem:$0x1CC00] =	vst v63  }
0x182: {  	_ =	swait.ge [sflag:s15], $0x4000  }
0x183: {  	[sflag:s15] =	ssyncset.done $0x0  }
0x184: {  	[sflag:s15] =	ssyncadd.s32 $0xFFFFC000  }
0x185: {  	[spmem:s2] =	stream.indirect.scatter.add.f32 [tilespmem:s13], [sflag:$0x3], $0x80, s17, s11, $0xb8;
	[tilespmem:$0x1CC00] =	vst v63  }
0x186: {  	_ =	swait.ge [sflag:s9], $0x4000  }
0x187: {  	[sflag:s9] =	ssyncset.done $0x0  }
0x188: {  	[sflag:s9] =	ssyncadd.s32 $0xFFFFC000  }
0x189: {  	[tilespmem:s13], [sflag:$0x2] =	stream.indirect.gather [hbm4b:s4+s11], $0x80, s18, s11, $0xb8;
	[tilespmem:$0x1CC00] =	vst v63  }
0x18a: {  	_ =	swait.ge [sflag:s14], $0x4000  }
0x18b: {  	[sflag:s14] =	ssyncset.done $0x0  }
0x18c: {  	[sflag:s14] =	ssyncadd.s32 $0xFFFFC000  }
0x18d: {  	[spmem:s2] =	stream.indirect.scatter.add.f32 [tilespmem:s12], [sflag:$0x3], $0x80, s19, s11, $0xb8;
	[tilespmem:$0x1CC00] =	vst v63  }
0x18e: {  	_ =	swait.ge [sflag:s9], $0x4000  }
0x18f: {  	[sflag:s9] =	ssyncset.done $0x0  }
0x190: {  	[sflag:s9] =	ssyncadd.s32 $0xFFFFC000  }
0x191: {  	[tilespmem:s12], [sflag:$0x1] =	stream.indirect.gather [hbm4b:s4+s11], $0x80, s20, s11, $0xb8;
	[tilespmem:$0x1CC00] =	vst v63  }
0x192: {  	_ =	swait.ge [sflag:s15], $0x4000  }
0x193: {  	[sflag:s15] =	ssyncset.done $0x0  }
0x194: {  	[sflag:s15] =	ssyncadd.s32 $0xFFFFC000  }
0x195: {  	[spmem:s2] =	stream.indirect.scatter.add.f32 [tilespmem:s13], [sflag:$0x3], $0x80, s21, s11, $0xb8;
	[tilespmem:$0x1CC00] =	vst v63  }
0x196: {  	_ =	swait.ge [sflag:s9], $0x4000  }
0x197: {  	[sflag:s9] =	ssyncset.done $0x0  }
0x198: {  	[sflag:s9] =	ssyncadd.s32 $0xFFFFC000  }
0x199: {  	[tilespmem:s13], [sflag:$0x2] =	stream.indirect.gather [hbm4b:s4+s11], $0x80, s22, s11, $0xb8;
	[tilespmem:$0x1CC00] =	vst v63  }
0x19a: {  	_ =	swait.ge [sflag:s14], $0x4000  }
0x19b: {  	[sflag:s14] =	ssyncset.done $0x0  }
0x19c: {  	[sflag:s14] =	ssyncadd.s32 $0xFFFFC000  }
0x19d: {  	[spmem:s2] =	stream.indirect.scatter.add.f32 [tilespmem:s12], [sflag:$0x3], $0x80, s24, s11, $0xb8;
	[tilespmem:$0x1CC00] =	vst v63  }
0x19e: {  	_ =	swait.ge [sflag:s9], $0x4000  }
0x19f: {  	[sflag:s9] =	ssyncset.done $0x0  }
0x1a0: {  	[sflag:s9] =	ssyncadd.s32 $0xFFFFC000  }
0x1a1: {  	[tilespmem:s12], [sflag:$0x1] =	stream.indirect.gather [hbm4b:s4+s11], $0x80, s26, s11, $0xb8;
	[tilespmem:$0x1CC00] =	vst v63  }
0x1a2: {  	_ =	swait.ge [sflag:s15], $0x4000  }
0x1a3: {  	[sflag:s15] =	ssyncset.done $0x0  }
0x1a4: {  	[sflag:s15] =	ssyncadd.s32 $0xFFFFC000  }
0x1a5: {  	[spmem:s2] =	stream.indirect.scatter.add.f32 [tilespmem:s13], [sflag:$0x3], $0x80, s28, s11, $0xb8;
	[tilespmem:$0x1CC00] =	vst v63  }
0x1a6: {  	_ =	swait.ge [sflag:s9], $0x4000  }
0x1a7: {  	[sflag:s9] =	ssyncset.done $0x0  }
0x1a8: {  	[sflag:s9] =	ssyncadd.s32 $0xFFFFC000  }
0x1a9: {  	[tilespmem:s13], [sflag:$0x2] =	stream.indirect.gather [hbm4b:s4+s11], $0x80, s29, s11, $0xb8;
	[tilespmem:$0x1CC00] =	vst v63  }
0x1aa: {  	_ =	swait.ge [sflag:s14], $0x4000  }
0x1ab: {  	[sflag:s14] =	ssyncset.done $0x0  }
0x1ac: {  	[sflag:s14] =	ssyncadd.s32 $0xFFFFC000  }
0x1ad: {  	[spmem:s2] =	stream.indirect.scatter.add.f32 [tilespmem:s12], [sflag:$0x3], $0x80, s30, s11, $0xb8;
	[tilespmem:$0x1CC00] =	vst v63  }
0x1ae: {  	_ =	swait.ge [sflag:s9], $0x4000  }
0x1af: {  	[sflag:s9] =	ssyncset.done $0x0  }
0x1b0: {  	[sflag:s9] =	ssyncadd.s32 $0xFFFFC000  }
0x1b1: {  	[tilespmem:s12], [sflag:$0x1] =	stream.indirect.gather [hbm4b:s4+s11], $0x80, s31, s11, $0xb8;
	[tilespmem:$0x1CC00] =	vst v63  }
0x1b2: {  	_ =	swait.ge [sflag:s15], $0x4000  }
0x1b3: {  	[sflag:s15] =	ssyncset.done $0x0  }
0x1b4: {  	[sflag:s15] =	ssyncadd.s32 $0xFFFFC000  }
0x1b5: {  	[spmem:s2] =	stream.indirect.scatter.add.f32 [tilespmem:s13], [sflag:$0x3], $0x80, s0, s11, $0xb8;
	[tilespmem:$0x1CC00] =	vst v63  }
0x1b6: {  	_ =	swait.ge [sflag:s9], $0x4000  }
0x1b7: {  	[sflag:s9] =	ssyncset.done $0x0  }
0x1b8: {  	[sflag:s9] =	ssyncadd.s32 $0xFFFFC000  }
0x1b9: {  	[tilespmem:s13], [sflag:$0x2] =	stream.indirect.gather [hbm4b:s4+s11], $0x80, s1, s11, $0xb8;
	[tilespmem:$0x1CC00] =	vst v63  }
0x1ba: {  	_ =	swait.ge [sflag:s14], $0x4000  }
0x1bb: {  	[sflag:s14] =	ssyncset.done $0x0  }
0x1bc: {  	[sflag:s14] =	ssyncadd.s32 $0xFFFFC000  }
0x1bd: {  	[spmem:s2] =	stream.indirect.scatter.add.f32 [tilespmem:s12], [sflag:$0x3], $0x80, s5, s11, $0xb8;
	[tilespmem:$0x1CC00] =	vst v63  }
0x1be: {  	_ =	swait.ge [sflag:s9], $0x4000  }
0x1bf: {  	[sflag:s9] =	ssyncset.done $0x0  }
0x1c0: {  	[sflag:s9] =	ssyncadd.s32 $0xFFFFC000  }
0x1c1: {  	_ =	swait.ge [sflag:s15], $0x4000  }
0x1c2: {  	[sflag:s15] =	ssyncset.done $0x0  }
0x1c3: {  	[sflag:s15] =	ssyncadd.s32 $0xFFFFC000  }
0x1c4: {  	[spmem:s2] =	stream.indirect.scatter.add.f32 [tilespmem:s13], [sflag:$0x3], $0x80, s7, s11, $0xb8;
	[tilespmem:$0x1CC00] =	vst v63  }
0x1c5: {  	_ =	swait.ge [sflag:s9], $0x4000  }
0x1c6: {  	[sflag:s9] =	ssyncset.done $0x0  }
0x1c7: {  	[sflag:s9] =	ssyncadd.s32 $0xFFFFC000  }
0x1c8: {  	[bflag:$0x0] =	sbarrier.arrive $0xFFFF  }
0x1c9: {  	s23 =	rddreg [dreg:$0x13]  }
0x1ca: {  	s25 =	rddreg [dreg:$0x16]  }
0x1cb: {  	s8 =	rddreg [dreg:$0x17]  }
0x1cc: {  	[hbm:s25], [sflag:s23] =	dma.local [spmem:s8], $0x2780  }
0x1cd: {  	_ =	swait.ge [sflag:s9], $0x2780  }
0x1ce: {  	s6 =	rddreg [dreg:$0x18]  }
0x1cf: {  	s25 =	rddreg [dreg:$0x14];
	s8 =	sadd.s32 $0x1, s6  }
0x1d0: {  	p0 =	sne.s32 s8, s25  }
.Ltmp1:
0x1d1: {  	_ = 	snop;
	(pc) =	sbr.rel @p0 .LBB2_1-.Ltmp1, $3  }
0x1d2: {  	_ =	sdelay $0x1  }
0x1d3: {  	[sflag:s9] =	ssyncset.done $0x0  }
0x1d4: {  	[sflag:s9] =	ssyncadd.s32 $0xFFFFD880  }
0x1d5: {  	_ =	sfence.sel $0x180000  }
0x1d6: {  	[bflag:$0x0] =	sbarrier.arrive $0xFFFF  }
0x1d7: {  	_ =	strace $0x9000004A  }
0x1d8: {  	s0 =	stileid.u32;
	[bflag:$0x2] =	sbarrier.arrive $0xFFFF  }
0x1d9: {  	p0 =	sne.s32 s0, $0x0;
	s0 =	rddreg [dreg:$0x3]  }
0x1da: {  	s0 =	sadd.s32 @!p0 $0x100000, s0  }
0x1db: {  	[sflag:s0] =	ssyncadd.tile.s32 @!p0 $0x1;
	_ =	shalt  }
.Lfunc_end2:
_tile_overlayer_lowered:
.L_overlay_start_2:
0x1dc: {  	(tag) =	ssettag $0x2  }
0x1dd: {  	s0 =	rddreg [dreg:$0x0];
	s2 =	stileid.u32  }
0x1de: {  	s1 =	rddreg [dreg:$0x1];
	p0 =	sne.s32 s2, $0x0  }
0x1df: {  	s3 =	rddreg [dreg:$0x2];
	[bflag:$0x3] =	sbarrier.arrive $0xFFFF;
	s2 =	simm.s32 @!p0 $0x1C03  }
0x1e0: {  	[timem:s3], [sflag:s2] =	dma.local @!p0 [hbm:s0], s1  }
0x1e1: {  	s0 =	simm.s32 @!p0 $0x3  }
0x1e2: {  	_ =	swait.ge @!p0 [sflag:s0], s1  }
0x1e3: {  	s1 =	ssub.s32 @!p0 $0x0, s1;
	[sflag:s0] =	ssyncset.done @!p0 $0x0  }
0x1e4: {  	[sflag:s0] =	ssyncadd.s32 @!p0 s1  }
0x1e5: {  	[bflag:$0x3] =	sbarrier.arrive $0xFFFF  }
0x1e6: {  	_ =	shalt  }

// kernel: kernel.14.cloned.1.call-start
scs
__scs_entry_jumppad:
0x0: {  	(pc) =	sbr.rel $0x88, $3  }
0x1: {  	(tag) =	ssettag $0x0;
	lr =	simm.s32 $0x1  }
0x2: {  	[smem:$0x3F9B] =	sst lr;
	_ =	strace $0xD0000000  }
0x3: {  	_ = 	snop  }
0x4: {  	_ = 	snop  }
0x5: {  	_ = 	snop  }
0x6: {  	_ = 	snop  }
0x7: {  	_ = 	snop  }
__scs_overlays_trampoline_lowered:
0x8: {  	[smem:$0x3FAA] =	sst s0  }
0x9: {  	[smem:$0x3FAB] =	sst s1  }
0xa: {  	[smem:$0x3FAC] =	sst s2  }
0xb: {  	[smem:$0x3FAD] =	sst s3  }
0xc: {  	[smem:$0x3FAE] =	sst s4  }
0xd: {  	[smem:$0x3FAF] =	sst s5  }
0xe: {  	[smem:$0x3FB0] =	sst s6  }
0xf: {  	[smem:$0x3FB1] =	sst s7  }
0x10: {  	[smem:$0x3FB2] =	sst s8  }
0x11: {  	[smem:$0x3FB3] =	sst s9;
	s0 =	simm.s32 @!p0 $0x0  }
0x12: {  	s1 =	sld [smem:$0x3F99];
	s0 =	simm.s32 @p0 $0x1  }
0x13: {  	[smem:$0x3FB4] =	sst s0;
	s0 =	simm.s32 @!p1 $0x0  }
0x14: {  	s2 =	sld [smem:$0x3F98];
	s0 =	simm.s32 @p1 $0x1  }
0x15: {  	[smem:$0x3FB5] =	sst s0;
	s0 =	simm.s32 @!p2 $0x0  }
0x16: {  	s3 =	sld [smem:$0x3FDB];
	s0 =	simm.s32 @p2 $0x1  }
0x17: {  	s4 =	simm.s32 $0x1BF5;
	[smem:$0x3FB7] =	sst s0  }
0x18: {  	s0 =	sld [smem:$0x3F9A];
	_ =	swait.ge [sflag:s4], $0x0  }
0x19: {  	s7 =	sld [smem:$0x3F9B]  }
0x1a: {  	s8 =	sadd.s32 $0xFFFFE003, lr  }
0x1b: {  	s9 =	sadd.s32 $0xFFFFFEF7, lr;
	s5 =	simm.s32 $0xFFFFFFFF;
	p2 =	slt.u32 s8, $0xFFFFF086  }
0x1c: {  	p1 =	slt.u32 s9, $0xF7A;
	s5 =	simm.s32 @!p2 $0x0  }
0x1d: {  	s5 =	simm.s32 @p1 $0x1;
	p0 =	seq.s32 s7, s2  }
0x1e: {  	s7 =	smul.u32 @!p0 $0xF7A, s2;
	p2 =	seq.s32 @!p0 s5, $0x0  }
0x1f: {  	s9 =	smul.u32 $0xF7A, s1;
	s8 =	simm.s32 @!p0 $0x1BF5;
	p2 =	por !p2, p0  }
0x20: {  	[sflag:s8] =	ssyncset.s32 @!p0 $0xFFFFF086;
	s6 =	sadd.s32 @!p0 s3, s7;
	s7 =	simm.s32 @!p0 $0x108  }
0x21: {  	s3 =	sadd.s32 s3, s9;
	s6 =	sadd.s32 @!p0 $0x88, s6;
	s7 =	simm.s32 @p2 $0x1082  }
0x22: {  	[simem:s7], [sflag:s8] =	dma.local @!p0 [hbm:s6], $0xF7A  }
0x23: {  	s9 =	sor.u32 $0xD0000000, s2;
	s6 =	simm.s32 $0x108;
	_ =	swait.ge @!p0 [sflag:s8], $0x0  }
0x24: {  	s3 =	sadd.s32 $0x88, s3;
	s6 =	simm.s32 @!p1 $0x1082;
	[sflag:s4] =	ssyncset.s32 $0xFFFFF086  }
0x25: {  	[simem:s6], [sflag:s4] =	dma.local [hbm:s3], $0xF7A  }
0x26: {  	[smem:$0x3F9B] =	sst s1;
	(tag) =	ssettag s2;
	_ =	strace s9  }
0x27: {  	s1 =	sld [smem:$0x3FAB]  }
0x28: {  	s2 =	sld [smem:$0x3FAC]  }
0x29: {  	s4 =	sld [smem:$0x3FAE]  }
0x2a: {  	p0 =	seq.s32 s5, $0x0;
	s5 =	sld [smem:$0x3FAF]  }
0x2b: {  	s6 =	sld [smem:$0x3FB0]  }
0x2c: {  	s7 =	sld [smem:$0x3FB1]  }
0x2d: {  	s3 =	simm.s32 $0x108;
	s8 =	sld [smem:$0x3FB2]  }
0x2e: {  	s3 =	simm.s32 @!p0 $0x1082;
	s9 =	sld [smem:$0x3FB3]  }
0x2f: {  	lr =	sadd.s32 s0, s3;
	s0 =	sld [smem:$0x3FAA]  }
0x30: {  	s3 =	sld [smem:$0x3FAD]  }
0x31: {  	[smem:$0x3FB6] =	sst s10  }
0x32: {  	s10 =	sld [smem:$0x3FB4];
	_ =	sdelay $0x3  }
0x33: {  	p0 =	seq.s32 s10, $0x1;
	s10 =	sld [smem:$0x3FB6];
	_ =	sdelay $0x3  }
0x34: {  	[smem:$0x3FB6] =	sst s10  }
0x35: {  	s10 =	sld [smem:$0x3FB5];
	_ =	sdelay $0x3  }
0x36: {  	p1 =	seq.s32 s10, $0x1;
	s10 =	sld [smem:$0x3FB6];
	_ =	sdelay $0x3  }
0x37: {  	[smem:$0x3FB6] =	sst s10  }
0x38: {  	s10 =	sld [smem:$0x3FB7]  }
0x39: {  	_ = 	snop;
	(pc) =	sbr.ind lr, $3  }
0x3a: {  	_ = 	snop  }
0x3b: {  	_ = 	snop  }
0x3c: {  	p2 =	seq.s32 s10, $0x1;
	s10 =	sld [smem:$0x3FB6]  }
0x3d: {  	_ =	shalt  }
0x3e: {  	_ =	shalt  }
0x3f: {  	_ =	shalt  }
0x40: {  	_ =	shalt  }
0x41: {  	_ =	shalt  }
0x42: {  	_ =	shalt  }
0x43: {  	_ =	shalt  }
0x44: {  	_ =	shalt  }
0x45: {  	_ =	shalt  }
0x46: {  	_ =	shalt  }
0x47: {  	_ =	shalt  }
0x48: {  	_ =	shalt  }
0x49: {  	_ =	shalt  }
0x4a: {  	_ =	shalt  }
0x4b: {  	_ =	shalt  }
0x4c: {  	_ =	shalt  }
0x4d: {  	_ =	shalt  }
0x4e: {  	_ =	shalt  }
0x4f: {  	_ =	shalt  }
0x50: {  	_ =	shalt  }
0x51: {  	_ =	shalt  }
0x52: {  	_ =	shalt  }
0x53: {  	_ =	shalt  }
0x54: {  	_ =	shalt  }
0x55: {  	_ =	shalt  }
0x56: {  	_ =	shalt  }
0x57: {  	_ =	shalt  }
0x58: {  	_ =	shalt  }
0x59: {  	_ =	shalt  }
0x5a: {  	_ =	shalt  }
0x5b: {  	_ =	shalt  }
0x5c: {  	_ =	shalt  }
0x5d: {  	_ =	shalt  }
0x5e: {  	_ =	shalt  }
0x5f: {  	_ =	shalt  }
0x60: {  	_ =	shalt  }
0x61: {  	_ =	shalt  }
0x62: {  	_ =	shalt  }
0x63: {  	_ =	shalt  }
0x64: {  	_ =	shalt  }
0x65: {  	_ =	shalt  }
0x66: {  	_ =	shalt  }
0x67: {  	_ =	shalt  }
0x68: {  	_ =	shalt  }
0x69: {  	_ =	shalt  }
0x6a: {  	_ =	shalt  }
0x6b: {  	_ =	shalt  }
0x6c: {  	_ =	shalt  }
0x6d: {  	_ =	shalt  }
0x6e: {  	_ =	shalt  }
0x6f: {  	_ =	shalt  }
0x70: {  	_ =	shalt  }
0x71: {  	_ =	shalt  }
0x72: {  	_ =	shalt  }
0x73: {  	_ =	shalt  }
0x74: {  	_ =	shalt  }
0x75: {  	_ =	shalt  }
0x76: {  	_ =	shalt  }
0x77: {  	_ =	shalt  }
0x78: {  	_ =	shalt  }
0x79: {  	_ =	shalt  }
0x7a: {  	_ =	shalt  }
0x7b: {  	_ =	shalt  }
0x7c: {  	_ =	shalt  }
0x7d: {  	_ =	shalt  }
0x7e: {  	_ =	shalt  }
0x7f: {  	_ =	shalt  }
0x80: {  	_ =	shalt  }
0x81: {  	_ =	shalt  }
0x82: {  	_ =	shalt  }
0x83: {  	_ =	shalt  }
0x84: {  	_ =	shalt  }
0x85: {  	_ =	shalt  }
0x86: {  	_ =	shalt  }
0x87: {  	_ =	shalt  }
.Lfunc_end0:
.L_simem_size_0:
called_computation.2_lowered:
.L_overlay_start_0:
0x88: {  	s2 =	sld [smem:$0x3FD9]  }
0x89: {  	s3 =	sld [smem:$0x3FFE];
	_ =	sdelay $0x1  }
0x8a: {  	s1 =	srdreg.scid  }
0x8b: {  	s0 =	sand.u32 $0x1, s1  }
0x8c: {  	s17 =	sshll.u32 s0, $0xA;
	s2 =	sadd.s32 s3, s2  }
0x8d: {  	s2 =	sadd.s32 s2, s17  }
0x8e: {  	[smem:$0x3FC2] =	sst s2  }
0x8f: {  	_ = 	snop  }
0x90: {  	s2 =	sld [smem:$0x3FD0];
	(tm) =	ssettm $0x1  }
0x91: {  	s18 =	sld [smem:$0x3FFB];
	_ =	sdelay $0x3  }
0x92: {  	_ =	strace s18  }
0x93: {  	s3 =	sld [smem:$0x3FFC];
	_ =	sdelay $0x3  }
0x94: {  	_ =	strace s3  }
0x95: {  	s3 =	sld [smem:$0x3FFD];
	_ =	sdelay $0x3  }
0x96: {  	_ =	strace s3  }
0x97: {  	_ =	strace $0x8FFFFFFF  }
0x98: {  	s19 =	sld [smem:$0x3FDB];
	_ =	sdelay $0x1  }
0x99: {  	s4 =	simm.s32 $_scs_section_size  }
0x9a: {  	s5 =	simm.s32 $_size__tile_overlayer_lowered;
	s6 =	simm.s32 $_tile_overlayer_lowered  }
0x9b: {  	s22 =	simm.s32 $0x1BFF;
	s21 =	sshll.u32 s6, $0x1;
	s3 =	sadd.s32 s4, s19  }
0x9c: {  	s7 =	simm.s32 $0x0;
	s20 =	sshll.u32 s5, $0x1;
	s5 =	sadd.s32 s21, s3  }
0x9d: {  	[timem:s7], [sflag:s22] =	dma.local [hbm:s5], s20  }
0x9e: {  	_ =	swait.ge [sflag:s22], s20  }
0x9f: {  	s4 =	ssub.s32 $0x0, s20;
	[sflag:s22] =	ssyncset.done $0x0  }
0xa0: {  	[sflag:s22] =	ssyncadd.s32 s4;
	_ =	sdelay $0x1  }
0xa1: {  	s23 =	simm.s32 $0x1B8B  }
0xa2: {  	_ =	swait.ge [sflag:s23], $0x1  }
0xa3: {  	[sflag:s23] =	ssyncset.done $0x0  }
0xa4: {  	s25 =	simm.s32 $0x1B8E;
	s24 =	sld [smem:$0x3FFE];
	[sflag:s23] =	ssyncadd.s32 $0xFFFFFFFF  }
0xa5: {  	s26 =	simm.s32 $execute0_lowered;
	[smem:$0x3FD2] =	sst s25  }
0xa6: {  	s5 =	sshll.u32 s26, $0x1;
	_ =	strace $0x8000004C;
	[dreg:$0x1] =	wrdreg $0xFFFFFFFF  }
0xa7: {  	s28 =	simm.s32 $_size_execute0_lowered;
	s3 =	sadd.s32 s3, s5;
	[dreg:$0x0] =	wrdreg $0x0  }
0xa8: {  	s5 =	sshll.u32 s28, $0x1;
	[dreg:$0x2] =	wrdreg s3  }
0xa9: {  	[dreg:$0x3] =	wrdreg s5  }
0xaa: {  	[dreg:$0x4] =	wrdreg $0xC0  }
0xab: {  	_ =	task [dreg:s7], $0x5FFFF  }
0xac: {  	[dreg:$0x1] =	wrdreg $0xFFFFFFFF  }
0xad: {  	[dreg:$0x0] =	wrdreg $0x60  }
0xae: {  	[dreg:$0x2] =	wrdreg s24  }
0xaf: {  	[dreg:$0x3] =	wrdreg s2  }
0xb0: {  	[dreg:$0x4] =	wrdreg $0x90000  }
0xb1: {  	[dreg:$0x5] =	wrdreg $0x9  }
0xb2: {  	_ =	task.clear_ibuf [dreg:s7], $0x6FFFF;
	_ =	strace $0x9000004C  }
0xb3: {  	s29 =	simm.s32 $0x9;
	_ =	strace $0x8000004E  }
0xb4: {  	_ =	swait.ge [sflag:s29], $0x1  }
0xb5: {  	[sflag:s29] =	ssyncadd.s32 $0xFFFFFFFF  }
0xb6: {  	_ =	strace $0x9000004E  }
0xb7: {  	_ =	sfence  }
0xb8: {  	s30 =	sld [smem:$0x0];
	_ =	sdelay $0x2  }
0xb9: {  	s31 =	sshll.u32 s1, $0xD;
	s1 =	sshrl.u32 s1, $0x2  }
0xba: {  	s3 =	sand.u32 $0x4000, s31;
	s1 =	sadd.s32 s1, s30  }
0xbb: {  	s0 =	sor.u32 s3, s0;
	s1 =	sshll.u32 s1, $0x11  }
0xbc: {  	s0 =	sor.u32 s1, s0  }
0xbd: {  	s0 =	sadd.s32 $0x8F2B, s0  }
0xbe: {  	[sflag:s0] =	ssyncadd.remote.s32 $0x1  }
0xbf: {  	_ =	sfence.sel $0xFFFF  }
0xc0: {  	[dreg:$0x0] =	wrdreg $0xFFFFFFFF;
	(pc) =	sbr.abs _section_cstart, $3  }
0xc1: {  	[dreg:$0x1] =	wrdreg $0xFFFFFFFF  }
0xc2: {  	_ =	task.clear_ibuf [dreg:s7], $0x2FFFF;
	_ =	strace $0x9FFFFFFF  }
0xc3: {  	(tm) =	ssettm $0x7FFFFFFF  }
tec
execute0_lowered:
.L_overlay_start_1:
0x0: {  	(tag) =	ssettag $0x1  }
0x1: {  	s0 =	rddreg [dreg:$0x0]  }
0x2: {  	s1 =	rddreg [dreg:$0x1]  }
0x3: {  	s2 =	rddreg [dreg:$0x2]  }
0x4: {  	s12 =	stileid.u32;
	s3 =	simm.s32 $0x0;
	s4 =	srdreg.scid  }
0x5: {  	s24 =	simm.s32 $0x100;
	s25 =	simm.s32 $0x880;
	s14 =	simm.s32 $0x180  }
0x6: {  	s15 =	simm.s32 $0x900;
	s13 =	simm.s32 $0x5000;
	s5 =	smul.u32 $0x2800, s12  }
0x7: {  	s28 =	simm.s32 $0xD80;
	s29 =	simm.s32 $0x680;
	s8 =	smul.u32 $0x4E000, s12  }
0x8: {  	s30 =	simm.s32 $0xE00;
	s31 =	simm.s32 $0x700;
	s11 =	smul.u32 $0x2700, s12  }
0x9: {  	[smem:$0x7FF] =	sst s3;
	s6 =	sand.u32 $0x1, s4;
	s21 =	smul.u32 $0x4F000, s12  }
0xa: {  	s4 =	sadd.s32 $0xC200, s0;
	s20 =	sshll.u32 s12, $0x6;
	s26 =	smul.u32 $0x2780, s12  }
0xb: {  	s12 =	simm.s32 $0x1000;
	_ =	strace $0x8000004D;
	[dreg:$0x6] =	wrdreg s24  }
0xc: {  	p0 =	seq.s32 s6, $0x0;
	s17 =	smul.u32 $0x27800, s6;
	[dreg:$0x7] =	wrdreg s25  }
0xd: {  	s6 =	ssub.s32 $0x2, s6;
	s23 =	sor.u32 $0x1C03, s20;
	[dreg:$0x8] =	wrdreg s14  }
0xe: {  	[dreg:$0x9] =	wrdreg s15;
	s20 =	simm.s32 $0xA00;
	s14 =	simm.s32 $0x1  }
0xf: {  	s24 =	simm.s32 $0x380;
	s15 =	simm.s32 $0x2;
	s25 =	simm.s32 $0xB00  }
0x10: {  	s7 =	sadd.s32 $0x28000, s5;
	s10 =	sshrl.u32 s6, $0x1;
	s18 =	sshrl.u32 s8, $0x2  }
0x11: {  	s19 =	sadd.s32 s4, s11;
	s22 =	sshrl.u32 s21, $0x2;
	[dreg:$0xd] =	wrdreg s20  }
0x12: {  	s11 =	simm.s32 $0x80;
	s21 =	simm.s32 $0x300;
	[dreg:$0x10] =	wrdreg s24  }
0x13: {  	[dreg:$0x11] =	wrdreg s25;
	s20 =	simm.s32 $0x500;
	s24 =	simm.s32 $0xD00  }
0x14: {  	s8 =	simm.s32 $0x0;
	[dreg:$0x13] =	wrdreg s23;
	s5 =	smov.u32 @p0 s7  }
0x15: {  	s6 =	ssub.s32 s6, s10;
	s7 =	sadd.s32 s18, s2;
	[dreg:$0x12] =	wrdreg s19  }
0x16: {  	s18 =	simm.s32 $0x980;
	s10 =	simm.s32 $0x800;
	s19 =	simm.s32 $0x280  }
0x17: {  	[dreg:$0xe] =	wrdreg s21;
	s21 =	simm.s32 $0xC80;
	s5 =	sshrl.u32 s5, $0x3  }
0x18: {  	s6 =	smax.u32 s6, $0x1;
	s16 =	sshrl.u32 s7, $0x3;
	[dreg:$0xb] =	wrdreg s18  }
0x19: {  	[dreg:$0xc] =	wrdreg s19;
	s18 =	simm.s32 $0x480;
	s19 =	simm.s32 $0xC00  }
0x1a: {  	s7 =	simm.s32 $0xF80;
	s9 =	sadd.s32 s5, s0;
	[dreg:$0x14] =	wrdreg s6  }
0x1b: {  	s0 =	sadd.s32 s17, s0;
	s1 =	sadd.s32 s5, s1;
	[dreg:$0x15] =	wrdreg s16  }
0x1c: {  	s5 =	sadd.s32 s22, s2;
	s17 =	simm.s32 $0x200;
	[dreg:$0x5] =	wrdreg s1  }
0x1d: {  	s22 =	simm.s32 $0xA80;
	s16 =	simm.s32 $0x400;
	[dreg:$0xa] =	wrdreg s17  }
0x1e: {  	s9 =	sadd.s32 $0x2200, s9;
	s0 =	sadd.s32 $0x83200, s0;
	[dreg:$0xf] =	wrdreg s22  }
0x1f: {  	s17 =	simm.s32 $0xB80;
	s22 =	simm.s32 $0x580;
	s1 =	simm.s32 $0x780  }
0x20: {  	[dreg:$0x4] =	wrdreg s9;
	s9 =	simm.s32 $0x3;
	s0 =	sadd.s32 s26, s0  }
0x21: {  	s26 =	sshrl.u32 s5, $0x3;
	s5 =	simm.s32 $0xF00;
	[dreg:$0x16] =	wrdreg s0  }
0x22: {  	[dreg:$0x17] =	wrdreg s26;
	s26 =	simm.s32 $0x600;
	s0 =	simm.s32 $0xE80  }
.LBB2_1:
0x23: {  	[dreg:$0x18] =	wrdreg s8  }
0x24: {  	s6 =	rddreg [dreg:$0x12]  }
0x25: {  	s25 =	rddreg [dreg:$0x15]  }
0x26: {  	[spmem:s25], [sflag:s23] =	dma.local [hbm:s6], $0x2800  }
0x27: {  	_ =	swait.ge [sflag:s9], $0x2800  }
0x28: {  	[sflag:s9] =	ssyncset.done $0x0  }
0x29: {  	[sflag:s9] =	ssyncadd.s32 $0xFFFFD800  }
0x2a: {  	[bflag:$0x0] =	sbarrier.arrive $0xFFFF  }
0x2b: {  	s23 =	rddreg [dreg:$0x5]  }
0x2c: {  	s6 =	sadd.s32 $0x0, s23  }
0x2d: {  	[tilespmem:s3], [sflag:$0x3] =	stream.linear.gather [hbm4b:s6+s3], $0x800, $0x38;
	[tilespmem:$0x1CC00] =	vst v63  }
0x2e: {  	_ =	swait.ge [sflag:s9], $0x800  }
0x2f: {  	s25 =	rddreg [dreg:$0x4];
	[sflag:s9] =	ssyncset.done $0x0  }
0x30: {  	[sflag:s9] =	ssyncadd.s32 $0xFFFFF800;
	s6 =	sadd.s32 $0x0, s25  }
0x31: {  	[tilespmem:s10], [sflag:$0x3] =	stream.linear.gather [hbm4b:s6+s3], $0x800, $0x38;
	[tilespmem:$0x1CC00] =	vst v63  }
0x32: {  	_ =	swait.ge [sflag:s9], $0x800  }
0x33: {  	[sflag:s9] =	ssyncset.done $0x0  }
0x34: {  	[sflag:s9] =	ssyncadd.s32 $0xFFFFF800  }
0x35: {  	[tilespmem:s12], [sflag:$0x1] =	stream.indirect.gather [hbm4b:s4+s11], $0x80, s3, s11, $0xb8;
	[tilespmem:$0x1CC00] =	vst v63  }
0x36: {  	_ = 	snop  }
0x37: {  	[tilespmem:s13], [sflag:$0x2] =	stream.indirect.gather [hbm4b:s4+s11], $0x80, s11, s11, $0xb8;
	[tilespmem:$0x1CC00] =	vst v63  }
0x38: {  	_ =	swait.ge [sflag:s14], $0x4000  }
0x39: {  	[sflag:s14] =	ssyncset.done $0x0  }
0x3a: {  	[sflag:s14] =	ssyncadd.s32 $0xFFFFC000  }
0x3b: {  	[spmem:s2] =	stream.indirect.scatter.add.f32 [tilespmem:s12], [sflag:$0x3], $0x80, s10, s11, $0xb8;
	[tilespmem:$0x1CC00] =	vst v63  }
0x3c: {  	_ =	swait.ge [sflag:s9], $0x4000  }
0x3d: {  	[sflag:s9] =	ssyncset.done $0x0  }
0x3e: {  	s8 =	rddreg [dreg:$0x6];
	[sflag:s9] =	ssyncadd.s32 $0xFFFFC000  }
0x3f: {  	[tilespmem:s12], [sflag:$0x1] =	stream.indirect.gather [hbm4b:s4+s11], $0x80, s8, s11, $0xb8;
	[tilespmem:$0x1CC00] =	vst v63  }
0x40: {  	_ =	swait.ge [sflag:s15], $0x4000  }
0x41: {  	[sflag:s15] =	ssyncset.done $0x0  }
0x42: {  	s23 =	rddreg [dreg:$0x7];
	[sflag:s15] =	ssyncadd.s32 $0xFFFFC000  }
0x43: {  	[spmem:s2] =	stream.indirect.scatter.add.f32 [tilespmem:s13], [sflag:$0x3], $0x80, s23, s11, $0xb8;
	[tilespmem:$0x1CC00] =	vst v63  }
0x44: {  	_ =	swait.ge [sflag:s9], $0x4000  }
0x45: {  	[sflag:s9] =	ssyncset.done $0x0  }
0x46: {  	s25 =	rddreg [dreg:$0x8];
	[sflag:s9] =	ssyncadd.s32 $0xFFFFC000  }
0x47: {  	[tilespmem:s13], [sflag:$0x2] =	stream.indirect.gather [hbm4b:s4+s11], $0x80, s25, s11, $0xb8;
	[tilespmem:$0x1CC00] =	vst v63  }
0x48: {  	_ =	swait.ge [sflag:s14], $0x4000  }
0x49: {  	[sflag:s14] =	ssyncset.done $0x0  }
0x4a: {  	s8 =	rddreg [dreg:$0x9];
	[sflag:s14] =	ssyncadd.s32 $0xFFFFC000  }
0x4b: {  	[spmem:s2] =	stream.indirect.scatter.add.f32 [tilespmem:s12], [sflag:$0x3], $0x80, s8, s11, $0xb8;
	[tilespmem:$0x1CC00] =	vst v63  }
0x4c: {  	_ =	swait.ge [sflag:s9], $0x4000  }
0x4d: {  	[sflag:s9] =	ssyncset.done $0x0  }
0x4e: {  	s23 =	rddreg [dreg:$0xa];
	[sflag:s9] =	ssyncadd.s32 $0xFFFFC000  }
0x4f: {  	[tilespmem:s12], [sflag:$0x1] =	stream.indirect.gather [hbm4b:s4+s11], $0x80, s23, s11, $0xb8;
	[tilespmem:$0x1CC00] =	vst v63  }
0x50: {  	_ =	swait.ge [sflag:s15], $0x4000  }
0x51: {  	[sflag:s15] =	ssyncset.done $0x0  }
0x52: {  	s25 =	rddreg [dreg:$0xb];
	[sflag:s15] =	ssyncadd.s32 $0xFFFFC000  }
0x53: {  	[spmem:s2] =	stream.indirect.scatter.add.f32 [tilespmem:s13], [sflag:$0x3], $0x80, s25, s11, $0xb8;
	[tilespmem:$0x1CC00] =	vst v63  }
0x54: {  	_ =	swait.ge [sflag:s9], $0x4000  }
0x55: {  	[sflag:s9] =	ssyncset.done $0x0  }
0x56: {  	s8 =	rddreg [dreg:$0xc];
	[sflag:s9] =	ssyncadd.s32 $0xFFFFC000  }
0x57: {  	[tilespmem:s13], [sflag:$0x2] =	stream.indirect.gather [hbm4b:s4+s11], $0x80, s8, s11, $0xb8;
	[tilespmem:$0x1CC00] =	vst v63  }
0x58: {  	_ =	swait.ge [sflag:s14], $0x4000  }
0x59: {  	[sflag:s14] =	ssyncset.done $0x0  }
0x5a: {  	s23 =	rddreg [dreg:$0xd];
	[sflag:s14] =	ssyncadd.s32 $0xFFFFC000  }
0x5b: {  	[spmem:s2] =	stream.indirect.scatter.add.f32 [tilespmem:s12], [sflag:$0x3], $0x80, s23, s11, $0xb8;
	[tilespmem:$0x1CC00] =	vst v63  }
0x5c: {  	_ =	swait.ge [sflag:s9], $0x4000  }
0x5d: {  	[sflag:s9] =	ssyncset.done $0x0  }
0x5e: {  	s25 =	rddreg [dreg:$0xe];
	[sflag:s9] =	ssyncadd.s32 $0xFFFFC000  }
0x5f: {  	[tilespmem:s12], [sflag:$0x1] =	stream.indirect.gather [hbm4b:s4+s11], $0x80, s25, s11, $0xb8;
	[tilespmem:$0x1CC00] =	vst v63  }
0x60: {  	_ =	swait.ge [sflag:s15], $0x4000  }
0x61: {  	[sflag:s15] =	ssyncset.done $0x0  }
0x62: {  	s8 =	rddreg [dreg:$0xf];
	[sflag:s15] =	ssyncadd.s32 $0xFFFFC000  }
0x63: {  	[spmem:s2] =	stream.indirect.scatter.add.f32 [tilespmem:s13], [sflag:$0x3], $0x80, s8, s11, $0xb8;
	[tilespmem:$0x1CC00] =	vst v63  }
0x64: {  	_ =	swait.ge [sflag:s9], $0x4000  }
0x65: {  	[sflag:s9] =	ssyncset.done $0x0  }
0x66: {  	s23 =	rddreg [dreg:$0x10];
	[sflag:s9] =	ssyncadd.s32 $0xFFFFC000  }
0x67: {  	[tilespmem:s13], [sflag:$0x2] =	stream.indirect.gather [hbm4b:s4+s11], $0x80, s23, s11, $0xb8;
	[tilespmem:$0x1CC00] =	vst v63  }
0x68: {  	_ =	swait.ge [sflag:s14], $0x4000  }
0x69: {  	[sflag:s14] =	ssyncset.done $0x0  }
0x6a: {  	s25 =	rddreg [dreg:$0x11];
	[sflag:s14] =	ssyncadd.s32 $0xFFFFC000  }
0x6b: {  	[spmem:s2] =	stream.indirect.scatter.add.f32 [tilespmem:s12], [sflag:$0x3], $0x80, s25, s11, $0xb8;
	[tilespmem:$0x1CC00] =	vst v63  }
0x6c: {  	_ =	swait.ge [sflag:s9], $0x4000  }
0x6d: {  	[sflag:s9] =	ssyncset.done $0x0  }
0x6e: {  	[sflag:s9] =	ssyncadd.s32 $0xFFFFC000  }
0x6f: {  	[tilespmem:s12], [sflag:$0x1] =	stream.indirect.gather [hbm4b:s4+s11], $0x80, s16, s11, $0xb8;
	[tilespmem:$0x1CC00] =	vst v63  }
0x70: {  	_ =	swait.ge [sflag:s15], $0x4000  }
0x71: {  	[sflag:s15] =	ssyncset.done $0x0  }
0x72: {  	[sflag:s15] =	ssyncadd.s32 $0xFFFFC000  }
0x73: {  	[spmem:s2] =	stream.indirect.scatter.add.f32 [tilespmem:s13], [sflag:$0x3], $0x80, s17, s11, $0xb8;
	[tilespmem:$0x1CC00] =	vst v63  }
0x74: {  	_ =	swait.ge [sflag:s9], $0x4000  }
0x75: {  	[sflag:s9] =	ssyncset.done $0x0  }
0x76: {  	[sflag:s9] =	ssyncadd.s32 $0xFFFFC000  }
0x77: {  	[tilespmem:s13], [sflag:$0x2] =	stream.indirect.gather [hbm4b:s4+s11], $0x80, s18, s11, $0xb8;
	[tilespmem:$0x1CC00] =	vst v63  }
0x78: {  	_ =	swait.ge [sflag:s14], $0x4000  }
0x79: {  	[sflag:s14] =	ssyncset.done $0x0  }
0x7a: {  	[sflag:s14] =	ssyncadd.s32 $0xFFFFC000  }
0x7b: {  	[spmem:s2] =	stream.indirect.scatter.add.f32 [tilespmem:s12], [sflag:$0x3], $0x80, s19, s11, $0xb8;
	[tilespmem:$0x1CC00] =	vst v63  }
0x7c: {  	_ =	swait.ge [sflag:s9], $0x4000  }
0x7d: {  	[sflag:s9] =	ssyncset.done $0x0  }
0x7e: {  	[sflag:s9] =	ssyncadd.s32 $0xFFFFC000  }
0x7f: {  	[tilespmem:s12], [sflag:$0x1] =	stream.indirect.gather [hbm4b:s4+s11], $0x80, s20, s11, $0xb8;
	[tilespmem:$0x1CC00] =	vst v63  }
0x80: {  	_ =	swait.ge [sflag:s15], $0x4000  }
0x81: {  	[sflag:s15] =	ssyncset.done $0x0  }
0x82: {  	[sflag:s15] =	ssyncadd.s32 $0xFFFFC000  }
0x83: {  	[spmem:s2] =	stream.indirect.scatter.add.f32 [tilespmem:s13], [sflag:$0x3], $0x80, s21, s11, $0xb8;
	[tilespmem:$0x1CC00] =	vst v63  }
0x84: {  	_ =	swait.ge [sflag:s9], $0x4000  }
0x85: {  	[sflag:s9] =	ssyncset.done $0x0  }
0x86: {  	[sflag:s9] =	ssyncadd.s32 $0xFFFFC000  }
0x87: {  	[tilespmem:s13], [sflag:$0x2] =	stream.indirect.gather [hbm4b:s4+s11], $0x80, s22, s11, $0xb8;
	[tilespmem:$0x1CC00] =	vst v63  }
0x88: {  	_ =	swait.ge [sflag:s14], $0x4000  }
0x89: {  	[sflag:s14] =	ssyncset.done $0x0  }
0x8a: {  	[sflag:s14] =	ssyncadd.s32 $0xFFFFC000  }
0x8b: {  	[spmem:s2] =	stream.indirect.scatter.add.f32 [tilespmem:s12], [sflag:$0x3], $0x80, s24, s11, $0xb8;
	[tilespmem:$0x1CC00] =	vst v63  }
0x8c: {  	_ =	swait.ge [sflag:s9], $0x4000  }
0x8d: {  	[sflag:s9] =	ssyncset.done $0x0  }
0x8e: {  	[sflag:s9] =	ssyncadd.s32 $0xFFFFC000  }
0x8f: {  	[tilespmem:s12], [sflag:$0x1] =	stream.indirect.gather [hbm4b:s4+s11], $0x80, s26, s11, $0xb8;
	[tilespmem:$0x1CC00] =	vst v63  }
0x90: {  	_ =	swait.ge [sflag:s15], $0x4000  }
0x91: {  	[sflag:s15] =	ssyncset.done $0x0  }
0x92: {  	[sflag:s15] =	ssyncadd.s32 $0xFFFFC000  }
0x93: {  	[spmem:s2] =	stream.indirect.scatter.add.f32 [tilespmem:s13], [sflag:$0x3], $0x80, s28, s11, $0xb8;
	[tilespmem:$0x1CC00] =	vst v63  }
0x94: {  	_ =	swait.ge [sflag:s9], $0x4000  }
0x95: {  	[sflag:s9] =	ssyncset.done $0x0  }
0x96: {  	[sflag:s9] =	ssyncadd.s32 $0xFFFFC000  }
0x97: {  	[tilespmem:s13], [sflag:$0x2] =	stream.indirect.gather [hbm4b:s4+s11], $0x80, s29, s11, $0xb8;
	[tilespmem:$0x1CC00] =	vst v63  }
0x98: {  	_ =	swait.ge [sflag:s14], $0x4000  }
0x99: {  	[sflag:s14] =	ssyncset.done $0x0  }
0x9a: {  	[sflag:s14] =	ssyncadd.s32 $0xFFFFC000  }
0x9b: {  	[spmem:s2] =	stream.indirect.scatter.add.f32 [tilespmem:s12], [sflag:$0x3], $0x80, s30, s11, $0xb8;
	[tilespmem:$0x1CC00] =	vst v63  }
0x9c: {  	_ =	swait.ge [sflag:s9], $0x4000  }
0x9d: {  	[sflag:s9] =	ssyncset.done $0x0  }
0x9e: {  	[sflag:s9] =	ssyncadd.s32 $0xFFFFC000  }
0x9f: {  	[tilespmem:s12], [sflag:$0x1] =	stream.indirect.gather [hbm4b:s4+s11], $0x80, s31, s11, $0xb8;
	[tilespmem:$0x1CC00] =	vst v63  }
0xa0: {  	_ =	swait.ge [sflag:s15], $0x4000  }
0xa1: {  	[sflag:s15] =	ssyncset.done $0x0  }
0xa2: {  	[sflag:s15] =	ssyncadd.s32 $0xFFFFC000  }
0xa3: {  	[spmem:s2] =	stream.indirect.scatter.add.f32 [tilespmem:s13], [sflag:$0x3], $0x80, s0, s11, $0xb8;
	[tilespmem:$0x1CC00] =	vst v63  }
0xa4: {  	_ =	swait.ge [sflag:s9], $0x4000  }
0xa5: {  	[sflag:s9] =	ssyncset.done $0x0  }
0xa6: {  	[sflag:s9] =	ssyncadd.s32 $0xFFFFC000  }
0xa7: {  	[tilespmem:s13], [sflag:$0x2] =	stream.indirect.gather [hbm4b:s4+s11], $0x80, s1, s11, $0xb8;
	[tilespmem:$0x1CC00] =	vst v63  }
0xa8: {  	_ =	swait.ge [sflag:s14], $0x4000  }
0xa9: {  	[sflag:s14] =	ssyncset.done $0x0  }
0xaa: {  	[sflag:s14] =	ssyncadd.s32 $0xFFFFC000  }
0xab: {  	[spmem:s2] =	stream.indirect.scatter.add.f32 [tilespmem:s12], [sflag:$0x3], $0x80, s5, s11, $0xb8;
	[tilespmem:$0x1CC00] =	vst v63  }
0xac: {  	_ =	swait.ge [sflag:s9], $0x4000  }
0xad: {  	[sflag:s9] =	ssyncset.done $0x0  }
0xae: {  	[sflag:s9] =	ssyncadd.s32 $0xFFFFC000  }
0xaf: {  	_ =	swait.ge [sflag:s15], $0x4000  }
0xb0: {  	[sflag:s15] =	ssyncset.done $0x0  }
0xb1: {  	[sflag:s15] =	ssyncadd.s32 $0xFFFFC000  }
0xb2: {  	[spmem:s2] =	stream.indirect.scatter.add.f32 [tilespmem:s13], [sflag:$0x3], $0x80, s7, s11, $0xb8;
	[tilespmem:$0x1CC00] =	vst v63  }
0xb3: {  	s23 =	simm.s32 $0x100;
	_ =	swait.ge [sflag:s9], $0x4000  }
0xb4: {  	s25 =	simm.s32 $0x200;
	s6 =	rddreg [dreg:$0x5];
	[sflag:s9] =	ssyncset.done $0x0  }
.LBB2_2:
0xb5: {  	[sflag:s9] =	ssyncadd.s32 $0xFFFFC000;
	s6 =	sadd.s32 s23, s6  }
0xb6: {  	[tilespmem:s3], [sflag:$0x3] =	stream.linear.gather [hbm4b:s6+s3], $0x800, $0x38;
	[tilespmem:$0x1CC00] =	vst v63  }
0xb7: {  	_ =	swait.ge [sflag:s9], $0x800  }
0xb8: {  	s6 =	rddreg [dreg:$0x4];
	[sflag:s9] =	ssyncset.done $0x0  }
0xb9: {  	[sflag:s9] =	ssyncadd.s32 $0xFFFFF800;
	s6 =	sadd.s32 s23, s6  }
0xba: {  	[tilespmem:s10], [sflag:$0x3] =	stream.linear.gather [hbm4b:s6+s3], $0x800, $0x38;
	[tilespmem:$0x1CC00] =	vst v63  }
0xbb: {  	_ =	swait.ge [sflag:s9], $0x800  }
0xbc: {  	[sflag:s9] =	ssyncset.done $0x0  }
0xbd: {  	[sflag:s9] =	ssyncadd.s32 $0xFFFFF800  }
0xbe: {  	[tilespmem:s12], [sflag:$0x1] =	stream.indirect.gather [hbm4b:s4+s11], $0x80, s3, s11, $0xb8;
	[tilespmem:$0x1CC00] =	vst v63  }
0xbf: {  	_ = 	snop  }
0xc0: {  	[tilespmem:s13], [sflag:$0x2] =	stream.indirect.gather [hbm4b:s4+s11], $0x80, s11, s11, $0xb8;
	[tilespmem:$0x1CC00] =	vst v63  }
0xc1: {  	_ =	swait.ge [sflag:s14], $0x4000  }
0xc2: {  	[sflag:s14] =	ssyncset.done $0x0  }
0xc3: {  	[sflag:s14] =	ssyncadd.s32 $0xFFFFC000  }
0xc4: {  	[spmem:s2] =	stream.indirect.scatter.add.f32 [tilespmem:s12], [sflag:$0x3], $0x80, s10, s11, $0xb8;
	[tilespmem:$0x1CC00] =	vst v63  }
0xc5: {  	_ =	swait.ge [sflag:s9], $0x4000  }
0xc6: {  	s8 =	smov.u32 s25;
	[sflag:s9] =	ssyncset.done $0x0  }
0xc7: {  	s23 =	smov.u32 s8;
	s8 =	rddreg [dreg:$0x6];
	[sflag:s9] =	ssyncadd.s32 $0xFFFFC000  }
0xc8: {  	[tilespmem:s12], [sflag:$0x1] =	stream.indirect.gather [hbm4b:s4+s11], $0x80, s8, s11, $0xb8;
	[tilespmem:$0x1CC00] =	vst v63  }
0xc9: {  	_ =	swait.ge [sflag:s15], $0x4000  }
0xca: {  	[sflag:s15] =	ssyncset.done $0x0  }
0xcb: {  	s8 =	rddreg [dreg:$0x7];
	[sflag:s15] =	ssyncadd.s32 $0xFFFFC000  }
0xcc: {  	[spmem:s2] =	stream.indirect.scatter.add.f32 [tilespmem:s13], [sflag:$0x3], $0x80, s8, s11, $0xb8;
	[tilespmem:$0x1CC00] =	vst v63  }
0xcd: {  	_ =	swait.ge [sflag:s9], $0x4000  }
0xce: {  	[sflag:s9] =	ssyncset.done $0x0  }
0xcf: {  	s8 =	rddreg [dreg:$0x8];
	[sflag:s9] =	ssyncadd.s32 $0xFFFFC000  }
0xd0: {  	[tilespmem:s13], [sflag:$0x2] =	stream.indirect.gather [hbm4b:s4+s11], $0x80, s8, s11, $0xb8;
	[tilespmem:$0x1CC00] =	vst v63  }
0xd1: {  	_ =	swait.ge [sflag:s14], $0x4000  }
0xd2: {  	[sflag:s14] =	ssyncset.done $0x0  }
0xd3: {  	s8 =	rddreg [dreg:$0x9];
	[sflag:s14] =	ssyncadd.s32 $0xFFFFC000  }
0xd4: {  	[spmem:s2] =	stream.indirect.scatter.add.f32 [tilespmem:s12], [sflag:$0x3], $0x80, s8, s11, $0xb8;
	[tilespmem:$0x1CC00] =	vst v63  }
0xd5: {  	_ =	swait.ge [sflag:s9], $0x4000  }
0xd6: {  	[sflag:s9] =	ssyncset.done $0x0  }
0xd7: {  	s8 =	rddreg [dreg:$0xa];
	[sflag:s9] =	ssyncadd.s32 $0xFFFFC000  }
0xd8: {  	[tilespmem:s12], [sflag:$0x1] =	stream.indirect.gather [hbm4b:s4+s11], $0x80, s8, s11, $0xb8;
	[tilespmem:$0x1CC00] =	vst v63  }
0xd9: {  	_ =	swait.ge [sflag:s15], $0x4000  }
0xda: {  	[sflag:s15] =	ssyncset.done $0x0  }
0xdb: {  	s8 =	rddreg [dreg:$0xb];
	[sflag:s15] =	ssyncadd.s32 $0xFFFFC000  }
0xdc: {  	[spmem:s2] =	stream.indirect.scatter.add.f32 [tilespmem:s13], [sflag:$0x3], $0x80, s8, s11, $0xb8;
	[tilespmem:$0x1CC00] =	vst v63  }
0xdd: {  	_ =	swait.ge [sflag:s9], $0x4000  }
0xde: {  	[sflag:s9] =	ssyncset.done $0x0  }
0xdf: {  	s8 =	rddreg [dreg:$0xc];
	[sflag:s9] =	ssyncadd.s32 $0xFFFFC000  }
0xe0: {  	[tilespmem:s13], [sflag:$0x2] =	stream.indirect.gather [hbm4b:s4+s11], $0x80, s8, s11, $0xb8;
	[tilespmem:$0x1CC00] =	vst v63  }
0xe1: {  	_ =	swait.ge [sflag:s14], $0x4000  }
0xe2: {  	[sflag:s14] =	ssyncset.done $0x0  }
0xe3: {  	s8 =	rddreg [dreg:$0xd];
	[sflag:s14] =	ssyncadd.s32 $0xFFFFC000  }
0xe4: {  	[spmem:s2] =	stream.indirect.scatter.add.f32 [tilespmem:s12], [sflag:$0x3], $0x80, s8, s11, $0xb8;
	[tilespmem:$0x1CC00] =	vst v63  }
0xe5: {  	_ =	swait.ge [sflag:s9], $0x4000  }
0xe6: {  	[sflag:s9] =	ssyncset.done $0x0  }
0xe7: {  	s8 =	rddreg [dreg:$0xe];
	[sflag:s9] =	ssyncadd.s32 $0xFFFFC000  }
0xe8: {  	[tilespmem:s12], [sflag:$0x1] =	stream.indirect.gather [hbm4b:s4+s11], $0x80, s8, s11, $0xb8;
	[tilespmem:$0x1CC00] =	vst v63  }
0xe9: {  	_ =	swait.ge [sflag:s15], $0x4000  }
0xea: {  	[sflag:s15] =	ssyncset.done $0x0  }
0xeb: {  	s8 =	rddreg [dreg:$0xf];
	[sflag:s15] =	ssyncadd.s32 $0xFFFFC000  }
0xec: {  	[spmem:s2] =	stream.indirect.scatter.add.f32 [tilespmem:s13], [sflag:$0x3], $0x80, s8, s11, $0xb8;
	[tilespmem:$0x1CC00] =	vst v63  }
0xed: {  	_ =	swait.ge [sflag:s9], $0x4000  }
0xee: {  	[sflag:s9] =	ssyncset.done $0x0  }
0xef: {  	s8 =	rddreg [dreg:$0x10];
	[sflag:s9] =	ssyncadd.s32 $0xFFFFC000  }
0xf0: {  	[tilespmem:s13], [sflag:$0x2] =	stream.indirect.gather [hbm4b:s4+s11], $0x80, s8, s11, $0xb8;
	[tilespmem:$0x1CC00] =	vst v63  }
0xf1: {  	_ =	swait.ge [sflag:s14], $0x4000  }
0xf2: {  	[sflag:s14] =	ssyncset.done $0x0  }
0xf3: {  	s8 =	rddreg [dreg:$0x11];
	[sflag:s14] =	ssyncadd.s32 $0xFFFFC000  }
0xf4: {  	[spmem:s2] =	stream.indirect.scatter.add.f32 [tilespmem:s12], [sflag:$0x3], $0x80, s8, s11, $0xb8;
	[tilespmem:$0x1CC00] =	vst v63  }
0xf5: {  	_ =	swait.ge [sflag:s9], $0x4000  }
0xf6: {  	[sflag:s9] =	ssyncset.done $0x0  }
0xf7: {  	[sflag:s9] =	ssyncadd.s32 $0xFFFFC000  }
0xf8: {  	[tilespmem:s12], [sflag:$0x1] =	stream.indirect.gather [hbm4b:s4+s11], $0x80, s16, s11, $0xb8;
	[tilespmem:$0x1CC00] =	vst v63  }
0xf9: {  	_ =	swait.ge [sflag:s15], $0x4000  }
0xfa: {  	[sflag:s15] =	ssyncset.done $0x0  }
0xfb: {  	[sflag:s15] =	ssyncadd.s32 $0xFFFFC000  }
0xfc: {  	[spmem:s2] =	stream.indirect.scatter.add.f32 [tilespmem:s13], [sflag:$0x3], $0x80, s17, s11, $0xb8;
	[tilespmem:$0x1CC00] =	vst v63  }
0xfd: {  	_ =	swait.ge [sflag:s9], $0x4000  }
0xfe: {  	[sflag:s9] =	ssyncset.done $0x0  }
0xff: {  	[sflag:s9] =	ssyncadd.s32 $0xFFFFC000  }
0x100: {  	[tilespmem:s13], [sflag:$0x2] =	stream.indirect.gather [hbm4b:s4+s11], $0x80, s18, s11, $0xb8;
	[tilespmem:$0x1CC00] =	vst v63  }
0x101: {  	_ =	swait.ge [sflag:s14], $0x4000  }
0x102: {  	[sflag:s14] =	ssyncset.done $0x0  }
0x103: {  	[sflag:s14] =	ssyncadd.s32 $0xFFFFC000  }
0x104: {  	[spmem:s2] =	stream.indirect.scatter.add.f32 [tilespmem:s12], [sflag:$0x3], $0x80, s19, s11, $0xb8;
	[tilespmem:$0x1CC00] =	vst v63  }
0x105: {  	_ =	swait.ge [sflag:s9], $0x4000  }
0x106: {  	[sflag:s9] =	ssyncset.done $0x0  }
0x107: {  	[sflag:s9] =	ssyncadd.s32 $0xFFFFC000  }
0x108: {  	[tilespmem:s12], [sflag:$0x1] =	stream.indirect.gather [hbm4b:s4+s11], $0x80, s20, s11, $0xb8;
	[tilespmem:$0x1CC00] =	vst v63  }
0x109: {  	_ =	swait.ge [sflag:s15], $0x4000  }
0x10a: {  	[sflag:s15] =	ssyncset.done $0x0  }
0x10b: {  	[sflag:s15] =	ssyncadd.s32 $0xFFFFC000  }
0x10c: {  	[spmem:s2] =	stream.indirect.scatter.add.f32 [tilespmem:s13], [sflag:$0x3], $0x80, s21, s11, $0xb8;
	[tilespmem:$0x1CC00] =	vst v63  }
0x10d: {  	_ =	swait.ge [sflag:s9], $0x4000  }
0x10e: {  	[sflag:s9] =	ssyncset.done $0x0  }
0x10f: {  	[sflag:s9] =	ssyncadd.s32 $0xFFFFC000  }
0x110: {  	[tilespmem:s13], [sflag:$0x2] =	stream.indirect.gather [hbm4b:s4+s11], $0x80, s22, s11, $0xb8;
	[tilespmem:$0x1CC00] =	vst v63  }
0x111: {  	_ =	swait.ge [sflag:s14], $0x4000  }
0x112: {  	[sflag:s14] =	ssyncset.done $0x0  }
0x113: {  	[sflag:s14] =	ssyncadd.s32 $0xFFFFC000  }
0x114: {  	[spmem:s2] =	stream.indirect.scatter.add.f32 [tilespmem:s12], [sflag:$0x3], $0x80, s24, s11, $0xb8;
	[tilespmem:$0x1CC00] =	vst v63  }
0x115: {  	_ =	swait.ge [sflag:s9], $0x4000  }
0x116: {  	[sflag:s9] =	ssyncset.done $0x0  }
0x117: {  	[sflag:s9] =	ssyncadd.s32 $0xFFFFC000  }
0x118: {  	[tilespmem:s12], [sflag:$0x1] =	stream.indirect.gather [hbm4b:s4+s11], $0x80, s26, s11, $0xb8;
	[tilespmem:$0x1CC00] =	vst v63  }
0x119: {  	_ =	swait.ge [sflag:s15], $0x4000  }
0x11a: {  	[sflag:s15] =	ssyncset.done $0x0  }
0x11b: {  	[sflag:s15] =	ssyncadd.s32 $0xFFFFC000  }
0x11c: {  	[spmem:s2] =	stream.indirect.scatter.add.f32 [tilespmem:s13], [sflag:$0x3], $0x80, s28, s11, $0xb8;
	[tilespmem:$0x1CC00] =	vst v63  }
0x11d: {  	_ =	swait.ge [sflag:s9], $0x4000  }
0x11e: {  	[sflag:s9] =	ssyncset.done $0x0  }
0x11f: {  	[sflag:s9] =	ssyncadd.s32 $0xFFFFC000  }
0x120: {  	[tilespmem:s13], [sflag:$0x2] =	stream.indirect.gather [hbm4b:s4+s11], $0x80, s29, s11, $0xb8;
	[tilespmem:$0x1CC00] =	vst v63  }
0x121: {  	_ =	swait.ge [sflag:s14], $0x4000  }
0x122: {  	[sflag:s14] =	ssyncset.done $0x0  }
0x123: {  	[sflag:s14] =	ssyncadd.s32 $0xFFFFC000  }
0x124: {  	[spmem:s2] =	stream.indirect.scatter.add.f32 [tilespmem:s12], [sflag:$0x3], $0x80, s30, s11, $0xb8;
	[tilespmem:$0x1CC00] =	vst v63  }
0x125: {  	_ =	swait.ge [sflag:s9], $0x4000  }
0x126: {  	[sflag:s9] =	ssyncset.done $0x0  }
0x127: {  	[sflag:s9] =	ssyncadd.s32 $0xFFFFC000  }
0x128: {  	[tilespmem:s12], [sflag:$0x1] =	stream.indirect.gather [hbm4b:s4+s11], $0x80, s31, s11, $0xb8;
	[tilespmem:$0x1CC00] =	vst v63  }
0x129: {  	_ =	swait.ge [sflag:s15], $0x4000  }
0x12a: {  	[sflag:s15] =	ssyncset.done $0x0  }
0x12b: {  	[sflag:s15] =	ssyncadd.s32 $0xFFFFC000  }
0x12c: {  	[spmem:s2] =	stream.indirect.scatter.add.f32 [tilespmem:s13], [sflag:$0x3], $0x80, s0, s11, $0xb8;
	[tilespmem:$0x1CC00] =	vst v63  }
0x12d: {  	_ =	swait.ge [sflag:s9], $0x4000  }
0x12e: {  	[sflag:s9] =	ssyncset.done $0x0  }
0x12f: {  	[sflag:s9] =	ssyncadd.s32 $0xFFFFC000  }
0x130: {  	[tilespmem:s13], [sflag:$0x2] =	stream.indirect.gather [hbm4b:s4+s11], $0x80, s1, s11, $0xb8;
	[tilespmem:$0x1CC00] =	vst v63  }
0x131: {  	_ =	swait.ge [sflag:s14], $0x4000  }
0x132: {  	[sflag:s14] =	ssyncset.done $0x0  }
0x133: {  	[sflag:s14] =	ssyncadd.s32 $0xFFFFC000  }
0x134: {  	[spmem:s2] =	stream.indirect.scatter.add.f32 [tilespmem:s12], [sflag:$0x3], $0x80, s5, s11, $0xb8;
	[tilespmem:$0x1CC00] =	vst v63  }
0x135: {  	_ =	swait.ge [sflag:s9], $0x4000  }
0x136: {  	[sflag:s9] =	ssyncset.done $0x0  }
0x137: {  	[sflag:s9] =	ssyncadd.s32 $0xFFFFC000  }
0x138: {  	p0 =	sne.s32 s25, $0x400;
	_ =	swait.ge [sflag:s15], $0x4000  }
.Ltmp0:
0x139: {  	[sflag:s15] =	ssyncset.done $0x0;
	(pc) =	sbr.rel @p0 .LBB2_2-.Ltmp0, $4  }
0x13a: {  	[sflag:s15] =	ssyncadd.s32 $0xFFFFC000  }
0x13b: {  	[spmem:s2] =	stream.indirect.scatter.add.f32 [tilespmem:s13], [sflag:$0x3], $0x80, s7, s11, $0xb8;
	[tilespmem:$0x1CC00] =	vst v63  }
0x13c: {  	_ =	swait.ge [sflag:s9], $0x4000  }
0x13d: {  	s25 =	sadd.s32 $0x100, s25;
	s6 =	rddreg [dreg:$0x5];
	[sflag:s9] =	ssyncset.done $0x0  }
0x13e: {  	[sflag:s9] =	ssyncadd.s32 $0xFFFFC000;
	s6 =	sadd.s32 s23, s6  }
0x13f: {  	[tilespmem:s3], [sflag:$0x3] =	stream.linear.gather [hbm4b:s6+s3], $0x800, $0x38;
	[tilespmem:$0x1CC00] =	vst v63  }
0x140: {  	_ =	swait.ge [sflag:s9], $0x800  }
0x141: {  	s8 =	rddreg [dreg:$0x4];
	[sflag:s9] =	ssyncset.done $0x0  }
0x142: {  	s6 =	sadd.s32 s23, s8;
	[sflag:s9] =	ssyncadd.s32 $0xFFFFF800  }
0x143: {  	[tilespmem:s10], [sflag:$0x3] =	stream.linear.gather [hbm4b:s6+s3], $0x800, $0x38;
	[tilespmem:$0x1CC00] =	vst v63  }
0x144: {  	_ =	swait.ge [sflag:s9], $0x800  }
0x145: {  	[sflag:s9] =	ssyncset.done $0x0  }
0x146: {  	[sflag:s9] =	ssyncadd.s32 $0xFFFFF800  }
0x147: {  	[tilespmem:s12], [sflag:$0x1] =	stream.indirect.gather [hbm4b:s4+s11], $0x80, s3, s11, $0xb8;
	[tilespmem:$0x1CC00] =	vst v63  }
0x148: {  	_ = 	snop  }
0x149: {  	[tilespmem:s13], [sflag:$0x2] =	stream.indirect.gather [hbm4b:s4+s11], $0x80, s11, s11, $0xb8;
	[tilespmem:$0x1CC00] =	vst v63  }
0x14a: {  	_ =	swait.ge [sflag:s14], $0x4000  }
0x14b: {  	[sflag:s14] =	ssyncset.done $0x0  }
0x14c: {  	[sflag:s14] =	ssyncadd.s32 $0xFFFFC000  }
0x14d: {  	[spmem:s2] =	stream.indirect.scatter.add.f32 [tilespmem:s12], [sflag:$0x3], $0x80, s10, s11, $0xb8;
	[tilespmem:$0x1CC00] =	vst v63  }
0x14e: {  	_ =	swait.ge [sflag:s9], $0x4000  }
0x14f: {  	[sflag:s9] =	ssyncset.done $0x0  }
0x150: {  	s25 =	rddreg [dreg:$0x6];
	[sflag:s9] =	ssyncadd.s32 $0xFFFFC000  }
0x151: {  	[tilespmem:s12], [sflag:$0x1] =	stream.indirect.gather [hbm4b:s4+s11], $0x80, s25, s11, $0xb8;
	[tilespmem:$0x1CC00] =	vst v63  }
0x152: {  	_ =	swait.ge [sflag:s15], $0x4000  }
0x153: {  	[sflag:s15] =	ssyncset.done $0x0  }
0x154: {  	s8 =	rddreg [dreg:$0x7];
	[sflag:s15] =	ssyncadd.s32 $0xFFFFC000  }
0x155: {  	[spmem:s2] =	stream.indirect.scatter.add.f32 [tilespmem:s13], [sflag:$0x3], $0x80, s8, s11, $0xb8;
	[tilespmem:$0x1CC00] =	vst v63  }
0x156: {  	_ =	swait.ge [sflag:s9], $0x4000  }
0x157: {  	[sflag:s9] =	ssyncset.done $0x0  }
0x158: {  	s23 =	rddreg [dreg:$0x8];
	[sflag:s9] =	ssyncadd.s32 $0xFFFFC000  }
0x159: {  	[tilespmem:s13], [sflag:$0x2] =	stream.indirect.gather [hbm4b:s4+s11], $0x80, s23, s11, $0xb8;
	[tilespmem:$0x1CC00] =	vst v63  }
0x15a: {  	_ =	swait.ge [sflag:s14], $0x4000  }
0x15b: {  	[sflag:s14] =	ssyncset.done $0x0  }
0x15c: {  	s25 =	rddreg [dreg:$0x9];
	[sflag:s14] =	ssyncadd.s32 $0xFFFFC000  }
0x15d: {  	[spmem:s2] =	stream.indirect.scatter.add.f32 [tilespmem:s12], [sflag:$0x3], $0x80, s25, s11, $0xb8;
	[tilespmem:$0x1CC00] =	vst v63  }
0x15e: {  	_ =	swait.ge [sflag:s9], $0x4000  }
0x15f: {  	[sflag:s9] =	ssyncset.done $0x0  }
0x160: {  	s8 =	rddreg [dreg:$0xa];
	[sflag:s9] =	ssyncadd.s32 $0xFFFFC000  }
0x161: {  	[tilespmem:s12], [sflag:$0x1] =	stream.indirect.gather [hbm4b:s4+s11], $0x80, s8, s11, $0xb8;
	[tilespmem:$0x1CC00] =	vst v63  }
0x162: {  	_ =	swait.ge [sflag:s15], $0x4000  }
0x163: {  	[sflag:s15] =	ssyncset.done $0x0  }
0x164: {  	s23 =	rddreg [dreg:$0xb];
	[sflag:s15] =	ssyncadd.s32 $0xFFFFC000  }
0x165: {  	[spmem:s2] =	stream.indirect.scatter.add.f32 [tilespmem:s13], [sflag:$0x3], $0x80, s23, s11, $0xb8;
	[tilespmem:$0x1CC00] =	vst v63  }
0x166: {  	_ =	swait.ge [sflag:s9], $0x4000  }
0x167: {  	[sflag:s9] =	ssyncset.done $0x0  }
0x168: {  	s25 =	rddreg [dreg:$0xc];
	[sflag:s9] =	ssyncadd.s32 $0xFFFFC000  }
0x169: {  	[tilespmem:s13], [sflag:$0x2] =	stream.indirect.gather [hbm4b:s4+s11], $0x80, s25, s11, $0xb8;
	[tilespmem:$0x1CC00] =	vst v63  }
0x16a: {  	_ =	swait.ge [sflag:s14], $0x4000  }
0x16b: {  	[sflag:s14] =	ssyncset.done $0x0  }
0x16c: {  	s8 =	rddreg [dreg:$0xd];
	[sflag:s14] =	ssyncadd.s32 $0xFFFFC000  }
0x16d: {  	[spmem:s2] =	stream.indirect.scatter.add.f32 [tilespmem:s12], [sflag:$0x3], $0x80, s8, s11, $0xb8;
	[tilespmem:$0x1CC00] =	vst v63  }
0x16e: {  	_ =	swait.ge [sflag:s9], $0x4000  }
0x16f: {  	[sflag:s9] =	ssyncset.done $0x0  }
0x170: {  	s23 =	rddreg [dreg:$0xe];
	[sflag:s9] =	ssyncadd.s32 $0xFFFFC000  }
0x171: {  	[tilespmem:s12], [sflag:$0x1] =	stream.indirect.gather [hbm4b:s4+s11], $0x80, s23, s11, $0xb8;
	[tilespmem:$0x1CC00] =	vst v63  }
0x172: {  	_ =	swait.ge [sflag:s15], $0x4000  }
0x173: {  	[sflag:s15] =	ssyncset.done $0x0  }
0x174: {  	s25 =	rddreg [dreg:$0xf];
	[sflag:s15] =	ssyncadd.s32 $0xFFFFC000  }
0x175: {  	[spmem:s2] =	stream.indirect.scatter.add.f32 [tilespmem:s13], [sflag:$0x3], $0x80, s25, s11, $0xb8;
	[tilespmem:$0x1CC00] =	vst v63  }
0x176: {  	_ =	swait.ge [sflag:s9], $0x4000  }
0x177: {  	[sflag:s9] =	ssyncset.done $0x0  }
0x178: {  	s8 =	rddreg [dreg:$0x10];
	[sflag:s9] =	ssyncadd.s32 $0xFFFFC000  }
0x179: {  	[tilespmem:s13], [sflag:$0x2] =	stream.indirect.gather [hbm4b:s4+s11], $0x80, s8, s11, $0xb8;
	[tilespmem:$0x1CC00] =	vst v63  }
0x17a: {  	_ =	swait.ge [sflag:s14], $0x4000  }
0x17b: {  	[sflag:s14] =	ssyncset.done $0x0  }
0x17c: {  	s23 =	rddreg [dreg:$0x11];
	[sflag:s14] =	ssyncadd.s32 $0xFFFFC000  }
0x17d: {  	[spmem:s2] =	stream.indirect.scatter.add.f32 [tilespmem:s12], [sflag:$0x3], $0x80, s23, s11, $0xb8;
	[tilespmem:$0x1CC00] =	vst v63  }
0x17e: {  	_ =	swait.ge [sflag:s9], $0x4000  }
0x17f: {  	[sflag:s9] =	ssyncset.done $0x0  }
0x180: {  	[sflag:s9] =	ssyncadd.s32 $0xFFFFC000  }
0x181: {  	[tilespmem:s12], [sflag:$0x1] =	stream.indirect.gather [hbm4b:s4+s11], $0x80, s16, s11, $0xb8;
	[tilespmem:$0x1CC00] =	vst v63  }
0x182: {  	_ =	swait.ge [sflag:s15], $0x4000  }
0x183: {  	[sflag:s15] =	ssyncset.done $0x0  }
0x184: {  	[sflag:s15] =	ssyncadd.s32 $0xFFFFC000  }
0x185: {  	[spmem:s2] =	stream.indirect.scatter.add.f32 [tilespmem:s13], [sflag:$0x3], $0x80, s17, s11, $0xb8;
	[tilespmem:$0x1CC00] =	vst v63  }
0x186: {  	_ =	swait.ge [sflag:s9], $0x4000  }
0x187: {  	[sflag:s9] =	ssyncset.done $0x0  }
0x188: {  	[sflag:s9] =	ssyncadd.s32 $0xFFFFC000  }
0x189: {  	[tilespmem:s13], [sflag:$0x2] =	stream.indirect.gather [hbm4b:s4+s11], $0x80, s18, s11, $0xb8;
	[tilespmem:$0x1CC00] =	vst v63  }
0x18a: {  	_ =	swait.ge [sflag:s14], $0x4000  }
0x18b: {  	[sflag:s14] =	ssyncset.done $0x0  }
0x18c: {  	[sflag:s14] =	ssyncadd.s32 $0xFFFFC000  }
0x18d: {  	[spmem:s2] =	stream.indirect.scatter.add.f32 [tilespmem:s12], [sflag:$0x3], $0x80, s19, s11, $0xb8;
	[tilespmem:$0x1CC00] =	vst v63  }
0x18e: {  	_ =	swait.ge [sflag:s9], $0x4000  }
0x18f: {  	[sflag:s9] =	ssyncset.done $0x0  }
0x190: {  	[sflag:s9] =	ssyncadd.s32 $0xFFFFC000  }
0x191: {  	[tilespmem:s12], [sflag:$0x1] =	stream.indirect.gather [hbm4b:s4+s11], $0x80, s20, s11, $0xb8;
	[tilespmem:$0x1CC00] =	vst v63  }
0x192: {  	_ =	swait.ge [sflag:s15], $0x4000  }
0x193: {  	[sflag:s15] =	ssyncset.done $0x0  }
0x194: {  	[sflag:s15] =	ssyncadd.s32 $0xFFFFC000  }
0x195: {  	[spmem:s2] =	stream.indirect.scatter.add.f32 [tilespmem:s13], [sflag:$0x3], $0x80, s21, s11, $0xb8;
	[tilespmem:$0x1CC00] =	vst v63  }
0x196: {  	_ =	swait.ge [sflag:s9], $0x4000  }
0x197: {  	[sflag:s9] =	ssyncset.done $0x0  }
0x198: {  	[sflag:s9] =	ssyncadd.s32 $0xFFFFC000  }
0x199: {  	[tilespmem:s13], [sflag:$0x2] =	stream.indirect.gather [hbm4b:s4+s11], $0x80, s22, s11, $0xb8;
	[tilespmem:$0x1CC00] =	vst v63  }
0x19a: {  	_ =	swait.ge [sflag:s14], $0x4000  }
0x19b: {  	[sflag:s14] =	ssyncset.done $0x0  }
0x19c: {  	[sflag:s14] =	ssyncadd.s32 $0xFFFFC000  }
0x19d: {  	[spmem:s2] =	stream.indirect.scatter.add.f32 [tilespmem:s12], [sflag:$0x3], $0x80, s24, s11, $0xb8;
	[tilespmem:$0x1CC00] =	vst v63  }
0x19e: {  	_ =	swait.ge [sflag:s9], $0x4000  }
0x19f: {  	[sflag:s9] =	ssyncset.done $0x0  }
0x1a0: {  	[sflag:s9] =	ssyncadd.s32 $0xFFFFC000  }
0x1a1: {  	[tilespmem:s12], [sflag:$0x1] =	stream.indirect.gather [hbm4b:s4+s11], $0x80, s26, s11, $0xb8;
	[tilespmem:$0x1CC00] =	vst v63  }
0x1a2: {  	_ =	swait.ge [sflag:s15], $0x4000  }
0x1a3: {  	[sflag:s15] =	ssyncset.done $0x0  }
0x1a4: {  	[sflag:s15] =	ssyncadd.s32 $0xFFFFC000  }
0x1a5: {  	[spmem:s2] =	stream.indirect.scatter.add.f32 [tilespmem:s13], [sflag:$0x3], $0x80, s28, s11, $0xb8;
	[tilespmem:$0x1CC00] =	vst v63  }
0x1a6: {  	_ =	swait.ge [sflag:s9], $0x4000  }
0x1a7: {  	[sflag:s9] =	ssyncset.done $0x0  }
0x1a8: {  	[sflag:s9] =	ssyncadd.s32 $0xFFFFC000  }
0x1a9: {  	[tilespmem:s13], [sflag:$0x2] =	stream.indirect.gather [hbm4b:s4+s11], $0x80, s29, s11, $0xb8;
	[tilespmem:$0x1CC00] =	vst v63  }
0x1aa: {  	_ =	swait.ge [sflag:s14], $0x4000  }
0x1ab: {  	[sflag:s14] =	ssyncset.done $0x0  }
0x1ac: {  	[sflag:s14] =	ssyncadd.s32 $0xFFFFC000  }
0x1ad: {  	[spmem:s2] =	stream.indirect.scatter.add.f32 [tilespmem:s12], [sflag:$0x3], $0x80, s30, s11, $0xb8;
	[tilespmem:$0x1CC00] =	vst v63  }
0x1ae: {  	_ =	swait.ge [sflag:s9], $0x4000  }
0x1af: {  	[sflag:s9] =	ssyncset.done $0x0  }
0x1b0: {  	[sflag:s9] =	ssyncadd.s32 $0xFFFFC000  }
0x1b1: {  	[tilespmem:s12], [sflag:$0x1] =	stream.indirect.gather [hbm4b:s4+s11], $0x80, s31, s11, $0xb8;
	[tilespmem:$0x1CC00] =	vst v63  }
0x1b2: {  	_ =	swait.ge [sflag:s15], $0x4000  }
0x1b3: {  	[sflag:s15] =	ssyncset.done $0x0  }
0x1b4: {  	[sflag:s15] =	ssyncadd.s32 $0xFFFFC000  }
0x1b5: {  	[spmem:s2] =	stream.indirect.scatter.add.f32 [tilespmem:s13], [sflag:$0x3], $0x80, s0, s11, $0xb8;
	[tilespmem:$0x1CC00] =	vst v63  }
0x1b6: {  	_ =	swait.ge [sflag:s9], $0x4000  }
0x1b7: {  	[sflag:s9] =	ssyncset.done $0x0  }
0x1b8: {  	[sflag:s9] =	ssyncadd.s32 $0xFFFFC000  }
0x1b9: {  	[tilespmem:s13], [sflag:$0x2] =	stream.indirect.gather [hbm4b:s4+s11], $0x80, s1, s11, $0xb8;
	[tilespmem:$0x1CC00] =	vst v63  }
0x1ba: {  	_ =	swait.ge [sflag:s14], $0x4000  }
0x1bb: {  	[sflag:s14] =	ssyncset.done $0x0  }
0x1bc: {  	[sflag:s14] =	ssyncadd.s32 $0xFFFFC000  }
0x1bd: {  	[spmem:s2] =	stream.indirect.scatter.add.f32 [tilespmem:s12], [sflag:$0x3], $0x80, s5, s11, $0xb8;
	[tilespmem:$0x1CC00] =	vst v63  }
0x1be: {  	_ =	swait.ge [sflag:s9], $0x4000  }
0x1bf: {  	[sflag:s9] =	ssyncset.done $0x0  }
0x1c0: {  	[sflag:s9] =	ssyncadd.s32 $0xFFFFC000  }
0x1c1: {  	_ =	swait.ge [sflag:s15], $0x4000  }
0x1c2: {  	[sflag:s15] =	ssyncset.done $0x0  }
0x1c3: {  	[sflag:s15] =	ssyncadd.s32 $0xFFFFC000  }
0x1c4: {  	[spmem:s2] =	stream.indirect.scatter.add.f32 [tilespmem:s13], [sflag:$0x3], $0x80, s7, s11, $0xb8;
	[tilespmem:$0x1CC00] =	vst v63  }
0x1c5: {  	_ =	swait.ge [sflag:s9], $0x4000  }
0x1c6: {  	[sflag:s9] =	ssyncset.done $0x0  }
0x1c7: {  	[sflag:s9] =	ssyncadd.s32 $0xFFFFC000  }
0x1c8: {  	[bflag:$0x0] =	sbarrier.arrive $0xFFFF  }
0x1c9: {  	s23 =	rddreg [dreg:$0x13]  }
0x1ca: {  	s25 =	rddreg [dreg:$0x16]  }
0x1cb: {  	s8 =	rddreg [dreg:$0x17]  }
0x1cc: {  	[hbm:s25], [sflag:s23] =	dma.local [spmem:s8], $0x2780  }
0x1cd: {  	_ =	swait.ge [sflag:s9], $0x2780  }
0x1ce: {  	s6 =	rddreg [dreg:$0x18]  }
0x1cf: {  	s25 =	rddreg [dreg:$0x14];
	s8 =	sadd.s32 $0x1, s6  }
0x1d0: {  	p0 =	sne.s32 s8, s25  }
.Ltmp1:
0x1d1: {  	_ = 	snop;
	(pc) =	sbr.rel @p0 .LBB2_1-.Ltmp1, $3  }
0x1d2: {  	_ =	sdelay $0x1  }
0x1d3: {  	[sflag:s9] =	ssyncset.done $0x0  }
0x1d4: {  	[sflag:s9] =	ssyncadd.s32 $0xFFFFD880  }
0x1d5: {  	_ =	sfence.sel $0x180000  }
0x1d6: {  	[bflag:$0x0] =	sbarrier.arrive $0xFFFF  }
0x1d7: {  	_ =	strace $0x9000004D  }
0x1d8: {  	s0 =	stileid.u32;
	[bflag:$0x2] =	sbarrier.arrive $0xFFFF  }
0x1d9: {  	p0 =	sne.s32 s0, $0x0;
	s0 =	rddreg [dreg:$0x3]  }
0x1da: {  	s0 =	sadd.s32 @!p0 $0x100000, s0  }
0x1db: {  	[sflag:s0] =	ssyncadd.tile.s32 @!p0 $0x1;
	_ =	shalt  }
.Lfunc_end2:
_tile_overlayer_lowered:
.L_overlay_start_2:
0x1dc: {  	(tag) =	ssettag $0x2  }
0x1dd: {  	s0 =	rddreg [dreg:$0x0];
	s2 =	stileid.u32  }
0x1de: {  	s1 =	rddreg [dreg:$0x1];
	p0 =	sne.s32 s2, $0x0  }
0x1df: {  	s3 =	rddreg [dreg:$0x2];
	[bflag:$0x3] =	sbarrier.arrive $0xFFFF;
	s2 =	simm.s32 @!p0 $0x1C03  }
0x1e0: {  	[timem:s3], [sflag:s2] =	dma.local @!p0 [hbm:s0], s1  }
0x1e1: {  	s0 =	simm.s32 @!p0 $0x3  }
0x1e2: {  	_ =	swait.ge @!p0 [sflag:s0], s1  }
0x1e3: {  	s1 =	ssub.s32 @!p0 $0x0, s1;
	[sflag:s0] =	ssyncset.done @!p0 $0x0  }
0x1e4: {  	[sflag:s0] =	ssyncadd.s32 @!p0 s1  }
0x1e5: {  	[bflag:$0x3] =	sbarrier.arrive $0xFFFF  }
0x1e6: {  	_ =	shalt  }

// kernel: kernel.8.cloned.1.call-start
scs
__scs_entry_jumppad:
0x0: {  	(pc) =	sbr.rel $0x88, $3  }
0x1: {  	(tag) =	ssettag $0x0;
	lr =	simm.s32 $0x1  }
0x2: {  	[smem:$0x3F9B] =	sst lr;
	_ =	strace $0xD0000000  }
0x3: {  	_ = 	snop  }
0x4: {  	_ = 	snop  }
0x5: {  	_ = 	snop  }
0x6: {  	_ = 	snop  }
0x7: {  	_ = 	snop  }
__scs_overlays_trampoline_lowered:
0x8: {  	[smem:$0x3FAA] =	sst s0  }
0x9: {  	[smem:$0x3FAB] =	sst s1  }
0xa: {  	[smem:$0x3FAC] =	sst s2  }
0xb: {  	[smem:$0x3FAD] =	sst s3  }
0xc: {  	[smem:$0x3FAE] =	sst s4  }
0xd: {  	[smem:$0x3FAF] =	sst s5  }
0xe: {  	[smem:$0x3FB0] =	sst s6  }
0xf: {  	[smem:$0x3FB1] =	sst s7  }
0x10: {  	[smem:$0x3FB2] =	sst s8  }
0x11: {  	[smem:$0x3FB3] =	sst s9;
	s0 =	simm.s32 @!p0 $0x0  }
0x12: {  	s1 =	sld [smem:$0x3F99];
	s0 =	simm.s32 @p0 $0x1  }
0x13: {  	[smem:$0x3FB4] =	sst s0;
	s0 =	simm.s32 @!p1 $0x0  }
0x14: {  	s2 =	sld [smem:$0x3F98];
	s0 =	simm.s32 @p1 $0x1  }
0x15: {  	[smem:$0x3FB5] =	sst s0;
	s0 =	simm.s32 @!p2 $0x0  }
0x16: {  	s3 =	sld [smem:$0x3FDB];
	s0 =	simm.s32 @p2 $0x1  }
0x17: {  	s4 =	simm.s32 $0x1BF5;
	[smem:$0x3FB7] =	sst s0  }
0x18: {  	s0 =	sld [smem:$0x3F9A];
	_ =	swait.ge [sflag:s4], $0x0  }
0x19: {  	s7 =	sld [smem:$0x3F9B]  }
0x1a: {  	s8 =	sadd.s32 $0xFFFFE003, lr  }
0x1b: {  	s9 =	sadd.s32 $0xFFFFFEF7, lr;
	s5 =	simm.s32 $0xFFFFFFFF;
	p2 =	slt.u32 s8, $0xFFFFF086  }
0x1c: {  	p1 =	slt.u32 s9, $0xF7A;
	s5 =	simm.s32 @!p2 $0x0  }
0x1d: {  	s5 =	simm.s32 @p1 $0x1;
	p0 =	seq.s32 s7, s2  }
0x1e: {  	s7 =	smul.u32 @!p0 $0xF7A, s2;
	p2 =	seq.s32 @!p0 s5, $0x0  }
0x1f: {  	s9 =	smul.u32 $0xF7A, s1;
	s8 =	simm.s32 @!p0 $0x1BF5;
	p2 =	por !p2, p0  }
0x20: {  	[sflag:s8] =	ssyncset.s32 @!p0 $0xFFFFF086;
	s6 =	sadd.s32 @!p0 s3, s7;
	s7 =	simm.s32 @!p0 $0x108  }
0x21: {  	s3 =	sadd.s32 s3, s9;
	s6 =	sadd.s32 @!p0 $0x88, s6;
	s7 =	simm.s32 @p2 $0x1082  }
0x22: {  	[simem:s7], [sflag:s8] =	dma.local @!p0 [hbm:s6], $0xF7A  }
0x23: {  	s9 =	sor.u32 $0xD0000000, s2;
	s6 =	simm.s32 $0x108;
	_ =	swait.ge @!p0 [sflag:s8], $0x0  }
0x24: {  	s3 =	sadd.s32 $0x88, s3;
	s6 =	simm.s32 @!p1 $0x1082;
	[sflag:s4] =	ssyncset.s32 $0xFFFFF086  }
0x25: {  	[simem:s6], [sflag:s4] =	dma.local [hbm:s3], $0xF7A  }
0x26: {  	[smem:$0x3F9B] =	sst s1;
	(tag) =	ssettag s2;
	_ =	strace s9  }
0x27: {  	s1 =	sld [smem:$0x3FAB]  }
0x28: {  	s2 =	sld [smem:$0x3FAC]  }
0x29: {  	s4 =	sld [smem:$0x3FAE]  }
0x2a: {  	p0 =	seq.s32 s5, $0x0;
	s5 =	sld [smem:$0x3FAF]  }
0x2b: {  	s6 =	sld [smem:$0x3FB0]  }
0x2c: {  	s7 =	sld [smem:$0x3FB1]  }
0x2d: {  	s3 =	simm.s32 $0x108;
	s8 =	sld [smem:$0x3FB2]  }
0x2e: {  	s3 =	simm.s32 @!p0 $0x1082;
	s9 =	sld [smem:$0x3FB3]  }
0x2f: {  	lr =	sadd.s32 s0, s3;
	s0 =	sld [smem:$0x3FAA]  }
0x30: {  	s3 =	sld [smem:$0x3FAD]  }
0x31: {  	[smem:$0x3FB6] =	sst s10  }
0x32: {  	s10 =	sld [smem:$0x3FB4];
	_ =	sdelay $0x3  }
0x33: {  	p0 =	seq.s32 s10, $0x1;
	s10 =	sld [smem:$0x3FB6];
	_ =	sdelay $0x3  }
0x34: {  	[smem:$0x3FB6] =	sst s10  }
0x35: {  	s10 =	sld [smem:$0x3FB5];
	_ =	sdelay $0x3  }
0x36: {  	p1 =	seq.s32 s10, $0x1;
	s10 =	sld [smem:$0x3FB6];
	_ =	sdelay $0x3  }
0x37: {  	[smem:$0x3FB6] =	sst s10  }
0x38: {  	s10 =	sld [smem:$0x3FB7]  }
0x39: {  	_ = 	snop;
	(pc) =	sbr.ind lr, $3  }
0x3a: {  	_ = 	snop  }
0x3b: {  	_ = 	snop  }
0x3c: {  	p2 =	seq.s32 s10, $0x1;
	s10 =	sld [smem:$0x3FB6]  }
0x3d: {  	_ =	shalt  }
0x3e: {  	_ =	shalt  }
0x3f: {  	_ =	shalt  }
0x40: {  	_ =	shalt  }
0x41: {  	_ =	shalt  }
0x42: {  	_ =	shalt  }
0x43: {  	_ =	shalt  }
0x44: {  	_ =	shalt  }
0x45: {  	_ =	shalt  }
0x46: {  	_ =	shalt  }
0x47: {  	_ =	shalt  }
0x48: {  	_ =	shalt  }
0x49: {  	_ =	shalt  }
0x4a: {  	_ =	shalt  }
0x4b: {  	_ =	shalt  }
0x4c: {  	_ =	shalt  }
0x4d: {  	_ =	shalt  }
0x4e: {  	_ =	shalt  }
0x4f: {  	_ =	shalt  }
0x50: {  	_ =	shalt  }
0x51: {  	_ =	shalt  }
0x52: {  	_ =	shalt  }
0x53: {  	_ =	shalt  }
0x54: {  	_ =	shalt  }
0x55: {  	_ =	shalt  }
0x56: {  	_ =	shalt  }
0x57: {  	_ =	shalt  }
0x58: {  	_ =	shalt  }
0x59: {  	_ =	shalt  }
0x5a: {  	_ =	shalt  }
0x5b: {  	_ =	shalt  }
0x5c: {  	_ =	shalt  }
0x5d: {  	_ =	shalt  }
0x5e: {  	_ =	shalt  }
0x5f: {  	_ =	shalt  }
0x60: {  	_ =	shalt  }
0x61: {  	_ =	shalt  }
0x62: {  	_ =	shalt  }
0x63: {  	_ =	shalt  }
0x64: {  	_ =	shalt  }
0x65: {  	_ =	shalt  }
0x66: {  	_ =	shalt  }
0x67: {  	_ =	shalt  }
0x68: {  	_ =	shalt  }
0x69: {  	_ =	shalt  }
0x6a: {  	_ =	shalt  }
0x6b: {  	_ =	shalt  }
0x6c: {  	_ =	shalt  }
0x6d: {  	_ =	shalt  }
0x6e: {  	_ =	shalt  }
0x6f: {  	_ =	shalt  }
0x70: {  	_ =	shalt  }
0x71: {  	_ =	shalt  }
0x72: {  	_ =	shalt  }
0x73: {  	_ =	shalt  }
0x74: {  	_ =	shalt  }
0x75: {  	_ =	shalt  }
0x76: {  	_ =	shalt  }
0x77: {  	_ =	shalt  }
0x78: {  	_ =	shalt  }
0x79: {  	_ =	shalt  }
0x7a: {  	_ =	shalt  }
0x7b: {  	_ =	shalt  }
0x7c: {  	_ =	shalt  }
0x7d: {  	_ =	shalt  }
0x7e: {  	_ =	shalt  }
0x7f: {  	_ =	shalt  }
0x80: {  	_ =	shalt  }
0x81: {  	_ =	shalt  }
0x82: {  	_ =	shalt  }
0x83: {  	_ =	shalt  }
0x84: {  	_ =	shalt  }
0x85: {  	_ =	shalt  }
0x86: {  	_ =	shalt  }
0x87: {  	_ =	shalt  }
.Lfunc_end0:
.L_simem_size_0:
called_computation_lowered:
.L_overlay_start_0:
0x88: {  	s2 =	sld [smem:$0x3FD9]  }
0x89: {  	s3 =	sld [smem:$0x3FFE];
	_ =	sdelay $0x1  }
0x8a: {  	s1 =	srdreg.scid  }
0x8b: {  	s0 =	sand.u32 $0x1, s1  }
0x8c: {  	s16 =	sshll.u32 s0, $0xA;
	s2 =	sadd.s32 s3, s2  }
0x8d: {  	s2 =	sadd.s32 s2, s16  }
0x8e: {  	[smem:$0x3FC2] =	sst s2  }
0x8f: {  	_ = 	snop  }
0x90: {  	(tm) =	ssettm $0x1  }
0x91: {  	s17 =	sld [smem:$0x3FFB];
	_ =	sdelay $0x3  }
0x92: {  	_ =	strace s17  }
0x93: {  	s2 =	sld [smem:$0x3FFC];
	_ =	sdelay $0x3  }
0x94: {  	_ =	strace s2  }
0x95: {  	s2 =	sld [smem:$0x3FFD];
	_ =	sdelay $0x3  }
0x96: {  	_ =	strace s2  }
0x97: {  	_ =	strace $0x8FFFFFFF  }
0x98: {  	s18 =	sld [smem:$0x3FDB];
	_ =	sdelay $0x1  }
0x99: {  	s19 =	simm.s32 $_scs_section_size  }
0x9a: {  	s4 =	simm.s32 $_size__tile_overlayer_lowered;
	s5 =	simm.s32 $_tile_overlayer_lowered  }
0x9b: {  	s22 =	simm.s32 $0x1BFF;
	s21 =	sshll.u32 s5, $0x1;
	s2 =	sadd.s32 s19, s18  }
0x9c: {  	s6 =	simm.s32 $0x0;
	s20 =	sshll.u32 s4, $0x1;
	s4 =	sadd.s32 s21, s2  }
0x9d: {  	[timem:s6], [sflag:s22] =	dma.local [hbm:s4], s20  }
0x9e: {  	_ =	swait.ge [sflag:s22], s20  }
0x9f: {  	s3 =	ssub.s32 $0x0, s20;
	[sflag:s22] =	ssyncset.done $0x0  }
0xa0: {  	[sflag:s22] =	ssyncadd.s32 s3;
	_ =	sdelay $0x1  }
0xa1: {  	s23 =	simm.s32 $0x1B8B  }
0xa2: {  	_ =	swait.ge [sflag:s23], $0x1  }
0xa3: {  	[sflag:s23] =	ssyncset.done $0x0  }
0xa4: {  	s25 =	simm.s32 $0x1B8E;
	s24 =	sld [smem:$0x3FFE];
	[sflag:s23] =	ssyncadd.s32 $0xFFFFFFFF  }
0xa5: {  	s26 =	simm.s32 $execute0_lowered;
	[smem:$0x3FD2] =	sst s25  }
0xa6: {  	s4 =	sshll.u32 s26, $0x1;
	_ =	strace $0x80000046;
	[dreg:$0x1] =	wrdreg $0xFFFFFFFF  }
0xa7: {  	s28 =	simm.s32 $_size_execute0_lowered;
	s2 =	sadd.s32 s2, s4;
	[dreg:$0x0] =	wrdreg $0x0  }
0xa8: {  	s4 =	sshll.u32 s28, $0x1;
	[dreg:$0x2] =	wrdreg s2  }
0xa9: {  	[dreg:$0x3] =	wrdreg s4  }
0xaa: {  	[dreg:$0x4] =	wrdreg $0xC0  }
0xab: {  	_ =	task [dreg:s6], $0x5FFFF  }
0xac: {  	[dreg:$0x1] =	wrdreg $0xFFFFFFFF  }
0xad: {  	[dreg:$0x0] =	wrdreg $0x60  }
0xae: {  	[dreg:$0x2] =	wrdreg s24  }
0xaf: {  	[dreg:$0x3] =	wrdreg $0x48000  }
0xb0: {  	[dreg:$0x4] =	wrdreg $0x9  }
0xb1: {  	_ =	task.clear_ibuf [dreg:s6], $0x5FFFF;
	_ =	strace $0x90000046  }
0xb2: {  	s29 =	simm.s32 $0x9;
	_ =	strace $0x80000048  }
0xb3: {  	_ =	swait.ge [sflag:s29], $0x1  }
0xb4: {  	[sflag:s29] =	ssyncadd.s32 $0xFFFFFFFF  }
0xb5: {  	_ =	strace $0x90000048  }
0xb6: {  	_ =	sfence  }
0xb7: {  	s30 =	sld [smem:$0x0];
	_ =	sdelay $0x2  }
0xb8: {  	s31 =	sshll.u32 s1, $0xD;
	s1 =	sshrl.u32 s1, $0x2  }
0xb9: {  	s3 =	sand.u32 $0x4000, s31;
	s1 =	sadd.s32 s1, s30  }
0xba: {  	s0 =	sor.u32 s3, s0;
	s1 =	sshll.u32 s1, $0x11  }
0xbb: {  	s0 =	sor.u32 s1, s0  }
0xbc: {  	s0 =	sadd.s32 $0x8F2B, s0  }
0xbd: {  	[sflag:s0] =	ssyncadd.remote.s32 $0x1  }
0xbe: {  	_ =	sfence.sel $0xFFFF  }
0xbf: {  	[dreg:$0x0] =	wrdreg $0xFFFFFFFF;
	(pc) =	sbr.abs _section_cstart, $3  }
0xc0: {  	[dreg:$0x1] =	wrdreg $0xFFFFFFFF  }
0xc1: {  	_ =	task.clear_ibuf [dreg:s6], $0x2FFFF;
	_ =	strace $0x9FFFFFFF  }
0xc2: {  	(tm) =	ssettm $0x7FFFFFFF  }
0xc3: {  	_ =	shalt  }
tec
execute0_lowered:
.L_overlay_start_1:
0x0: {  	(tag) =	ssettag $0x1  }
0x1: {  	s31 =	rddreg [dreg:$0x0]  }
0x2: {  	s2 =	rddreg [dreg:$0x1];
	s1 =	stileid.u32  }
0x3: {  	s3 =	simm.s32 $0x0;
	s6 =	simm.s32 $0x1;
	s0 =	smul.u32 $0x4F000, s1  }
0x4: {  	s30 =	smul.u32 $0x2780, s1;
	[smem:$0x7FF] =	sst s3;
	s4 =	sadd.s32 $0xC200, s31  }
0x5: {  	s24 =	sshll.u32 s1, $0x6;
	_ =	strace $0x80000047;
	s0 =	sshrl.u32 s0, $0x2  }
0x6: {  	[dreg:$0x3] =	wrdreg s4;
	s5 =	sadd.s32 s30, s31;
	s0 =	sadd.s32 s0, s2  }
0x7: {  	s4 =	sadd.s32 $0xCA00, s5;
	s5 =	sor.u32 $0x1C01, s24;
	s7 =	sshrl.u32 s0, $0x3  }
0x8: {  	[spmem:s7], [sflag:s5] =	dma.local [hbm:s4], $0x2780  }
0x9: {  	s25 =	srdreg.scid;
	_ =	swait.ge [sflag:s6], $0x2780  }
0xa: {  	s8 =	simm.s32 $0x800;
	s10 =	sshll.u32 s1, $0x1;
	[sflag:s6] =	ssyncset.done $0x0  }
0xb: {  	s0 =	sand.u32 $0x1, s25;
	s9 =	rddreg [dreg:$0x3];
	[sflag:s6] =	ssyncadd.s32 $0xFFFFD880  }
0xc: {  	[tilespmem:s8], [sflag:$0x1] =	stream.linear.gather [hbm4b:s9+s3], $0x4000, $0x38;
	[tilespmem:$0x18400] =	vst v63  }
0xd: {  	s24 =	sor.u32 s0, s10;
	_ =	swait.ge [sflag:s6], $0x4000  }
0xe: {  	s26 =	smul.u32 $0x500, s24;
	[sflag:s6] =	ssyncset.done $0x0  }
0xf: {  	s25 =	sadd.s32 $0x2200, s31;
	[sflag:s6] =	ssyncadd.s32 $0xFFFFC000  }
0x10: {  	s9 =	sadd.s32 s25, s26;
	[bflag:$0x0] =	sbarrier.arrive $0xFFFF  }
0x11: {  	[tilespmem:s3], [sflag:$0x1] =	stream.linear.gather [hbm4b:s9+s3], $0x800, $0x38;
	[tilespmem:$0x18400] =	vst v63  }
0x12: {  	_ =	swait.ge [sflag:s6], $0x800  }
0x13: {  	[sflag:s6] =	ssyncset.done $0x0  }
0x14: {  	s10 =	simm.s32 $0x80;
	[sflag:s6] =	ssyncadd.s32 $0xFFFFF800  }
0x15: {  	[spmem:s2] =	stream.indirect.scatter.add.f32 [tilespmem:s8], [sflag:$0x1], $0x80, s3, s10, $0xb8;
	[tilespmem:$0x18400] =	vst v63  }
0x16: {  	_ =	swait.ge [sflag:s6], $0x4000  }
0x17: {  	[sflag:s6] =	ssyncset.done $0x0  }
0x18: {  	[sflag:s6] =	ssyncadd.s32 $0xFFFFC000  }
0x19: {  	[spmem:s2] =	stream.indirect.scatter.add.f32 [tilespmem:s8], [sflag:$0x1], $0x80, s10, s10, $0xb8;
	[tilespmem:$0x18400] =	vst v63  }
0x1a: {  	_ =	swait.ge [sflag:s6], $0x4000  }
0x1b: {  	[sflag:s6] =	ssyncset.done $0x0  }
0x1c: {  	s11 =	simm.s32 $0x100;
	[sflag:s6] =	ssyncadd.s32 $0xFFFFC000  }
0x1d: {  	[spmem:s2] =	stream.indirect.scatter.add.f32 [tilespmem:s8], [sflag:$0x1], $0x80, s11, s10, $0xb8;
	[tilespmem:$0x18400] =	vst v63  }
0x1e: {  	_ =	swait.ge [sflag:s6], $0x4000  }
0x1f: {  	[sflag:s6] =	ssyncset.done $0x0  }
0x20: {  	s12 =	simm.s32 $0x180;
	[sflag:s6] =	ssyncadd.s32 $0xFFFFC000  }
0x21: {  	[spmem:s2] =	stream.indirect.scatter.add.f32 [tilespmem:s8], [sflag:$0x1], $0x80, s12, s10, $0xb8;
	[tilespmem:$0x18400] =	vst v63  }
0x22: {  	_ =	swait.ge [sflag:s6], $0x4000  }
0x23: {  	[sflag:s6] =	ssyncset.done $0x0  }
0x24: {  	s13 =	simm.s32 $0x200;
	[sflag:s6] =	ssyncadd.s32 $0xFFFFC000  }
0x25: {  	[spmem:s2] =	stream.indirect.scatter.add.f32 [tilespmem:s8], [sflag:$0x1], $0x80, s13, s10, $0xb8;
	[tilespmem:$0x18400] =	vst v63  }
0x26: {  	_ =	swait.ge [sflag:s6], $0x4000  }
0x27: {  	[sflag:s6] =	ssyncset.done $0x0  }
0x28: {  	s14 =	simm.s32 $0x280;
	[sflag:s6] =	ssyncadd.s32 $0xFFFFC000  }
0x29: {  	[spmem:s2] =	stream.indirect.scatter.add.f32 [tilespmem:s8], [sflag:$0x1], $0x80, s14, s10, $0xb8;
	[tilespmem:$0x18400] =	vst v63  }
0x2a: {  	_ =	swait.ge [sflag:s6], $0x4000  }
0x2b: {  	[sflag:s6] =	ssyncset.done $0x0  }
0x2c: {  	s15 =	simm.s32 $0x300;
	[sflag:s6] =	ssyncadd.s32 $0xFFFFC000  }
0x2d: {  	[spmem:s2] =	stream.indirect.scatter.add.f32 [tilespmem:s8], [sflag:$0x1], $0x80, s15, s10, $0xb8;
	[tilespmem:$0x18400] =	vst v63  }
0x2e: {  	_ =	swait.ge [sflag:s6], $0x4000  }
0x2f: {  	[sflag:s6] =	ssyncset.done $0x0  }
0x30: {  	s16 =	simm.s32 $0x380;
	[sflag:s6] =	ssyncadd.s32 $0xFFFFC000  }
0x31: {  	[spmem:s2] =	stream.indirect.scatter.add.f32 [tilespmem:s8], [sflag:$0x1], $0x80, s16, s10, $0xb8;
	[tilespmem:$0x18400] =	vst v63  }
0x32: {  	_ =	swait.ge [sflag:s6], $0x4000  }
0x33: {  	[sflag:s6] =	ssyncset.done $0x0  }
0x34: {  	s17 =	simm.s32 $0x400;
	[sflag:s6] =	ssyncadd.s32 $0xFFFFC000  }
0x35: {  	[spmem:s2] =	stream.indirect.scatter.add.f32 [tilespmem:s8], [sflag:$0x1], $0x80, s17, s10, $0xb8;
	[tilespmem:$0x18400] =	vst v63  }
0x36: {  	_ =	swait.ge [sflag:s6], $0x4000  }
0x37: {  	[sflag:s6] =	ssyncset.done $0x0  }
0x38: {  	s18 =	simm.s32 $0x480;
	[sflag:s6] =	ssyncadd.s32 $0xFFFFC000  }
0x39: {  	[spmem:s2] =	stream.indirect.scatter.add.f32 [tilespmem:s8], [sflag:$0x1], $0x80, s18, s10, $0xb8;
	[tilespmem:$0x18400] =	vst v63  }
0x3a: {  	_ =	swait.ge [sflag:s6], $0x4000  }
0x3b: {  	[sflag:s6] =	ssyncset.done $0x0  }
0x3c: {  	s19 =	simm.s32 $0x500;
	[sflag:s6] =	ssyncadd.s32 $0xFFFFC000  }
0x3d: {  	[spmem:s2] =	stream.indirect.scatter.add.f32 [tilespmem:s8], [sflag:$0x1], $0x80, s19, s10, $0xb8;
	[tilespmem:$0x18400] =	vst v63  }
0x3e: {  	_ =	swait.ge [sflag:s6], $0x4000  }
0x3f: {  	[sflag:s6] =	ssyncset.done $0x0  }
0x40: {  	s20 =	simm.s32 $0x580;
	[sflag:s6] =	ssyncadd.s32 $0xFFFFC000  }
0x41: {  	[spmem:s2] =	stream.indirect.scatter.add.f32 [tilespmem:s8], [sflag:$0x1], $0x80, s20, s10, $0xb8;
	[tilespmem:$0x18400] =	vst v63  }
0x42: {  	_ =	swait.ge [sflag:s6], $0x4000  }
0x43: {  	[sflag:s6] =	ssyncset.done $0x0  }
0x44: {  	s21 =	simm.s32 $0x600;
	[sflag:s6] =	ssyncadd.s32 $0xFFFFC000  }
0x45: {  	[spmem:s2] =	stream.indirect.scatter.add.f32 [tilespmem:s8], [sflag:$0x1], $0x80, s21, s10, $0xb8;
	[tilespmem:$0x18400] =	vst v63  }
0x46: {  	_ =	swait.ge [sflag:s6], $0x4000  }
0x47: {  	[sflag:s6] =	ssyncset.done $0x0  }
0x48: {  	s22 =	simm.s32 $0x680;
	[sflag:s6] =	ssyncadd.s32 $0xFFFFC000  }
0x49: {  	[spmem:s2] =	stream.indirect.scatter.add.f32 [tilespmem:s8], [sflag:$0x1], $0x80, s22, s10, $0xb8;
	[tilespmem:$0x18400] =	vst v63  }
0x4a: {  	_ =	swait.ge [sflag:s6], $0x4000  }
0x4b: {  	[sflag:s6] =	ssyncset.done $0x0  }
0x4c: {  	s23 =	simm.s32 $0x700;
	[sflag:s6] =	ssyncadd.s32 $0xFFFFC000  }
0x4d: {  	[spmem:s2] =	stream.indirect.scatter.add.f32 [tilespmem:s8], [sflag:$0x1], $0x80, s23, s10, $0xb8;
	[tilespmem:$0x18400] =	vst v63  }
0x4e: {  	_ =	swait.ge [sflag:s6], $0x4000  }
0x4f: {  	[sflag:s6] =	ssyncset.done $0x0  }
0x50: {  	s26 =	smul.u32 $0x2800, s24;
	s24 =	simm.s32 $0x780;
	[sflag:s6] =	ssyncadd.s32 $0xFFFFC000  }
0x51: {  	[spmem:s2] =	stream.indirect.scatter.add.f32 [tilespmem:s8], [sflag:$0x1], $0x80, s24, s10, $0xb8;
	[tilespmem:$0x18400] =	vst v63  }
0x52: {  	s26 =	sshrl.u32 s26, $0x3;
	_ =	swait.ge [sflag:s6], $0x4000  }
0x53: {  	s29 =	sadd.s32 s25, s26;
	[sflag:s6] =	ssyncset.done $0x0  }
0x54: {  	s25 =	sadd.s32 $0x100, s29;
	[sflag:s6] =	ssyncadd.s32 $0xFFFFC000  }
0x55: {  	[tilespmem:s3], [sflag:$0x1] =	stream.linear.gather [hbm4b:s25+s3], $0x800, $0x38;
	[tilespmem:$0x18400] =	vst v63  }
0x56: {  	_ =	swait.ge [sflag:s6], $0x800  }
0x57: {  	[sflag:s6] =	ssyncset.done $0x0  }
0x58: {  	[sflag:s6] =	ssyncadd.s32 $0xFFFFF800  }
0x59: {  	[spmem:s2] =	stream.indirect.scatter.add.f32 [tilespmem:s8], [sflag:$0x1], $0x80, s3, s10, $0xb8;
	[tilespmem:$0x18400] =	vst v63  }
0x5a: {  	_ =	swait.ge [sflag:s6], $0x4000  }
0x5b: {  	[sflag:s6] =	ssyncset.done $0x0  }
0x5c: {  	[sflag:s6] =	ssyncadd.s32 $0xFFFFC000  }
0x5d: {  	[spmem:s2] =	stream.indirect.scatter.add.f32 [tilespmem:s8], [sflag:$0x1], $0x80, s10, s10, $0xb8;
	[tilespmem:$0x18400] =	vst v63  }
0x5e: {  	_ =	swait.ge [sflag:s6], $0x4000  }
0x5f: {  	[sflag:s6] =	ssyncset.done $0x0  }
0x60: {  	[sflag:s6] =	ssyncadd.s32 $0xFFFFC000  }
0x61: {  	[spmem:s2] =	stream.indirect.scatter.add.f32 [tilespmem:s8], [sflag:$0x1], $0x80, s11, s10, $0xb8;
	[tilespmem:$0x18400] =	vst v63  }
0x62: {  	_ =	swait.ge [sflag:s6], $0x4000  }
0x63: {  	[sflag:s6] =	ssyncset.done $0x0  }
0x64: {  	[sflag:s6] =	ssyncadd.s32 $0xFFFFC000  }
0x65: {  	[spmem:s2] =	stream.indirect.scatter.add.f32 [tilespmem:s8], [sflag:$0x1], $0x80, s12, s10, $0xb8;
	[tilespmem:$0x18400] =	vst v63  }
0x66: {  	_ =	swait.ge [sflag:s6], $0x4000  }
0x67: {  	[sflag:s6] =	ssyncset.done $0x0  }
0x68: {  	[sflag:s6] =	ssyncadd.s32 $0xFFFFC000  }
0x69: {  	[spmem:s2] =	stream.indirect.scatter.add.f32 [tilespmem:s8], [sflag:$0x1], $0x80, s13, s10, $0xb8;
	[tilespmem:$0x18400] =	vst v63  }
0x6a: {  	_ =	swait.ge [sflag:s6], $0x4000  }
0x6b: {  	[sflag:s6] =	ssyncset.done $0x0  }
0x6c: {  	[sflag:s6] =	ssyncadd.s32 $0xFFFFC000  }
0x6d: {  	[spmem:s2] =	stream.indirect.scatter.add.f32 [tilespmem:s8], [sflag:$0x1], $0x80, s14, s10, $0xb8;
	[tilespmem:$0x18400] =	vst v63  }
0x6e: {  	_ =	swait.ge [sflag:s6], $0x4000  }
0x6f: {  	[sflag:s6] =	ssyncset.done $0x0  }
0x70: {  	[sflag:s6] =	ssyncadd.s32 $0xFFFFC000  }
0x71: {  	[spmem:s2] =	stream.indirect.scatter.add.f32 [tilespmem:s8], [sflag:$0x1], $0x80, s15, s10, $0xb8;
	[tilespmem:$0x18400] =	vst v63  }
0x72: {  	_ =	swait.ge [sflag:s6], $0x4000  }
0x73: {  	[sflag:s6] =	ssyncset.done $0x0  }
0x74: {  	[sflag:s6] =	ssyncadd.s32 $0xFFFFC000  }
0x75: {  	[spmem:s2] =	stream.indirect.scatter.add.f32 [tilespmem:s8], [sflag:$0x1], $0x80, s16, s10, $0xb8;
	[tilespmem:$0x18400] =	vst v63  }
0x76: {  	_ =	swait.ge [sflag:s6], $0x4000  }
0x77: {  	[sflag:s6] =	ssyncset.done $0x0  }
0x78: {  	[sflag:s6] =	ssyncadd.s32 $0xFFFFC000  }
0x79: {  	[spmem:s2] =	stream.indirect.scatter.add.f32 [tilespmem:s8], [sflag:$0x1], $0x80, s17, s10, $0xb8;
	[tilespmem:$0x18400] =	vst v63  }
0x7a: {  	_ =	swait.ge [sflag:s6], $0x4000  }
0x7b: {  	[sflag:s6] =	ssyncset.done $0x0  }
0x7c: {  	[sflag:s6] =	ssyncadd.s32 $0xFFFFC000  }
0x7d: {  	[spmem:s2] =	stream.indirect.scatter.add.f32 [tilespmem:s8], [sflag:$0x1], $0x80, s18, s10, $0xb8;
	[tilespmem:$0x18400] =	vst v63  }
0x7e: {  	_ =	swait.ge [sflag:s6], $0x4000  }
0x7f: {  	[sflag:s6] =	ssyncset.done $0x0  }
0x80: {  	[sflag:s6] =	ssyncadd.s32 $0xFFFFC000  }
0x81: {  	[spmem:s2] =	stream.indirect.scatter.add.f32 [tilespmem:s8], [sflag:$0x1], $0x80, s19, s10, $0xb8;
	[tilespmem:$0x18400] =	vst v63  }
0x82: {  	_ =	swait.ge [sflag:s6], $0x4000  }
0x83: {  	[sflag:s6] =	ssyncset.done $0x0  }
0x84: {  	[sflag:s6] =	ssyncadd.s32 $0xFFFFC000  }
0x85: {  	[spmem:s2] =	stream.indirect.scatter.add.f32 [tilespmem:s8], [sflag:$0x1], $0x80, s20, s10, $0xb8;
	[tilespmem:$0x18400] =	vst v63  }
0x86: {  	_ =	swait.ge [sflag:s6], $0x4000  }
0x87: {  	[sflag:s6] =	ssyncset.done $0x0  }
0x88: {  	[sflag:s6] =	ssyncadd.s32 $0xFFFFC000  }
0x89: {  	[spmem:s2] =	stream.indirect.scatter.add.f32 [tilespmem:s8], [sflag:$0x1], $0x80, s21, s10, $0xb8;
	[tilespmem:$0x18400] =	vst v63  }
0x8a: {  	_ =	swait.ge [sflag:s6], $0x4000  }
0x8b: {  	[sflag:s6] =	ssyncset.done $0x0  }
0x8c: {  	[sflag:s6] =	ssyncadd.s32 $0xFFFFC000  }
0x8d: {  	[spmem:s2] =	stream.indirect.scatter.add.f32 [tilespmem:s8], [sflag:$0x1], $0x80, s22, s10, $0xb8;
	[tilespmem:$0x18400] =	vst v63  }
0x8e: {  	_ =	swait.ge [sflag:s6], $0x4000  }
0x8f: {  	[sflag:s6] =	ssyncset.done $0x0  }
0x90: {  	[sflag:s6] =	ssyncadd.s32 $0xFFFFC000  }
0x91: {  	[spmem:s2] =	stream.indirect.scatter.add.f32 [tilespmem:s8], [sflag:$0x1], $0x80, s23, s10, $0xb8;
	[tilespmem:$0x18400] =	vst v63  }
0x92: {  	_ =	swait.ge [sflag:s6], $0x4000  }
0x93: {  	[sflag:s6] =	ssyncset.done $0x0  }
0x94: {  	[sflag:s6] =	ssyncadd.s32 $0xFFFFC000  }
0x95: {  	[spmem:s2] =	stream.indirect.scatter.add.f32 [tilespmem:s8], [sflag:$0x1], $0x80, s24, s10, $0xb8;
	[tilespmem:$0x18400] =	vst v63  }
0x96: {  	_ =	swait.ge [sflag:s6], $0x4000  }
0x97: {  	[sflag:s6] =	ssyncset.done $0x0  }
0x98: {  	s26 =	sadd.s32 $0x200, s29;
	[sflag:s6] =	ssyncadd.s32 $0xFFFFC000  }
0x99: {  	[tilespmem:s3], [sflag:$0x1] =	stream.linear.gather [hbm4b:s26+s3], $0x800, $0x38;
	[tilespmem:$0x18400] =	vst v63  }
0x9a: {  	_ =	swait.ge [sflag:s6], $0x800  }
0x9b: {  	[sflag:s6] =	ssyncset.done $0x0  }
0x9c: {  	[sflag:s6] =	ssyncadd.s32 $0xFFFFF800  }
0x9d: {  	[spmem:s2] =	stream.indirect.scatter.add.f32 [tilespmem:s8], [sflag:$0x1], $0x80, s3, s10, $0xb8;
	[tilespmem:$0x18400] =	vst v63  }
0x9e: {  	_ =	swait.ge [sflag:s6], $0x4000  }
0x9f: {  	[sflag:s6] =	ssyncset.done $0x0  }
0xa0: {  	[sflag:s6] =	ssyncadd.s32 $0xFFFFC000  }
0xa1: {  	[spmem:s2] =	stream.indirect.scatter.add.f32 [tilespmem:s8], [sflag:$0x1], $0x80, s10, s10, $0xb8;
	[tilespmem:$0x18400] =	vst v63  }
0xa2: {  	_ =	swait.ge [sflag:s6], $0x4000  }
0xa3: {  	[sflag:s6] =	ssyncset.done $0x0  }
0xa4: {  	[sflag:s6] =	ssyncadd.s32 $0xFFFFC000  }
0xa5: {  	[spmem:s2] =	stream.indirect.scatter.add.f32 [tilespmem:s8], [sflag:$0x1], $0x80, s11, s10, $0xb8;
	[tilespmem:$0x18400] =	vst v63  }
0xa6: {  	_ =	swait.ge [sflag:s6], $0x4000  }
0xa7: {  	[sflag:s6] =	ssyncset.done $0x0  }
0xa8: {  	[sflag:s6] =	ssyncadd.s32 $0xFFFFC000  }
0xa9: {  	[spmem:s2] =	stream.indirect.scatter.add.f32 [tilespmem:s8], [sflag:$0x1], $0x80, s12, s10, $0xb8;
	[tilespmem:$0x18400] =	vst v63  }
0xaa: {  	_ =	swait.ge [sflag:s6], $0x4000  }
0xab: {  	[sflag:s6] =	ssyncset.done $0x0  }
0xac: {  	[sflag:s6] =	ssyncadd.s32 $0xFFFFC000  }
0xad: {  	[spmem:s2] =	stream.indirect.scatter.add.f32 [tilespmem:s8], [sflag:$0x1], $0x80, s13, s10, $0xb8;
	[tilespmem:$0x18400] =	vst v63  }
0xae: {  	_ =	swait.ge [sflag:s6], $0x4000  }
0xaf: {  	[sflag:s6] =	ssyncset.done $0x0  }
0xb0: {  	[sflag:s6] =	ssyncadd.s32 $0xFFFFC000  }
0xb1: {  	[spmem:s2] =	stream.indirect.scatter.add.f32 [tilespmem:s8], [sflag:$0x1], $0x80, s14, s10, $0xb8;
	[tilespmem:$0x18400] =	vst v63  }
0xb2: {  	_ =	swait.ge [sflag:s6], $0x4000  }
0xb3: {  	[sflag:s6] =	ssyncset.done $0x0  }
0xb4: {  	[sflag:s6] =	ssyncadd.s32 $0xFFFFC000  }
0xb5: {  	[spmem:s2] =	stream.indirect.scatter.add.f32 [tilespmem:s8], [sflag:$0x1], $0x80, s15, s10, $0xb8;
	[tilespmem:$0x18400] =	vst v63  }
0xb6: {  	_ =	swait.ge [sflag:s6], $0x4000  }
0xb7: {  	[sflag:s6] =	ssyncset.done $0x0  }
0xb8: {  	[sflag:s6] =	ssyncadd.s32 $0xFFFFC000  }
0xb9: {  	[spmem:s2] =	stream.indirect.scatter.add.f32 [tilespmem:s8], [sflag:$0x1], $0x80, s16, s10, $0xb8;
	[tilespmem:$0x18400] =	vst v63  }
0xba: {  	_ =	swait.ge [sflag:s6], $0x4000  }
0xbb: {  	[sflag:s6] =	ssyncset.done $0x0  }
0xbc: {  	[sflag:s6] =	ssyncadd.s32 $0xFFFFC000  }
0xbd: {  	[spmem:s2] =	stream.indirect.scatter.add.f32 [tilespmem:s8], [sflag:$0x1], $0x80, s17, s10, $0xb8;
	[tilespmem:$0x18400] =	vst v63  }
0xbe: {  	_ =	swait.ge [sflag:s6], $0x4000  }
0xbf: {  	[sflag:s6] =	ssyncset.done $0x0  }
0xc0: {  	[sflag:s6] =	ssyncadd.s32 $0xFFFFC000  }
0xc1: {  	[spmem:s2] =	stream.indirect.scatter.add.f32 [tilespmem:s8], [sflag:$0x1], $0x80, s18, s10, $0xb8;
	[tilespmem:$0x18400] =	vst v63  }
0xc2: {  	_ =	swait.ge [sflag:s6], $0x4000  }
0xc3: {  	[sflag:s6] =	ssyncset.done $0x0  }
0xc4: {  	[sflag:s6] =	ssyncadd.s32 $0xFFFFC000  }
0xc5: {  	[spmem:s2] =	stream.indirect.scatter.add.f32 [tilespmem:s8], [sflag:$0x1], $0x80, s19, s10, $0xb8;
	[tilespmem:$0x18400] =	vst v63  }
0xc6: {  	_ =	swait.ge [sflag:s6], $0x4000  }
0xc7: {  	[sflag:s6] =	ssyncset.done $0x0  }
0xc8: {  	[sflag:s6] =	ssyncadd.s32 $0xFFFFC000  }
0xc9: {  	[spmem:s2] =	stream.indirect.scatter.add.f32 [tilespmem:s8], [sflag:$0x1], $0x80, s20, s10, $0xb8;
	[tilespmem:$0x18400] =	vst v63  }
0xca: {  	_ =	swait.ge [sflag:s6], $0x4000  }
0xcb: {  	[sflag:s6] =	ssyncset.done $0x0  }
0xcc: {  	[sflag:s6] =	ssyncadd.s32 $0xFFFFC000  }
0xcd: {  	[spmem:s2] =	stream.indirect.scatter.add.f32 [tilespmem:s8], [sflag:$0x1], $0x80, s21, s10, $0xb8;
	[tilespmem:$0x18400] =	vst v63  }
0xce: {  	_ =	swait.ge [sflag:s6], $0x4000  }
0xcf: {  	[sflag:s6] =	ssyncset.done $0x0  }
0xd0: {  	[sflag:s6] =	ssyncadd.s32 $0xFFFFC000  }
0xd1: {  	[spmem:s2] =	stream.indirect.scatter.add.f32 [tilespmem:s8], [sflag:$0x1], $0x80, s22, s10, $0xb8;
	[tilespmem:$0x18400] =	vst v63  }
0xd2: {  	_ =	swait.ge [sflag:s6], $0x4000  }
0xd3: {  	[sflag:s6] =	ssyncset.done $0x0  }
0xd4: {  	[sflag:s6] =	ssyncadd.s32 $0xFFFFC000  }
0xd5: {  	[spmem:s2] =	stream.indirect.scatter.add.f32 [tilespmem:s8], [sflag:$0x1], $0x80, s23, s10, $0xb8;
	[tilespmem:$0x18400] =	vst v63  }
0xd6: {  	_ =	swait.ge [sflag:s6], $0x4000  }
0xd7: {  	[sflag:s6] =	ssyncset.done $0x0  }
0xd8: {  	[sflag:s6] =	ssyncadd.s32 $0xFFFFC000  }
0xd9: {  	[spmem:s2] =	stream.indirect.scatter.add.f32 [tilespmem:s8], [sflag:$0x1], $0x80, s24, s10, $0xb8;
	[tilespmem:$0x18400] =	vst v63  }
0xda: {  	_ =	swait.ge [sflag:s6], $0x4000  }
0xdb: {  	[sflag:s6] =	ssyncset.done $0x0  }
0xdc: {  	s28 =	sadd.s32 $0x300, s29;
	[sflag:s6] =	ssyncadd.s32 $0xFFFFC000  }
0xdd: {  	[tilespmem:s3], [sflag:$0x1] =	stream.linear.gather [hbm4b:s28+s3], $0x800, $0x38;
	[tilespmem:$0x18400] =	vst v63  }
0xde: {  	_ =	swait.ge [sflag:s6], $0x800  }
0xdf: {  	[sflag:s6] =	ssyncset.done $0x0  }
0xe0: {  	[sflag:s6] =	ssyncadd.s32 $0xFFFFF800  }
0xe1: {  	[spmem:s2] =	stream.indirect.scatter.add.f32 [tilespmem:s8], [sflag:$0x1], $0x80, s3, s10, $0xb8;
	[tilespmem:$0x18400] =	vst v63  }
0xe2: {  	_ =	swait.ge [sflag:s6], $0x4000  }
0xe3: {  	[sflag:s6] =	ssyncset.done $0x0  }
0xe4: {  	[sflag:s6] =	ssyncadd.s32 $0xFFFFC000  }
0xe5: {  	[spmem:s2] =	stream.indirect.scatter.add.f32 [tilespmem:s8], [sflag:$0x1], $0x80, s10, s10, $0xb8;
	[tilespmem:$0x18400] =	vst v63  }
0xe6: {  	_ =	swait.ge [sflag:s6], $0x4000  }
0xe7: {  	[sflag:s6] =	ssyncset.done $0x0  }
0xe8: {  	[sflag:s6] =	ssyncadd.s32 $0xFFFFC000  }
0xe9: {  	[spmem:s2] =	stream.indirect.scatter.add.f32 [tilespmem:s8], [sflag:$0x1], $0x80, s11, s10, $0xb8;
	[tilespmem:$0x18400] =	vst v63  }
0xea: {  	_ =	swait.ge [sflag:s6], $0x4000  }
0xeb: {  	[sflag:s6] =	ssyncset.done $0x0  }
0xec: {  	[sflag:s6] =	ssyncadd.s32 $0xFFFFC000  }
0xed: {  	[spmem:s2] =	stream.indirect.scatter.add.f32 [tilespmem:s8], [sflag:$0x1], $0x80, s12, s10, $0xb8;
	[tilespmem:$0x18400] =	vst v63  }
0xee: {  	_ =	swait.ge [sflag:s6], $0x4000  }
0xef: {  	[sflag:s6] =	ssyncset.done $0x0  }
0xf0: {  	[sflag:s6] =	ssyncadd.s32 $0xFFFFC000  }
0xf1: {  	[spmem:s2] =	stream.indirect.scatter.add.f32 [tilespmem:s8], [sflag:$0x1], $0x80, s13, s10, $0xb8;
	[tilespmem:$0x18400] =	vst v63  }
0xf2: {  	_ =	swait.ge [sflag:s6], $0x4000  }
0xf3: {  	[sflag:s6] =	ssyncset.done $0x0  }
0xf4: {  	[sflag:s6] =	ssyncadd.s32 $0xFFFFC000  }
0xf5: {  	[spmem:s2] =	stream.indirect.scatter.add.f32 [tilespmem:s8], [sflag:$0x1], $0x80, s14, s10, $0xb8;
	[tilespmem:$0x18400] =	vst v63  }
0xf6: {  	_ =	swait.ge [sflag:s6], $0x4000  }
0xf7: {  	[sflag:s6] =	ssyncset.done $0x0  }
0xf8: {  	[sflag:s6] =	ssyncadd.s32 $0xFFFFC000  }
0xf9: {  	[spmem:s2] =	stream.indirect.scatter.add.f32 [tilespmem:s8], [sflag:$0x1], $0x80, s15, s10, $0xb8;
	[tilespmem:$0x18400] =	vst v63  }
0xfa: {  	_ =	swait.ge [sflag:s6], $0x4000  }
0xfb: {  	[sflag:s6] =	ssyncset.done $0x0  }
0xfc: {  	[sflag:s6] =	ssyncadd.s32 $0xFFFFC000  }
0xfd: {  	[spmem:s2] =	stream.indirect.scatter.add.f32 [tilespmem:s8], [sflag:$0x1], $0x80, s16, s10, $0xb8;
	[tilespmem:$0x18400] =	vst v63  }
0xfe: {  	_ =	swait.ge [sflag:s6], $0x4000  }
0xff: {  	[sflag:s6] =	ssyncset.done $0x0  }
0x100: {  	[sflag:s6] =	ssyncadd.s32 $0xFFFFC000  }
0x101: {  	[spmem:s2] =	stream.indirect.scatter.add.f32 [tilespmem:s8], [sflag:$0x1], $0x80, s17, s10, $0xb8;
	[tilespmem:$0x18400] =	vst v63  }
0x102: {  	_ =	swait.ge [sflag:s6], $0x4000  }
0x103: {  	[sflag:s6] =	ssyncset.done $0x0  }
0x104: {  	[sflag:s6] =	ssyncadd.s32 $0xFFFFC000  }
0x105: {  	[spmem:s2] =	stream.indirect.scatter.add.f32 [tilespmem:s8], [sflag:$0x1], $0x80, s18, s10, $0xb8;
	[tilespmem:$0x18400] =	vst v63  }
0x106: {  	_ =	swait.ge [sflag:s6], $0x4000  }
0x107: {  	[sflag:s6] =	ssyncset.done $0x0  }
0x108: {  	[sflag:s6] =	ssyncadd.s32 $0xFFFFC000  }
0x109: {  	[spmem:s2] =	stream.indirect.scatter.add.f32 [tilespmem:s8], [sflag:$0x1], $0x80, s19, s10, $0xb8;
	[tilespmem:$0x18400] =	vst v63  }
0x10a: {  	_ =	swait.ge [sflag:s6], $0x4000  }
0x10b: {  	[sflag:s6] =	ssyncset.done $0x0  }
0x10c: {  	[sflag:s6] =	ssyncadd.s32 $0xFFFFC000  }
0x10d: {  	[spmem:s2] =	stream.indirect.scatter.add.f32 [tilespmem:s8], [sflag:$0x1], $0x80, s20, s10, $0xb8;
	[tilespmem:$0x18400] =	vst v63  }
0x10e: {  	_ =	swait.ge [sflag:s6], $0x4000  }
0x10f: {  	[sflag:s6] =	ssyncset.done $0x0  }
0x110: {  	[sflag:s6] =	ssyncadd.s32 $0xFFFFC000  }
0x111: {  	[spmem:s2] =	stream.indirect.scatter.add.f32 [tilespmem:s8], [sflag:$0x1], $0x80, s21, s10, $0xb8;
	[tilespmem:$0x18400] =	vst v63  }
0x112: {  	_ =	swait.ge [sflag:s6], $0x4000  }
0x113: {  	[sflag:s6] =	ssyncset.done $0x0  }
0x114: {  	[sflag:s6] =	ssyncadd.s32 $0xFFFFC000  }
0x115: {  	[spmem:s2] =	stream.indirect.scatter.add.f32 [tilespmem:s8], [sflag:$0x1], $0x80, s22, s10, $0xb8;
	[tilespmem:$0x18400] =	vst v63  }
0x116: {  	_ =	swait.ge [sflag:s6], $0x4000  }
0x117: {  	[sflag:s6] =	ssyncset.done $0x0  }
0x118: {  	[sflag:s6] =	ssyncadd.s32 $0xFFFFC000  }
0x119: {  	[spmem:s2] =	stream.indirect.scatter.add.f32 [tilespmem:s8], [sflag:$0x1], $0x80, s23, s10, $0xb8;
	[tilespmem:$0x18400] =	vst v63  }
0x11a: {  	_ =	swait.ge [sflag:s6], $0x4000  }
0x11b: {  	[sflag:s6] =	ssyncset.done $0x0  }
0x11c: {  	[sflag:s6] =	ssyncadd.s32 $0xFFFFC000  }
0x11d: {  	[spmem:s2] =	stream.indirect.scatter.add.f32 [tilespmem:s8], [sflag:$0x1], $0x80, s24, s10, $0xb8;
	[tilespmem:$0x18400] =	vst v63  }
0x11e: {  	_ =	swait.ge [sflag:s6], $0x4000  }
0x11f: {  	[sflag:s6] =	ssyncset.done $0x0  }
0x120: {  	s29 =	sadd.s32 $0x400, s29;
	[sflag:s6] =	ssyncadd.s32 $0xFFFFC000  }
0x121: {  	[tilespmem:s3], [sflag:$0x1] =	stream.linear.gather [hbm4b:s29+s3], $0x800, $0x38;
	[tilespmem:$0x18400] =	vst v63  }
0x122: {  	_ =	swait.ge [sflag:s6], $0x800  }
0x123: {  	[sflag:s6] =	ssyncset.done $0x0  }
0x124: {  	[sflag:s6] =	ssyncadd.s32 $0xFFFFF800  }
0x125: {  	[spmem:s2] =	stream.indirect.scatter.add.f32 [tilespmem:s8], [sflag:$0x1], $0x80, s3, s10, $0xb8;
	[tilespmem:$0x18400] =	vst v63  }
0x126: {  	_ =	swait.ge [sflag:s6], $0x4000  }
0x127: {  	[sflag:s6] =	ssyncset.done $0x0  }
0x128: {  	[sflag:s6] =	ssyncadd.s32 $0xFFFFC000  }
0x129: {  	[spmem:s2] =	stream.indirect.scatter.add.f32 [tilespmem:s8], [sflag:$0x1], $0x80, s10, s10, $0xb8;
	[tilespmem:$0x18400] =	vst v63  }
0x12a: {  	_ =	swait.ge [sflag:s6], $0x4000  }
0x12b: {  	[sflag:s6] =	ssyncset.done $0x0  }
0x12c: {  	[sflag:s6] =	ssyncadd.s32 $0xFFFFC000  }
0x12d: {  	[spmem:s2] =	stream.indirect.scatter.add.f32 [tilespmem:s8], [sflag:$0x1], $0x80, s11, s10, $0xb8;
	[tilespmem:$0x18400] =	vst v63  }
0x12e: {  	_ =	swait.ge [sflag:s6], $0x4000  }
0x12f: {  	[sflag:s6] =	ssyncset.done $0x0  }
0x130: {  	[sflag:s6] =	ssyncadd.s32 $0xFFFFC000  }
0x131: {  	[spmem:s2] =	stream.indirect.scatter.add.f32 [tilespmem:s8], [sflag:$0x1], $0x80, s12, s10, $0xb8;
	[tilespmem:$0x18400] =	vst v63  }
0x132: {  	_ =	swait.ge [sflag:s6], $0x4000  }
0x133: {  	[sflag:s6] =	ssyncset.done $0x0  }
0x134: {  	[sflag:s6] =	ssyncadd.s32 $0xFFFFC000  }
0x135: {  	[spmem:s2] =	stream.indirect.scatter.add.f32 [tilespmem:s8], [sflag:$0x1], $0x80, s13, s10, $0xb8;
	[tilespmem:$0x18400] =	vst v63  }
0x136: {  	_ =	swait.ge [sflag:s6], $0x4000  }
0x137: {  	[sflag:s6] =	ssyncset.done $0x0  }
0x138: {  	[sflag:s6] =	ssyncadd.s32 $0xFFFFC000  }
0x139: {  	[spmem:s2] =	stream.indirect.scatter.add.f32 [tilespmem:s8], [sflag:$0x1], $0x80, s14, s10, $0xb8;
	[tilespmem:$0x18400] =	vst v63  }
0x13a: {  	_ =	swait.ge [sflag:s6], $0x4000  }
0x13b: {  	[sflag:s6] =	ssyncset.done $0x0  }
0x13c: {  	[sflag:s6] =	ssyncadd.s32 $0xFFFFC000  }
0x13d: {  	[spmem:s2] =	stream.indirect.scatter.add.f32 [tilespmem:s8], [sflag:$0x1], $0x80, s15, s10, $0xb8;
	[tilespmem:$0x18400] =	vst v63  }
0x13e: {  	_ =	swait.ge [sflag:s6], $0x4000  }
0x13f: {  	[sflag:s6] =	ssyncset.done $0x0  }
0x140: {  	[sflag:s6] =	ssyncadd.s32 $0xFFFFC000  }
0x141: {  	[spmem:s2] =	stream.indirect.scatter.add.f32 [tilespmem:s8], [sflag:$0x1], $0x80, s16, s10, $0xb8;
	[tilespmem:$0x18400] =	vst v63  }
0x142: {  	_ =	swait.ge [sflag:s6], $0x4000  }
0x143: {  	[sflag:s6] =	ssyncset.done $0x0  }
0x144: {  	[sflag:s6] =	ssyncadd.s32 $0xFFFFC000  }
0x145: {  	[spmem:s2] =	stream.indirect.scatter.add.f32 [tilespmem:s8], [sflag:$0x1], $0x80, s17, s10, $0xb8;
	[tilespmem:$0x18400] =	vst v63  }
0x146: {  	_ =	swait.ge [sflag:s6], $0x4000  }
0x147: {  	[sflag:s6] =	ssyncset.done $0x0  }
0x148: {  	[sflag:s6] =	ssyncadd.s32 $0xFFFFC000  }
0x149: {  	[spmem:s2] =	stream.indirect.scatter.add.f32 [tilespmem:s8], [sflag:$0x1], $0x80, s18, s10, $0xb8;
	[tilespmem:$0x18400] =	vst v63  }
0x14a: {  	_ =	swait.ge [sflag:s6], $0x4000  }
0x14b: {  	[sflag:s6] =	ssyncset.done $0x0  }
0x14c: {  	[sflag:s6] =	ssyncadd.s32 $0xFFFFC000  }
0x14d: {  	[spmem:s2] =	stream.indirect.scatter.add.f32 [tilespmem:s8], [sflag:$0x1], $0x80, s19, s10, $0xb8;
	[tilespmem:$0x18400] =	vst v63  }
0x14e: {  	_ =	swait.ge [sflag:s6], $0x4000  }
0x14f: {  	[sflag:s6] =	ssyncset.done $0x0  }
0x150: {  	[sflag:s6] =	ssyncadd.s32 $0xFFFFC000  }
0x151: {  	[spmem:s2] =	stream.indirect.scatter.add.f32 [tilespmem:s8], [sflag:$0x1], $0x80, s20, s10, $0xb8;
	[tilespmem:$0x18400] =	vst v63  }
0x152: {  	_ =	swait.ge [sflag:s6], $0x4000  }
0x153: {  	[sflag:s6] =	ssyncset.done $0x0  }
0x154: {  	[sflag:s6] =	ssyncadd.s32 $0xFFFFC000  }
0x155: {  	[spmem:s2] =	stream.indirect.scatter.add.f32 [tilespmem:s8], [sflag:$0x1], $0x80, s21, s10, $0xb8;
	[tilespmem:$0x18400] =	vst v63  }
0x156: {  	_ =	swait.ge [sflag:s6], $0x4000  }
0x157: {  	[sflag:s6] =	ssyncset.done $0x0  }
0x158: {  	[sflag:s6] =	ssyncadd.s32 $0xFFFFC000  }
0x159: {  	[spmem:s2] =	stream.indirect.scatter.add.f32 [tilespmem:s8], [sflag:$0x1], $0x80, s22, s10, $0xb8;
	[tilespmem:$0x18400] =	vst v63  }
0x15a: {  	_ =	swait.ge [sflag:s6], $0x4000  }
0x15b: {  	[sflag:s6] =	ssyncset.done $0x0  }
0x15c: {  	s1 =	smul.u32 $0x27800, s0;
	[sflag:s6] =	ssyncadd.s32 $0xFFFFC000  }
0x15d: {  	[spmem:s2] =	stream.indirect.scatter.add.f32 [tilespmem:s8], [sflag:$0x1], $0x80, s23, s10, $0xb8;
	[tilespmem:$0x18400] =	vst v63  }
0x15e: {  	s0 =	ssub.s32 $0x2, s0;
	_ =	swait.ge [sflag:s6], $0x4000  }
0x15f: {  	s1 =	sadd.s32 s1, s31;
	s31 =	sshrl.u32 s0, $0x1;
	[sflag:s6] =	ssyncset.done $0x0  }
0x160: {  	s0 =	ssub.s32 s0, s31;
	[sflag:s6] =	ssyncadd.s32 $0xFFFFC000  }
0x161: {  	[spmem:s2] =	stream.indirect.scatter.add.f32 [tilespmem:s8], [sflag:$0x1], $0x80, s24, s10, $0xb8;
	[tilespmem:$0x18400] =	vst v63  }
0x162: {  	s0 =	smax.u32 s0, $0x1;
	_ =	swait.ge [sflag:s6], $0x4000  }
0x163: {  	p0 =	sne.s32 s0, $0x1;
	[sflag:s6] =	ssyncset.done $0x0  }
.Ltmp0:
0x164: {  	s1 =	sadd.s32 $0x34200, s1;
	[sflag:s6] =	ssyncadd.s32 $0xFFFFC000;
	(pc) =	sbr.rel @!p0 .LBB2_2-.Ltmp0, $4  }
0x165: {  	s30 =	sadd.s32 s30, s1;
	[bflag:$0x0] =	sbarrier.arrive $0xFFFF  }
0x166: {  	[hbm:s30], [sflag:s5] =	dma.local [spmem:s7], $0x2780  }
0x167: {  	_ =	swait.ge [sflag:s6], $0x2780  }
0x168: {  	s31 =	sadd.s32 $0xFFFFFFFF, s0;
	[sflag:s6] =	ssyncset.done $0x0  }
.LBB2_1:
0x169: {  	[sflag:s6] =	ssyncadd.s32 $0xFFFFD880  }
0x16a: {  	[spmem:s7], [sflag:s5] =	dma.local [hbm:s4], $0x2780  }
0x16b: {  	_ =	swait.ge [sflag:s6], $0x2780  }
0x16c: {  	[sflag:s6] =	ssyncset.done $0x0  }
0x16d: {  	s0 =	rddreg [dreg:$0x3];
	[sflag:s6] =	ssyncadd.s32 $0xFFFFD880  }
0x16e: {  	[tilespmem:s8], [sflag:$0x1] =	stream.linear.gather [hbm4b:s0+s3], $0x4000, $0x38;
	[tilespmem:$0x18400] =	vst v63  }
0x16f: {  	_ =	swait.ge [sflag:s6], $0x4000  }
0x170: {  	[sflag:s6] =	ssyncset.done $0x0  }
0x171: {  	[sflag:s6] =	ssyncadd.s32 $0xFFFFC000  }
0x172: {  	[bflag:$0x0] =	sbarrier.arrive $0xFFFF  }
0x173: {  	[tilespmem:s3], [sflag:$0x1] =	stream.linear.gather [hbm4b:s9+s3], $0x800, $0x38;
	[tilespmem:$0x18400] =	vst v63  }
0x174: {  	_ =	swait.ge [sflag:s6], $0x800  }
0x175: {  	[sflag:s6] =	ssyncset.done $0x0  }
0x176: {  	[sflag:s6] =	ssyncadd.s32 $0xFFFFF800  }
0x177: {  	[spmem:s2] =	stream.indirect.scatter.add.f32 [tilespmem:s8], [sflag:$0x1], $0x80, s3, s10, $0xb8;
	[tilespmem:$0x18400] =	vst v63  }
0x178: {  	_ =	swait.ge [sflag:s6], $0x4000  }
0x179: {  	[sflag:s6] =	ssyncset.done $0x0  }
0x17a: {  	[sflag:s6] =	ssyncadd.s32 $0xFFFFC000  }
0x17b: {  	[spmem:s2] =	stream.indirect.scatter.add.f32 [tilespmem:s8], [sflag:$0x1], $0x80, s10, s10, $0xb8;
	[tilespmem:$0x18400] =	vst v63  }
0x17c: {  	_ =	swait.ge [sflag:s6], $0x4000  }
0x17d: {  	[sflag:s6] =	ssyncset.done $0x0  }
0x17e: {  	[sflag:s6] =	ssyncadd.s32 $0xFFFFC000  }
0x17f: {  	[spmem:s2] =	stream.indirect.scatter.add.f32 [tilespmem:s8], [sflag:$0x1], $0x80, s11, s10, $0xb8;
	[tilespmem:$0x18400] =	vst v63  }
0x180: {  	_ =	swait.ge [sflag:s6], $0x4000  }
0x181: {  	[sflag:s6] =	ssyncset.done $0x0  }
0x182: {  	[sflag:s6] =	ssyncadd.s32 $0xFFFFC000  }
0x183: {  	[spmem:s2] =	stream.indirect.scatter.add.f32 [tilespmem:s8], [sflag:$0x1], $0x80, s12, s10, $0xb8;
	[tilespmem:$0x18400] =	vst v63  }
0x184: {  	_ =	swait.ge [sflag:s6], $0x4000  }
0x185: {  	[sflag:s6] =	ssyncset.done $0x0  }
0x186: {  	[sflag:s6] =	ssyncadd.s32 $0xFFFFC000  }
0x187: {  	[spmem:s2] =	stream.indirect.scatter.add.f32 [tilespmem:s8], [sflag:$0x1], $0x80, s13, s10, $0xb8;
	[tilespmem:$0x18400] =	vst v63  }
0x188: {  	_ =	swait.ge [sflag:s6], $0x4000  }
0x189: {  	[sflag:s6] =	ssyncset.done $0x0  }
0x18a: {  	[sflag:s6] =	ssyncadd.s32 $0xFFFFC000  }
0x18b: {  	[spmem:s2] =	stream.indirect.scatter.add.f32 [tilespmem:s8], [sflag:$0x1], $0x80, s14, s10, $0xb8;
	[tilespmem:$0x18400] =	vst v63  }
0x18c: {  	_ =	swait.ge [sflag:s6], $0x4000  }
0x18d: {  	[sflag:s6] =	ssyncset.done $0x0  }
0x18e: {  	[sflag:s6] =	ssyncadd.s32 $0xFFFFC000  }
0x18f: {  	[spmem:s2] =	stream.indirect.scatter.add.f32 [tilespmem:s8], [sflag:$0x1], $0x80, s15, s10, $0xb8;
	[tilespmem:$0x18400] =	vst v63  }
0x190: {  	_ =	swait.ge [sflag:s6], $0x4000  }
0x191: {  	[sflag:s6] =	ssyncset.done $0x0  }
0x192: {  	[sflag:s6] =	ssyncadd.s32 $0xFFFFC000  }
0x193: {  	[spmem:s2] =	stream.indirect.scatter.add.f32 [tilespmem:s8], [sflag:$0x1], $0x80, s16, s10, $0xb8;
	[tilespmem:$0x18400] =	vst v63  }
0x194: {  	_ =	swait.ge [sflag:s6], $0x4000  }
0x195: {  	[sflag:s6] =	ssyncset.done $0x0  }
0x196: {  	[sflag:s6] =	ssyncadd.s32 $0xFFFFC000  }
0x197: {  	[spmem:s2] =	stream.indirect.scatter.add.f32 [tilespmem:s8], [sflag:$0x1], $0x80, s17, s10, $0xb8;
	[tilespmem:$0x18400] =	vst v63  }
0x198: {  	_ =	swait.ge [sflag:s6], $0x4000  }
0x199: {  	[sflag:s6] =	ssyncset.done $0x0  }
0x19a: {  	[sflag:s6] =	ssyncadd.s32 $0xFFFFC000  }
0x19b: {  	[spmem:s2] =	stream.indirect.scatter.add.f32 [tilespmem:s8], [sflag:$0x1], $0x80, s18, s10, $0xb8;
	[tilespmem:$0x18400] =	vst v63  }
0x19c: {  	_ =	swait.ge [sflag:s6], $0x4000  }
0x19d: {  	[sflag:s6] =	ssyncset.done $0x0  }
0x19e: {  	[sflag:s6] =	ssyncadd.s32 $0xFFFFC000  }
0x19f: {  	[spmem:s2] =	stream.indirect.scatter.add.f32 [tilespmem:s8], [sflag:$0x1], $0x80, s19, s10, $0xb8;
	[tilespmem:$0x18400] =	vst v63  }
0x1a0: {  	_ =	swait.ge [sflag:s6], $0x4000  }
0x1a1: {  	[sflag:s6] =	ssyncset.done $0x0  }
0x1a2: {  	[sflag:s6] =	ssyncadd.s32 $0xFFFFC000  }
0x1a3: {  	[spmem:s2] =	stream.indirect.scatter.add.f32 [tilespmem:s8], [sflag:$0x1], $0x80, s20, s10, $0xb8;
	[tilespmem:$0x18400] =	vst v63  }
0x1a4: {  	_ =	swait.ge [sflag:s6], $0x4000  }
0x1a5: {  	[sflag:s6] =	ssyncset.done $0x0  }
0x1a6: {  	[sflag:s6] =	ssyncadd.s32 $0xFFFFC000  }
0x1a7: {  	[spmem:s2] =	stream.indirect.scatter.add.f32 [tilespmem:s8], [sflag:$0x1], $0x80, s21, s10, $0xb8;
	[tilespmem:$0x18400] =	vst v63  }
0x1a8: {  	_ =	swait.ge [sflag:s6], $0x4000  }
0x1a9: {  	[sflag:s6] =	ssyncset.done $0x0  }
0x1aa: {  	[sflag:s6] =	ssyncadd.s32 $0xFFFFC000  }
0x1ab: {  	[spmem:s2] =	stream.indirect.scatter.add.f32 [tilespmem:s8], [sflag:$0x1], $0x80, s22, s10, $0xb8;
	[tilespmem:$0x18400] =	vst v63  }
0x1ac: {  	_ =	swait.ge [sflag:s6], $0x4000  }
0x1ad: {  	[sflag:s6] =	ssyncset.done $0x0  }
0x1ae: {  	[sflag:s6] =	ssyncadd.s32 $0xFFFFC000  }
0x1af: {  	[spmem:s2] =	stream.indirect.scatter.add.f32 [tilespmem:s8], [sflag:$0x1], $0x80, s23, s10, $0xb8;
	[tilespmem:$0x18400] =	vst v63  }
0x1b0: {  	_ =	swait.ge [sflag:s6], $0x4000  }
0x1b1: {  	[sflag:s6] =	ssyncset.done $0x0  }
0x1b2: {  	[sflag:s6] =	ssyncadd.s32 $0xFFFFC000  }
0x1b3: {  	[spmem:s2] =	stream.indirect.scatter.add.f32 [tilespmem:s8], [sflag:$0x1], $0x80, s24, s10, $0xb8;
	[tilespmem:$0x18400] =	vst v63  }
0x1b4: {  	_ =	swait.ge [sflag:s6], $0x4000  }
0x1b5: {  	[sflag:s6] =	ssyncset.done $0x0  }
0x1b6: {  	[sflag:s6] =	ssyncadd.s32 $0xFFFFC000  }
0x1b7: {  	[tilespmem:s3], [sflag:$0x1] =	stream.linear.gather [hbm4b:s25+s3], $0x800, $0x38;
	[tilespmem:$0x18400] =	vst v63  }
0x1b8: {  	_ =	swait.ge [sflag:s6], $0x800  }
0x1b9: {  	[sflag:s6] =	ssyncset.done $0x0  }
0x1ba: {  	[sflag:s6] =	ssyncadd.s32 $0xFFFFF800  }
0x1bb: {  	[spmem:s2] =	stream.indirect.scatter.add.f32 [tilespmem:s8], [sflag:$0x1], $0x80, s3, s10, $0xb8;
	[tilespmem:$0x18400] =	vst v63  }
0x1bc: {  	_ =	swait.ge [sflag:s6], $0x4000  }
0x1bd: {  	[sflag:s6] =	ssyncset.done $0x0  }
0x1be: {  	[sflag:s6] =	ssyncadd.s32 $0xFFFFC000  }
0x1bf: {  	[spmem:s2] =	stream.indirect.scatter.add.f32 [tilespmem:s8], [sflag:$0x1], $0x80, s10, s10, $0xb8;
	[tilespmem:$0x18400] =	vst v63  }
0x1c0: {  	_ =	swait.ge [sflag:s6], $0x4000  }
0x1c1: {  	[sflag:s6] =	ssyncset.done $0x0  }
0x1c2: {  	[sflag:s6] =	ssyncadd.s32 $0xFFFFC000  }
0x1c3: {  	[spmem:s2] =	stream.indirect.scatter.add.f32 [tilespmem:s8], [sflag:$0x1], $0x80, s11, s10, $0xb8;
	[tilespmem:$0x18400] =	vst v63  }
0x1c4: {  	_ =	swait.ge [sflag:s6], $0x4000  }
0x1c5: {  	[sflag:s6] =	ssyncset.done $0x0  }
0x1c6: {  	[sflag:s6] =	ssyncadd.s32 $0xFFFFC000  }
0x1c7: {  	[spmem:s2] =	stream.indirect.scatter.add.f32 [tilespmem:s8], [sflag:$0x1], $0x80, s12, s10, $0xb8;
	[tilespmem:$0x18400] =	vst v63  }
0x1c8: {  	_ =	swait.ge [sflag:s6], $0x4000  }
0x1c9: {  	[sflag:s6] =	ssyncset.done $0x0  }
0x1ca: {  	[sflag:s6] =	ssyncadd.s32 $0xFFFFC000  }
0x1cb: {  	[spmem:s2] =	stream.indirect.scatter.add.f32 [tilespmem:s8], [sflag:$0x1], $0x80, s13, s10, $0xb8;
	[tilespmem:$0x18400] =	vst v63  }
0x1cc: {  	_ =	swait.ge [sflag:s6], $0x4000  }
0x1cd: {  	[sflag:s6] =	ssyncset.done $0x0  }
0x1ce: {  	[sflag:s6] =	ssyncadd.s32 $0xFFFFC000  }
0x1cf: {  	[spmem:s2] =	stream.indirect.scatter.add.f32 [tilespmem:s8], [sflag:$0x1], $0x80, s14, s10, $0xb8;
	[tilespmem:$0x18400] =	vst v63  }
0x1d0: {  	_ =	swait.ge [sflag:s6], $0x4000  }
0x1d1: {  	[sflag:s6] =	ssyncset.done $0x0  }
0x1d2: {  	[sflag:s6] =	ssyncadd.s32 $0xFFFFC000  }
0x1d3: {  	[spmem:s2] =	stream.indirect.scatter.add.f32 [tilespmem:s8], [sflag:$0x1], $0x80, s15, s10, $0xb8;
	[tilespmem:$0x18400] =	vst v63  }
0x1d4: {  	_ =	swait.ge [sflag:s6], $0x4000  }
0x1d5: {  	[sflag:s6] =	ssyncset.done $0x0  }
0x1d6: {  	[sflag:s6] =	ssyncadd.s32 $0xFFFFC000  }
0x1d7: {  	[spmem:s2] =	stream.indirect.scatter.add.f32 [tilespmem:s8], [sflag:$0x1], $0x80, s16, s10, $0xb8;
	[tilespmem:$0x18400] =	vst v63  }
0x1d8: {  	_ =	swait.ge [sflag:s6], $0x4000  }
0x1d9: {  	[sflag:s6] =	ssyncset.done $0x0  }
0x1da: {  	[sflag:s6] =	ssyncadd.s32 $0xFFFFC000  }
0x1db: {  	[spmem:s2] =	stream.indirect.scatter.add.f32 [tilespmem:s8], [sflag:$0x1], $0x80, s17, s10, $0xb8;
	[tilespmem:$0x18400] =	vst v63  }
0x1dc: {  	_ =	swait.ge [sflag:s6], $0x4000  }
0x1dd: {  	[sflag:s6] =	ssyncset.done $0x0  }
0x1de: {  	[sflag:s6] =	ssyncadd.s32 $0xFFFFC000  }
0x1df: {  	[spmem:s2] =	stream.indirect.scatter.add.f32 [tilespmem:s8], [sflag:$0x1], $0x80, s18, s10, $0xb8;
	[tilespmem:$0x18400] =	vst v63  }
0x1e0: {  	_ =	swait.ge [sflag:s6], $0x4000  }
0x1e1: {  	[sflag:s6] =	ssyncset.done $0x0  }
0x1e2: {  	[sflag:s6] =	ssyncadd.s32 $0xFFFFC000  }
0x1e3: {  	[spmem:s2] =	stream.indirect.scatter.add.f32 [tilespmem:s8], [sflag:$0x1], $0x80, s19, s10, $0xb8;
	[tilespmem:$0x18400] =	vst v63  }
0x1e4: {  	_ =	swait.ge [sflag:s6], $0x4000  }
0x1e5: {  	[sflag:s6] =	ssyncset.done $0x0  }
0x1e6: {  	[sflag:s6] =	ssyncadd.s32 $0xFFFFC000  }
0x1e7: {  	[spmem:s2] =	stream.indirect.scatter.add.f32 [tilespmem:s8], [sflag:$0x1], $0x80, s20, s10, $0xb8;
	[tilespmem:$0x18400] =	vst v63  }
0x1e8: {  	_ =	swait.ge [sflag:s6], $0x4000  }
0x1e9: {  	[sflag:s6] =	ssyncset.done $0x0  }
0x1ea: {  	[sflag:s6] =	ssyncadd.s32 $0xFFFFC000  }
0x1eb: {  	[spmem:s2] =	stream.indirect.scatter.add.f32 [tilespmem:s8], [sflag:$0x1], $0x80, s21, s10, $0xb8;
	[tilespmem:$0x18400] =	vst v63  }
0x1ec: {  	_ =	swait.ge [sflag:s6], $0x4000  }
0x1ed: {  	[sflag:s6] =	ssyncset.done $0x0  }
0x1ee: {  	[sflag:s6] =	ssyncadd.s32 $0xFFFFC000  }
0x1ef: {  	[spmem:s2] =	stream.indirect.scatter.add.f32 [tilespmem:s8], [sflag:$0x1], $0x80, s22, s10, $0xb8;
	[tilespmem:$0x18400] =	vst v63  }
0x1f0: {  	_ =	swait.ge [sflag:s6], $0x4000  }
0x1f1: {  	[sflag:s6] =	ssyncset.done $0x0  }
0x1f2: {  	[sflag:s6] =	ssyncadd.s32 $0xFFFFC000  }
0x1f3: {  	[spmem:s2] =	stream.indirect.scatter.add.f32 [tilespmem:s8], [sflag:$0x1], $0x80, s23, s10, $0xb8;
	[tilespmem:$0x18400] =	vst v63  }
0x1f4: {  	_ =	swait.ge [sflag:s6], $0x4000  }
0x1f5: {  	[sflag:s6] =	ssyncset.done $0x0  }
0x1f6: {  	[sflag:s6] =	ssyncadd.s32 $0xFFFFC000  }
0x1f7: {  	[spmem:s2] =	stream.indirect.scatter.add.f32 [tilespmem:s8], [sflag:$0x1], $0x80, s24, s10, $0xb8;
	[tilespmem:$0x18400] =	vst v63  }
0x1f8: {  	_ =	swait.ge [sflag:s6], $0x4000  }
0x1f9: {  	[sflag:s6] =	ssyncset.done $0x0  }
0x1fa: {  	[sflag:s6] =	ssyncadd.s32 $0xFFFFC000  }
0x1fb: {  	[tilespmem:s3], [sflag:$0x1] =	stream.linear.gather [hbm4b:s26+s3], $0x800, $0x38;
	[tilespmem:$0x18400] =	vst v63  }
0x1fc: {  	_ =	swait.ge [sflag:s6], $0x800  }
0x1fd: {  	[sflag:s6] =	ssyncset.done $0x0  }
0x1fe: {  	[sflag:s6] =	ssyncadd.s32 $0xFFFFF800  }
0x1ff: {  	[spmem:s2] =	stream.indirect.scatter.add.f32 [tilespmem:s8], [sflag:$0x1], $0x80, s3, s10, $0xb8;
	[tilespmem:$0x18400] =	vst v63  }
0x200: {  	_ =	swait.ge [sflag:s6], $0x4000  }
0x201: {  	[sflag:s6] =	ssyncset.done $0x0  }
0x202: {  	[sflag:s6] =	ssyncadd.s32 $0xFFFFC000  }
0x203: {  	[spmem:s2] =	stream.indirect.scatter.add.f32 [tilespmem:s8], [sflag:$0x1], $0x80, s10, s10, $0xb8;
	[tilespmem:$0x18400] =	vst v63  }
0x204: {  	_ =	swait.ge [sflag:s6], $0x4000  }
0x205: {  	[sflag:s6] =	ssyncset.done $0x0  }
0x206: {  	[sflag:s6] =	ssyncadd.s32 $0xFFFFC000  }
0x207: {  	[spmem:s2] =	stream.indirect.scatter.add.f32 [tilespmem:s8], [sflag:$0x1], $0x80, s11, s10, $0xb8;
	[tilespmem:$0x18400] =	vst v63  }
0x208: {  	_ =	swait.ge [sflag:s6], $0x4000  }
0x209: {  	[sflag:s6] =	ssyncset.done $0x0  }
0x20a: {  	[sflag:s6] =	ssyncadd.s32 $0xFFFFC000  }
0x20b: {  	[spmem:s2] =	stream.indirect.scatter.add.f32 [tilespmem:s8], [sflag:$0x1], $0x80, s12, s10, $0xb8;
	[tilespmem:$0x18400] =	vst v63  }
0x20c: {  	_ =	swait.ge [sflag:s6], $0x4000  }
0x20d: {  	[sflag:s6] =	ssyncset.done $0x0  }
0x20e: {  	[sflag:s6] =	ssyncadd.s32 $0xFFFFC000  }
0x20f: {  	[spmem:s2] =	stream.indirect.scatter.add.f32 [tilespmem:s8], [sflag:$0x1], $0x80, s13, s10, $0xb8;
	[tilespmem:$0x18400] =	vst v63  }
0x210: {  	_ =	swait.ge [sflag:s6], $0x4000  }
0x211: {  	[sflag:s6] =	ssyncset.done $0x0  }
0x212: {  	[sflag:s6] =	ssyncadd.s32 $0xFFFFC000  }
0x213: {  	[spmem:s2] =	stream.indirect.scatter.add.f32 [tilespmem:s8], [sflag:$0x1], $0x80, s14, s10, $0xb8;
	[tilespmem:$0x18400] =	vst v63  }
0x214: {  	_ =	swait.ge [sflag:s6], $0x4000  }
0x215: {  	[sflag:s6] =	ssyncset.done $0x0  }
0x216: {  	[sflag:s6] =	ssyncadd.s32 $0xFFFFC000  }
0x217: {  	[spmem:s2] =	stream.indirect.scatter.add.f32 [tilespmem:s8], [sflag:$0x1], $0x80, s15, s10, $0xb8;
	[tilespmem:$0x18400] =	vst v63  }
0x218: {  	_ =	swait.ge [sflag:s6], $0x4000  }
0x219: {  	[sflag:s6] =	ssyncset.done $0x0  }
0x21a: {  	[sflag:s6] =	ssyncadd.s32 $0xFFFFC000  }
0x21b: {  	[spmem:s2] =	stream.indirect.scatter.add.f32 [tilespmem:s8], [sflag:$0x1], $0x80, s16, s10, $0xb8;
	[tilespmem:$0x18400] =	vst v63  }
0x21c: {  	_ =	swait.ge [sflag:s6], $0x4000  }
0x21d: {  	[sflag:s6] =	ssyncset.done $0x0  }
0x21e: {  	[sflag:s6] =	ssyncadd.s32 $0xFFFFC000  }
0x21f: {  	[spmem:s2] =	stream.indirect.scatter.add.f32 [tilespmem:s8], [sflag:$0x1], $0x80, s17, s10, $0xb8;
	[tilespmem:$0x18400] =	vst v63  }
0x220: {  	_ =	swait.ge [sflag:s6], $0x4000  }
0x221: {  	[sflag:s6] =	ssyncset.done $0x0  }
0x222: {  	[sflag:s6] =	ssyncadd.s32 $0xFFFFC000  }
0x223: {  	[spmem:s2] =	stream.indirect.scatter.add.f32 [tilespmem:s8], [sflag:$0x1], $0x80, s18, s10, $0xb8;
	[tilespmem:$0x18400] =	vst v63  }
0x224: {  	_ =	swait.ge [sflag:s6], $0x4000  }
0x225: {  	[sflag:s6] =	ssyncset.done $0x0  }
0x226: {  	[sflag:s6] =	ssyncadd.s32 $0xFFFFC000  }
0x227: {  	[spmem:s2] =	stream.indirect.scatter.add.f32 [tilespmem:s8], [sflag:$0x1], $0x80, s19, s10, $0xb8;
	[tilespmem:$0x18400] =	vst v63  }
0x228: {  	_ =	swait.ge [sflag:s6], $0x4000  }
0x229: {  	[sflag:s6] =	ssyncset.done $0x0  }
0x22a: {  	[sflag:s6] =	ssyncadd.s32 $0xFFFFC000  }
0x22b: {  	[spmem:s2] =	stream.indirect.scatter.add.f32 [tilespmem:s8], [sflag:$0x1], $0x80, s20, s10, $0xb8;
	[tilespmem:$0x18400] =	vst v63  }
0x22c: {  	_ =	swait.ge [sflag:s6], $0x4000  }
0x22d: {  	[sflag:s6] =	ssyncset.done $0x0  }
0x22e: {  	[sflag:s6] =	ssyncadd.s32 $0xFFFFC000  }
0x22f: {  	[spmem:s2] =	stream.indirect.scatter.add.f32 [tilespmem:s8], [sflag:$0x1], $0x80, s21, s10, $0xb8;
	[tilespmem:$0x18400] =	vst v63  }
0x230: {  	_ =	swait.ge [sflag:s6], $0x4000  }
0x231: {  	[sflag:s6] =	ssyncset.done $0x0  }
0x232: {  	[sflag:s6] =	ssyncadd.s32 $0xFFFFC000  }
0x233: {  	[spmem:s2] =	stream.indirect.scatter.add.f32 [tilespmem:s8], [sflag:$0x1], $0x80, s22, s10, $0xb8;
	[tilespmem:$0x18400] =	vst v63  }
0x234: {  	_ =	swait.ge [sflag:s6], $0x4000  }
0x235: {  	[sflag:s6] =	ssyncset.done $0x0  }
0x236: {  	[sflag:s6] =	ssyncadd.s32 $0xFFFFC000  }
0x237: {  	[spmem:s2] =	stream.indirect.scatter.add.f32 [tilespmem:s8], [sflag:$0x1], $0x80, s23, s10, $0xb8;
	[tilespmem:$0x18400] =	vst v63  }
0x238: {  	_ =	swait.ge [sflag:s6], $0x4000  }
0x239: {  	[sflag:s6] =	ssyncset.done $0x0  }
0x23a: {  	[sflag:s6] =	ssyncadd.s32 $0xFFFFC000  }
0x23b: {  	[spmem:s2] =	stream.indirect.scatter.add.f32 [tilespmem:s8], [sflag:$0x1], $0x80, s24, s10, $0xb8;
	[tilespmem:$0x18400] =	vst v63  }
0x23c: {  	_ =	swait.ge [sflag:s6], $0x4000  }
0x23d: {  	[sflag:s6] =	ssyncset.done $0x0  }
0x23e: {  	[sflag:s6] =	ssyncadd.s32 $0xFFFFC000  }
0x23f: {  	[tilespmem:s3], [sflag:$0x1] =	stream.linear.gather [hbm4b:s28+s3], $0x800, $0x38;
	[tilespmem:$0x18400] =	vst v63  }
0x240: {  	_ =	swait.ge [sflag:s6], $0x800  }
0x241: {  	[sflag:s6] =	ssyncset.done $0x0  }
0x242: {  	[sflag:s6] =	ssyncadd.s32 $0xFFFFF800  }
0x243: {  	[spmem:s2] =	stream.indirect.scatter.add.f32 [tilespmem:s8], [sflag:$0x1], $0x80, s3, s10, $0xb8;
	[tilespmem:$0x18400] =	vst v63  }
0x244: {  	_ =	swait.ge [sflag:s6], $0x4000  }
0x245: {  	[sflag:s6] =	ssyncset.done $0x0  }
0x246: {  	[sflag:s6] =	ssyncadd.s32 $0xFFFFC000  }
0x247: {  	[spmem:s2] =	stream.indirect.scatter.add.f32 [tilespmem:s8], [sflag:$0x1], $0x80, s10, s10, $0xb8;
	[tilespmem:$0x18400] =	vst v63  }
0x248: {  	_ =	swait.ge [sflag:s6], $0x4000  }
0x249: {  	[sflag:s6] =	ssyncset.done $0x0  }
0x24a: {  	[sflag:s6] =	ssyncadd.s32 $0xFFFFC000  }
0x24b: {  	[spmem:s2] =	stream.indirect.scatter.add.f32 [tilespmem:s8], [sflag:$0x1], $0x80, s11, s10, $0xb8;
	[tilespmem:$0x18400] =	vst v63  }
0x24c: {  	_ =	swait.ge [sflag:s6], $0x4000  }
0x24d: {  	[sflag:s6] =	ssyncset.done $0x0  }
0x24e: {  	[sflag:s6] =	ssyncadd.s32 $0xFFFFC000  }
0x24f: {  	[spmem:s2] =	stream.indirect.scatter.add.f32 [tilespmem:s8], [sflag:$0x1], $0x80, s12, s10, $0xb8;
	[tilespmem:$0x18400] =	vst v63  }
0x250: {  	_ =	swait.ge [sflag:s6], $0x4000  }
0x251: {  	[sflag:s6] =	ssyncset.done $0x0  }
0x252: {  	[sflag:s6] =	ssyncadd.s32 $0xFFFFC000  }
0x253: {  	[spmem:s2] =	stream.indirect.scatter.add.f32 [tilespmem:s8], [sflag:$0x1], $0x80, s13, s10, $0xb8;
	[tilespmem:$0x18400] =	vst v63  }
0x254: {  	_ =	swait.ge [sflag:s6], $0x4000  }
0x255: {  	[sflag:s6] =	ssyncset.done $0x0  }
0x256: {  	[sflag:s6] =	ssyncadd.s32 $0xFFFFC000  }
0x257: {  	[spmem:s2] =	stream.indirect.scatter.add.f32 [tilespmem:s8], [sflag:$0x1], $0x80, s14, s10, $0xb8;
	[tilespmem:$0x18400] =	vst v63  }
0x258: {  	_ =	swait.ge [sflag:s6], $0x4000  }
0x259: {  	[sflag:s6] =	ssyncset.done $0x0  }
0x25a: {  	[sflag:s6] =	ssyncadd.s32 $0xFFFFC000  }
0x25b: {  	[spmem:s2] =	stream.indirect.scatter.add.f32 [tilespmem:s8], [sflag:$0x1], $0x80, s15, s10, $0xb8;
	[tilespmem:$0x18400] =	vst v63  }
0x25c: {  	_ =	swait.ge [sflag:s6], $0x4000  }
0x25d: {  	[sflag:s6] =	ssyncset.done $0x0  }
0x25e: {  	[sflag:s6] =	ssyncadd.s32 $0xFFFFC000  }
0x25f: {  	[spmem:s2] =	stream.indirect.scatter.add.f32 [tilespmem:s8], [sflag:$0x1], $0x80, s16, s10, $0xb8;
	[tilespmem:$0x18400] =	vst v63  }
0x260: {  	_ =	swait.ge [sflag:s6], $0x4000  }
0x261: {  	[sflag:s6] =	ssyncset.done $0x0  }
0x262: {  	[sflag:s6] =	ssyncadd.s32 $0xFFFFC000  }
0x263: {  	[spmem:s2] =	stream.indirect.scatter.add.f32 [tilespmem:s8], [sflag:$0x1], $0x80, s17, s10, $0xb8;
	[tilespmem:$0x18400] =	vst v63  }
0x264: {  	_ =	swait.ge [sflag:s6], $0x4000  }
0x265: {  	[sflag:s6] =	ssyncset.done $0x0  }
0x266: {  	[sflag:s6] =	ssyncadd.s32 $0xFFFFC000  }
0x267: {  	[spmem:s2] =	stream.indirect.scatter.add.f32 [tilespmem:s8], [sflag:$0x1], $0x80, s18, s10, $0xb8;
	[tilespmem:$0x18400] =	vst v63  }
0x268: {  	_ =	swait.ge [sflag:s6], $0x4000  }
0x269: {  	[sflag:s6] =	ssyncset.done $0x0  }
0x26a: {  	[sflag:s6] =	ssyncadd.s32 $0xFFFFC000  }
0x26b: {  	[spmem:s2] =	stream.indirect.scatter.add.f32 [tilespmem:s8], [sflag:$0x1], $0x80, s19, s10, $0xb8;
	[tilespmem:$0x18400] =	vst v63  }
0x26c: {  	_ =	swait.ge [sflag:s6], $0x4000  }
0x26d: {  	[sflag:s6] =	ssyncset.done $0x0  }
0x26e: {  	[sflag:s6] =	ssyncadd.s32 $0xFFFFC000  }
0x26f: {  	[spmem:s2] =	stream.indirect.scatter.add.f32 [tilespmem:s8], [sflag:$0x1], $0x80, s20, s10, $0xb8;
	[tilespmem:$0x18400] =	vst v63  }
0x270: {  	_ =	swait.ge [sflag:s6], $0x4000  }
0x271: {  	[sflag:s6] =	ssyncset.done $0x0  }
0x272: {  	[sflag:s6] =	ssyncadd.s32 $0xFFFFC000  }
0x273: {  	[spmem:s2] =	stream.indirect.scatter.add.f32 [tilespmem:s8], [sflag:$0x1], $0x80, s21, s10, $0xb8;
	[tilespmem:$0x18400] =	vst v63  }
0x274: {  	_ =	swait.ge [sflag:s6], $0x4000  }
0x275: {  	[sflag:s6] =	ssyncset.done $0x0  }
0x276: {  	[sflag:s6] =	ssyncadd.s32 $0xFFFFC000  }
0x277: {  	[spmem:s2] =	stream.indirect.scatter.add.f32 [tilespmem:s8], [sflag:$0x1], $0x80, s22, s10, $0xb8;
	[tilespmem:$0x18400] =	vst v63  }
0x278: {  	_ =	swait.ge [sflag:s6], $0x4000  }
0x279: {  	[sflag:s6] =	ssyncset.done $0x0  }
0x27a: {  	[sflag:s6] =	ssyncadd.s32 $0xFFFFC000  }
0x27b: {  	[spmem:s2] =	stream.indirect.scatter.add.f32 [tilespmem:s8], [sflag:$0x1], $0x80, s23, s10, $0xb8;
	[tilespmem:$0x18400] =	vst v63  }
0x27c: {  	_ =	swait.ge [sflag:s6], $0x4000  }
0x27d: {  	[sflag:s6] =	ssyncset.done $0x0  }
0x27e: {  	[sflag:s6] =	ssyncadd.s32 $0xFFFFC000  }
0x27f: {  	[spmem:s2] =	stream.indirect.scatter.add.f32 [tilespmem:s8], [sflag:$0x1], $0x80, s24, s10, $0xb8;
	[tilespmem:$0x18400] =	vst v63  }
0x280: {  	_ =	swait.ge [sflag:s6], $0x4000  }
0x281: {  	[sflag:s6] =	ssyncset.done $0x0  }
0x282: {  	[sflag:s6] =	ssyncadd.s32 $0xFFFFC000  }
0x283: {  	[tilespmem:s3], [sflag:$0x1] =	stream.linear.gather [hbm4b:s29+s3], $0x800, $0x38;
	[tilespmem:$0x18400] =	vst v63  }
0x284: {  	_ =	swait.ge [sflag:s6], $0x800  }
0x285: {  	[sflag:s6] =	ssyncset.done $0x0  }
0x286: {  	[sflag:s6] =	ssyncadd.s32 $0xFFFFF800  }
0x287: {  	[spmem:s2] =	stream.indirect.scatter.add.f32 [tilespmem:s8], [sflag:$0x1], $0x80, s3, s10, $0xb8;
	[tilespmem:$0x18400] =	vst v63  }
0x288: {  	_ =	swait.ge [sflag:s6], $0x4000  }
0x289: {  	[sflag:s6] =	ssyncset.done $0x0  }
0x28a: {  	[sflag:s6] =	ssyncadd.s32 $0xFFFFC000  }
0x28b: {  	[spmem:s2] =	stream.indirect.scatter.add.f32 [tilespmem:s8], [sflag:$0x1], $0x80, s10, s10, $0xb8;
	[tilespmem:$0x18400] =	vst v63  }
0x28c: {  	_ =	swait.ge [sflag:s6], $0x4000  }
0x28d: {  	[sflag:s6] =	ssyncset.done $0x0  }
0x28e: {  	[sflag:s6] =	ssyncadd.s32 $0xFFFFC000  }
0x28f: {  	[spmem:s2] =	stream.indirect.scatter.add.f32 [tilespmem:s8], [sflag:$0x1], $0x80, s11, s10, $0xb8;
	[tilespmem:$0x18400] =	vst v63  }
0x290: {  	_ =	swait.ge [sflag:s6], $0x4000  }
0x291: {  	[sflag:s6] =	ssyncset.done $0x0  }
0x292: {  	[sflag:s6] =	ssyncadd.s32 $0xFFFFC000  }
0x293: {  	[spmem:s2] =	stream.indirect.scatter.add.f32 [tilespmem:s8], [sflag:$0x1], $0x80, s12, s10, $0xb8;
	[tilespmem:$0x18400] =	vst v63  }
0x294: {  	_ =	swait.ge [sflag:s6], $0x4000  }
0x295: {  	[sflag:s6] =	ssyncset.done $0x0  }
0x296: {  	[sflag:s6] =	ssyncadd.s32 $0xFFFFC000  }
0x297: {  	[spmem:s2] =	stream.indirect.scatter.add.f32 [tilespmem:s8], [sflag:$0x1], $0x80, s13, s10, $0xb8;
	[tilespmem:$0x18400] =	vst v63  }
0x298: {  	_ =	swait.ge [sflag:s6], $0x4000  }
0x299: {  	[sflag:s6] =	ssyncset.done $0x0  }
0x29a: {  	[sflag:s6] =	ssyncadd.s32 $0xFFFFC000  }
0x29b: {  	[spmem:s2] =	stream.indirect.scatter.add.f32 [tilespmem:s8], [sflag:$0x1], $0x80, s14, s10, $0xb8;
	[tilespmem:$0x18400] =	vst v63  }
0x29c: {  	_ =	swait.ge [sflag:s6], $0x4000  }
0x29d: {  	[sflag:s6] =	ssyncset.done $0x0  }
0x29e: {  	[sflag:s6] =	ssyncadd.s32 $0xFFFFC000  }
0x29f: {  	[spmem:s2] =	stream.indirect.scatter.add.f32 [tilespmem:s8], [sflag:$0x1], $0x80, s15, s10, $0xb8;
	[tilespmem:$0x18400] =	vst v63  }
0x2a0: {  	_ =	swait.ge [sflag:s6], $0x4000  }
0x2a1: {  	[sflag:s6] =	ssyncset.done $0x0  }
0x2a2: {  	[sflag:s6] =	ssyncadd.s32 $0xFFFFC000  }
0x2a3: {  	[spmem:s2] =	stream.indirect.scatter.add.f32 [tilespmem:s8], [sflag:$0x1], $0x80, s16, s10, $0xb8;
	[tilespmem:$0x18400] =	vst v63  }
0x2a4: {  	_ =	swait.ge [sflag:s6], $0x4000  }
0x2a5: {  	[sflag:s6] =	ssyncset.done $0x0  }
0x2a6: {  	[sflag:s6] =	ssyncadd.s32 $0xFFFFC000  }
0x2a7: {  	[spmem:s2] =	stream.indirect.scatter.add.f32 [tilespmem:s8], [sflag:$0x1], $0x80, s17, s10, $0xb8;
	[tilespmem:$0x18400] =	vst v63  }
0x2a8: {  	_ =	swait.ge [sflag:s6], $0x4000  }
0x2a9: {  	[sflag:s6] =	ssyncset.done $0x0  }
0x2aa: {  	[sflag:s6] =	ssyncadd.s32 $0xFFFFC000  }
0x2ab: {  	[spmem:s2] =	stream.indirect.scatter.add.f32 [tilespmem:s8], [sflag:$0x1], $0x80, s18, s10, $0xb8;
	[tilespmem:$0x18400] =	vst v63  }
0x2ac: {  	_ =	swait.ge [sflag:s6], $0x4000  }
0x2ad: {  	[sflag:s6] =	ssyncset.done $0x0  }
0x2ae: {  	[sflag:s6] =	ssyncadd.s32 $0xFFFFC000  }
0x2af: {  	[spmem:s2] =	stream.indirect.scatter.add.f32 [tilespmem:s8], [sflag:$0x1], $0x80, s19, s10, $0xb8;
	[tilespmem:$0x18400] =	vst v63  }
0x2b0: {  	_ =	swait.ge [sflag:s6], $0x4000  }
0x2b1: {  	[sflag:s6] =	ssyncset.done $0x0  }
0x2b2: {  	[sflag:s6] =	ssyncadd.s32 $0xFFFFC000  }
0x2b3: {  	[spmem:s2] =	stream.indirect.scatter.add.f32 [tilespmem:s8], [sflag:$0x1], $0x80, s20, s10, $0xb8;
	[tilespmem:$0x18400] =	vst v63  }
0x2b4: {  	_ =	swait.ge [sflag:s6], $0x4000  }
0x2b5: {  	[sflag:s6] =	ssyncset.done $0x0  }
0x2b6: {  	[sflag:s6] =	ssyncadd.s32 $0xFFFFC000  }
0x2b7: {  	[spmem:s2] =	stream.indirect.scatter.add.f32 [tilespmem:s8], [sflag:$0x1], $0x80, s21, s10, $0xb8;
	[tilespmem:$0x18400] =	vst v63  }
0x2b8: {  	_ =	swait.ge [sflag:s6], $0x4000  }
0x2b9: {  	[sflag:s6] =	ssyncset.done $0x0  }
0x2ba: {  	[sflag:s6] =	ssyncadd.s32 $0xFFFFC000  }
0x2bb: {  	[spmem:s2] =	stream.indirect.scatter.add.f32 [tilespmem:s8], [sflag:$0x1], $0x80, s22, s10, $0xb8;
	[tilespmem:$0x18400] =	vst v63  }
0x2bc: {  	_ =	swait.ge [sflag:s6], $0x4000  }
0x2bd: {  	[sflag:s6] =	ssyncset.done $0x0  }
0x2be: {  	[sflag:s6] =	ssyncadd.s32 $0xFFFFC000  }
0x2bf: {  	[spmem:s2] =	stream.indirect.scatter.add.f32 [tilespmem:s8], [sflag:$0x1], $0x80, s23, s10, $0xb8;
	[tilespmem:$0x18400] =	vst v63  }
0x2c0: {  	_ =	swait.ge [sflag:s6], $0x4000  }
0x2c1: {  	[sflag:s6] =	ssyncset.done $0x0  }
0x2c2: {  	[sflag:s6] =	ssyncadd.s32 $0xFFFFC000  }
0x2c3: {  	[spmem:s2] =	stream.indirect.scatter.add.f32 [tilespmem:s8], [sflag:$0x1], $0x80, s24, s10, $0xb8;
	[tilespmem:$0x18400] =	vst v63  }
0x2c4: {  	_ =	swait.ge [sflag:s6], $0x4000  }
0x2c5: {  	p0 =	sne.s32 s31, $0x1;
	[sflag:s6] =	ssyncset.done $0x0  }
.Ltmp1:
0x2c6: {  	[sflag:s6] =	ssyncadd.s32 $0xFFFFC000;
	(pc) =	sbr.rel @p0 .LBB2_1-.Ltmp1, $4  }
0x2c7: {  	[bflag:$0x0] =	sbarrier.arrive $0xFFFF  }
0x2c8: {  	[hbm:s30], [sflag:s5] =	dma.local [spmem:s7], $0x2780  }
0x2c9: {  	_ =	swait.ge [sflag:s6], $0x2780  }
0x2ca: {  	s31 =	sadd.s32 $0xFFFFFFFF, s31;
	[sflag:s6] =	ssyncset.done $0x0  }
.LBB2_2:
0x2cb: {  	[sflag:s6] =	ssyncadd.s32 $0xFFFFD880  }
0x2cc: {  	_ =	sfence.sel $0x180000  }
0x2cd: {  	[bflag:$0x0] =	sbarrier.arrive $0xFFFF  }
0x2ce: {  	_ =	strace $0x90000047  }
0x2cf: {  	s0 =	stileid.u32;
	[bflag:$0x2] =	sbarrier.arrive $0xFFFF  }
0x2d0: {  	p0 =	sne.s32 s0, $0x0;
	s0 =	rddreg [dreg:$0x2]  }
0x2d1: {  	s0 =	sadd.s32 @!p0 $0x100000, s0  }
0x2d2: {  	[sflag:s0] =	ssyncadd.tile.s32 @!p0 $0x1;
	_ =	shalt  }
.Lfunc_end2:
_tile_overlayer_lowered:
.L_overlay_start_2:
0x2d3: {  	(tag) =	ssettag $0x2  }
0x2d4: {  	s0 =	rddreg [dreg:$0x0];
	s2 =	stileid.u32  }
0x2d5: {  	s1 =	rddreg [dreg:$0x1];
	p0 =	sne.s32 s2, $0x0  }
0x2d6: {  	s3 =	rddreg [dreg:$0x2];
	[bflag:$0x3] =	sbarrier.arrive $0xFFFF;
	s2 =	simm.s32 @!p0 $0x1C01  }
0x2d7: {  	[timem:s3], [sflag:s2] =	dma.local @!p0 [hbm:s0], s1  }
0x2d8: {  	s0 =	simm.s32 @!p0 $0x1  }
0x2d9: {  	_ =	swait.ge @!p0 [sflag:s0], s1  }
0x2da: {  	s1 =	ssub.s32 @!p0 $0x0, s1;
	[sflag:s0] =	ssyncset.done @!p0 $0x0  }
0x2db: {  	[sflag:s0] =	ssyncadd.s32 @!p0 s1  }
0x2dc: {  	[bflag:$0x3] =	sbarrier.arrive $0xFFFF  }
0x2dd: {  	_ =	shalt  }

</sc_bundles>
